<compile_context>
chip_gen: v7x
topology: tpu7x:2x2x1
jax: 0.10.2.dev20260603
libtpu: 0.0.44.dev20260713+nightly
codegen_flags: <defaults>
</compile_context>

<pallas_src>
import functools

import jax
import jax.numpy as jnp
from jax import lax
from jax.experimental import pallas as pl
from jax.experimental.pallas import tpu as pltpu
from jax.experimental.pallas import tpu_sc as plsc

_BATCH = 16384
_D = 128
_L = 16
_NC = 2
_NS = 16
_NW = _NC * _NS
_BPW = _BATCH // _NW
_C = 64
_NCHUNK = _BPW // _C
_NBUF = 2

_mesh = plsc.VectorSubcoreMesh(core_axis_name="c", subcore_axis_name="s")


@functools.partial(
    pl.kernel,
    mesh=_mesh,
    out_type=jax.ShapeDtypeStruct((_BATCH,), jnp.float32),
    scratch_types=[
        pltpu.VMEM((3, _NCHUNK, _C), jnp.int32),
        pltpu.VMEM((_NBUF, _C, _D), jnp.float32),
        pltpu.VMEM((_NBUF, _C, _D), jnp.float32),
        pltpu.VMEM((_NBUF, _C, _D), jnp.float32),
        pltpu.VMEM((_BPW,), jnp.float32),
        pltpu.SemaphoreType.DMA,
        pltpu.SemaphoreType.DMA,
        pltpu.SemaphoreType.DMA,
    ],
)
def _distmult_sc(head_hbm, rel_hbm, tail_hbm, ent_hbm, relemb_hbm, out_hbm,
                 idx, hbuf, rbuf, tbuf, scores, isem, gsem0, gsem1):
    wid = lax.axis_index("s") * _NC + lax.axis_index("c")
    base = wid * _BPW
    gsems = (gsem0, gsem1)

    staged = []
    for c in range(_NCHUNK):
        off = base + c * _C
        staged.append(pltpu.async_copy(head_hbm.at[pl.ds(off, _C)], idx.at[0, c], isem))
        staged.append(pltpu.async_copy(rel_hbm.at[pl.ds(off, _C)], idx.at[1, c], isem))
        staged.append(pltpu.async_copy(tail_hbm.at[pl.ds(off, _C)], idx.at[2, c], isem))
    for d in staged:
        d.wait()

    def fire(c, slot):
        return (
            pltpu.async_copy(ent_hbm.at[idx.at[0, c]], hbuf.at[slot], gsems[slot]),
            pltpu.async_copy(relemb_hbm.at[idx.at[1, c]], rbuf.at[slot], gsems[slot]),
            pltpu.async_copy(ent_hbm.at[idx.at[2, c]], tbuf.at[slot], gsems[slot]),
        )

    lane = lax.iota(jnp.int32, _L)
    lane0 = lane == 0

    dnums = lax.GatherDimensionNumbers(
        offset_dims=(), collapsed_slice_dims=(0,), start_index_map=(0,))

    def perm(v, idx):
        return lax.gather(v, idx[:, None], dnums, (1,),
                          mode=lax.GatherScatterMode.PROMISE_IN_BOUNDS)

    def xlane_sum(v):
        for sh in (8, 4, 2, 1):
            v = v + perm(v, lane ^ sh)
        return v

    def compute(c, slot):
        def row_body(i, vec):
            acc = (hbuf[slot, i, pl.ds(0, _L)]
                   * rbuf[slot, i, pl.ds(0, _L)]
                   * tbuf[slot, i, pl.ds(0, _L)])
            for j in range(1, _D // _L):
                acc = acc + (hbuf[slot, i, pl.ds(j * _L, _L)]
                             * rbuf[slot, i, pl.ds(j * _L, _L)]
                             * tbuf[slot, i, pl.ds(j * _L, _L)])
            total = xlane_sum(acc)
            vec = jnp.where(lane == (i & (_L - 1)), total, vec)

            @pl.when((i & (_L - 1)) == (_L - 1))
            def _store():
                scores[pl.ds(c * _C + i - (_L - 1), _L)] = vec

            return vec
        lax.fori_loop(0, _C, row_body, jnp.zeros((_L,), jnp.float32))

    pending = fire(0, 0)
    for c in range(_NCHUNK):
        nxt = fire(c + 1, (c + 1) % _NBUF) if c + 1 < _NCHUNK else None
        for d in pending:
            d.wait()
        compute(c, c % _NBUF)
        pending = nxt

    pltpu.sync_copy(scores, out_hbm.at[pl.ds(base, _BPW)])


def kernel(head, relation, tail, entity_embedding, relation_embedding):
    return _distmult_sc(head, relation, tail, entity_embedding, relation_embedding)

# --- scband reference (transcript-rebuilt; emitter-appended) ---
"""Pipeline reference for scband-dist-mult-30485677867428 (READ-ONLY COPY).

The authoritative reference and input builder live on the scoring server;
editing this copy changes nothing except your own understanding.
"""

import jax, jax.numpy as jnp
import numpy as np

NUM_ENTITIES = 1000000
NUM_RELATIONS = 1000
EMBED_DIM = 128
BATCH = 16384

def _xavier_uniform(key, shape):
    fan_in, fan_out = shape[0], shape[1]
    bound = float(np.sqrt(6.0 / (fan_in + fan_out)))
    return jax.random.uniform(key, shape, dtype=jnp.float32, minval=-bound, maxval=bound)

def setup_inputs(seed: int = 0) -> dict:
    key = jax.random.key(seed)
    k1, k2, k3, k4, k5 = jax.random.split(key, 5)
    head = jax.random.randint(k1, (BATCH,), 0, NUM_ENTITIES, dtype=jnp.int64 if jax.config.jax_enable_x64 else jnp.int32).astype(jnp.int32)
    relation = jax.random.randint(k2, (BATCH,), 0, NUM_RELATIONS).astype(jnp.int32)
    tail = jax.random.randint(k3, (BATCH,), 0, NUM_ENTITIES).astype(jnp.int32)
    entity_embedding = _xavier_uniform(k4, (NUM_ENTITIES, EMBED_DIM))
    relation_embedding = _xavier_uniform(k5, (NUM_RELATIONS, EMBED_DIM))
    return {
        "head": head,
        "relation": relation,
        "tail": tail,
        "entity_embedding": entity_embedding,
        "relation_embedding": relation_embedding,
    }

def reference(head, relation, tail, entity_embedding, relation_embedding):
    head_emb = jnp.take(entity_embedding, head, axis=0)
    relation_emb = jnp.take(relation_embedding, relation, axis=0)
    tail_emb = jnp.take(entity_embedding, tail, axis=0)
    score = jnp.sum(head_emb * relation_emb * tail_emb, axis=1)
    return score

if __name__ == "__main__":
    import jax
    _d = setup_inputs()
    print(jax.jit(kernel)(*tuple(_d.values())))

</pallas_src>

<mosaic_0001>
#map = affine_map<(d0, d1) -> (0)>
#map1 = affine_map<(d0, d1) -> (0, 0)>
module attributes {stable_mosaic.version = 14 : i64} {
  func.func @_distmult_sc(%arg0: i32, %arg1: i32, %arg2: memref<16384xi32, #tpu.memory_space<hbm>>, %arg3: memref<16384xi32, #tpu.memory_space<hbm>>, %arg4: memref<16384xi32, #tpu.memory_space<hbm>>, %arg5: memref<1000000x128xf32, #tpu.memory_space<hbm>>, %arg6: memref<1000x128xf32, #tpu.memory_space<hbm>>, %arg7: memref<16384xf32, #tpu.memory_space<hbm>>, %arg8: memref<3x8x64xi32, #tpu.memory_space<vmem>>, %arg9: memref<2x64x128xf32, #tpu.memory_space<vmem>>, %arg10: memref<2x64x128xf32, #tpu.memory_space<vmem>>, %arg11: memref<2x64x128xf32, #tpu.memory_space<vmem>>, %arg12: memref<512xf32, #tpu.memory_space<vmem>>, %arg13: memref<!tpu.dma_semaphore, #tpu.memory_space<semaphore_mem>>, %arg14: memref<!tpu.dma_semaphore, #tpu.memory_space<semaphore_mem>>, %arg15: memref<!tpu.dma_semaphore, #tpu.memory_space<semaphore_mem>>) attributes {dimension_semantics = [#tpu.dimension_semantics<core_parallel>, #tpu.dimension_semantics<subcore_parallel>], iteration_bounds = array<i64: 2, 16>, scalar_prefetch = 0 : i64, scratch_operands = 8 : i64, tpu.core_type = #tpu.core_type<sc_vector_subcore>, window_params = [{transform_indices = #map}, {transform_indices = #map}, {transform_indices = #map}, {transform_indices = #map1}, {transform_indices = #map1}, {transform_indices = #map}]} {
    %mul3A = arith.constant 2 : i32
    %mul3A_0 = arith.muli %arg1, %mul3A : i32
    %add3A = arith.addi %mul3A_0, %arg0 : i32
    %mul3A_1 = arith.constant 512 : i32
    %mul3A_2 = arith.muli %add3A, %mul3A_1 : i32
    %add3A_3 = arith.constant 0 : i32
    %add3A_4 = arith.addi %mul3A_2, %add3A_3 : i32
    %dma_start3A = arith.constant 0 : i32
    %dma_start3A_5 = arith.constant 0 : i32
    %dma_start3A_6 = arith.constant 0 : i32
    %dma_start3A_7 = tpu.memref_slice %arg8[%dma_start3A, %dma_start3A_5, %dma_start3A_6] : memref<3x8x64xi32, #tpu.memory_space<vmem>> -> memref<1x1x64xi32, #tpu.memory_space<vmem>>
    %dma_start3A_8 = tpu.memref_squeeze %dma_start3A_7 : memref<1x1x64xi32, #tpu.memory_space<vmem>> -> memref<64xi32, #tpu.memory_space<vmem>>
    %dma_start3A_9 = tpu.memref_slice %arg2[%add3A_4] : memref<16384xi32, #tpu.memory_space<hbm>> -> memref<64xi32, #tpu.memory_space<hbm>>
    %dma_start3A_10 = arith.constant 0 : i32
    %dma_start3A_11 = tpu.memref_slice %arg8[%dma_start3A, %dma_start3A_5, %dma_start3A_10] : memref<3x8x64xi32, #tpu.memory_space<vmem>> -> memref<1x1x64xi32, #tpu.memory_space<vmem>>
    %dma_start3A_12 = tpu.memref_squeeze %dma_start3A_11 : memref<1x1x64xi32, #tpu.memory_space<vmem>> -> memref<64xi32, #tpu.memory_space<vmem>>
    %dma_start3A_13 = tpu.memref_slice %arg2[%add3A_4] : memref<16384xi32, #tpu.memory_space<hbm>> -> memref<64xi32, #tpu.memory_space<hbm>>
    tpu.enqueue_dma source(%dma_start3A_13 : memref<64xi32, #tpu.memory_space<hbm>>) target(%dma_start3A_12 : memref<64xi32, #tpu.memory_space<vmem>>) target_semaphore(%arg13 : memref<!tpu.dma_semaphore, #tpu.memory_space<semaphore_mem>>)
    %dma_start3A_14 = arith.constant 1 : i32
    %dma_start3A_15 = arith.constant 0 : i32
    %dma_start3A_16 = arith.constant 0 : i32
    %dma_start3A_17 = tpu.memref_slice %arg8[%dma_start3A_14, %dma_start3A_15, %dma_start3A_16] : memref<3x8x64xi32, #tpu.memory_space<vmem>> -> memref<1x1x64xi32, #tpu.memory_space<vmem>>
    %dma_start3A_18 = tpu.memref_squeeze %dma_start3A_17 : memref<1x1x64xi32, #tpu.memory_space<vmem>> -> memref<64xi32, #tpu.memory_space<vmem>>
    %dma_start3A_19 = tpu.memref_slice %arg3[%add3A_4] : memref<16384xi32, #tpu.memory_space<hbm>> -> memref<64xi32, #tpu.memory_space<hbm>>
    %dma_start3A_20 = arith.constant 0 : i32
    %dma_start3A_21 = tpu.memref_slice %arg8[%dma_start3A_14, %dma_start3A_15, %dma_start3A_20] : memref<3x8x64xi32, #tpu.memory_space<vmem>> -> memref<1x1x64xi32, #tpu.memory_space<vmem>>
    %dma_start3A_22 = tpu.memref_squeeze %dma_start3A_21 : memref<1x1x64xi32, #tpu.memory_space<vmem>> -> memref<64xi32, #tpu.memory_space<vmem>>
    %dma_start3A_23 = tpu.memref_slice %arg3[%add3A_4] : memref<16384xi32, #tpu.memory_space<hbm>> -> memref<64xi32, #tpu.memory_space<hbm>>
    tpu.enqueue_dma source(%dma_start3A_23 : memref<64xi32, #tpu.memory_space<hbm>>) target(%dma_start3A_22 : memref<64xi32, #tpu.memory_space<vmem>>) target_semaphore(%arg13 : memref<!tpu.dma_semaphore, #tpu.memory_space<semaphore_mem>>)
    %dma_start3A_24 = arith.constant 2 : i32
    %dma_start3A_25 = arith.constant 0 : i32
    %dma_start3A_26 = arith.constant 0 : i32
    %dma_start3A_27 = tpu.memref_slice %arg8[%dma_start3A_24, %dma_start3A_25, %dma_start3A_26] : memref<3x8x64xi32, #tpu.memory_space<vmem>> -> memref<1x1x64xi32, #tpu.memory_space<vmem>>
    %dma_start3A_28 = tpu.memref_squeeze %dma_start3A_27 : memref<1x1x64xi32, #tpu.memory_space<vmem>> -> memref<64xi32, #tpu.memory_space<vmem>>
    %dma_start3A_29 = tpu.memref_slice %arg4[%add3A_4] : memref<16384xi32, #tpu.memory_space<hbm>> -> memref<64xi32, #tpu.memory_space<hbm>>
    %dma_start3A_30 = arith.constant 0 : i32
    %dma_start3A_31 = tpu.memref_slice %arg8[%dma_start3A_24, %dma_start3A_25, %dma_start3A_30] : memref<3x8x64xi32, #tpu.memory_space<vmem>> -> memref<1x1x64xi32, #tpu.memory_space<vmem>>
    %dma_start3A_32 = tpu.memref_squeeze %dma_start3A_31 : memref<1x1x64xi32, #tpu.memory_space<vmem>> -> memref<64xi32, #tpu.memory_space<vmem>>
    %dma_start3A_33 = tpu.memref_slice %arg4[%add3A_4] : memref<16384xi32, #tpu.memory_space<hbm>> -> memref<64xi32, #tpu.memory_space<hbm>>
    tpu.enqueue_dma source(%dma_start3A_33 : memref<64xi32, #tpu.memory_space<hbm>>) target(%dma_start3A_32 : memref<64xi32, #tpu.memory_space<vmem>>) target_semaphore(%arg13 : memref<!tpu.dma_semaphore, #tpu.memory_space<semaphore_mem>>)
    %add3A_34 = arith.constant 64 : i32
    %add3A_35 = arith.addi %mul3A_2, %add3A_34 : i32
    %dma_start3A_36 = arith.constant 0 : i32
    %dma_start3A_37 = arith.constant 1 : i32
    %dma_start3A_38 = arith.constant 0 : i32
    %dma_start3A_39 = tpu.memref_slice %arg8[%dma_start3A_36, %dma_start3A_37, %dma_start3A_38] : memref<3x8x64xi32, #tpu.memory_space<vmem>> -> memref<1x1x64xi32, #tpu.memory_space<vmem>>
    %dma_start3A_40 = tpu.memref_squeeze %dma_start3A_39 : memref<1x1x64xi32, #tpu.memory_space<vmem>> -> memref<64xi32, #tpu.memory_space<vmem>>
    %dma_start3A_41 = tpu.memref_slice %arg2[%add3A_35] : memref<16384xi32, #tpu.memory_space<hbm>> -> memref<64xi32, #tpu.memory_space<hbm>>
    %dma_start3A_42 = arith.constant 0 : i32
    %dma_start3A_43 = tpu.memref_slice %arg8[%dma_start3A_36, %dma_start3A_37, %dma_start3A_42] : memref<3x8x64xi32, #tpu.memory_space<vmem>> -> memref<1x1x64xi32, #tpu.memory_space<vmem>>
    %dma_start3A_44 = tpu.memref_squeeze %dma_start3A_43 : memref<1x1x64xi32, #tpu.memory_space<vmem>> -> memref<64xi32, #tpu.memory_space<vmem>>
    %dma_start3A_45 = tpu.memref_slice %arg2[%add3A_35] : memref<16384xi32, #tpu.memory_space<hbm>> -> memref<64xi32, #tpu.memory_space<hbm>>
    tpu.enqueue_dma source(%dma_start3A_45 : memref<64xi32, #tpu.memory_space<hbm>>) target(%dma_start3A_44 : memref<64xi32, #tpu.memory_space<vmem>>) target_semaphore(%arg13 : memref<!tpu.dma_semaphore, #tpu.memory_space<semaphore_mem>>)
    %dma_start3A_46 = arith.constant 1 : i32
    %dma_start3A_47 = arith.constant 1 : i32
    %dma_start3A_48 = arith.constant 0 : i32
    %dma_start3A_49 = tpu.memref_slice %arg8[%dma_start3A_46, %dma_start3A_47, %dma_start3A_48] : memref<3x8x64xi32, #tpu.memory_space<vmem>> -> memref<1x1x64xi32, #tpu.memory_space<vmem>>
    %dma_start3A_50 = tpu.memref_squeeze %dma_start3A_49 : memref<1x1x64xi32, #tpu.memory_space<vmem>> -> memref<64xi32, #tpu.memory_space<vmem>>
    %dma_start3A_51 = tpu.memref_slice %arg3[%add3A_35] : memref<16384xi32, #tpu.memory_space<hbm>> -> memref<64xi32, #tpu.memory_space<hbm>>
    %dma_start3A_52 = arith.constant 0 : i32
    %dma_start3A_53 = tpu.memref_slice %arg8[%dma_start3A_46, %dma_start3A_47, %dma_start3A_52] : memref<3x8x64xi32, #tpu.memory_space<vmem>> -> memref<1x1x64xi32, #tpu.memory_space<vmem>>
    %dma_start3A_54 = tpu.memref_squeeze %dma_start3A_53 : memref<1x1x64xi32, #tpu.memory_space<vmem>> -> memref<64xi32, #tpu.memory_space<vmem>>
    %dma_start3A_55 = tpu.memref_slice %arg3[%add3A_35] : memref<16384xi32, #tpu.memory_space<hbm>> -> memref<64xi32, #tpu.memory_space<hbm>>
    tpu.enqueue_dma source(%dma_start3A_55 : memref<64xi32, #tpu.memory_space<hbm>>) target(%dma_start3A_54 : memref<64xi32, #tpu.memory_space<vmem>>) target_semaphore(%arg13 : memref<!tpu.dma_semaphore, #tpu.memory_space<semaphore_mem>>)
    %dma_start3A_56 = arith.constant 2 : i32
    %dma_start3A_57 = arith.constant 1 : i32
    %dma_start3A_58 = arith.constant 0 : i32
    %dma_start3A_59 = tpu.memref_slice %arg8[%dma_start3A_56, %dma_start3A_57, %dma_start3A_58] : memref<3x8x64xi32, #tpu.memory_space<vmem>> -> memref<1x1x64xi32, #tpu.memory_space<vmem>>
    %dma_start3A_60 = tpu.memref_squeeze %dma_start3A_59 : memref<1x1x64xi32, #tpu.memory_space<vmem>> -> memref<64xi32, #tpu.memory_space<vmem>>
    %dma_start3A_61 = tpu.memref_slice %arg4[%add3A_35] : memref<16384xi32, #tpu.memory_space<hbm>> -> memref<64xi32, #tpu.memory_space<hbm>>
    %dma_start3A_62 = arith.constant 0 : i32
    %dma_start3A_63 = tpu.memref_slice %arg8[%dma_start3A_56, %dma_start3A_57, %dma_start3A_62] : memref<3x8x64xi32, #tpu.memory_space<vmem>> -> memref<1x1x64xi32, #tpu.memory_space<vmem>>
    %dma_start3A_64 = tpu.memref_squeeze %dma_start3A_63 : memref<1x1x64xi32, #tpu.memory_space<vmem>> -> memref<64xi32, #tpu.memory_space<vmem>>
    %dma_start3A_65 = tpu.memref_slice %arg4[%add3A_35] : memref<16384xi32, #tpu.memory_space<hbm>> -> memref<64xi32, #tpu.memory_space<hbm>>
    tpu.enqueue_dma source(%dma_start3A_65 : memref<64xi32, #tpu.memory_space<hbm>>) target(%dma_start3A_64 : memref<64xi32, #tpu.memory_space<vmem>>) target_semaphore(%arg13 : memref<!tpu.dma_semaphore, #tpu.memory_space<semaphore_mem>>)
    %add3A_66 = arith.constant 128 : i32
    %add3A_67 = arith.addi %mul3A_2, %add3A_66 : i32
    %dma_start3A_68 = arith.constant 0 : i32
    %dma_start3A_69 = arith.constant 2 : i32
    %dma_start3A_70 = arith.constant 0 : i32
    %dma_start3A_71 = tpu.memref_slice %arg8[%dma_start3A_68, %dma_start3A_69, %dma_start3A_70] : memref<3x8x64xi32, #tpu.memory_space<vmem>> -> memref<1x1x64xi32, #tpu.memory_space<vmem>>
    %dma_start3A_72 = tpu.memref_squeeze %dma_start3A_71 : memref<1x1x64xi32, #tpu.memory_space<vmem>> -> memref<64xi32, #tpu.memory_space<vmem>>
    %dma_start3A_73 = tpu.memref_slice %arg2[%add3A_67] : memref<16384xi32, #tpu.memory_space<hbm>> -> memref<64xi32, #tpu.memory_space<hbm>>
    %dma_start3A_74 = arith.constant 0 : i32
    %dma_start3A_75 = tpu.memref_slice %arg8[%dma_start3A_68, %dma_start3A_69, %dma_start3A_74] : memref<3x8x64xi32, #tpu.memory_space<vmem>> -> memref<1x1x64xi32, #tpu.memory_space<vmem>>
    %dma_start3A_76 = tpu.memref_squeeze %dma_start3A_75 : memref<1x1x64xi32, #tpu.memory_space<vmem>> -> memref<64xi32, #tpu.memory_space<vmem>>
    %dma_start3A_77 = tpu.memref_slice %arg2[%add3A_67] : memref<16384xi32, #tpu.memory_space<hbm>> -> memref<64xi32, #tpu.memory_space<hbm>>
    tpu.enqueue_dma source(%dma_start3A_77 : memref<64xi32, #tpu.memory_space<hbm>>) target(%dma_start3A_76 : memref<64xi32, #tpu.memory_space<vmem>>) target_semaphore(%arg13 : memref<!tpu.dma_semaphore, #tpu.memory_space<semaphore_mem>>)
    %dma_start3A_78 = arith.constant 1 : i32
    %dma_start3A_79 = arith.constant 2 : i32
    %dma_start3A_80 = arith.constant 0 : i32
    %dma_start3A_81 = tpu.memref_slice %arg8[%dma_start3A_78, %dma_start3A_79, %dma_start3A_80] : memref<3x8x64xi32, #tpu.memory_space<vmem>> -> memref<1x1x64xi32, #tpu.memory_space<vmem>>
    %dma_start3A_82 = tpu.memref_squeeze %dma_start3A_81 : memref<1x1x64xi32, #tpu.memory_space<vmem>> -> memref<64xi32, #tpu.memory_space<vmem>>
    %dma_start3A_83 = tpu.memref_slice %arg3[%add3A_67] : memref<16384xi32, #tpu.memory_space<hbm>> -> memref<64xi32, #tpu.memory_space<hbm>>
    %dma_start3A_84 = arith.constant 0 : i32
    %dma_start3A_85 = tpu.memref_slice %arg8[%dma_start3A_78, %dma_start3A_79, %dma_start3A_84] : memref<3x8x64xi32, #tpu.memory_space<vmem>> -> memref<1x1x64xi32, #tpu.memory_space<vmem>>
    %dma_start3A_86 = tpu.memref_squeeze %dma_start3A_85 : memref<1x1x64xi32, #tpu.memory_space<vmem>> -> memref<64xi32, #tpu.memory_space<vmem>>
    %dma_start3A_87 = tpu.memref_slice %arg3[%add3A_67] : memref<16384xi32, #tpu.memory_space<hbm>> -> memref<64xi32, #tpu.memory_space<hbm>>
    tpu.enqueue_dma source(%dma_start3A_87 : memref<64xi32, #tpu.memory_space<hbm>>) target(%dma_start3A_86 : memref<64xi32, #tpu.memory_space<vmem>>) target_semaphore(%arg13 : memref<!tpu.dma_semaphore, #tpu.memory_space<semaphore_mem>>)
    %dma_start3A_88 = arith.constant 2 : i32
    %dma_start3A_89 = arith.constant 2 : i32
    %dma_start3A_90 = arith.constant 0 : i32
    %dma_start3A_91 = tpu.memref_slice %arg8[%dma_start3A_88, %dma_start3A_89, %dma_start3A_90] : memref<3x8x64xi32, #tpu.memory_space<vmem>> -> memref<1x1x64xi32, #tpu.memory_space<vmem>>
    %dma_start3A_92 = tpu.memref_squeeze %dma_start3A_91 : memref<1x1x64xi32, #tpu.memory_space<vmem>> -> memref<64xi32, #tpu.memory_space<vmem>>
    %dma_start3A_93 = tpu.memref_slice %arg4[%add3A_67] : memref<16384xi32, #tpu.memory_space<hbm>> -> memref<64xi32, #tpu.memory_space<hbm>>
    %dma_start3A_94 = arith.constant 0 : i32
    %dma_start3A_95 = tpu.memref_slice %arg8[%dma_start3A_88, %dma_start3A_89, %dma_start3A_94] : memref<3x8x64xi32, #tpu.memory_space<vmem>> -> memref<1x1x64xi32, #tpu.memory_space<vmem>>
    %dma_start3A_96 = tpu.memref_squeeze %dma_start3A_95 : memref<1x1x64xi32, #tpu.memory_space<vmem>> -> memref<64xi32, #tpu.memory_space<vmem>>
    %dma_start3A_97 = tpu.memref_slice %arg4[%add3A_67] : memref<16384xi32, #tpu.memory_space<hbm>> -> memref<64xi32, #tpu.memory_space<hbm>>
    tpu.enqueue_dma source(%dma_start3A_97 : memref<64xi32, #tpu.memory_space<hbm>>) target(%dma_start3A_96 : memref<64xi32, #tpu.memory_space<vmem>>) target_semaphore(%arg13 : memref<!tpu.dma_semaphore, #tpu.memory_space<semaphore_mem>>)
    %add3A_98 = arith.constant 192 : i32
    %add3A_99 = arith.addi %mul3A_2, %add3A_98 : i32
    %dma_start3A_100 = arith.constant 0 : i32
    %dma_start3A_101 = arith.constant 3 : i32
    %dma_start3A_102 = arith.constant 0 : i32
    %dma_start3A_103 = tpu.memref_slice %arg8[%dma_start3A_100, %dma_start3A_101, %dma_start3A_102] : memref<3x8x64xi32, #tpu.memory_space<vmem>> -> memref<1x1x64xi32, #tpu.memory_space<vmem>>
    %dma_start3A_104 = tpu.memref_squeeze %dma_start3A_103 : memref<1x1x64xi32, #tpu.memory_space<vmem>> -> memref<64xi32, #tpu.memory_space<vmem>>
    %dma_start3A_105 = tpu.memref_slice %arg2[%add3A_99] : memref<16384xi32, #tpu.memory_space<hbm>> -> memref<64xi32, #tpu.memory_space<hbm>>
    %dma_start3A_106 = arith.constant 0 : i32
    %dma_start3A_107 = tpu.memref_slice %arg8[%dma_start3A_100, %dma_start3A_101, %dma_start3A_106] : memref<3x8x64xi32, #tpu.memory_space<vmem>> -> memref<1x1x64xi32, #tpu.memory_space<vmem>>
    %dma_start3A_108 = tpu.memref_squeeze %dma_start3A_107 : memref<1x1x64xi32, #tpu.memory_space<vmem>> -> memref<64xi32, #tpu.memory_space<vmem>>
    %dma_start3A_109 = tpu.memref_slice %arg2[%add3A_99] : memref<16384xi32, #tpu.memory_space<hbm>> -> memref<64xi32, #tpu.memory_space<hbm>>
    tpu.enqueue_dma source(%dma_start3A_109 : memref<64xi32, #tpu.memory_space<hbm>>) target(%dma_start3A_108 : memref<64xi32, #tpu.memory_space<vmem>>) target_semaphore(%arg13 : memref<!tpu.dma_semaphore, #tpu.memory_space<semaphore_mem>>)
    %dma_start3A_110 = arith.constant 1 : i32
    %dma_start3A_111 = arith.constant 3 : i32
    %dma_start3A_112 = arith.constant 0 : i32
    %dma_start3A_113 = tpu.memref_slice %arg8[%dma_start3A_110, %dma_start3A_111, %dma_start3A_112] : memref<3x8x64xi32, #tpu.memory_space<vmem>> -> memref<1x1x64xi32, #tpu.memory_space<vmem>>
    %dma_start3A_114 = tpu.memref_squeeze %dma_start3A_113 : memref<1x1x64xi32, #tpu.memory_space<vmem>> -> memref<64xi32, #tpu.memory_space<vmem>>
    %dma_start3A_115 = tpu.memref_slice %arg3[%add3A_99] : memref<16384xi32, #tpu.memory_space<hbm>> -> memref<64xi32, #tpu.memory_space<hbm>>
    %dma_start3A_116 = arith.constant 0 : i32
    %dma_start3A_117 = tpu.memref_slice %arg8[%dma_start3A_110, %dma_start3A_111, %dma_start3A_116] : memref<3x8x64xi32, #tpu.memory_space<vmem>> -> memref<1x1x64xi32, #tpu.memory_space<vmem>>
    %dma_start3A_118 = tpu.memref_squeeze %dma_start3A_117 : memref<1x1x64xi32, #tpu.memory_space<vmem>> -> memref<64xi32, #tpu.memory_space<vmem>>
    %dma_start3A_119 = tpu.memref_slice %arg3[%add3A_99] : memref<16384xi32, #tpu.memory_space<hbm>> -> memref<64xi32, #tpu.memory_space<hbm>>
    tpu.enqueue_dma source(%dma_start3A_119 : memref<64xi32, #tpu.memory_space<hbm>>) target(%dma_start3A_118 : memref<64xi32, #tpu.memory_space<vmem>>) target_semaphore(%arg13 : memref<!tpu.dma_semaphore, #tpu.memory_space<semaphore_mem>>)
    %dma_start3A_120 = arith.constant 2 : i32
    %dma_start3A_121 = arith.constant 3 : i32
    %dma_start3A_122 = arith.constant 0 : i32
    %dma_start3A_123 = tpu.memref_slice %arg8[%dma_start3A_120, %dma_start3A_121, %dma_start3A_122] : memref<3x8x64xi32, #tpu.memory_space<vmem>> -> memref<1x1x64xi32, #tpu.memory_space<vmem>>
    %dma_start3A_124 = tpu.memref_squeeze %dma_start3A_123 : memref<1x1x64xi32, #tpu.memory_space<vmem>> -> memref<64xi32, #tpu.memory_space<vmem>>
    %dma_start3A_125 = tpu.memref_slice %arg4[%add3A_99] : memref<16384xi32, #tpu.memory_space<hbm>> -> memref<64xi32, #tpu.memory_space<hbm>>
    %dma_start3A_126 = arith.constant 0 : i32
    %dma_start3A_127 = tpu.memref_slice %arg8[%dma_start3A_120, %dma_start3A_121, %dma_start3A_126] : memref<3x8x64xi32, #tpu.memory_space<vmem>> -> memref<1x1x64xi32, #tpu.memory_space<vmem>>
    %dma_start3A_128 = tpu.memref_squeeze %dma_start3A_127 : memref<1x1x64xi32, #tpu.memory_space<vmem>> -> memref<64xi32, #tpu.memory_space<vmem>>
    %dma_start3A_129 = tpu.memref_slice %arg4[%add3A_99] : memref<16384xi32, #tpu.memory_space<hbm>> -> memref<64xi32, #tpu.memory_space<hbm>>
    tpu.enqueue_dma source(%dma_start3A_129 : memref<64xi32, #tpu.memory_space<hbm>>) target(%dma_start3A_128 : memref<64xi32, #tpu.memory_space<vmem>>) target_semaphore(%arg13 : memref<!tpu.dma_semaphore, #tpu.memory_space<semaphore_mem>>)
    %add3A_130 = arith.constant 256 : i32
    %add3A_131 = arith.addi %mul3A_2, %add3A_130 : i32
    %dma_start3A_132 = arith.constant 0 : i32
    %dma_start3A_133 = arith.constant 4 : i32
    %dma_start3A_134 = arith.constant 0 : i32
    %dma_start3A_135 = tpu.memref_slice %arg8[%dma_start3A_132, %dma_start3A_133, %dma_start3A_134] : memref<3x8x64xi32, #tpu.memory_space<vmem>> -> memref<1x1x64xi32, #tpu.memory_space<vmem>>
    %dma_start3A_136 = tpu.memref_squeeze %dma_start3A_135 : memref<1x1x64xi32, #tpu.memory_space<vmem>> -> memref<64xi32, #tpu.memory_space<vmem>>
    %dma_start3A_137 = tpu.memref_slice %arg2[%add3A_131] : memref<16384xi32, #tpu.memory_space<hbm>> -> memref<64xi32, #tpu.memory_space<hbm>>
    %dma_start3A_138 = arith.constant 0 : i32
    %dma_start3A_139 = tpu.memref_slice %arg8[%dma_start3A_132, %dma_start3A_133, %dma_start3A_138] : memref<3x8x64xi32, #tpu.memory_space<vmem>> -> memref<1x1x64xi32, #tpu.memory_space<vmem>>
    %dma_start3A_140 = tpu.memref_squeeze %dma_start3A_139 : memref<1x1x64xi32, #tpu.memory_space<vmem>> -> memref<64xi32, #tpu.memory_space<vmem>>
    %dma_start3A_141 = tpu.memref_slice %arg2[%add3A_131] : memref<16384xi32, #tpu.memory_space<hbm>> -> memref<64xi32, #tpu.memory_space<hbm>>
    tpu.enqueue_dma source(%dma_start3A_141 : memref<64xi32, #tpu.memory_space<hbm>>) target(%dma_start3A_140 : memref<64xi32, #tpu.memory_space<vmem>>) target_semaphore(%arg13 : memref<!tpu.dma_semaphore, #tpu.memory_space<semaphore_mem>>)
    %dma_start3A_142 = arith.constant 1 : i32
    %dma_start3A_143 = arith.constant 4 : i32
    %dma_start3A_144 = arith.constant 0 : i32
    %dma_start3A_145 = tpu.memref_slice %arg8[%dma_start3A_142, %dma_start3A_143, %dma_start3A_144] : memref<3x8x64xi32, #tpu.memory_space<vmem>> -> memref<1x1x64xi32, #tpu.memory_space<vmem>>
    %dma_start3A_146 = tpu.memref_squeeze %dma_start3A_145 : memref<1x1x64xi32, #tpu.memory_space<vmem>> -> memref<64xi32, #tpu.memory_space<vmem>>
    %dma_start3A_147 = tpu.memref_slice %arg3[%add3A_131] : memref<16384xi32, #tpu.memory_space<hbm>> -> memref<64xi32, #tpu.memory_space<hbm>>
    %dma_start3A_148 = arith.constant 0 : i32
    %dma_start3A_149 = tpu.memref_slice %arg8[%dma_start3A_142, %dma_start3A_143, %dma_start3A_148] : memref<3x8x64xi32, #tpu.memory_space<vmem>> -> memref<1x1x64xi32, #tpu.memory_space<vmem>>
    %dma_start3A_150 = tpu.memref_squeeze %dma_start3A_149 : memref<1x1x64xi32, #tpu.memory_space<vmem>> -> memref<64xi32, #tpu.memory_space<vmem>>
    %dma_start3A_151 = tpu.memref_slice %arg3[%add3A_131] : memref<16384xi32, #tpu.memory_space<hbm>> -> memref<64xi32, #tpu.memory_space<hbm>>
    tpu.enqueue_dma source(%dma_start3A_151 : memref<64xi32, #tpu.memory_space<hbm>>) target(%dma_start3A_150 : memref<64xi32, #tpu.memory_space<vmem>>) target_semaphore(%arg13 : memref<!tpu.dma_semaphore, #tpu.memory_space<semaphore_mem>>)
    %dma_start3A_152 = arith.constant 2 : i32
    %dma_start3A_153 = arith.constant 4 : i32
    %dma_start3A_154 = arith.constant 0 : i32
    %dma_start3A_155 = tpu.memref_slice %arg8[%dma_start3A_152, %dma_start3A_153, %dma_start3A_154] : memref<3x8x64xi32, #tpu.memory_space<vmem>> -> memref<1x1x64xi32, #tpu.memory_space<vmem>>
    %dma_start3A_156 = tpu.memref_squeeze %dma_start3A_155 : memref<1x1x64xi32, #tpu.memory_space<vmem>> -> memref<64xi32, #tpu.memory_space<vmem>>
    %dma_start3A_157 = tpu.memref_slice %arg4[%add3A_131] : memref<16384xi32, #tpu.memory_space<hbm>> -> memref<64xi32, #tpu.memory_space<hbm>>
    %dma_start3A_158 = arith.constant 0 : i32
    %dma_start3A_159 = tpu.memref_slice %arg8[%dma_start3A_152, %dma_start3A_153, %dma_start3A_158] : memref<3x8x64xi32, #tpu.memory_space<vmem>> -> memref<1x1x64xi32, #tpu.memory_space<vmem>>
    %dma_start3A_160 = tpu.memref_squeeze %dma_start3A_159 : memref<1x1x64xi32, #tpu.memory_space<vmem>> -> memref<64xi32, #tpu.memory_space<vmem>>
    %dma_start3A_161 = tpu.memref_slice %arg4[%add3A_131] : memref<16384xi32, #tpu.memory_space<hbm>> -> memref<64xi32, #tpu.memory_space<hbm>>
    tpu.enqueue_dma source(%dma_start3A_161 : memref<64xi32, #tpu.memory_space<hbm>>) target(%dma_start3A_160 : memref<64xi32, #tpu.memory_space<vmem>>) target_semaphore(%arg13 : memref<!tpu.dma_semaphore, #tpu.memory_space<semaphore_mem>>)
    %add3A_162 = arith.constant 320 : i32
    %add3A_163 = arith.addi %mul3A_2, %add3A_162 : i32
    %dma_start3A_164 = arith.constant 0 : i32
    %dma_start3A_165 = arith.constant 5 : i32
    %dma_start3A_166 = arith.constant 0 : i32
    %dma_start3A_167 = tpu.memref_slice %arg8[%dma_start3A_164, %dma_start3A_165, %dma_start3A_166] : memref<3x8x64xi32, #tpu.memory_space<vmem>> -> memref<1x1x64xi32, #tpu.memory_space<vmem>>
    %dma_start3A_168 = tpu.memref_squeeze %dma_start3A_167 : memref<1x1x64xi32, #tpu.memory_space<vmem>> -> memref<64xi32, #tpu.memory_space<vmem>>
    %dma_start3A_169 = tpu.memref_slice %arg2[%add3A_163] : memref<16384xi32, #tpu.memory_space<hbm>> -> memref<64xi32, #tpu.memory_space<hbm>>
    %dma_start3A_170 = arith.constant 0 : i32
    %dma_start3A_171 = tpu.memref_slice %arg8[%dma_start3A_164, %dma_start3A_165, %dma_start3A_170] : memref<3x8x64xi32, #tpu.memory_space<vmem>> -> memref<1x1x64xi32, #tpu.memory_space<vmem>>
    %dma_start3A_172 = tpu.memref_squeeze %dma_start3A_171 : memref<1x1x64xi32, #tpu.memory_space<vmem>> -> memref<64xi32, #tpu.memory_space<vmem>>
    %dma_start3A_173 = tpu.memref_slice %arg2[%add3A_163] : memref<16384xi32, #tpu.memory_space<hbm>> -> memref<64xi32, #tpu.memory_space<hbm>>
    tpu.enqueue_dma source(%dma_start3A_173 : memref<64xi32, #tpu.memory_space<hbm>>) target(%dma_start3A_172 : memref<64xi32, #tpu.memory_space<vmem>>) target_semaphore(%arg13 : memref<!tpu.dma_semaphore, #tpu.memory_space<semaphore_mem>>)
    %dma_start3A_174 = arith.constant 1 : i32
    %dma_start3A_175 = arith.constant 5 : i32
    %dma_start3A_176 = arith.constant 0 : i32
    %dma_start3A_177 = tpu.memref_slice %arg8[%dma_start3A_174, %dma_start3A_175, %dma_start3A_176] : memref<3x8x64xi32, #tpu.memory_space<vmem>> -> memref<1x1x64xi32, #tpu.memory_space<vmem>>
    %dma_start3A_178 = tpu.memref_squeeze %dma_start3A_177 : memref<1x1x64xi32, #tpu.memory_space<vmem>> -> memref<64xi32, #tpu.memory_space<vmem>>
    %dma_start3A_179 = tpu.memref_slice %arg3[%add3A_163] : memref<16384xi32, #tpu.memory_space<hbm>> -> memref<64xi32, #tpu.memory_space<hbm>>
    %dma_start3A_180 = arith.constant 0 : i32
    %dma_start3A_181 = tpu.memref_slice %arg8[%dma_start3A_174, %dma_start3A_175, %dma_start3A_180] : memref<3x8x64xi32, #tpu.memory_space<vmem>> -> memref<1x1x64xi32, #tpu.memory_space<vmem>>
    %dma_start3A_182 = tpu.memref_squeeze %dma_start3A_181 : memref<1x1x64xi32, #tpu.memory_space<vmem>> -> memref<64xi32, #tpu.memory_space<vmem>>
    %dma_start3A_183 = tpu.memref_slice %arg3[%add3A_163] : memref<16384xi32, #tpu.memory_space<hbm>> -> memref<64xi32, #tpu.memory_space<hbm>>
    tpu.enqueue_dma source(%dma_start3A_183 : memref<64xi32, #tpu.memory_space<hbm>>) target(%dma_start3A_182 : memref<64xi32, #tpu.memory_space<vmem>>) target_semaphore(%arg13 : memref<!tpu.dma_semaphore, #tpu.memory_space<semaphore_mem>>)
    %dma_start3A_184 = arith.constant 2 : i32
    %dma_start3A_185 = arith.constant 5 : i32
    %dma_start3A_186 = arith.constant 0 : i32
    %dma_start3A_187 = tpu.memref_slice %arg8[%dma_start3A_184, %dma_start3A_185, %dma_start3A_186] : memref<3x8x64xi32, #tpu.memory_space<vmem>> -> memref<1x1x64xi32, #tpu.memory_space<vmem>>
    %dma_start3A_188 = tpu.memref_squeeze %dma_start3A_187 : memref<1x1x64xi32, #tpu.memory_space<vmem>> -> memref<64xi32, #tpu.memory_space<vmem>>
    %dma_start3A_189 = tpu.memref_slice %arg4[%add3A_163] : memref<16384xi32, #tpu.memory_space<hbm>> -> memref<64xi32, #tpu.memory_space<hbm>>
    %dma_start3A_190 = arith.constant 0 : i32
    %dma_start3A_191 = tpu.memref_slice %arg8[%dma_start3A_184, %dma_start3A_185, %dma_start3A_190] : memref<3x8x64xi32, #tpu.memory_space<vmem>> -> memref<1x1x64xi32, #tpu.memory_space<vmem>>
    %dma_start3A_192 = tpu.memref_squeeze %dma_start3A_191 : memref<1x1x64xi32, #tpu.memory_space<vmem>> -> memref<64xi32, #tpu.memory_space<vmem>>
    %dma_start3A_193 = tpu.memref_slice %arg4[%add3A_163] : memref<16384xi32, #tpu.memory_space<hbm>> -> memref<64xi32, #tpu.memory_space<hbm>>
    tpu.enqueue_dma source(%dma_start3A_193 : memref<64xi32, #tpu.memory_space<hbm>>) target(%dma_start3A_192 : memref<64xi32, #tpu.memory_space<vmem>>) target_semaphore(%arg13 : memref<!tpu.dma_semaphore, #tpu.memory_space<semaphore_mem>>)
    %add3A_194 = arith.constant 384 : i32
    %add3A_195 = arith.addi %mul3A_2, %add3A_194 : i32
    %dma_start3A_196 = arith.constant 0 : i32
    %dma_start3A_197 = arith.constant 6 : i32
    %dma_start3A_198 = arith.constant 0 : i32
    %dma_start3A_199 = tpu.memref_slice %arg8[%dma_start3A_196, %dma_start3A_197, %dma_start3A_198] : memref<3x8x64xi32, #tpu.memory_space<vmem>> -> memref<1x1x64xi32, #tpu.memory_space<vmem>>
    %dma_start3A_200 = tpu.memref_squeeze %dma_start3A_199 : memref<1x1x64xi32, #tpu.memory_space<vmem>> -> memref<64xi32, #tpu.memory_space<vmem>>
    %dma_start3A_201 = tpu.memref_slice %arg2[%add3A_195] : memref<16384xi32, #tpu.memory_space<hbm>> -> memref<64xi32, #tpu.memory_space<hbm>>
    %dma_start3A_202 = arith.constant 0 : i32
    %dma_start3A_203 = tpu.memref_slice %arg8[%dma_start3A_196, %dma_start3A_197, %dma_start3A_202] : memref<3x8x64xi32, #tpu.memory_space<vmem>> -> memref<1x1x64xi32, #tpu.memory_space<vmem>>
    %dma_start3A_204 = tpu.memref_squeeze %dma_start3A_203 : memref<1x1x64xi32, #tpu.memory_space<vmem>> -> memref<64xi32, #tpu.memory_space<vmem>>
    %dma_start3A_205 = tpu.memref_slice %arg2[%add3A_195] : memref<16384xi32, #tpu.memory_space<hbm>> -> memref<64xi32, #tpu.memory_space<hbm>>
    tpu.enqueue_dma source(%dma_start3A_205 : memref<64xi32, #tpu.memory_space<hbm>>) target(%dma_start3A_204 : memref<64xi32, #tpu.memory_space<vmem>>) target_semaphore(%arg13 : memref<!tpu.dma_semaphore, #tpu.memory_space<semaphore_mem>>)
    %dma_start3A_206 = arith.constant 1 : i32
    %dma_start3A_207 = arith.constant 6 : i32
    %dma_start3A_208 = arith.constant 0 : i32
    %dma_start3A_209 = tpu.memref_slice %arg8[%dma_start3A_206, %dma_start3A_207, %dma_start3A_208] : memref<3x8x64xi32, #tpu.memory_space<vmem>> -> memref<1x1x64xi32, #tpu.memory_space<vmem>>
    %dma_start3A_210 = tpu.memref_squeeze %dma_start3A_209 : memref<1x1x64xi32, #tpu.memory_space<vmem>> -> memref<64xi32, #tpu.memory_space<vmem>>
    %dma_start3A_211 = tpu.memref_slice %arg3[%add3A_195] : memref<16384xi32, #tpu.memory_space<hbm>> -> memref<64xi32, #tpu.memory_space<hbm>>
    %dma_start3A_212 = arith.constant 0 : i32
    %dma_start3A_213 = tpu.memref_slice %arg8[%dma_start3A_206, %dma_start3A_207, %dma_start3A_212] : memref<3x8x64xi32, #tpu.memory_space<vmem>> -> memref<1x1x64xi32, #tpu.memory_space<vmem>>
    %dma_start3A_214 = tpu.memref_squeeze %dma_start3A_213 : memref<1x1x64xi32, #tpu.memory_space<vmem>> -> memref<64xi32, #tpu.memory_space<vmem>>
    %dma_start3A_215 = tpu.memref_slice %arg3[%add3A_195] : memref<16384xi32, #tpu.memory_space<hbm>> -> memref<64xi32, #tpu.memory_space<hbm>>
    tpu.enqueue_dma source(%dma_start3A_215 : memref<64xi32, #tpu.memory_space<hbm>>) target(%dma_start3A_214 : memref<64xi32, #tpu.memory_space<vmem>>) target_semaphore(%arg13 : memref<!tpu.dma_semaphore, #tpu.memory_space<semaphore_mem>>)
    %dma_start3A_216 = arith.constant 2 : i32
    %dma_start3A_217 = arith.constant 6 : i32
    %dma_start3A_218 = arith.constant 0 : i32
    %dma_start3A_219 = tpu.memref_slice %arg8[%dma_start3A_216, %dma_start3A_217, %dma_start3A_218] : memref<3x8x64xi32, #tpu.memory_space<vmem>> -> memref<1x1x64xi32, #tpu.memory_space<vmem>>
    %dma_start3A_220 = tpu.memref_squeeze %dma_start3A_219 : memref<1x1x64xi32, #tpu.memory_space<vmem>> -> memref<64xi32, #tpu.memory_space<vmem>>
    %dma_start3A_221 = tpu.memref_slice %arg4[%add3A_195] : memref<16384xi32, #tpu.memory_space<hbm>> -> memref<64xi32, #tpu.memory_space<hbm>>
    %dma_start3A_222 = arith.constant 0 : i32
    %dma_start3A_223 = tpu.memref_slice %arg8[%dma_start3A_216, %dma_start3A_217, %dma_start3A_222] : memref<3x8x64xi32, #tpu.memory_space<vmem>> -> memref<1x1x64xi32, #tpu.memory_space<vmem>>
    %dma_start3A_224 = tpu.memref_squeeze %dma_start3A_223 : memref<1x1x64xi32, #tpu.memory_space<vmem>> -> memref<64xi32, #tpu.memory_space<vmem>>
    %dma_start3A_225 = tpu.memref_slice %arg4[%add3A_195] : memref<16384xi32, #tpu.memory_space<hbm>> -> memref<64xi32, #tpu.memory_space<hbm>>
    tpu.enqueue_dma source(%dma_start3A_225 : memref<64xi32, #tpu.memory_space<hbm>>) target(%dma_start3A_224 : memref<64xi32, #tpu.memory_space<vmem>>) target_semaphore(%arg13 : memref<!tpu.dma_semaphore, #tpu.memory_space<semaphore_mem>>)
    %add3A_226 = arith.constant 448 : i32
    %add3A_227 = arith.addi %mul3A_2, %add3A_226 : i32
    %dma_start3A_228 = arith.constant 0 : i32
    %dma_start3A_229 = arith.constant 7 : i32
    %dma_start3A_230 = arith.constant 0 : i32
    %dma_start3A_231 = tpu.memref_slice %arg8[%dma_start3A_228, %dma_start3A_229, %dma_start3A_230] : memref<3x8x64xi32, #tpu.memory_space<vmem>> -> memref<1x1x64xi32, #tpu.memory_space<vmem>>
    %dma_start3A_232 = tpu.memref_squeeze %dma_start3A_231 : memref<1x1x64xi32, #tpu.memory_space<vmem>> -> memref<64xi32, #tpu.memory_space<vmem>>
    %dma_start3A_233 = tpu.memref_slice %arg2[%add3A_227] : memref<16384xi32, #tpu.memory_space<hbm>> -> memref<64xi32, #tpu.memory_space<hbm>>
    %dma_start3A_234 = arith.constant 0 : i32
    %dma_start3A_235 = tpu.memref_slice %arg8[%dma_start3A_228, %dma_start3A_229, %dma_start3A_234] : memref<3x8x64xi32, #tpu.memory_space<vmem>> -> memref<1x1x64xi32, #tpu.memory_space<vmem>>
    %dma_start3A_236 = tpu.memref_squeeze %dma_start3A_235 : memref<1x1x64xi32, #tpu.memory_space<vmem>> -> memref<64xi32, #tpu.memory_space<vmem>>
    %dma_start3A_237 = tpu.memref_slice %arg2[%add3A_227] : memref<16384xi32, #tpu.memory_space<hbm>> -> memref<64xi32, #tpu.memory_space<hbm>>
    tpu.enqueue_dma source(%dma_start3A_237 : memref<64xi32, #tpu.memory_space<hbm>>) target(%dma_start3A_236 : memref<64xi32, #tpu.memory_space<vmem>>) target_semaphore(%arg13 : memref<!tpu.dma_semaphore, #tpu.memory_space<semaphore_mem>>)
    %dma_start3A_238 = arith.constant 1 : i32
    %dma_start3A_239 = arith.constant 7 : i32
    %dma_start3A_240 = arith.constant 0 : i32
    %dma_start3A_241 = tpu.memref_slice %arg8[%dma_start3A_238, %dma_start3A_239, %dma_start3A_240] : memref<3x8x64xi32, #tpu.memory_space<vmem>> -> memref<1x1x64xi32, #tpu.memory_space<vmem>>
    %dma_start3A_242 = tpu.memref_squeeze %dma_start3A_241 : memref<1x1x64xi32, #tpu.memory_space<vmem>> -> memref<64xi32, #tpu.memory_space<vmem>>
    %dma_start3A_243 = tpu.memref_slice %arg3[%add3A_227] : memref<16384xi32, #tpu.memory_space<hbm>> -> memref<64xi32, #tpu.memory_space<hbm>>
    %dma_start3A_244 = arith.constant 0 : i32
    %dma_start3A_245 = tpu.memref_slice %arg8[%dma_start3A_238, %dma_start3A_239, %dma_start3A_244] : memref<3x8x64xi32, #tpu.memory_space<vmem>> -> memref<1x1x64xi32, #tpu.memory_space<vmem>>
    %dma_start3A_246 = tpu.memref_squeeze %dma_start3A_245 : memref<1x1x64xi32, #tpu.memory_space<vmem>> -> memref<64xi32, #tpu.memory_space<vmem>>
    %dma_start3A_247 = tpu.memref_slice %arg3[%add3A_227] : memref<16384xi32, #tpu.memory_space<hbm>> -> memref<64xi32, #tpu.memory_space<hbm>>
    tpu.enqueue_dma source(%dma_start3A_247 : memref<64xi32, #tpu.memory_space<hbm>>) target(%dma_start3A_246 : memref<64xi32, #tpu.memory_space<vmem>>) target_semaphore(%arg13 : memref<!tpu.dma_semaphore, #tpu.memory_space<semaphore_mem>>)
    %dma_start3A_248 = arith.constant 2 : i32
    %dma_start3A_249 = arith.constant 7 : i32
    %dma_start3A_250 = arith.constant 0 : i32
    %dma_start3A_251 = tpu.memref_slice %arg8[%dma_start3A_248, %dma_start3A_249, %dma_start3A_250] : memref<3x8x64xi32, #tpu.memory_space<vmem>> -> memref<1x1x64xi32, #tpu.memory_space<vmem>>
    %dma_start3A_252 = tpu.memref_squeeze %dma_start3A_251 : memref<1x1x64xi32, #tpu.memory_space<vmem>> -> memref<64xi32, #tpu.memory_space<vmem>>
    %dma_start3A_253 = tpu.memref_slice %arg4[%add3A_227] : memref<16384xi32, #tpu.memory_space<hbm>> -> memref<64xi32, #tpu.memory_space<hbm>>
    %dma_start3A_254 = arith.constant 0 : i32
    %dma_start3A_255 = tpu.memref_slice %arg8[%dma_start3A_248, %dma_start3A_249, %dma_start3A_254] : memref<3x8x64xi32, #tpu.memory_space<vmem>> -> memref<1x1x64xi32, #tpu.memory_space<vmem>>
    %dma_start3A_256 = tpu.memref_squeeze %dma_start3A_255 : memref<1x1x64xi32, #tpu.memory_space<vmem>> -> memref<64xi32, #tpu.memory_space<vmem>>
    %dma_start3A_257 = tpu.memref_slice %arg4[%add3A_227] : memref<16384xi32, #tpu.memory_space<hbm>> -> memref<64xi32, #tpu.memory_space<hbm>>
    tpu.enqueue_dma source(%dma_start3A_257 : memref<64xi32, #tpu.memory_space<hbm>>) target(%dma_start3A_256 : memref<64xi32, #tpu.memory_space<vmem>>) target_semaphore(%arg13 : memref<!tpu.dma_semaphore, #tpu.memory_space<semaphore_mem>>)
    %dma_wait3A = arith.constant 0 : i32
    %dma_wait3A_258 = arith.constant 0 : i32
    %dma_wait3A_259 = arith.constant 0 : i32
    %dma_wait3A_260 = tpu.memref_slice %arg8[%dma_wait3A, %dma_wait3A_258, %dma_wait3A_259] : memref<3x8x64xi32, #tpu.memory_space<vmem>> -> memref<1x1x64xi32, #tpu.memory_space<vmem>>
    %dma_wait3A_261 = tpu.memref_squeeze %dma_wait3A_260 : memref<1x1x64xi32, #tpu.memory_space<vmem>> -> memref<64xi32, #tpu.memory_space<vmem>>
    %dma_wait3A_262 = tpu.memref_slice %arg2[%add3A_4] : memref<16384xi32, #tpu.memory_space<hbm>> -> memref<64xi32, #tpu.memory_space<hbm>>
    %dma_wait3A_263 = arith.constant 0 : i32
    %dma_wait3A_264 = tpu.memref_slice %arg8[%dma_wait3A, %dma_wait3A_258, %dma_wait3A_263] : memref<3x8x64xi32, #tpu.memory_space<vmem>> -> memref<1x1x64xi32, #tpu.memory_space<vmem>>
    %dma_wait3A_265 = tpu.memref_squeeze %dma_wait3A_264 : memref<1x1x64xi32, #tpu.memory_space<vmem>> -> memref<64xi32, #tpu.memory_space<vmem>>
    %dma_wait3A_266 = tpu.memref_slice %arg2[%add3A_4] : memref<16384xi32, #tpu.memory_space<hbm>> -> memref<64xi32, #tpu.memory_space<hbm>>
    tpu.wait_dma2 semaphore(%arg13 : memref<!tpu.dma_semaphore, #tpu.memory_space<semaphore_mem>>) src(%dma_wait3A_266 : memref<64xi32, #tpu.memory_space<hbm>>) dst(%dma_wait3A_265 : memref<64xi32, #tpu.memory_space<vmem>>)
    %dma_wait3A_267 = arith.constant 1 : i32
    %dma_wait3A_268 = arith.constant 0 : i32
    %dma_wait3A_269 = arith.constant 0 : i32
    %dma_wait3A_270 = tpu.memref_slice %arg8[%dma_wait3A_267, %dma_wait3A_268, %dma_wait3A_269] : memref<3x8x64xi32, #tpu.memory_space<vmem>> -> memref<1x1x64xi32, #tpu.memory_space<vmem>>
    %dma_wait3A_271 = tpu.memref_squeeze %dma_wait3A_270 : memref<1x1x64xi32, #tpu.memory_space<vmem>> -> memref<64xi32, #tpu.memory_space<vmem>>
    %dma_wait3A_272 = tpu.memref_slice %arg3[%add3A_4] : memref<16384xi32, #tpu.memory_space<hbm>> -> memref<64xi32, #tpu.memory_space<hbm>>
    %dma_wait3A_273 = arith.constant 0 : i32
    %dma_wait3A_274 = tpu.memref_slice %arg8[%dma_wait3A_267, %dma_wait3A_268, %dma_wait3A_273] : memref<3x8x64xi32, #tpu.memory_space<vmem>> -> memref<1x1x64xi32, #tpu.memory_space<vmem>>
    %dma_wait3A_275 = tpu.memref_squeeze %dma_wait3A_274 : memref<1x1x64xi32, #tpu.memory_space<vmem>> -> memref<64xi32, #tpu.memory_space<vmem>>
    %dma_wait3A_276 = tpu.memref_slice %arg3[%add3A_4] : memref<16384xi32, #tpu.memory_space<hbm>> -> memref<64xi32, #tpu.memory_space<hbm>>
    tpu.wait_dma2 semaphore(%arg13 : memref<!tpu.dma_semaphore, #tpu.memory_space<semaphore_mem>>) src(%dma_wait3A_276 : memref<64xi32, #tpu.memory_space<hbm>>) dst(%dma_wait3A_275 : memref<64xi32, #tpu.memory_space<vmem>>)
    %dma_wait3A_277 = arith.constant 2 : i32
    %dma_wait3A_278 = arith.constant 0 : i32
    %dma_wait3A_279 = arith.constant 0 : i32
    %dma_wait3A_280 = tpu.memref_slice %arg8[%dma_wait3A_277, %dma_wait3A_278, %dma_wait3A_279] : memref<3x8x64xi32, #tpu.memory_space<vmem>> -> memref<1x1x64xi32, #tpu.memory_space<vmem>>
    %dma_wait3A_281 = tpu.memref_squeeze %dma_wait3A_280 : memref<1x1x64xi32, #tpu.memory_space<vmem>> -> memref<64xi32, #tpu.memory_space<vmem>>
    %dma_wait3A_282 = tpu.memref_slice %arg4[%add3A_4] : memref<16384xi32, #tpu.memory_space<hbm>> -> memref<64xi32, #tpu.memory_space<hbm>>
    %dma_wait3A_283 = arith.constant 0 : i32
    %dma_wait3A_284 = tpu.memref_slice %arg8[%dma_wait3A_277, %dma_wait3A_278, %dma_wait3A_283] : memref<3x8x64xi32, #tpu.memory_space<vmem>> -> memref<1x1x64xi32, #tpu.memory_space<vmem>>
    %dma_wait3A_285 = tpu.memref_squeeze %dma_wait3A_284 : memref<1x1x64xi32, #tpu.memory_space<vmem>> -> memref<64xi32, #tpu.memory_space<vmem>>
    %dma_wait3A_286 = tpu.memref_slice %arg4[%add3A_4] : memref<16384xi32, #tpu.memory_space<hbm>> -> memref<64xi32, #tpu.memory_space<hbm>>
    tpu.wait_dma2 semaphore(%arg13 : memref<!tpu.dma_semaphore, #tpu.memory_space<semaphore_mem>>) src(%dma_wait3A_286 : memref<64xi32, #tpu.memory_space<hbm>>) dst(%dma_wait3A_285 : memref<64xi32, #tpu.memory_space<vmem>>)
    %dma_wait3A_287 = arith.constant 0 : i32
    %dma_wait3A_288 = arith.constant 1 : i32
    %dma_wait3A_289 = arith.constant 0 : i32
    %dma_wait3A_290 = tpu.memref_slice %arg8[%dma_wait3A_287, %dma_wait3A_288, %dma_wait3A_289] : memref<3x8x64xi32, #tpu.memory_space<vmem>> -> memref<1x1x64xi32, #tpu.memory_space<vmem>>
    %dma_wait3A_291 = tpu.memref_squeeze %dma_wait3A_290 : memref<1x1x64xi32, #tpu.memory_space<vmem>> -> memref<64xi32, #tpu.memory_space<vmem>>
    %dma_wait3A_292 = tpu.memref_slice %arg2[%add3A_35] : memref<16384xi32, #tpu.memory_space<hbm>> -> memref<64xi32, #tpu.memory_space<hbm>>
    %dma_wait3A_293 = arith.constant 0 : i32
    %dma_wait3A_294 = tpu.memref_slice %arg8[%dma_wait3A_287, %dma_wait3A_288, %dma_wait3A_293] : memref<3x8x64xi32, #tpu.memory_space<vmem>> -> memref<1x1x64xi32, #tpu.memory_space<vmem>>
    %dma_wait3A_295 = tpu.memref_squeeze %dma_wait3A_294 : memref<1x1x64xi32, #tpu.memory_space<vmem>> -> memref<64xi32, #tpu.memory_space<vmem>>
    %dma_wait3A_296 = tpu.memref_slice %arg2[%add3A_35] : memref<16384xi32, #tpu.memory_space<hbm>> -> memref<64xi32, #tpu.memory_space<hbm>>
    tpu.wait_dma2 semaphore(%arg13 : memref<!tpu.dma_semaphore, #tpu.memory_space<semaphore_mem>>) src(%dma_wait3A_296 : memref<64xi32, #tpu.memory_space<hbm>>) dst(%dma_wait3A_295 : memref<64xi32, #tpu.memory_space<vmem>>)
    %dma_wait3A_297 = arith.constant 1 : i32
    %dma_wait3A_298 = arith.constant 1 : i32
    %dma_wait3A_299 = arith.constant 0 : i32
    %dma_wait3A_300 = tpu.memref_slice %arg8[%dma_wait3A_297, %dma_wait3A_298, %dma_wait3A_299] : memref<3x8x64xi32, #tpu.memory_space<vmem>> -> memref<1x1x64xi32, #tpu.memory_space<vmem>>
    %dma_wait3A_301 = tpu.memref_squeeze %dma_wait3A_300 : memref<1x1x64xi32, #tpu.memory_space<vmem>> -> memref<64xi32, #tpu.memory_space<vmem>>
    %dma_wait3A_302 = tpu.memref_slice %arg3[%add3A_35] : memref<16384xi32, #tpu.memory_space<hbm>> -> memref<64xi32, #tpu.memory_space<hbm>>
    %dma_wait3A_303 = arith.constant 0 : i32
    %dma_wait3A_304 = tpu.memref_slice %arg8[%dma_wait3A_297, %dma_wait3A_298, %dma_wait3A_303] : memref<3x8x64xi32, #tpu.memory_space<vmem>> -> memref<1x1x64xi32, #tpu.memory_space<vmem>>
    %dma_wait3A_305 = tpu.memref_squeeze %dma_wait3A_304 : memref<1x1x64xi32, #tpu.memory_space<vmem>> -> memref<64xi32, #tpu.memory_space<vmem>>
    %dma_wait3A_306 = tpu.memref_slice %arg3[%add3A_35] : memref<16384xi32, #tpu.memory_space<hbm>> -> memref<64xi32, #tpu.memory_space<hbm>>
    tpu.wait_dma2 semaphore(%arg13 : memref<!tpu.dma_semaphore, #tpu.memory_space<semaphore_mem>>) src(%dma_wait3A_306 : memref<64xi32, #tpu.memory_space<hbm>>) dst(%dma_wait3A_305 : memref<64xi32, #tpu.memory_space<vmem>>)
    %dma_wait3A_307 = arith.constant 2 : i32
    %dma_wait3A_308 = arith.constant 1 : i32
    %dma_wait3A_309 = arith.constant 0 : i32
    %dma_wait3A_310 = tpu.memref_slice %arg8[%dma_wait3A_307, %dma_wait3A_308, %dma_wait3A_309] : memref<3x8x64xi32, #tpu.memory_space<vmem>> -> memref<1x1x64xi32, #tpu.memory_space<vmem>>
    %dma_wait3A_311 = tpu.memref_squeeze %dma_wait3A_310 : memref<1x1x64xi32, #tpu.memory_space<vmem>> -> memref<64xi32, #tpu.memory_space<vmem>>
    %dma_wait3A_312 = tpu.memref_slice %arg4[%add3A_35] : memref<16384xi32, #tpu.memory_space<hbm>> -> memref<64xi32, #tpu.memory_space<hbm>>
    %dma_wait3A_313 = arith.constant 0 : i32
    %dma_wait3A_314 = tpu.memref_slice %arg8[%dma_wait3A_307, %dma_wait3A_308, %dma_wait3A_313] : memref<3x8x64xi32, #tpu.memory_space<vmem>> -> memref<1x1x64xi32, #tpu.memory_space<vmem>>
    %dma_wait3A_315 = tpu.memref_squeeze %dma_wait3A_314 : memref<1x1x64xi32, #tpu.memory_space<vmem>> -> memref<64xi32, #tpu.memory_space<vmem>>
    %dma_wait3A_316 = tpu.memref_slice %arg4[%add3A_35] : memref<16384xi32, #tpu.memory_space<hbm>> -> memref<64xi32, #tpu.memory_space<hbm>>
    tpu.wait_dma2 semaphore(%arg13 : memref<!tpu.dma_semaphore, #tpu.memory_space<semaphore_mem>>) src(%dma_wait3A_316 : memref<64xi32, #tpu.memory_space<hbm>>) dst(%dma_wait3A_315 : memref<64xi32, #tpu.memory_space<vmem>>)
    %dma_wait3A_317 = arith.constant 0 : i32
    %dma_wait3A_318 = arith.constant 2 : i32
    %dma_wait3A_319 = arith.constant 0 : i32
    %dma_wait3A_320 = tpu.memref_slice %arg8[%dma_wait3A_317, %dma_wait3A_318, %dma_wait3A_319] : memref<3x8x64xi32, #tpu.memory_space<vmem>> -> memref<1x1x64xi32, #tpu.memory_space<vmem>>
    %dma_wait3A_321 = tpu.memref_squeeze %dma_wait3A_320 : memref<1x1x64xi32, #tpu.memory_space<vmem>> -> memref<64xi32, #tpu.memory_space<vmem>>
    %dma_wait3A_322 = tpu.memref_slice %arg2[%add3A_67] : memref<16384xi32, #tpu.memory_space<hbm>> -> memref<64xi32, #tpu.memory_space<hbm>>
    %dma_wait3A_323 = arith.constant 0 : i32
    %dma_wait3A_324 = tpu.memref_slice %arg8[%dma_wait3A_317, %dma_wait3A_318, %dma_wait3A_323] : memref<3x8x64xi32, #tpu.memory_space<vmem>> -> memref<1x1x64xi32, #tpu.memory_space<vmem>>
    %dma_wait3A_325 = tpu.memref_squeeze %dma_wait3A_324 : memref<1x1x64xi32, #tpu.memory_space<vmem>> -> memref<64xi32, #tpu.memory_space<vmem>>
    %dma_wait3A_326 = tpu.memref_slice %arg2[%add3A_67] : memref<16384xi32, #tpu.memory_space<hbm>> -> memref<64xi32, #tpu.memory_space<hbm>>
    tpu.wait_dma2 semaphore(%arg13 : memref<!tpu.dma_semaphore, #tpu.memory_space<semaphore_mem>>) src(%dma_wait3A_326 : memref<64xi32, #tpu.memory_space<hbm>>) dst(%dma_wait3A_325 : memref<64xi32, #tpu.memory_space<vmem>>)
    %dma_wait3A_327 = arith.constant 1 : i32
    %dma_wait3A_328 = arith.constant 2 : i32
    %dma_wait3A_329 = arith.constant 0 : i32
    %dma_wait3A_330 = tpu.memref_slice %arg8[%dma_wait3A_327, %dma_wait3A_328, %dma_wait3A_329] : memref<3x8x64xi32, #tpu.memory_space<vmem>> -> memref<1x1x64xi32, #tpu.memory_space<vmem>>
    %dma_wait3A_331 = tpu.memref_squeeze %dma_wait3A_330 : memref<1x1x64xi32, #tpu.memory_space<vmem>> -> memref<64xi32, #tpu.memory_space<vmem>>
    %dma_wait3A_332 = tpu.memref_slice %arg3[%add3A_67] : memref<16384xi32, #tpu.memory_space<hbm>> -> memref<64xi32, #tpu.memory_space<hbm>>
    %dma_wait3A_333 = arith.constant 0 : i32
    %dma_wait3A_334 = tpu.memref_slice %arg8[%dma_wait3A_327, %dma_wait3A_328, %dma_wait3A_333] : memref<3x8x64xi32, #tpu.memory_space<vmem>> -> memref<1x1x64xi32, #tpu.memory_space<vmem>>
    %dma_wait3A_335 = tpu.memref_squeeze %dma_wait3A_334 : memref<1x1x64xi32, #tpu.memory_space<vmem>> -> memref<64xi32, #tpu.memory_space<vmem>>
    %dma_wait3A_336 = tpu.memref_slice %arg3[%add3A_67] : memref<16384xi32, #tpu.memory_space<hbm>> -> memref<64xi32, #tpu.memory_space<hbm>>
    tpu.wait_dma2 semaphore(%arg13 : memref<!tpu.dma_semaphore, #tpu.memory_space<semaphore_mem>>) src(%dma_wait3A_336 : memref<64xi32, #tpu.memory_space<hbm>>) dst(%dma_wait3A_335 : memref<64xi32, #tpu.memory_space<vmem>>)
    %dma_wait3A_337 = arith.constant 2 : i32
    %dma_wait3A_338 = arith.constant 2 : i32
    %dma_wait3A_339 = arith.constant 0 : i32
    %dma_wait3A_340 = tpu.memref_slice %arg8[%dma_wait3A_337, %dma_wait3A_338, %dma_wait3A_339] : memref<3x8x64xi32, #tpu.memory_space<vmem>> -> memref<1x1x64xi32, #tpu.memory_space<vmem>>
    %dma_wait3A_341 = tpu.memref_squeeze %dma_wait3A_340 : memref<1x1x64xi32, #tpu.memory_space<vmem>> -> memref<64xi32, #tpu.memory_space<vmem>>
    %dma_wait3A_342 = tpu.memref_slice %arg4[%add3A_67] : memref<16384xi32, #tpu.memory_space<hbm>> -> memref<64xi32, #tpu.memory_space<hbm>>
    %dma_wait3A_343 = arith.constant 0 : i32
    %dma_wait3A_344 = tpu.memref_slice %arg8[%dma_wait3A_337, %dma_wait3A_338, %dma_wait3A_343] : memref<3x8x64xi32, #tpu.memory_space<vmem>> -> memref<1x1x64xi32, #tpu.memory_space<vmem>>
    %dma_wait3A_345 = tpu.memref_squeeze %dma_wait3A_344 : memref<1x1x64xi32, #tpu.memory_space<vmem>> -> memref<64xi32, #tpu.memory_space<vmem>>
    %dma_wait3A_346 = tpu.memref_slice %arg4[%add3A_67] : memref<16384xi32, #tpu.memory_space<hbm>> -> memref<64xi32, #tpu.memory_space<hbm>>
    tpu.wait_dma2 semaphore(%arg13 : memref<!tpu.dma_semaphore, #tpu.memory_space<semaphore_mem>>) src(%dma_wait3A_346 : memref<64xi32, #tpu.memory_space<hbm>>) dst(%dma_wait3A_345 : memref<64xi32, #tpu.memory_space<vmem>>)
    %dma_wait3A_347 = arith.constant 0 : i32
    %dma_wait3A_348 = arith.constant 3 : i32
    %dma_wait3A_349 = arith.constant 0 : i32
    %dma_wait3A_350 = tpu.memref_slice %arg8[%dma_wait3A_347, %dma_wait3A_348, %dma_wait3A_349] : memref<3x8x64xi32, #tpu.memory_space<vmem>> -> memref<1x1x64xi32, #tpu.memory_space<vmem>>
    %dma_wait3A_351 = tpu.memref_squeeze %dma_wait3A_350 : memref<1x1x64xi32, #tpu.memory_space<vmem>> -> memref<64xi32, #tpu.memory_space<vmem>>
    %dma_wait3A_352 = tpu.memref_slice %arg2[%add3A_99] : memref<16384xi32, #tpu.memory_space<hbm>> -> memref<64xi32, #tpu.memory_space<hbm>>
    %dma_wait3A_353 = arith.constant 0 : i32
    %dma_wait3A_354 = tpu.memref_slice %arg8[%dma_wait3A_347, %dma_wait3A_348, %dma_wait3A_353] : memref<3x8x64xi32, #tpu.memory_space<vmem>> -> memref<1x1x64xi32, #tpu.memory_space<vmem>>
    %dma_wait3A_355 = tpu.memref_squeeze %dma_wait3A_354 : memref<1x1x64xi32, #tpu.memory_space<vmem>> -> memref<64xi32, #tpu.memory_space<vmem>>
    %dma_wait3A_356 = tpu.memref_slice %arg2[%add3A_99] : memref<16384xi32, #tpu.memory_space<hbm>> -> memref<64xi32, #tpu.memory_space<hbm>>
    tpu.wait_dma2 semaphore(%arg13 : memref<!tpu.dma_semaphore, #tpu.memory_space<semaphore_mem>>) src(%dma_wait3A_356 : memref<64xi32, #tpu.memory_space<hbm>>) dst(%dma_wait3A_355 : memref<64xi32, #tpu.memory_space<vmem>>)
    %dma_wait3A_357 = arith.constant 1 : i32
    %dma_wait3A_358 = arith.constant 3 : i32
    %dma_wait3A_359 = arith.constant 0 : i32
    %dma_wait3A_360 = tpu.memref_slice %arg8[%dma_wait3A_357, %dma_wait3A_358, %dma_wait3A_359] : memref<3x8x64xi32, #tpu.memory_space<vmem>> -> memref<1x1x64xi32, #tpu.memory_space<vmem>>
    %dma_wait3A_361 = tpu.memref_squeeze %dma_wait3A_360 : memref<1x1x64xi32, #tpu.memory_space<vmem>> -> memref<64xi32, #tpu.memory_space<vmem>>
    %dma_wait3A_362 = tpu.memref_slice %arg3[%add3A_99] : memref<16384xi32, #tpu.memory_space<hbm>> -> memref<64xi32, #tpu.memory_space<hbm>>
    %dma_wait3A_363 = arith.constant 0 : i32
    %dma_wait3A_364 = tpu.memref_slice %arg8[%dma_wait3A_357, %dma_wait3A_358, %dma_wait3A_363] : memref<3x8x64xi32, #tpu.memory_space<vmem>> -> memref<1x1x64xi32, #tpu.memory_space<vmem>>
    %dma_wait3A_365 = tpu.memref_squeeze %dma_wait3A_364 : memref<1x1x64xi32, #tpu.memory_space<vmem>> -> memref<64xi32, #tpu.memory_space<vmem>>
    %dma_wait3A_366 = tpu.memref_slice %arg3[%add3A_99] : memref<16384xi32, #tpu.memory_space<hbm>> -> memref<64xi32, #tpu.memory_space<hbm>>
    tpu.wait_dma2 semaphore(%arg13 : memref<!tpu.dma_semaphore, #tpu.memory_space<semaphore_mem>>) src(%dma_wait3A_366 : memref<64xi32, #tpu.memory_space<hbm>>) dst(%dma_wait3A_365 : memref<64xi32, #tpu.memory_space<vmem>>)
    %dma_wait3A_367 = arith.constant 2 : i32
    %dma_wait3A_368 = arith.constant 3 : i32
    %dma_wait3A_369 = arith.constant 0 : i32
    %dma_wait3A_370 = tpu.memref_slice %arg8[%dma_wait3A_367, %dma_wait3A_368, %dma_wait3A_369] : memref<3x8x64xi32, #tpu.memory_space<vmem>> -> memref<1x1x64xi32, #tpu.memory_space<vmem>>
    %dma_wait3A_371 = tpu.memref_squeeze %dma_wait3A_370 : memref<1x1x64xi32, #tpu.memory_space<vmem>> -> memref<64xi32, #tpu.memory_space<vmem>>
    %dma_wait3A_372 = tpu.memref_slice %arg4[%add3A_99] : memref<16384xi32, #tpu.memory_space<hbm>> -> memref<64xi32, #tpu.memory_space<hbm>>
    %dma_wait3A_373 = arith.constant 0 : i32
    %dma_wait3A_374 = tpu.memref_slice %arg8[%dma_wait3A_367, %dma_wait3A_368, %dma_wait3A_373] : memref<3x8x64xi32, #tpu.memory_space<vmem>> -> memref<1x1x64xi32, #tpu.memory_space<vmem>>
    %dma_wait3A_375 = tpu.memref_squeeze %dma_wait3A_374 : memref<1x1x64xi32, #tpu.memory_space<vmem>> -> memref<64xi32, #tpu.memory_space<vmem>>
    %dma_wait3A_376 = tpu.memref_slice %arg4[%add3A_99] : memref<16384xi32, #tpu.memory_space<hbm>> -> memref<64xi32, #tpu.memory_space<hbm>>
    tpu.wait_dma2 semaphore(%arg13 : memref<!tpu.dma_semaphore, #tpu.memory_space<semaphore_mem>>) src(%dma_wait3A_376 : memref<64xi32, #tpu.memory_space<hbm>>) dst(%dma_wait3A_375 : memref<64xi32, #tpu.memory_space<vmem>>)
    %dma_wait3A_377 = arith.constant 0 : i32
    %dma_wait3A_378 = arith.constant 4 : i32
    %dma_wait3A_379 = arith.constant 0 : i32
    %dma_wait3A_380 = tpu.memref_slice %arg8[%dma_wait3A_377, %dma_wait3A_378, %dma_wait3A_379] : memref<3x8x64xi32, #tpu.memory_space<vmem>> -> memref<1x1x64xi32, #tpu.memory_space<vmem>>
    %dma_wait3A_381 = tpu.memref_squeeze %dma_wait3A_380 : memref<1x1x64xi32, #tpu.memory_space<vmem>> -> memref<64xi32, #tpu.memory_space<vmem>>
    %dma_wait3A_382 = tpu.memref_slice %arg2[%add3A_131] : memref<16384xi32, #tpu.memory_space<hbm>> -> memref<64xi32, #tpu.memory_space<hbm>>
    %dma_wait3A_383 = arith.constant 0 : i32
    %dma_wait3A_384 = tpu.memref_slice %arg8[%dma_wait3A_377, %dma_wait3A_378, %dma_wait3A_383] : memref<3x8x64xi32, #tpu.memory_space<vmem>> -> memref<1x1x64xi32, #tpu.memory_space<vmem>>
    %dma_wait3A_385 = tpu.memref_squeeze %dma_wait3A_384 : memref<1x1x64xi32, #tpu.memory_space<vmem>> -> memref<64xi32, #tpu.memory_space<vmem>>
    %dma_wait3A_386 = tpu.memref_slice %arg2[%add3A_131] : memref<16384xi32, #tpu.memory_space<hbm>> -> memref<64xi32, #tpu.memory_space<hbm>>
    tpu.wait_dma2 semaphore(%arg13 : memref<!tpu.dma_semaphore, #tpu.memory_space<semaphore_mem>>) src(%dma_wait3A_386 : memref<64xi32, #tpu.memory_space<hbm>>) dst(%dma_wait3A_385 : memref<64xi32, #tpu.memory_space<vmem>>)
    %dma_wait3A_387 = arith.constant 1 : i32
    %dma_wait3A_388 = arith.constant 4 : i32
    %dma_wait3A_389 = arith.constant 0 : i32
    %dma_wait3A_390 = tpu.memref_slice %arg8[%dma_wait3A_387, %dma_wait3A_388, %dma_wait3A_389] : memref<3x8x64xi32, #tpu.memory_space<vmem>> -> memref<1x1x64xi32, #tpu.memory_space<vmem>>
    %dma_wait3A_391 = tpu.memref_squeeze %dma_wait3A_390 : memref<1x1x64xi32, #tpu.memory_space<vmem>> -> memref<64xi32, #tpu.memory_space<vmem>>
    %dma_wait3A_392 = tpu.memref_slice %arg3[%add3A_131] : memref<16384xi32, #tpu.memory_space<hbm>> -> memref<64xi32, #tpu.memory_space<hbm>>
    %dma_wait3A_393 = arith.constant 0 : i32
    %dma_wait3A_394 = tpu.memref_slice %arg8[%dma_wait3A_387, %dma_wait3A_388, %dma_wait3A_393] : memref<3x8x64xi32, #tpu.memory_space<vmem>> -> memref<1x1x64xi32, #tpu.memory_space<vmem>>
    %dma_wait3A_395 = tpu.memref_squeeze %dma_wait3A_394 : memref<1x1x64xi32, #tpu.memory_space<vmem>> -> memref<64xi32, #tpu.memory_space<vmem>>
    %dma_wait3A_396 = tpu.memref_slice %arg3[%add3A_131] : memref<16384xi32, #tpu.memory_space<hbm>> -> memref<64xi32, #tpu.memory_space<hbm>>
    tpu.wait_dma2 semaphore(%arg13 : memref<!tpu.dma_semaphore, #tpu.memory_space<semaphore_mem>>) src(%dma_wait3A_396 : memref<64xi32, #tpu.memory_space<hbm>>) dst(%dma_wait3A_395 : memref<64xi32, #tpu.memory_space<vmem>>)
    %dma_wait3A_397 = arith.constant 2 : i32
    %dma_wait3A_398 = arith.constant 4 : i32
    %dma_wait3A_399 = arith.constant 0 : i32
    %dma_wait3A_400 = tpu.memref_slice %arg8[%dma_wait3A_397, %dma_wait3A_398, %dma_wait3A_399] : memref<3x8x64xi32, #tpu.memory_space<vmem>> -> memref<1x1x64xi32, #tpu.memory_space<vmem>>
    %dma_wait3A_401 = tpu.memref_squeeze %dma_wait3A_400 : memref<1x1x64xi32, #tpu.memory_space<vmem>> -> memref<64xi32, #tpu.memory_space<vmem>>
    %dma_wait3A_402 = tpu.memref_slice %arg4[%add3A_131] : memref<16384xi32, #tpu.memory_space<hbm>> -> memref<64xi32, #tpu.memory_space<hbm>>
    %dma_wait3A_403 = arith.constant 0 : i32
    %dma_wait3A_404 = tpu.memref_slice %arg8[%dma_wait3A_397, %dma_wait3A_398, %dma_wait3A_403] : memref<3x8x64xi32, #tpu.memory_space<vmem>> -> memref<1x1x64xi32, #tpu.memory_space<vmem>>
    %dma_wait3A_405 = tpu.memref_squeeze %dma_wait3A_404 : memref<1x1x64xi32, #tpu.memory_space<vmem>> -> memref<64xi32, #tpu.memory_space<vmem>>
    %dma_wait3A_406 = tpu.memref_slice %arg4[%add3A_131] : memref<16384xi32, #tpu.memory_space<hbm>> -> memref<64xi32, #tpu.memory_space<hbm>>
    tpu.wait_dma2 semaphore(%arg13 : memref<!tpu.dma_semaphore, #tpu.memory_space<semaphore_mem>>) src(%dma_wait3A_406 : memref<64xi32, #tpu.memory_space<hbm>>) dst(%dma_wait3A_405 : memref<64xi32, #tpu.memory_space<vmem>>)
    %dma_wait3A_407 = arith.constant 0 : i32
    %dma_wait3A_408 = arith.constant 5 : i32
    %dma_wait3A_409 = arith.constant 0 : i32
    %dma_wait3A_410 = tpu.memref_slice %arg8[%dma_wait3A_407, %dma_wait3A_408, %dma_wait3A_409] : memref<3x8x64xi32, #tpu.memory_space<vmem>> -> memref<1x1x64xi32, #tpu.memory_space<vmem>>
    %dma_wait3A_411 = tpu.memref_squeeze %dma_wait3A_410 : memref<1x1x64xi32, #tpu.memory_space<vmem>> -> memref<64xi32, #tpu.memory_space<vmem>>
    %dma_wait3A_412 = tpu.memref_slice %arg2[%add3A_163] : memref<16384xi32, #tpu.memory_space<hbm>> -> memref<64xi32, #tpu.memory_space<hbm>>
    %dma_wait3A_413 = arith.constant 0 : i32
    %dma_wait3A_414 = tpu.memref_slice %arg8[%dma_wait3A_407, %dma_wait3A_408, %dma_wait3A_413] : memref<3x8x64xi32, #tpu.memory_space<vmem>> -> memref<1x1x64xi32, #tpu.memory_space<vmem>>
    %dma_wait3A_415 = tpu.memref_squeeze %dma_wait3A_414 : memref<1x1x64xi32, #tpu.memory_space<vmem>> -> memref<64xi32, #tpu.memory_space<vmem>>
    %dma_wait3A_416 = tpu.memref_slice %arg2[%add3A_163] : memref<16384xi32, #tpu.memory_space<hbm>> -> memref<64xi32, #tpu.memory_space<hbm>>
    tpu.wait_dma2 semaphore(%arg13 : memref<!tpu.dma_semaphore, #tpu.memory_space<semaphore_mem>>) src(%dma_wait3A_416 : memref<64xi32, #tpu.memory_space<hbm>>) dst(%dma_wait3A_415 : memref<64xi32, #tpu.memory_space<vmem>>)
    %dma_wait3A_417 = arith.constant 1 : i32
    %dma_wait3A_418 = arith.constant 5 : i32
    %dma_wait3A_419 = arith.constant 0 : i32
    %dma_wait3A_420 = tpu.memref_slice %arg8[%dma_wait3A_417, %dma_wait3A_418, %dma_wait3A_419] : memref<3x8x64xi32, #tpu.memory_space<vmem>> -> memref<1x1x64xi32, #tpu.memory_space<vmem>>
    %dma_wait3A_421 = tpu.memref_squeeze %dma_wait3A_420 : memref<1x1x64xi32, #tpu.memory_space<vmem>> -> memref<64xi32, #tpu.memory_space<vmem>>
    %dma_wait3A_422 = tpu.memref_slice %arg3[%add3A_163] : memref<16384xi32, #tpu.memory_space<hbm>> -> memref<64xi32, #tpu.memory_space<hbm>>
    %dma_wait3A_423 = arith.constant 0 : i32
    %dma_wait3A_424 = tpu.memref_slice %arg8[%dma_wait3A_417, %dma_wait3A_418, %dma_wait3A_423] : memref<3x8x64xi32, #tpu.memory_space<vmem>> -> memref<1x1x64xi32, #tpu.memory_space<vmem>>
    %dma_wait3A_425 = tpu.memref_squeeze %dma_wait3A_424 : memref<1x1x64xi32, #tpu.memory_space<vmem>> -> memref<64xi32, #tpu.memory_space<vmem>>
    %dma_wait3A_426 = tpu.memref_slice %arg3[%add3A_163] : memref<16384xi32, #tpu.memory_space<hbm>> -> memref<64xi32, #tpu.memory_space<hbm>>
    tpu.wait_dma2 semaphore(%arg13 : memref<!tpu.dma_semaphore, #tpu.memory_space<semaphore_mem>>) src(%dma_wait3A_426 : memref<64xi32, #tpu.memory_space<hbm>>) dst(%dma_wait3A_425 : memref<64xi32, #tpu.memory_space<vmem>>)
    %dma_wait3A_427 = arith.constant 2 : i32
    %dma_wait3A_428 = arith.constant 5 : i32
    %dma_wait3A_429 = arith.constant 0 : i32
    %dma_wait3A_430 = tpu.memref_slice %arg8[%dma_wait3A_427, %dma_wait3A_428, %dma_wait3A_429] : memref<3x8x64xi32, #tpu.memory_space<vmem>> -> memref<1x1x64xi32, #tpu.memory_space<vmem>>
    %dma_wait3A_431 = tpu.memref_squeeze %dma_wait3A_430 : memref<1x1x64xi32, #tpu.memory_space<vmem>> -> memref<64xi32, #tpu.memory_space<vmem>>
    %dma_wait3A_432 = tpu.memref_slice %arg4[%add3A_163] : memref<16384xi32, #tpu.memory_space<hbm>> -> memref<64xi32, #tpu.memory_space<hbm>>
    %dma_wait3A_433 = arith.constant 0 : i32
    %dma_wait3A_434 = tpu.memref_slice %arg8[%dma_wait3A_427, %dma_wait3A_428, %dma_wait3A_433] : memref<3x8x64xi32, #tpu.memory_space<vmem>> -> memref<1x1x64xi32, #tpu.memory_space<vmem>>
    %dma_wait3A_435 = tpu.memref_squeeze %dma_wait3A_434 : memref<1x1x64xi32, #tpu.memory_space<vmem>> -> memref<64xi32, #tpu.memory_space<vmem>>
    %dma_wait3A_436 = tpu.memref_slice %arg4[%add3A_163] : memref<16384xi32, #tpu.memory_space<hbm>> -> memref<64xi32, #tpu.memory_space<hbm>>
    tpu.wait_dma2 semaphore(%arg13 : memref<!tpu.dma_semaphore, #tpu.memory_space<semaphore_mem>>) src(%dma_wait3A_436 : memref<64xi32, #tpu.memory_space<hbm>>) dst(%dma_wait3A_435 : memref<64xi32, #tpu.memory_space<vmem>>)
    %dma_wait3A_437 = arith.constant 0 : i32
    %dma_wait3A_438 = arith.constant 6 : i32
    %dma_wait3A_439 = arith.constant 0 : i32
    %dma_wait3A_440 = tpu.memref_slice %arg8[%dma_wait3A_437, %dma_wait3A_438, %dma_wait3A_439] : memref<3x8x64xi32, #tpu.memory_space<vmem>> -> memref<1x1x64xi32, #tpu.memory_space<vmem>>
    %dma_wait3A_441 = tpu.memref_squeeze %dma_wait3A_440 : memref<1x1x64xi32, #tpu.memory_space<vmem>> -> memref<64xi32, #tpu.memory_space<vmem>>
    %dma_wait3A_442 = tpu.memref_slice %arg2[%add3A_195] : memref<16384xi32, #tpu.memory_space<hbm>> -> memref<64xi32, #tpu.memory_space<hbm>>
    %dma_wait3A_443 = arith.constant 0 : i32
    %dma_wait3A_444 = tpu.memref_slice %arg8[%dma_wait3A_437, %dma_wait3A_438, %dma_wait3A_443] : memref<3x8x64xi32, #tpu.memory_space<vmem>> -> memref<1x1x64xi32, #tpu.memory_space<vmem>>
    %dma_wait3A_445 = tpu.memref_squeeze %dma_wait3A_444 : memref<1x1x64xi32, #tpu.memory_space<vmem>> -> memref<64xi32, #tpu.memory_space<vmem>>
    %dma_wait3A_446 = tpu.memref_slice %arg2[%add3A_195] : memref<16384xi32, #tpu.memory_space<hbm>> -> memref<64xi32, #tpu.memory_space<hbm>>
    tpu.wait_dma2 semaphore(%arg13 : memref<!tpu.dma_semaphore, #tpu.memory_space<semaphore_mem>>) src(%dma_wait3A_446 : memref<64xi32, #tpu.memory_space<hbm>>) dst(%dma_wait3A_445 : memref<64xi32, #tpu.memory_space<vmem>>)
    %dma_wait3A_447 = arith.constant 1 : i32
    %dma_wait3A_448 = arith.constant 6 : i32
    %dma_wait3A_449 = arith.constant 0 : i32
    %dma_wait3A_450 = tpu.memref_slice %arg8[%dma_wait3A_447, %dma_wait3A_448, %dma_wait3A_449] : memref<3x8x64xi32, #tpu.memory_space<vmem>> -> memref<1x1x64xi32, #tpu.memory_space<vmem>>
    %dma_wait3A_451 = tpu.memref_squeeze %dma_wait3A_450 : memref<1x1x64xi32, #tpu.memory_space<vmem>> -> memref<64xi32, #tpu.memory_space<vmem>>
    %dma_wait3A_452 = tpu.memref_slice %arg3[%add3A_195] : memref<16384xi32, #tpu.memory_space<hbm>> -> memref<64xi32, #tpu.memory_space<hbm>>
    %dma_wait3A_453 = arith.constant 0 : i32
    %dma_wait3A_454 = tpu.memref_slice %arg8[%dma_wait3A_447, %dma_wait3A_448, %dma_wait3A_453] : memref<3x8x64xi32, #tpu.memory_space<vmem>> -> memref<1x1x64xi32, #tpu.memory_space<vmem>>
    %dma_wait3A_455 = tpu.memref_squeeze %dma_wait3A_454 : memref<1x1x64xi32, #tpu.memory_space<vmem>> -> memref<64xi32, #tpu.memory_space<vmem>>
    %dma_wait3A_456 = tpu.memref_slice %arg3[%add3A_195] : memref<16384xi32, #tpu.memory_space<hbm>> -> memref<64xi32, #tpu.memory_space<hbm>>
    tpu.wait_dma2 semaphore(%arg13 : memref<!tpu.dma_semaphore, #tpu.memory_space<semaphore_mem>>) src(%dma_wait3A_456 : memref<64xi32, #tpu.memory_space<hbm>>) dst(%dma_wait3A_455 : memref<64xi32, #tpu.memory_space<vmem>>)
    %dma_wait3A_457 = arith.constant 2 : i32
    %dma_wait3A_458 = arith.constant 6 : i32
    %dma_wait3A_459 = arith.constant 0 : i32
    %dma_wait3A_460 = tpu.memref_slice %arg8[%dma_wait3A_457, %dma_wait3A_458, %dma_wait3A_459] : memref<3x8x64xi32, #tpu.memory_space<vmem>> -> memref<1x1x64xi32, #tpu.memory_space<vmem>>
    %dma_wait3A_461 = tpu.memref_squeeze %dma_wait3A_460 : memref<1x1x64xi32, #tpu.memory_space<vmem>> -> memref<64xi32, #tpu.memory_space<vmem>>
    %dma_wait3A_462 = tpu.memref_slice %arg4[%add3A_195] : memref<16384xi32, #tpu.memory_space<hbm>> -> memref<64xi32, #tpu.memory_space<hbm>>
    %dma_wait3A_463 = arith.constant 0 : i32
    %dma_wait3A_464 = tpu.memref_slice %arg8[%dma_wait3A_457, %dma_wait3A_458, %dma_wait3A_463] : memref<3x8x64xi32, #tpu.memory_space<vmem>> -> memref<1x1x64xi32, #tpu.memory_space<vmem>>
    %dma_wait3A_465 = tpu.memref_squeeze %dma_wait3A_464 : memref<1x1x64xi32, #tpu.memory_space<vmem>> -> memref<64xi32, #tpu.memory_space<vmem>>
    %dma_wait3A_466 = tpu.memref_slice %arg4[%add3A_195] : memref<16384xi32, #tpu.memory_space<hbm>> -> memref<64xi32, #tpu.memory_space<hbm>>
    tpu.wait_dma2 semaphore(%arg13 : memref<!tpu.dma_semaphore, #tpu.memory_space<semaphore_mem>>) src(%dma_wait3A_466 : memref<64xi32, #tpu.memory_space<hbm>>) dst(%dma_wait3A_465 : memref<64xi32, #tpu.memory_space<vmem>>)
    %dma_wait3A_467 = arith.constant 0 : i32
    %dma_wait3A_468 = arith.constant 7 : i32
    %dma_wait3A_469 = arith.constant 0 : i32
    %dma_wait3A_470 = tpu.memref_slice %arg8[%dma_wait3A_467, %dma_wait3A_468, %dma_wait3A_469] : memref<3x8x64xi32, #tpu.memory_space<vmem>> -> memref<1x1x64xi32, #tpu.memory_space<vmem>>
    %dma_wait3A_471 = tpu.memref_squeeze %dma_wait3A_470 : memref<1x1x64xi32, #tpu.memory_space<vmem>> -> memref<64xi32, #tpu.memory_space<vmem>>
    %dma_wait3A_472 = tpu.memref_slice %arg2[%add3A_227] : memref<16384xi32, #tpu.memory_space<hbm>> -> memref<64xi32, #tpu.memory_space<hbm>>
    %dma_wait3A_473 = arith.constant 0 : i32
    %dma_wait3A_474 = tpu.memref_slice %arg8[%dma_wait3A_467, %dma_wait3A_468, %dma_wait3A_473] : memref<3x8x64xi32, #tpu.memory_space<vmem>> -> memref<1x1x64xi32, #tpu.memory_space<vmem>>
    %dma_wait3A_475 = tpu.memref_squeeze %dma_wait3A_474 : memref<1x1x64xi32, #tpu.memory_space<vmem>> -> memref<64xi32, #tpu.memory_space<vmem>>
    %dma_wait3A_476 = tpu.memref_slice %arg2[%add3A_227] : memref<16384xi32, #tpu.memory_space<hbm>> -> memref<64xi32, #tpu.memory_space<hbm>>
    tpu.wait_dma2 semaphore(%arg13 : memref<!tpu.dma_semaphore, #tpu.memory_space<semaphore_mem>>) src(%dma_wait3A_476 : memref<64xi32, #tpu.memory_space<hbm>>) dst(%dma_wait3A_475 : memref<64xi32, #tpu.memory_space<vmem>>)
    %dma_wait3A_477 = arith.constant 1 : i32
    %dma_wait3A_478 = arith.constant 7 : i32
    %dma_wait3A_479 = arith.constant 0 : i32
    %dma_wait3A_480 = tpu.memref_slice %arg8[%dma_wait3A_477, %dma_wait3A_478, %dma_wait3A_479] : memref<3x8x64xi32, #tpu.memory_space<vmem>> -> memref<1x1x64xi32, #tpu.memory_space<vmem>>
    %dma_wait3A_481 = tpu.memref_squeeze %dma_wait3A_480 : memref<1x1x64xi32, #tpu.memory_space<vmem>> -> memref<64xi32, #tpu.memory_space<vmem>>
    %dma_wait3A_482 = tpu.memref_slice %arg3[%add3A_227] : memref<16384xi32, #tpu.memory_space<hbm>> -> memref<64xi32, #tpu.memory_space<hbm>>
    %dma_wait3A_483 = arith.constant 0 : i32
    %dma_wait3A_484 = tpu.memref_slice %arg8[%dma_wait3A_477, %dma_wait3A_478, %dma_wait3A_483] : memref<3x8x64xi32, #tpu.memory_space<vmem>> -> memref<1x1x64xi32, #tpu.memory_space<vmem>>
    %dma_wait3A_485 = tpu.memref_squeeze %dma_wait3A_484 : memref<1x1x64xi32, #tpu.memory_space<vmem>> -> memref<64xi32, #tpu.memory_space<vmem>>
    %dma_wait3A_486 = tpu.memref_slice %arg3[%add3A_227] : memref<16384xi32, #tpu.memory_space<hbm>> -> memref<64xi32, #tpu.memory_space<hbm>>
    tpu.wait_dma2 semaphore(%arg13 : memref<!tpu.dma_semaphore, #tpu.memory_space<semaphore_mem>>) src(%dma_wait3A_486 : memref<64xi32, #tpu.memory_space<hbm>>) dst(%dma_wait3A_485 : memref<64xi32, #tpu.memory_space<vmem>>)
    %dma_wait3A_487 = arith.constant 2 : i32
    %dma_wait3A_488 = arith.constant 7 : i32
    %dma_wait3A_489 = arith.constant 0 : i32
    %dma_wait3A_490 = tpu.memref_slice %arg8[%dma_wait3A_487, %dma_wait3A_488, %dma_wait3A_489] : memref<3x8x64xi32, #tpu.memory_space<vmem>> -> memref<1x1x64xi32, #tpu.memory_space<vmem>>
    %dma_wait3A_491 = tpu.memref_squeeze %dma_wait3A_490 : memref<1x1x64xi32, #tpu.memory_space<vmem>> -> memref<64xi32, #tpu.memory_space<vmem>>
    %dma_wait3A_492 = tpu.memref_slice %arg4[%add3A_227] : memref<16384xi32, #tpu.memory_space<hbm>> -> memref<64xi32, #tpu.memory_space<hbm>>
    %dma_wait3A_493 = arith.constant 0 : i32
    %dma_wait3A_494 = tpu.memref_slice %arg8[%dma_wait3A_487, %dma_wait3A_488, %dma_wait3A_493] : memref<3x8x64xi32, #tpu.memory_space<vmem>> -> memref<1x1x64xi32, #tpu.memory_space<vmem>>
    %dma_wait3A_495 = tpu.memref_squeeze %dma_wait3A_494 : memref<1x1x64xi32, #tpu.memory_space<vmem>> -> memref<64xi32, #tpu.memory_space<vmem>>
    %dma_wait3A_496 = tpu.memref_slice %arg4[%add3A_227] : memref<16384xi32, #tpu.memory_space<hbm>> -> memref<64xi32, #tpu.memory_space<hbm>>
    tpu.wait_dma2 semaphore(%arg13 : memref<!tpu.dma_semaphore, #tpu.memory_space<semaphore_mem>>) src(%dma_wait3A_496 : memref<64xi32, #tpu.memory_space<hbm>>) dst(%dma_wait3A_495 : memref<64xi32, #tpu.memory_space<vmem>>)
    %iota3A = tpu.iota {dimensions = array<i32: 0>} : vector<16xi32>
    %eq3A = arith.constant 0 : i32
    %eq3A_497 = vector.broadcast %eq3A : i32 to vector<16xi32>
    %eq3A_498 = arith.cmpi eq, %iota3A, %eq3A_497 : vector<16xi32>
    %dma_start3A_499 = arith.constant 0 : i32
    %dma_start3A_500 = arith.constant 0 : i32
    %dma_start3A_501 = arith.constant 0 : i32
    %dma_start3A_502 = arith.constant 0 : i32
    %dma_start3A_503 = arith.constant 0 : i32
    %dma_start3A_504 = tpu.memref_slice %arg9[%dma_start3A_501, %dma_start3A_502, %dma_start3A_503] : memref<2x64x128xf32, #tpu.memory_space<vmem>> -> memref<1x64x128xf32, #tpu.memory_space<vmem>>
    %dma_start3A_505 = tpu.memref_squeeze %dma_start3A_504 : memref<1x64x128xf32, #tpu.memory_space<vmem>> -> memref<64x128xf32, #tpu.memory_space<vmem>>
    %dma_start3A_506 = arith.constant 0 : i32
    %dma_start3A_507 = tpu.memref_slice %arg8[%dma_start3A_499, %dma_start3A_500, %dma_start3A_506] : memref<3x8x64xi32, #tpu.memory_space<vmem>> -> memref<1x1x64xi32, #tpu.memory_space<vmem>>
    %dma_start3A_508 = tpu.memref_squeeze %dma_start3A_507 : memref<1x1x64xi32, #tpu.memory_space<vmem>> -> memref<64xi32, #tpu.memory_space<vmem>>
    %dma_start3A_509 = arith.constant 0 : i32
    %dma_start3A_510 = arith.constant 0 : i32
    %dma_start3A_511 = tpu.memref_slice %arg5[%dma_start3A_509, %dma_start3A_510] : memref<1000000x128xf32, #tpu.memory_space<hbm>> -> memref<1000000x128xf32, #tpu.memory_space<hbm>>
    tpu.enqueue_indirect_dma source(%dma_start3A_511 : memref<1000000x128xf32, #tpu.memory_space<hbm>>) target(%dma_start3A_505 : memref<64x128xf32, #tpu.memory_space<vmem>>) offsets(%dma_start3A_508 : memref<64xi32, #tpu.memory_space<vmem>>) semaphore(%arg14 : memref<!tpu.dma_semaphore, #tpu.memory_space<semaphore_mem>>)
    %dma_start3A_512 = arith.constant 1 : i32
    %dma_start3A_513 = arith.constant 0 : i32
    %dma_start3A_514 = arith.constant 0 : i32
    %dma_start3A_515 = arith.constant 0 : i32
    %dma_start3A_516 = arith.constant 0 : i32
    %dma_start3A_517 = tpu.memref_slice %arg10[%dma_start3A_514, %dma_start3A_515, %dma_start3A_516] : memref<2x64x128xf32, #tpu.memory_space<vmem>> -> memref<1x64x128xf32, #tpu.memory_space<vmem>>
    %dma_start3A_518 = tpu.memref_squeeze %dma_start3A_517 : memref<1x64x128xf32, #tpu.memory_space<vmem>> -> memref<64x128xf32, #tpu.memory_space<vmem>>
    %dma_start3A_519 = arith.constant 0 : i32
    %dma_start3A_520 = tpu.memref_slice %arg8[%dma_start3A_512, %dma_start3A_513, %dma_start3A_519] : memref<3x8x64xi32, #tpu.memory_space<vmem>> -> memref<1x1x64xi32, #tpu.memory_space<vmem>>
    %dma_start3A_521 = tpu.memref_squeeze %dma_start3A_520 : memref<1x1x64xi32, #tpu.memory_space<vmem>> -> memref<64xi32, #tpu.memory_space<vmem>>
    %dma_start3A_522 = arith.constant 0 : i32
    %dma_start3A_523 = arith.constant 0 : i32
    %dma_start3A_524 = tpu.memref_slice %arg6[%dma_start3A_522, %dma_start3A_523] : memref<1000x128xf32, #tpu.memory_space<hbm>> -> memref<1000x128xf32, #tpu.memory_space<hbm>>
    tpu.enqueue_indirect_dma source(%dma_start3A_524 : memref<1000x128xf32, #tpu.memory_space<hbm>>) target(%dma_start3A_518 : memref<64x128xf32, #tpu.memory_space<vmem>>) offsets(%dma_start3A_521 : memref<64xi32, #tpu.memory_space<vmem>>) semaphore(%arg14 : memref<!tpu.dma_semaphore, #tpu.memory_space<semaphore_mem>>)
    %dma_start3A_525 = arith.constant 2 : i32
    %dma_start3A_526 = arith.constant 0 : i32
    %dma_start3A_527 = arith.constant 0 : i32
    %dma_start3A_528 = arith.constant 0 : i32
    %dma_start3A_529 = arith.constant 0 : i32
    %dma_start3A_530 = tpu.memref_slice %arg11[%dma_start3A_527, %dma_start3A_528, %dma_start3A_529] : memref<2x64x128xf32, #tpu.memory_space<vmem>> -> memref<1x64x128xf32, #tpu.memory_space<vmem>>
    %dma_start3A_531 = tpu.memref_squeeze %dma_start3A_530 : memref<1x64x128xf32, #tpu.memory_space<vmem>> -> memref<64x128xf32, #tpu.memory_space<vmem>>
    %dma_start3A_532 = arith.constant 0 : i32
    %dma_start3A_533 = tpu.memref_slice %arg8[%dma_start3A_525, %dma_start3A_526, %dma_start3A_532] : memref<3x8x64xi32, #tpu.memory_space<vmem>> -> memref<1x1x64xi32, #tpu.memory_space<vmem>>
    %dma_start3A_534 = tpu.memref_squeeze %dma_start3A_533 : memref<1x1x64xi32, #tpu.memory_space<vmem>> -> memref<64xi32, #tpu.memory_space<vmem>>
    %dma_start3A_535 = arith.constant 0 : i32
    %dma_start3A_536 = arith.constant 0 : i32
    %dma_start3A_537 = tpu.memref_slice %arg5[%dma_start3A_535, %dma_start3A_536] : memref<1000000x128xf32, #tpu.memory_space<hbm>> -> memref<1000000x128xf32, #tpu.memory_space<hbm>>
    tpu.enqueue_indirect_dma source(%dma_start3A_537 : memref<1000000x128xf32, #tpu.memory_space<hbm>>) target(%dma_start3A_531 : memref<64x128xf32, #tpu.memory_space<vmem>>) offsets(%dma_start3A_534 : memref<64xi32, #tpu.memory_space<vmem>>) semaphore(%arg14 : memref<!tpu.dma_semaphore, #tpu.memory_space<semaphore_mem>>)
    %dma_start3A_538 = arith.constant 0 : i32
    %dma_start3A_539 = arith.constant 1 : i32
    %dma_start3A_540 = arith.constant 1 : i32
    %dma_start3A_541 = arith.constant 0 : i32
    %dma_start3A_542 = arith.constant 0 : i32
    %dma_start3A_543 = tpu.memref_slice %arg9[%dma_start3A_540, %dma_start3A_541, %dma_start3A_542] : memref<2x64x128xf32, #tpu.memory_space<vmem>> -> memref<1x64x128xf32, #tpu.memory_space<vmem>>
    %dma_start3A_544 = tpu.memref_squeeze %dma_start3A_543 : memref<1x64x128xf32, #tpu.memory_space<vmem>> -> memref<64x128xf32, #tpu.memory_space<vmem>>
    %dma_start3A_545 = arith.constant 0 : i32
    %dma_start3A_546 = tpu.memref_slice %arg8[%dma_start3A_538, %dma_start3A_539, %dma_start3A_545] : memref<3x8x64xi32, #tpu.memory_space<vmem>> -> memref<1x1x64xi32, #tpu.memory_space<vmem>>
    %dma_start3A_547 = tpu.memref_squeeze %dma_start3A_546 : memref<1x1x64xi32, #tpu.memory_space<vmem>> -> memref<64xi32, #tpu.memory_space<vmem>>
    %dma_start3A_548 = arith.constant 0 : i32
    %dma_start3A_549 = arith.constant 0 : i32
    %dma_start3A_550 = tpu.memref_slice %arg5[%dma_start3A_548, %dma_start3A_549] : memref<1000000x128xf32, #tpu.memory_space<hbm>> -> memref<1000000x128xf32, #tpu.memory_space<hbm>>
    tpu.enqueue_indirect_dma source(%dma_start3A_550 : memref<1000000x128xf32, #tpu.memory_space<hbm>>) target(%dma_start3A_544 : memref<64x128xf32, #tpu.memory_space<vmem>>) offsets(%dma_start3A_547 : memref<64xi32, #tpu.memory_space<vmem>>) semaphore(%arg15 : memref<!tpu.dma_semaphore, #tpu.memory_space<semaphore_mem>>)
    %dma_start3A_551 = arith.constant 1 : i32
    %dma_start3A_552 = arith.constant 1 : i32
    %dma_start3A_553 = arith.constant 1 : i32
    %dma_start3A_554 = arith.constant 0 : i32
    %dma_start3A_555 = arith.constant 0 : i32
    %dma_start3A_556 = tpu.memref_slice %arg10[%dma_start3A_553, %dma_start3A_554, %dma_start3A_555] : memref<2x64x128xf32, #tpu.memory_space<vmem>> -> memref<1x64x128xf32, #tpu.memory_space<vmem>>
    %dma_start3A_557 = tpu.memref_squeeze %dma_start3A_556 : memref<1x64x128xf32, #tpu.memory_space<vmem>> -> memref<64x128xf32, #tpu.memory_space<vmem>>
    %dma_start3A_558 = arith.constant 0 : i32
    %dma_start3A_559 = tpu.memref_slice %arg8[%dma_start3A_551, %dma_start3A_552, %dma_start3A_558] : memref<3x8x64xi32, #tpu.memory_space<vmem>> -> memref<1x1x64xi32, #tpu.memory_space<vmem>>
    %dma_start3A_560 = tpu.memref_squeeze %dma_start3A_559 : memref<1x1x64xi32, #tpu.memory_space<vmem>> -> memref<64xi32, #tpu.memory_space<vmem>>
    %dma_start3A_561 = arith.constant 0 : i32
    %dma_start3A_562 = arith.constant 0 : i32
    %dma_start3A_563 = tpu.memref_slice %arg6[%dma_start3A_561, %dma_start3A_562] : memref<1000x128xf32, #tpu.memory_space<hbm>> -> memref<1000x128xf32, #tpu.memory_space<hbm>>
    tpu.enqueue_indirect_dma source(%dma_start3A_563 : memref<1000x128xf32, #tpu.memory_space<hbm>>) target(%dma_start3A_557 : memref<64x128xf32, #tpu.memory_space<vmem>>) offsets(%dma_start3A_560 : memref<64xi32, #tpu.memory_space<vmem>>) semaphore(%arg15 : memref<!tpu.dma_semaphore, #tpu.memory_space<semaphore_mem>>)
    %dma_start3A_564 = arith.constant 2 : i32
    %dma_start3A_565 = arith.constant 1 : i32
    %dma_start3A_566 = arith.constant 1 : i32
    %dma_start3A_567 = arith.constant 0 : i32
    %dma_start3A_568 = arith.constant 0 : i32
    %dma_start3A_569 = tpu.memref_slice %arg11[%dma_start3A_566, %dma_start3A_567, %dma_start3A_568] : memref<2x64x128xf32, #tpu.memory_space<vmem>> -> memref<1x64x128xf32, #tpu.memory_space<vmem>>
    %dma_start3A_570 = tpu.memref_squeeze %dma_start3A_569 : memref<1x64x128xf32, #tpu.memory_space<vmem>> -> memref<64x128xf32, #tpu.memory_space<vmem>>
    %dma_start3A_571 = arith.constant 0 : i32
    %dma_start3A_572 = tpu.memref_slice %arg8[%dma_start3A_564, %dma_start3A_565, %dma_start3A_571] : memref<3x8x64xi32, #tpu.memory_space<vmem>> -> memref<1x1x64xi32, #tpu.memory_space<vmem>>
    %dma_start3A_573 = tpu.memref_squeeze %dma_start3A_572 : memref<1x1x64xi32, #tpu.memory_space<vmem>> -> memref<64xi32, #tpu.memory_space<vmem>>
    %dma_start3A_574 = arith.constant 0 : i32
    %dma_start3A_575 = arith.constant 0 : i32
    %dma_start3A_576 = tpu.memref_slice %arg5[%dma_start3A_574, %dma_start3A_575] : memref<1000000x128xf32, #tpu.memory_space<hbm>> -> memref<1000000x128xf32, #tpu.memory_space<hbm>>
    tpu.enqueue_indirect_dma source(%dma_start3A_576 : memref<1000000x128xf32, #tpu.memory_space<hbm>>) target(%dma_start3A_570 : memref<64x128xf32, #tpu.memory_space<vmem>>) offsets(%dma_start3A_573 : memref<64xi32, #tpu.memory_space<vmem>>) semaphore(%arg15 : memref<!tpu.dma_semaphore, #tpu.memory_space<semaphore_mem>>)
    %dma_wait3A_577 = arith.constant 0 : i32
    %dma_wait3A_578 = arith.constant 0 : i32
    %dma_wait3A_579 = arith.constant 0 : i32
    %dma_wait3A_580 = arith.constant 0 : i32
    %dma_wait3A_581 = arith.constant 0 : i32
    %dma_wait3A_582 = tpu.memref_slice %arg9[%dma_wait3A_579, %dma_wait3A_580, %dma_wait3A_581] : memref<2x64x128xf32, #tpu.memory_space<vmem>> -> memref<1x64x128xf32, #tpu.memory_space<vmem>>
    %dma_wait3A_583 = tpu.memref_squeeze %dma_wait3A_582 : memref<1x64x128xf32, #tpu.memory_space<vmem>> -> memref<64x128xf32, #tpu.memory_space<vmem>>
    %dma_wait3A_584 = arith.constant 0 : i32
    %dma_wait3A_585 = tpu.memref_slice %arg8[%dma_wait3A_577, %dma_wait3A_578, %dma_wait3A_584] : memref<3x8x64xi32, #tpu.memory_space<vmem>> -> memref<1x1x64xi32, #tpu.memory_space<vmem>>
    %dma_wait3A_586 = tpu.memref_squeeze %dma_wait3A_585 : memref<1x1x64xi32, #tpu.memory_space<vmem>> -> memref<64xi32, #tpu.memory_space<vmem>>
    %dma_wait3A_587 = arith.constant 0 : i32
    %dma_wait3A_588 = arith.constant 0 : i32
    %dma_wait3A_589 = tpu.memref_slice %arg5[%dma_wait3A_587, %dma_wait3A_588] : memref<1000000x128xf32, #tpu.memory_space<hbm>> -> memref<1000000x128xf32, #tpu.memory_space<hbm>>
    tpu.wait_indirect_dma semaphore(%arg14 : memref<!tpu.dma_semaphore, #tpu.memory_space<semaphore_mem>>) src(%dma_wait3A_589 : memref<1000000x128xf32, #tpu.memory_space<hbm>>) dst(%dma_wait3A_583 : memref<64x128xf32, #tpu.memory_space<vmem>>)
    %dma_wait3A_590 = arith.constant 1 : i32
    %dma_wait3A_591 = arith.constant 0 : i32
    %dma_wait3A_592 = arith.constant 0 : i32
    %dma_wait3A_593 = arith.constant 0 : i32
    %dma_wait3A_594 = arith.constant 0 : i32
    %dma_wait3A_595 = tpu.memref_slice %arg10[%dma_wait3A_592, %dma_wait3A_593, %dma_wait3A_594] : memref<2x64x128xf32, #tpu.memory_space<vmem>> -> memref<1x64x128xf32, #tpu.memory_space<vmem>>
    %dma_wait3A_596 = tpu.memref_squeeze %dma_wait3A_595 : memref<1x64x128xf32, #tpu.memory_space<vmem>> -> memref<64x128xf32, #tpu.memory_space<vmem>>
    %dma_wait3A_597 = arith.constant 0 : i32
    %dma_wait3A_598 = tpu.memref_slice %arg8[%dma_wait3A_590, %dma_wait3A_591, %dma_wait3A_597] : memref<3x8x64xi32, #tpu.memory_space<vmem>> -> memref<1x1x64xi32, #tpu.memory_space<vmem>>
    %dma_wait3A_599 = tpu.memref_squeeze %dma_wait3A_598 : memref<1x1x64xi32, #tpu.memory_space<vmem>> -> memref<64xi32, #tpu.memory_space<vmem>>
    %dma_wait3A_600 = arith.constant 0 : i32
    %dma_wait3A_601 = arith.constant 0 : i32
    %dma_wait3A_602 = tpu.memref_slice %arg6[%dma_wait3A_600, %dma_wait3A_601] : memref<1000x128xf32, #tpu.memory_space<hbm>> -> memref<1000x128xf32, #tpu.memory_space<hbm>>
    tpu.wait_indirect_dma semaphore(%arg14 : memref<!tpu.dma_semaphore, #tpu.memory_space<semaphore_mem>>) src(%dma_wait3A_602 : memref<1000x128xf32, #tpu.memory_space<hbm>>) dst(%dma_wait3A_596 : memref<64x128xf32, #tpu.memory_space<vmem>>)
    %dma_wait3A_603 = arith.constant 2 : i32
    %dma_wait3A_604 = arith.constant 0 : i32
    %dma_wait3A_605 = arith.constant 0 : i32
    %dma_wait3A_606 = arith.constant 0 : i32
    %dma_wait3A_607 = arith.constant 0 : i32
    %dma_wait3A_608 = tpu.memref_slice %arg11[%dma_wait3A_605, %dma_wait3A_606, %dma_wait3A_607] : memref<2x64x128xf32, #tpu.memory_space<vmem>> -> memref<1x64x128xf32, #tpu.memory_space<vmem>>
    %dma_wait3A_609 = tpu.memref_squeeze %dma_wait3A_608 : memref<1x64x128xf32, #tpu.memory_space<vmem>> -> memref<64x128xf32, #tpu.memory_space<vmem>>
    %dma_wait3A_610 = arith.constant 0 : i32
    %dma_wait3A_611 = tpu.memref_slice %arg8[%dma_wait3A_603, %dma_wait3A_604, %dma_wait3A_610] : memref<3x8x64xi32, #tpu.memory_space<vmem>> -> memref<1x1x64xi32, #tpu.memory_space<vmem>>
    %dma_wait3A_612 = tpu.memref_squeeze %dma_wait3A_611 : memref<1x1x64xi32, #tpu.memory_space<vmem>> -> memref<64xi32, #tpu.memory_space<vmem>>
    %dma_wait3A_613 = arith.constant 0 : i32
    %dma_wait3A_614 = arith.constant 0 : i32
    %dma_wait3A_615 = tpu.memref_slice %arg5[%dma_wait3A_613, %dma_wait3A_614] : memref<1000000x128xf32, #tpu.memory_space<hbm>> -> memref<1000000x128xf32, #tpu.memory_space<hbm>>
    tpu.wait_indirect_dma semaphore(%arg14 : memref<!tpu.dma_semaphore, #tpu.memory_space<semaphore_mem>>) src(%dma_wait3A_615 : memref<1000000x128xf32, #tpu.memory_space<hbm>>) dst(%dma_wait3A_609 : memref<64x128xf32, #tpu.memory_space<vmem>>)
    %broadcast_in_dim3A = arith.constant 0.000000e+00 : f32
    %broadcast_in_dim3A_616 = vector.broadcast %broadcast_in_dim3A : f32 to vector<16xf32>
    %scan3A = arith.constant 0 : i32
    %scan3A_617 = arith.constant 64 : i32
    %scan3A_618 = arith.addi %scan3A, %scan3A_617 : i32
    %scan3A_619 = arith.constant 1 : i32
    %scan3A_620 = scf.for %scan3A_1185 = %scan3A to %scan3A_618 step %scan3A_619 iter_args(%scan3A_1186 = %broadcast_in_dim3A_616) -> (vector<16xf32>)  : i32 {
      %get3A = arith.constant 0 : i32
      %get3A_1187 = arith.index_cast %get3A : i32 to index
      %get3A_1188 = arith.index_cast %scan3A_1185 : i32 to index
      %get3A_1189 = arith.constant 0 : index
      %get3A_1190 = tpu.vector_load %arg9[%get3A_1187, %get3A_1188, %get3A_1189] {strides = array<i32>} : memref<2x64x128xf32, #tpu.memory_space<vmem>>, vector<1x1x16xf32>,
      %get3A_1191 = vector.shape_cast %get3A_1190 : vector<1x1x16xf32> to vector<16xf32>
      %get3A_1192 = arith.constant 0 : i32
      %get3A_1193 = arith.index_cast %get3A_1192 : i32 to index
      %get3A_1194 = arith.index_cast %scan3A_1185 : i32 to index
      %get3A_1195 = arith.constant 0 : index
      %get3A_1196 = tpu.vector_load %arg10[%get3A_1193, %get3A_1194, %get3A_1195] {strides = array<i32>} : memref<2x64x128xf32, #tpu.memory_space<vmem>>, vector<1x1x16xf32>,
      %get3A_1197 = vector.shape_cast %get3A_1196 : vector<1x1x16xf32> to vector<16xf32>
      %mul3A_1198 = arith.mulf %get3A_1191, %get3A_1197 : vector<16xf32>
      %get3A_1199 = arith.constant 0 : i32
      %get3A_1200 = arith.index_cast %get3A_1199 : i32 to index
      %get3A_1201 = arith.index_cast %scan3A_1185 : i32 to index
      %get3A_1202 = arith.constant 0 : index
      %get3A_1203 = tpu.vector_load %arg11[%get3A_1200, %get3A_1201, %get3A_1202] {strides = array<i32>} : memref<2x64x128xf32, #tpu.memory_space<vmem>>, vector<1x1x16xf32>,
      %get3A_1204 = vector.shape_cast %get3A_1203 : vector<1x1x16xf32> to vector<16xf32>
      %mul3A_1205 = arith.mulf %mul3A_1198, %get3A_1204 : vector<16xf32>
      %get3A_1206 = arith.constant 0 : i32
      %get3A_1207 = arith.index_cast %get3A_1206 : i32 to index
      %get3A_1208 = arith.index_cast %scan3A_1185 : i32 to index
      %get3A_1209 = arith.constant 16 : index
      %get3A_1210 = tpu.vector_load %arg9[%get3A_1207, %get3A_1208, %get3A_1209] {strides = array<i32>} : memref<2x64x128xf32, #tpu.memory_space<vmem>>, vector<1x1x16xf32>,
      %get3A_1211 = vector.shape_cast %get3A_1210 : vector<1x1x16xf32> to vector<16xf32>
      %get3A_1212 = arith.constant 0 : i32
      %get3A_1213 = arith.index_cast %get3A_1212 : i32 to index
      %get3A_1214 = arith.index_cast %scan3A_1185 : i32 to index
      %get3A_1215 = arith.constant 16 : index
      %get3A_1216 = tpu.vector_load %arg10[%get3A_1213, %get3A_1214, %get3A_1215] {strides = array<i32>} : memref<2x64x128xf32, #tpu.memory_space<vmem>>, vector<1x1x16xf32>,
      %get3A_1217 = vector.shape_cast %get3A_1216 : vector<1x1x16xf32> to vector<16xf32>
      %mul3A_1218 = arith.mulf %get3A_1211, %get3A_1217 : vector<16xf32>
      %get3A_1219 = arith.constant 0 : i32
      %get3A_1220 = arith.index_cast %get3A_1219 : i32 to index
      %get3A_1221 = arith.index_cast %scan3A_1185 : i32 to index
      %get3A_1222 = arith.constant 16 : index
      %get3A_1223 = tpu.vector_load %arg11[%get3A_1220, %get3A_1221, %get3A_1222] {strides = array<i32>} : memref<2x64x128xf32, #tpu.memory_space<vmem>>, vector<1x1x16xf32>,
      %get3A_1224 = vector.shape_cast %get3A_1223 : vector<1x1x16xf32> to vector<16xf32>
      %mul3A_1225 = arith.mulf %mul3A_1218, %get3A_1224 : vector<16xf32>
      %add3A_1226 = arith.addf %mul3A_1205, %mul3A_1225 : vector<16xf32>
      %get3A_1227 = arith.constant 0 : i32
      %get3A_1228 = arith.index_cast %get3A_1227 : i32 to index
      %get3A_1229 = arith.index_cast %scan3A_1185 : i32 to index
      %get3A_1230 = arith.constant 32 : index
      %get3A_1231 = tpu.vector_load %arg9[%get3A_1228, %get3A_1229, %get3A_1230] {strides = array<i32>} : memref<2x64x128xf32, #tpu.memory_space<vmem>>, vector<1x1x16xf32>,
      %get3A_1232 = vector.shape_cast %get3A_1231 : vector<1x1x16xf32> to vector<16xf32>
      %get3A_1233 = arith.constant 0 : i32
      %get3A_1234 = arith.index_cast %get3A_1233 : i32 to index
      %get3A_1235 = arith.index_cast %scan3A_1185 : i32 to index
      %get3A_1236 = arith.constant 32 : index
      %get3A_1237 = tpu.vector_load %arg10[%get3A_1234, %get3A_1235, %get3A_1236] {strides = array<i32>} : memref<2x64x128xf32, #tpu.memory_space<vmem>>, vector<1x1x16xf32>,
      %get3A_1238 = vector.shape_cast %get3A_1237 : vector<1x1x16xf32> to vector<16xf32>
      %mul3A_1239 = arith.mulf %get3A_1232, %get3A_1238 : vector<16xf32>
      %get3A_1240 = arith.constant 0 : i32
      %get3A_1241 = arith.index_cast %get3A_1240 : i32 to index
      %get3A_1242 = arith.index_cast %scan3A_1185 : i32 to index
      %get3A_1243 = arith.constant 32 : index
      %get3A_1244 = tpu.vector_load %arg11[%get3A_1241, %get3A_1242, %get3A_1243] {strides = array<i32>} : memref<2x64x128xf32, #tpu.memory_space<vmem>>, vector<1x1x16xf32>,
      %get3A_1245 = vector.shape_cast %get3A_1244 : vector<1x1x16xf32> to vector<16xf32>
      %mul3A_1246 = arith.mulf %mul3A_1239, %get3A_1245 : vector<16xf32>
      %add3A_1247 = arith.addf %add3A_1226, %mul3A_1246 : vector<16xf32>
      %get3A_1248 = arith.constant 0 : i32
      %get3A_1249 = arith.index_cast %get3A_1248 : i32 to index
      %get3A_1250 = arith.index_cast %scan3A_1185 : i32 to index
      %get3A_1251 = arith.constant 48 : index
      %get3A_1252 = tpu.vector_load %arg9[%get3A_1249, %get3A_1250, %get3A_1251] {strides = array<i32>} : memref<2x64x128xf32, #tpu.memory_space<vmem>>, vector<1x1x16xf32>,
      %get3A_1253 = vector.shape_cast %get3A_1252 : vector<1x1x16xf32> to vector<16xf32>
      %get3A_1254 = arith.constant 0 : i32
      %get3A_1255 = arith.index_cast %get3A_1254 : i32 to index
      %get3A_1256 = arith.index_cast %scan3A_1185 : i32 to index
      %get3A_1257 = arith.constant 48 : index
      %get3A_1258 = tpu.vector_load %arg10[%get3A_1255, %get3A_1256, %get3A_1257] {strides = array<i32>} : memref<2x64x128xf32, #tpu.memory_space<vmem>>, vector<1x1x16xf32>,
      %get3A_1259 = vector.shape_cast %get3A_1258 : vector<1x1x16xf32> to vector<16xf32>
      %mul3A_1260 = arith.mulf %get3A_1253, %get3A_1259 : vector<16xf32>
      %get3A_1261 = arith.constant 0 : i32
      %get3A_1262 = arith.index_cast %get3A_1261 : i32 to index
      %get3A_1263 = arith.index_cast %scan3A_1185 : i32 to index
      %get3A_1264 = arith.constant 48 : index
      %get3A_1265 = tpu.vector_load %arg11[%get3A_1262, %get3A_1263, %get3A_1264] {strides = array<i32>} : memref<2x64x128xf32, #tpu.memory_space<vmem>>, vector<1x1x16xf32>,
      %get3A_1266 = vector.shape_cast %get3A_1265 : vector<1x1x16xf32> to vector<16xf32>
      %mul3A_1267 = arith.mulf %mul3A_1260, %get3A_1266 : vector<16xf32>
      %add3A_1268 = arith.addf %add3A_1247, %mul3A_1267 : vector<16xf32>
      %get3A_1269 = arith.constant 0 : i32
      %get3A_1270 = arith.index_cast %get3A_1269 : i32 to index
      %get3A_1271 = arith.index_cast %scan3A_1185 : i32 to index
      %get3A_1272 = arith.constant 64 : index
      %get3A_1273 = tpu.vector_load %arg9[%get3A_1270, %get3A_1271, %get3A_1272] {strides = array<i32>} : memref<2x64x128xf32, #tpu.memory_space<vmem>>, vector<1x1x16xf32>,
      %get3A_1274 = vector.shape_cast %get3A_1273 : vector<1x1x16xf32> to vector<16xf32>
      %get3A_1275 = arith.constant 0 : i32
      %get3A_1276 = arith.index_cast %get3A_1275 : i32 to index
      %get3A_1277 = arith.index_cast %scan3A_1185 : i32 to index
      %get3A_1278 = arith.constant 64 : index
      %get3A_1279 = tpu.vector_load %arg10[%get3A_1276, %get3A_1277, %get3A_1278] {strides = array<i32>} : memref<2x64x128xf32, #tpu.memory_space<vmem>>, vector<1x1x16xf32>,
      %get3A_1280 = vector.shape_cast %get3A_1279 : vector<1x1x16xf32> to vector<16xf32>
      %mul3A_1281 = arith.mulf %get3A_1274, %get3A_1280 : vector<16xf32>
      %get3A_1282 = arith.constant 0 : i32
      %get3A_1283 = arith.index_cast %get3A_1282 : i32 to index
      %get3A_1284 = arith.index_cast %scan3A_1185 : i32 to index
      %get3A_1285 = arith.constant 64 : index
      %get3A_1286 = tpu.vector_load %arg11[%get3A_1283, %get3A_1284, %get3A_1285] {strides = array<i32>} : memref<2x64x128xf32, #tpu.memory_space<vmem>>, vector<1x1x16xf32>,
      %get3A_1287 = vector.shape_cast %get3A_1286 : vector<1x1x16xf32> to vector<16xf32>
      %mul3A_1288 = arith.mulf %mul3A_1281, %get3A_1287 : vector<16xf32>
      %add3A_1289 = arith.addf %add3A_1268, %mul3A_1288 : vector<16xf32>
      %get3A_1290 = arith.constant 0 : i32
      %get3A_1291 = arith.index_cast %get3A_1290 : i32 to index
      %get3A_1292 = arith.index_cast %scan3A_1185 : i32 to index
      %get3A_1293 = arith.constant 80 : index
      %get3A_1294 = tpu.vector_load %arg9[%get3A_1291, %get3A_1292, %get3A_1293] {strides = array<i32>} : memref<2x64x128xf32, #tpu.memory_space<vmem>>, vector<1x1x16xf32>,
      %get3A_1295 = vector.shape_cast %get3A_1294 : vector<1x1x16xf32> to vector<16xf32>
      %get3A_1296 = arith.constant 0 : i32
      %get3A_1297 = arith.index_cast %get3A_1296 : i32 to index
      %get3A_1298 = arith.index_cast %scan3A_1185 : i32 to index
      %get3A_1299 = arith.constant 80 : index
      %get3A_1300 = tpu.vector_load %arg10[%get3A_1297, %get3A_1298, %get3A_1299] {strides = array<i32>} : memref<2x64x128xf32, #tpu.memory_space<vmem>>, vector<1x1x16xf32>,
      %get3A_1301 = vector.shape_cast %get3A_1300 : vector<1x1x16xf32> to vector<16xf32>
      %mul3A_1302 = arith.mulf %get3A_1295, %get3A_1301 : vector<16xf32>
      %get3A_1303 = arith.constant 0 : i32
      %get3A_1304 = arith.index_cast %get3A_1303 : i32 to index
      %get3A_1305 = arith.index_cast %scan3A_1185 : i32 to index
      %get3A_1306 = arith.constant 80 : index
      %get3A_1307 = tpu.vector_load %arg11[%get3A_1304, %get3A_1305, %get3A_1306] {strides = array<i32>} : memref<2x64x128xf32, #tpu.memory_space<vmem>>, vector<1x1x16xf32>,
      %get3A_1308 = vector.shape_cast %get3A_1307 : vector<1x1x16xf32> to vector<16xf32>
      %mul3A_1309 = arith.mulf %mul3A_1302, %get3A_1308 : vector<16xf32>
      %add3A_1310 = arith.addf %add3A_1289, %mul3A_1309 : vector<16xf32>
      %get3A_1311 = arith.constant 0 : i32
      %get3A_1312 = arith.index_cast %get3A_1311 : i32 to index
      %get3A_1313 = arith.index_cast %scan3A_1185 : i32 to index
      %get3A_1314 = arith.constant 96 : index
      %get3A_1315 = tpu.vector_load %arg9[%get3A_1312, %get3A_1313, %get3A_1314] {strides = array<i32>} : memref<2x64x128xf32, #tpu.memory_space<vmem>>, vector<1x1x16xf32>,
      %get3A_1316 = vector.shape_cast %get3A_1315 : vector<1x1x16xf32> to vector<16xf32>
      %get3A_1317 = arith.constant 0 : i32
      %get3A_1318 = arith.index_cast %get3A_1317 : i32 to index
      %get3A_1319 = arith.index_cast %scan3A_1185 : i32 to index
      %get3A_1320 = arith.constant 96 : index
      %get3A_1321 = tpu.vector_load %arg10[%get3A_1318, %get3A_1319, %get3A_1320] {strides = array<i32>} : memref<2x64x128xf32, #tpu.memory_space<vmem>>, vector<1x1x16xf32>,
      %get3A_1322 = vector.shape_cast %get3A_1321 : vector<1x1x16xf32> to vector<16xf32>
      %mul3A_1323 = arith.mulf %get3A_1316, %get3A_1322 : vector<16xf32>
      %get3A_1324 = arith.constant 0 : i32
      %get3A_1325 = arith.index_cast %get3A_1324 : i32 to index
      %get3A_1326 = arith.index_cast %scan3A_1185 : i32 to index
      %get3A_1327 = arith.constant 96 : index
      %get3A_1328 = tpu.vector_load %arg11[%get3A_1325, %get3A_1326, %get3A_1327] {strides = array<i32>} : memref<2x64x128xf32, #tpu.memory_space<vmem>>, vector<1x1x16xf32>,
      %get3A_1329 = vector.shape_cast %get3A_1328 : vector<1x1x16xf32> to vector<16xf32>
      %mul3A_1330 = arith.mulf %mul3A_1323, %get3A_1329 : vector<16xf32>
      %add3A_1331 = arith.addf %add3A_1310, %mul3A_1330 : vector<16xf32>
      %get3A_1332 = arith.constant 0 : i32
      %get3A_1333 = arith.index_cast %get3A_1332 : i32 to index
      %get3A_1334 = arith.index_cast %scan3A_1185 : i32 to index
      %get3A_1335 = arith.constant 112 : index
      %get3A_1336 = tpu.vector_load %arg9[%get3A_1333, %get3A_1334, %get3A_1335] {strides = array<i32>} : memref<2x64x128xf32, #tpu.memory_space<vmem>>, vector<1x1x16xf32>,
      %get3A_1337 = vector.shape_cast %get3A_1336 : vector<1x1x16xf32> to vector<16xf32>
      %get3A_1338 = arith.constant 0 : i32
      %get3A_1339 = arith.index_cast %get3A_1338 : i32 to index
      %get3A_1340 = arith.index_cast %scan3A_1185 : i32 to index
      %get3A_1341 = arith.constant 112 : index
      %get3A_1342 = tpu.vector_load %arg10[%get3A_1339, %get3A_1340, %get3A_1341] {strides = array<i32>} : memref<2x64x128xf32, #tpu.memory_space<vmem>>, vector<1x1x16xf32>,
      %get3A_1343 = vector.shape_cast %get3A_1342 : vector<1x1x16xf32> to vector<16xf32>
      %mul3A_1344 = arith.mulf %get3A_1337, %get3A_1343 : vector<16xf32>
      %get3A_1345 = arith.constant 0 : i32
      %get3A_1346 = arith.index_cast %get3A_1345 : i32 to index
      %get3A_1347 = arith.index_cast %scan3A_1185 : i32 to index
      %get3A_1348 = arith.constant 112 : index
      %get3A_1349 = tpu.vector_load %arg11[%get3A_1346, %get3A_1347, %get3A_1348] {strides = array<i32>} : memref<2x64x128xf32, #tpu.memory_space<vmem>>, vector<1x1x16xf32>,
      %get3A_1350 = vector.shape_cast %get3A_1349 : vector<1x1x16xf32> to vector<16xf32>
      %mul3A_1351 = arith.mulf %mul3A_1344, %get3A_1350 : vector<16xf32>
      %add3A_1352 = arith.addf %add3A_1331, %mul3A_1351 : vector<16xf32>
      %xor3A = arith.constant 8 : i32
      %xor3A_1353 = vector.broadcast %xor3A : i32 to vector<16xi32>
      %xor3A_1354 = arith.xori %iota3A, %xor3A_1353 : vector<16xi32>
      %broadcast_in_dim3A_1355 = vector.shape_cast %xor3A_1354 : vector<16xi32> to vector<16x1xi32>
      %gather3A = vector.shape_cast %broadcast_in_dim3A_1355 : vector<16x1xi32> to vector<16xi32>
      %gather3A_1356 = tpu.dynamic_gather %add3A_1352[%gather3A] in [0] : vector<16xf32>, vector<16xi32> -> vector<16xf32>
      %add3A_1357 = arith.addf %add3A_1352, %gather3A_1356 : vector<16xf32>
      %xor3A_1358 = arith.constant 4 : i32
      %xor3A_1359 = vector.broadcast %xor3A_1358 : i32 to vector<16xi32>
      %xor3A_1360 = arith.xori %iota3A, %xor3A_1359 : vector<16xi32>
      %broadcast_in_dim3A_1361 = vector.shape_cast %xor3A_1360 : vector<16xi32> to vector<16x1xi32>
      %gather3A_1362 = vector.shape_cast %broadcast_in_dim3A_1361 : vector<16x1xi32> to vector<16xi32>
      %gather3A_1363 = tpu.dynamic_gather %add3A_1357[%gather3A_1362] in [0] : vector<16xf32>, vector<16xi32> -> vector<16xf32>
      %add3A_1364 = arith.addf %add3A_1357, %gather3A_1363 : vector<16xf32>
      %xor3A_1365 = arith.constant 2 : i32
      %xor3A_1366 = vector.broadcast %xor3A_1365 : i32 to vector<16xi32>
      %xor3A_1367 = arith.xori %iota3A, %xor3A_1366 : vector<16xi32>
      %broadcast_in_dim3A_1368 = vector.shape_cast %xor3A_1367 : vector<16xi32> to vector<16x1xi32>
      %gather3A_1369 = vector.shape_cast %broadcast_in_dim3A_1368 : vector<16x1xi32> to vector<16xi32>
      %gather3A_1370 = tpu.dynamic_gather %add3A_1364[%gather3A_1369] in [0] : vector<16xf32>, vector<16xi32> -> vector<16xf32>
      %add3A_1371 = arith.addf %add3A_1364, %gather3A_1370 : vector<16xf32>
      %xor3A_1372 = arith.constant 1 : i32
      %xor3A_1373 = vector.broadcast %xor3A_1372 : i32 to vector<16xi32>
      %xor3A_1374 = arith.xori %iota3A, %xor3A_1373 : vector<16xi32>
      %broadcast_in_dim3A_1375 = vector.shape_cast %xor3A_1374 : vector<16xi32> to vector<16x1xi32>
      %gather3A_1376 = vector.shape_cast %broadcast_in_dim3A_1375 : vector<16x1xi32> to vector<16xi32>
      %gather3A_1377 = tpu.dynamic_gather %add3A_1371[%gather3A_1376] in [0] : vector<16xf32>, vector<16xi32> -> vector<16xf32>
      %add3A_1378 = arith.addf %add3A_1371, %gather3A_1377 : vector<16xf32>
      %and3A = arith.constant 15 : i32
      %and3A_1379 = arith.andi %scan3A_1185, %and3A : i32
      %eq3A_1380 = vector.broadcast %and3A_1379 : i32 to vector<16xi32>
      %eq3A_1381 = arith.cmpi eq, %iota3A, %eq3A_1380 : vector<16xi32>
      %select_n3A = arith.select %eq3A_1381, %add3A_1378, %scan3A_1186 : vector<16xi1>, vector<16xf32>
      %and3A_1382 = arith.constant 15 : i32
      %and3A_1383 = arith.andi %scan3A_1185, %and3A_1382 : i32
      %eq3A_1384 = arith.constant 15 : i32
      %eq3A_1385 = arith.cmpi eq, %and3A_1383, %eq3A_1384 : i32
      %convert_element_type3A = arith.extui %eq3A_1385 : i1 to i32
      %cond3A = arith.constant 0 : i32
      %cond3A_1386 = arith.cmpi ne, %convert_element_type3A, %cond3A : i32
      scf.if %cond3A_1386 {
        %add3A_1387 = arith.constant 0 : i32
        %add3A_1388 = arith.addi %add3A_1387, %scan3A_1185 : i32
        %sub3A = arith.constant 15 : i32
        %sub3A_1389 = arith.subi %add3A_1388, %sub3A : i32
        %swap3A = arith.index_cast %sub3A_1389 : i32 to index
        %swap3A_1390 = tpu.vector_load %arg12[%swap3A] {strides = array<i32>} : memref<512xf32, #tpu.memory_space<vmem>>, vector<16xf32>,
        %swap3A_1391 = vector.shape_cast %swap3A_1390 : vector<16xf32> to vector<16xf32>
        %swap3A_1392 = vector.shape_cast %select_n3A : vector<16xf32> to vector<16xf32>
        tpu.vector_store %arg12[%swap3A], %swap3A_1392 {strides = array<i32>} : memref<512xf32, #tpu.memory_space<vmem>>, vector<16xf32>,
      } else {
      }
      scf.yield %select_n3A : vector<16xf32>
    }
    %scan3A_621 = arith.constant 64 : i32
    %dma_start3A_622 = arith.constant 0 : i32
    %dma_start3A_623 = arith.constant 2 : i32
    %dma_start3A_624 = arith.constant 0 : i32
    %dma_start3A_625 = arith.constant 0 : i32
    %dma_start3A_626 = arith.constant 0 : i32
    %dma_start3A_627 = tpu.memref_slice %arg9[%dma_start3A_624, %dma_start3A_625, %dma_start3A_626] : memref<2x64x128xf32, #tpu.memory_space<vmem>> -> memref<1x64x128xf32, #tpu.memory_space<vmem>>
    %dma_start3A_628 = tpu.memref_squeeze %dma_start3A_627 : memref<1x64x128xf32, #tpu.memory_space<vmem>> -> memref<64x128xf32, #tpu.memory_space<vmem>>
    %dma_start3A_629 = arith.constant 0 : i32
    %dma_start3A_630 = tpu.memref_slice %arg8[%dma_start3A_622, %dma_start3A_623, %dma_start3A_629] : memref<3x8x64xi32, #tpu.memory_space<vmem>> -> memref<1x1x64xi32, #tpu.memory_space<vmem>>
    %dma_start3A_631 = tpu.memref_squeeze %dma_start3A_630 : memref<1x1x64xi32, #tpu.memory_space<vmem>> -> memref<64xi32, #tpu.memory_space<vmem>>
    %dma_start3A_632 = arith.constant 0 : i32
    %dma_start3A_633 = arith.constant 0 : i32
    %dma_start3A_634 = tpu.memref_slice %arg5[%dma_start3A_632, %dma_start3A_633] : memref<1000000x128xf32, #tpu.memory_space<hbm>> -> memref<1000000x128xf32, #tpu.memory_space<hbm>>
    tpu.enqueue_indirect_dma source(%dma_start3A_634 : memref<1000000x128xf32, #tpu.memory_space<hbm>>) target(%dma_start3A_628 : memref<64x128xf32, #tpu.memory_space<vmem>>) offsets(%dma_start3A_631 : memref<64xi32, #tpu.memory_space<vmem>>) semaphore(%arg14 : memref<!tpu.dma_semaphore, #tpu.memory_space<semaphore_mem>>)
    %dma_start3A_635 = arith.constant 1 : i32
    %dma_start3A_636 = arith.constant 2 : i32
    %dma_start3A_637 = arith.constant 0 : i32
    %dma_start3A_638 = arith.constant 0 : i32
    %dma_start3A_639 = arith.constant 0 : i32
    %dma_start3A_640 = tpu.memref_slice %arg10[%dma_start3A_637, %dma_start3A_638, %dma_start3A_639] : memref<2x64x128xf32, #tpu.memory_space<vmem>> -> memref<1x64x128xf32, #tpu.memory_space<vmem>>
    %dma_start3A_641 = tpu.memref_squeeze %dma_start3A_640 : memref<1x64x128xf32, #tpu.memory_space<vmem>> -> memref<64x128xf32, #tpu.memory_space<vmem>>
    %dma_start3A_642 = arith.constant 0 : i32
    %dma_start3A_643 = tpu.memref_slice %arg8[%dma_start3A_635, %dma_start3A_636, %dma_start3A_642] : memref<3x8x64xi32, #tpu.memory_space<vmem>> -> memref<1x1x64xi32, #tpu.memory_space<vmem>>
    %dma_start3A_644 = tpu.memref_squeeze %dma_start3A_643 : memref<1x1x64xi32, #tpu.memory_space<vmem>> -> memref<64xi32, #tpu.memory_space<vmem>>
    %dma_start3A_645 = arith.constant 0 : i32
    %dma_start3A_646 = arith.constant 0 : i32
    %dma_start3A_647 = tpu.memref_slice %arg6[%dma_start3A_645, %dma_start3A_646] : memref<1000x128xf32, #tpu.memory_space<hbm>> -> memref<1000x128xf32, #tpu.memory_space<hbm>>
    tpu.enqueue_indirect_dma source(%dma_start3A_647 : memref<1000x128xf32, #tpu.memory_space<hbm>>) target(%dma_start3A_641 : memref<64x128xf32, #tpu.memory_space<vmem>>) offsets(%dma_start3A_644 : memref<64xi32, #tpu.memory_space<vmem>>) semaphore(%arg14 : memref<!tpu.dma_semaphore, #tpu.memory_space<semaphore_mem>>)
    %dma_start3A_648 = arith.constant 2 : i32
    %dma_start3A_649 = arith.constant 2 : i32
    %dma_start3A_650 = arith.constant 0 : i32
    %dma_start3A_651 = arith.constant 0 : i32
    %dma_start3A_652 = arith.constant 0 : i32
    %dma_start3A_653 = tpu.memref_slice %arg11[%dma_start3A_650, %dma_start3A_651, %dma_start3A_652] : memref<2x64x128xf32, #tpu.memory_space<vmem>> -> memref<1x64x128xf32, #tpu.memory_space<vmem>>
    %dma_start3A_654 = tpu.memref_squeeze %dma_start3A_653 : memref<1x64x128xf32, #tpu.memory_space<vmem>> -> memref<64x128xf32, #tpu.memory_space<vmem>>
    %dma_start3A_655 = arith.constant 0 : i32
    %dma_start3A_656 = tpu.memref_slice %arg8[%dma_start3A_648, %dma_start3A_649, %dma_start3A_655] : memref<3x8x64xi32, #tpu.memory_space<vmem>> -> memref<1x1x64xi32, #tpu.memory_space<vmem>>
    %dma_start3A_657 = tpu.memref_squeeze %dma_start3A_656 : memref<1x1x64xi32, #tpu.memory_space<vmem>> -> memref<64xi32, #tpu.memory_space<vmem>>
    %dma_start3A_658 = arith.constant 0 : i32
    %dma_start3A_659 = arith.constant 0 : i32
    %dma_start3A_660 = tpu.memref_slice %arg5[%dma_start3A_658, %dma_start3A_659] : memref<1000000x128xf32, #tpu.memory_space<hbm>> -> memref<1000000x128xf32, #tpu.memory_space<hbm>>
    tpu.enqueue_indirect_dma source(%dma_start3A_660 : memref<1000000x128xf32, #tpu.memory_space<hbm>>) target(%dma_start3A_654 : memref<64x128xf32, #tpu.memory_space<vmem>>) offsets(%dma_start3A_657 : memref<64xi32, #tpu.memory_space<vmem>>) semaphore(%arg14 : memref<!tpu.dma_semaphore, #tpu.memory_space<semaphore_mem>>)
    %dma_wait3A_661 = arith.constant 0 : i32
    %dma_wait3A_662 = arith.constant 1 : i32
    %dma_wait3A_663 = arith.constant 1 : i32
    %dma_wait3A_664 = arith.constant 0 : i32
    %dma_wait3A_665 = arith.constant 0 : i32
    %dma_wait3A_666 = tpu.memref_slice %arg9[%dma_wait3A_663, %dma_wait3A_664, %dma_wait3A_665] : memref<2x64x128xf32, #tpu.memory_space<vmem>> -> memref<1x64x128xf32, #tpu.memory_space<vmem>>
    %dma_wait3A_667 = tpu.memref_squeeze %dma_wait3A_666 : memref<1x64x128xf32, #tpu.memory_space<vmem>> -> memref<64x128xf32, #tpu.memory_space<vmem>>
    %dma_wait3A_668 = arith.constant 0 : i32
    %dma_wait3A_669 = tpu.memref_slice %arg8[%dma_wait3A_661, %dma_wait3A_662, %dma_wait3A_668] : memref<3x8x64xi32, #tpu.memory_space<vmem>> -> memref<1x1x64xi32, #tpu.memory_space<vmem>>
    %dma_wait3A_670 = tpu.memref_squeeze %dma_wait3A_669 : memref<1x1x64xi32, #tpu.memory_space<vmem>> -> memref<64xi32, #tpu.memory_space<vmem>>
    %dma_wait3A_671 = arith.constant 0 : i32
    %dma_wait3A_672 = arith.constant 0 : i32
    %dma_wait3A_673 = tpu.memref_slice %arg5[%dma_wait3A_671, %dma_wait3A_672] : memref<1000000x128xf32, #tpu.memory_space<hbm>> -> memref<1000000x128xf32, #tpu.memory_space<hbm>>
    tpu.wait_indirect_dma semaphore(%arg15 : memref<!tpu.dma_semaphore, #tpu.memory_space<semaphore_mem>>) src(%dma_wait3A_673 : memref<1000000x128xf32, #tpu.memory_space<hbm>>) dst(%dma_wait3A_667 : memref<64x128xf32, #tpu.memory_space<vmem>>)
    %dma_wait3A_674 = arith.constant 1 : i32
    %dma_wait3A_675 = arith.constant 1 : i32
    %dma_wait3A_676 = arith.constant 1 : i32
    %dma_wait3A_677 = arith.constant 0 : i32
    %dma_wait3A_678 = arith.constant 0 : i32
    %dma_wait3A_679 = tpu.memref_slice %arg10[%dma_wait3A_676, %dma_wait3A_677, %dma_wait3A_678] : memref<2x64x128xf32, #tpu.memory_space<vmem>> -> memref<1x64x128xf32, #tpu.memory_space<vmem>>
    %dma_wait3A_680 = tpu.memref_squeeze %dma_wait3A_679 : memref<1x64x128xf32, #tpu.memory_space<vmem>> -> memref<64x128xf32, #tpu.memory_space<vmem>>
    %dma_wait3A_681 = arith.constant 0 : i32
    %dma_wait3A_682 = tpu.memref_slice %arg8[%dma_wait3A_674, %dma_wait3A_675, %dma_wait3A_681] : memref<3x8x64xi32, #tpu.memory_space<vmem>> -> memref<1x1x64xi32, #tpu.memory_space<vmem>>
    %dma_wait3A_683 = tpu.memref_squeeze %dma_wait3A_682 : memref<1x1x64xi32, #tpu.memory_space<vmem>> -> memref<64xi32, #tpu.memory_space<vmem>>
    %dma_wait3A_684 = arith.constant 0 : i32
    %dma_wait3A_685 = arith.constant 0 : i32
    %dma_wait3A_686 = tpu.memref_slice %arg6[%dma_wait3A_684, %dma_wait3A_685] : memref<1000x128xf32, #tpu.memory_space<hbm>> -> memref<1000x128xf32, #tpu.memory_space<hbm>>
    tpu.wait_indirect_dma semaphore(%arg15 : memref<!tpu.dma_semaphore, #tpu.memory_space<semaphore_mem>>) src(%dma_wait3A_686 : memref<1000x128xf32, #tpu.memory_space<hbm>>) dst(%dma_wait3A_680 : memref<64x128xf32, #tpu.memory_space<vmem>>)
    %dma_wait3A_687 = arith.constant 2 : i32
    %dma_wait3A_688 = arith.constant 1 : i32
    %dma_wait3A_689 = arith.constant 1 : i32
    %dma_wait3A_690 = arith.constant 0 : i32
    %dma_wait3A_691 = arith.constant 0 : i32
    %dma_wait3A_692 = tpu.memref_slice %arg11[%dma_wait3A_689, %dma_wait3A_690, %dma_wait3A_691] : memref<2x64x128xf32, #tpu.memory_space<vmem>> -> memref<1x64x128xf32, #tpu.memory_space<vmem>>
    %dma_wait3A_693 = tpu.memref_squeeze %dma_wait3A_692 : memref<1x64x128xf32, #tpu.memory_space<vmem>> -> memref<64x128xf32, #tpu.memory_space<vmem>>
    %dma_wait3A_694 = arith.constant 0 : i32
    %dma_wait3A_695 = tpu.memref_slice %arg8[%dma_wait3A_687, %dma_wait3A_688, %dma_wait3A_694] : memref<3x8x64xi32, #tpu.memory_space<vmem>> -> memref<1x1x64xi32, #tpu.memory_space<vmem>>
    %dma_wait3A_696 = tpu.memref_squeeze %dma_wait3A_695 : memref<1x1x64xi32, #tpu.memory_space<vmem>> -> memref<64xi32, #tpu.memory_space<vmem>>
    %dma_wait3A_697 = arith.constant 0 : i32
    %dma_wait3A_698 = arith.constant 0 : i32
    %dma_wait3A_699 = tpu.memref_slice %arg5[%dma_wait3A_697, %dma_wait3A_698] : memref<1000000x128xf32, #tpu.memory_space<hbm>> -> memref<1000000x128xf32, #tpu.memory_space<hbm>>
    tpu.wait_indirect_dma semaphore(%arg15 : memref<!tpu.dma_semaphore, #tpu.memory_space<semaphore_mem>>) src(%dma_wait3A_699 : memref<1000000x128xf32, #tpu.memory_space<hbm>>) dst(%dma_wait3A_693 : memref<64x128xf32, #tpu.memory_space<vmem>>)
    %broadcast_in_dim3A_700 = arith.constant 0.000000e+00 : f32
    %broadcast_in_dim3A_701 = vector.broadcast %broadcast_in_dim3A_700 : f32 to vector<16xf32>
    %scan3A_702 = arith.constant 0 : i32
    %scan3A_703 = arith.constant 64 : i32
    %scan3A_704 = arith.addi %scan3A_702, %scan3A_703 : i32
    %scan3A_705 = arith.constant 1 : i32
    %scan3A_706 = scf.for %scan3A_1185 = %scan3A_702 to %scan3A_704 step %scan3A_705 iter_args(%scan3A_1186 = %broadcast_in_dim3A_701) -> (vector<16xf32>)  : i32 {
      %get3A = arith.constant 1 : i32
      %get3A_1187 = arith.index_cast %get3A : i32 to index
      %get3A_1188 = arith.index_cast %scan3A_1185 : i32 to index
      %get3A_1189 = arith.constant 0 : index
      %get3A_1190 = tpu.vector_load %arg9[%get3A_1187, %get3A_1188, %get3A_1189] {strides = array<i32>} : memref<2x64x128xf32, #tpu.memory_space<vmem>>, vector<1x1x16xf32>,
      %get3A_1191 = vector.shape_cast %get3A_1190 : vector<1x1x16xf32> to vector<16xf32>
      %get3A_1192 = arith.constant 1 : i32
      %get3A_1193 = arith.index_cast %get3A_1192 : i32 to index
      %get3A_1194 = arith.index_cast %scan3A_1185 : i32 to index
      %get3A_1195 = arith.constant 0 : index
      %get3A_1196 = tpu.vector_load %arg10[%get3A_1193, %get3A_1194, %get3A_1195] {strides = array<i32>} : memref<2x64x128xf32, #tpu.memory_space<vmem>>, vector<1x1x16xf32>,
      %get3A_1197 = vector.shape_cast %get3A_1196 : vector<1x1x16xf32> to vector<16xf32>
      %mul3A_1198 = arith.mulf %get3A_1191, %get3A_1197 : vector<16xf32>
      %get3A_1199 = arith.constant 1 : i32
      %get3A_1200 = arith.index_cast %get3A_1199 : i32 to index
      %get3A_1201 = arith.index_cast %scan3A_1185 : i32 to index
      %get3A_1202 = arith.constant 0 : index
      %get3A_1203 = tpu.vector_load %arg11[%get3A_1200, %get3A_1201, %get3A_1202] {strides = array<i32>} : memref<2x64x128xf32, #tpu.memory_space<vmem>>, vector<1x1x16xf32>,
      %get3A_1204 = vector.shape_cast %get3A_1203 : vector<1x1x16xf32> to vector<16xf32>
      %mul3A_1205 = arith.mulf %mul3A_1198, %get3A_1204 : vector<16xf32>
      %get3A_1206 = arith.constant 1 : i32
      %get3A_1207 = arith.index_cast %get3A_1206 : i32 to index
      %get3A_1208 = arith.index_cast %scan3A_1185 : i32 to index
      %get3A_1209 = arith.constant 16 : index
      %get3A_1210 = tpu.vector_load %arg9[%get3A_1207, %get3A_1208, %get3A_1209] {strides = array<i32>} : memref<2x64x128xf32, #tpu.memory_space<vmem>>, vector<1x1x16xf32>,
      %get3A_1211 = vector.shape_cast %get3A_1210 : vector<1x1x16xf32> to vector<16xf32>
      %get3A_1212 = arith.constant 1 : i32
      %get3A_1213 = arith.index_cast %get3A_1212 : i32 to index
      %get3A_1214 = arith.index_cast %scan3A_1185 : i32 to index
      %get3A_1215 = arith.constant 16 : index
      %get3A_1216 = tpu.vector_load %arg10[%get3A_1213, %get3A_1214, %get3A_1215] {strides = array<i32>} : memref<2x64x128xf32, #tpu.memory_space<vmem>>, vector<1x1x16xf32>,
      %get3A_1217 = vector.shape_cast %get3A_1216 : vector<1x1x16xf32> to vector<16xf32>
      %mul3A_1218 = arith.mulf %get3A_1211, %get3A_1217 : vector<16xf32>
      %get3A_1219 = arith.constant 1 : i32
      %get3A_1220 = arith.index_cast %get3A_1219 : i32 to index
      %get3A_1221 = arith.index_cast %scan3A_1185 : i32 to index
      %get3A_1222 = arith.constant 16 : index
      %get3A_1223 = tpu.vector_load %arg11[%get3A_1220, %get3A_1221, %get3A_1222] {strides = array<i32>} : memref<2x64x128xf32, #tpu.memory_space<vmem>>, vector<1x1x16xf32>,
      %get3A_1224 = vector.shape_cast %get3A_1223 : vector<1x1x16xf32> to vector<16xf32>
      %mul3A_1225 = arith.mulf %mul3A_1218, %get3A_1224 : vector<16xf32>
      %add3A_1226 = arith.addf %mul3A_1205, %mul3A_1225 : vector<16xf32>
      %get3A_1227 = arith.constant 1 : i32
      %get3A_1228 = arith.index_cast %get3A_1227 : i32 to index
      %get3A_1229 = arith.index_cast %scan3A_1185 : i32 to index
      %get3A_1230 = arith.constant 32 : index
      %get3A_1231 = tpu.vector_load %arg9[%get3A_1228, %get3A_1229, %get3A_1230] {strides = array<i32>} : memref<2x64x128xf32, #tpu.memory_space<vmem>>, vector<1x1x16xf32>,
      %get3A_1232 = vector.shape_cast %get3A_1231 : vector<1x1x16xf32> to vector<16xf32>
      %get3A_1233 = arith.constant 1 : i32
      %get3A_1234 = arith.index_cast %get3A_1233 : i32 to index
      %get3A_1235 = arith.index_cast %scan3A_1185 : i32 to index
      %get3A_1236 = arith.constant 32 : index
      %get3A_1237 = tpu.vector_load %arg10[%get3A_1234, %get3A_1235, %get3A_1236] {strides = array<i32>} : memref<2x64x128xf32, #tpu.memory_space<vmem>>, vector<1x1x16xf32>,
      %get3A_1238 = vector.shape_cast %get3A_1237 : vector<1x1x16xf32> to vector<16xf32>
      %mul3A_1239 = arith.mulf %get3A_1232, %get3A_1238 : vector<16xf32>
      %get3A_1240 = arith.constant 1 : i32
      %get3A_1241 = arith.index_cast %get3A_1240 : i32 to index
      %get3A_1242 = arith.index_cast %scan3A_1185 : i32 to index
      %get3A_1243 = arith.constant 32 : index
      %get3A_1244 = tpu.vector_load %arg11[%get3A_1241, %get3A_1242, %get3A_1243] {strides = array<i32>} : memref<2x64x128xf32, #tpu.memory_space<vmem>>, vector<1x1x16xf32>,
      %get3A_1245 = vector.shape_cast %get3A_1244 : vector<1x1x16xf32> to vector<16xf32>
      %mul3A_1246 = arith.mulf %mul3A_1239, %get3A_1245 : vector<16xf32>
      %add3A_1247 = arith.addf %add3A_1226, %mul3A_1246 : vector<16xf32>
      %get3A_1248 = arith.constant 1 : i32
      %get3A_1249 = arith.index_cast %get3A_1248 : i32 to index
      %get3A_1250 = arith.index_cast %scan3A_1185 : i32 to index
      %get3A_1251 = arith.constant 48 : index
      %get3A_1252 = tpu.vector_load %arg9[%get3A_1249, %get3A_1250, %get3A_1251] {strides = array<i32>} : memref<2x64x128xf32, #tpu.memory_space<vmem>>, vector<1x1x16xf32>,
      %get3A_1253 = vector.shape_cast %get3A_1252 : vector<1x1x16xf32> to vector<16xf32>
      %get3A_1254 = arith.constant 1 : i32
      %get3A_1255 = arith.index_cast %get3A_1254 : i32 to index
      %get3A_1256 = arith.index_cast %scan3A_1185 : i32 to index
      %get3A_1257 = arith.constant 48 : index
      %get3A_1258 = tpu.vector_load %arg10[%get3A_1255, %get3A_1256, %get3A_1257] {strides = array<i32>} : memref<2x64x128xf32, #tpu.memory_space<vmem>>, vector<1x1x16xf32>,
      %get3A_1259 = vector.shape_cast %get3A_1258 : vector<1x1x16xf32> to vector<16xf32>
      %mul3A_1260 = arith.mulf %get3A_1253, %get3A_1259 : vector<16xf32>
      %get3A_1261 = arith.constant 1 : i32
      %get3A_1262 = arith.index_cast %get3A_1261 : i32 to index
      %get3A_1263 = arith.index_cast %scan3A_1185 : i32 to index
      %get3A_1264 = arith.constant 48 : index
      %get3A_1265 = tpu.vector_load %arg11[%get3A_1262, %get3A_1263, %get3A_1264] {strides = array<i32>} : memref<2x64x128xf32, #tpu.memory_space<vmem>>, vector<1x1x16xf32>,
      %get3A_1266 = vector.shape_cast %get3A_1265 : vector<1x1x16xf32> to vector<16xf32>
      %mul3A_1267 = arith.mulf %mul3A_1260, %get3A_1266 : vector<16xf32>
      %add3A_1268 = arith.addf %add3A_1247, %mul3A_1267 : vector<16xf32>
      %get3A_1269 = arith.constant 1 : i32
      %get3A_1270 = arith.index_cast %get3A_1269 : i32 to index
      %get3A_1271 = arith.index_cast %scan3A_1185 : i32 to index
      %get3A_1272 = arith.constant 64 : index
      %get3A_1273 = tpu.vector_load %arg9[%get3A_1270, %get3A_1271, %get3A_1272] {strides = array<i32>} : memref<2x64x128xf32, #tpu.memory_space<vmem>>, vector<1x1x16xf32>,
      %get3A_1274 = vector.shape_cast %get3A_1273 : vector<1x1x16xf32> to vector<16xf32>
      %get3A_1275 = arith.constant 1 : i32
      %get3A_1276 = arith.index_cast %get3A_1275 : i32 to index
      %get3A_1277 = arith.index_cast %scan3A_1185 : i32 to index
      %get3A_1278 = arith.constant 64 : index
      %get3A_1279 = tpu.vector_load %arg10[%get3A_1276, %get3A_1277, %get3A_1278] {strides = array<i32>} : memref<2x64x128xf32, #tpu.memory_space<vmem>>, vector<1x1x16xf32>,
      %get3A_1280 = vector.shape_cast %get3A_1279 : vector<1x1x16xf32> to vector<16xf32>
      %mul3A_1281 = arith.mulf %get3A_1274, %get3A_1280 : vector<16xf32>
      %get3A_1282 = arith.constant 1 : i32
      %get3A_1283 = arith.index_cast %get3A_1282 : i32 to index
      %get3A_1284 = arith.index_cast %scan3A_1185 : i32 to index
      %get3A_1285 = arith.constant 64 : index
      %get3A_1286 = tpu.vector_load %arg11[%get3A_1283, %get3A_1284, %get3A_1285] {strides = array<i32>} : memref<2x64x128xf32, #tpu.memory_space<vmem>>, vector<1x1x16xf32>,
      %get3A_1287 = vector.shape_cast %get3A_1286 : vector<1x1x16xf32> to vector<16xf32>
      %mul3A_1288 = arith.mulf %mul3A_1281, %get3A_1287 : vector<16xf32>
      %add3A_1289 = arith.addf %add3A_1268, %mul3A_1288 : vector<16xf32>
      %get3A_1290 = arith.constant 1 : i32
      %get3A_1291 = arith.index_cast %get3A_1290 : i32 to index
      %get3A_1292 = arith.index_cast %scan3A_1185 : i32 to index
      %get3A_1293 = arith.constant 80 : index
      %get3A_1294 = tpu.vector_load %arg9[%get3A_1291, %get3A_1292, %get3A_1293] {strides = array<i32>} : memref<2x64x128xf32, #tpu.memory_space<vmem>>, vector<1x1x16xf32>,
      %get3A_1295 = vector.shape_cast %get3A_1294 : vector<1x1x16xf32> to vector<16xf32>
      %get3A_1296 = arith.constant 1 : i32
      %get3A_1297 = arith.index_cast %get3A_1296 : i32 to index
      %get3A_1298 = arith.index_cast %scan3A_1185 : i32 to index
      %get3A_1299 = arith.constant 80 : index
      %get3A_1300 = tpu.vector_load %arg10[%get3A_1297, %get3A_1298, %get3A_1299] {strides = array<i32>} : memref<2x64x128xf32, #tpu.memory_space<vmem>>, vector<1x1x16xf32>,
      %get3A_1301 = vector.shape_cast %get3A_1300 : vector<1x1x16xf32> to vector<16xf32>
      %mul3A_1302 = arith.mulf %get3A_1295, %get3A_1301 : vector<16xf32>
      %get3A_1303 = arith.constant 1 : i32
      %get3A_1304 = arith.index_cast %get3A_1303 : i32 to index
      %get3A_1305 = arith.index_cast %scan3A_1185 : i32 to index
      %get3A_1306 = arith.constant 80 : index
      %get3A_1307 = tpu.vector_load %arg11[%get3A_1304, %get3A_1305, %get3A_1306] {strides = array<i32>} : memref<2x64x128xf32, #tpu.memory_space<vmem>>, vector<1x1x16xf32>,
      %get3A_1308 = vector.shape_cast %get3A_1307 : vector<1x1x16xf32> to vector<16xf32>
      %mul3A_1309 = arith.mulf %mul3A_1302, %get3A_1308 : vector<16xf32>
      %add3A_1310 = arith.addf %add3A_1289, %mul3A_1309 : vector<16xf32>
      %get3A_1311 = arith.constant 1 : i32
      %get3A_1312 = arith.index_cast %get3A_1311 : i32 to index
      %get3A_1313 = arith.index_cast %scan3A_1185 : i32 to index
      %get3A_1314 = arith.constant 96 : index
      %get3A_1315 = tpu.vector_load %arg9[%get3A_1312, %get3A_1313, %get3A_1314] {strides = array<i32>} : memref<2x64x128xf32, #tpu.memory_space<vmem>>, vector<1x1x16xf32>,
      %get3A_1316 = vector.shape_cast %get3A_1315 : vector<1x1x16xf32> to vector<16xf32>
      %get3A_1317 = arith.constant 1 : i32
      %get3A_1318 = arith.index_cast %get3A_1317 : i32 to index
      %get3A_1319 = arith.index_cast %scan3A_1185 : i32 to index
      %get3A_1320 = arith.constant 96 : index
      %get3A_1321 = tpu.vector_load %arg10[%get3A_1318, %get3A_1319, %get3A_1320] {strides = array<i32>} : memref<2x64x128xf32, #tpu.memory_space<vmem>>, vector<1x1x16xf32>,
      %get3A_1322 = vector.shape_cast %get3A_1321 : vector<1x1x16xf32> to vector<16xf32>
      %mul3A_1323 = arith.mulf %get3A_1316, %get3A_1322 : vector<16xf32>
      %get3A_1324 = arith.constant 1 : i32
      %get3A_1325 = arith.index_cast %get3A_1324 : i32 to index
      %get3A_1326 = arith.index_cast %scan3A_1185 : i32 to index
      %get3A_1327 = arith.constant 96 : index
      %get3A_1328 = tpu.vector_load %arg11[%get3A_1325, %get3A_1326, %get3A_1327] {strides = array<i32>} : memref<2x64x128xf32, #tpu.memory_space<vmem>>, vector<1x1x16xf32>,
      %get3A_1329 = vector.shape_cast %get3A_1328 : vector<1x1x16xf32> to vector<16xf32>
      %mul3A_1330 = arith.mulf %mul3A_1323, %get3A_1329 : vector<16xf32>
      %add3A_1331 = arith.addf %add3A_1310, %mul3A_1330 : vector<16xf32>
      %get3A_1332 = arith.constant 1 : i32
      %get3A_1333 = arith.index_cast %get3A_1332 : i32 to index
      %get3A_1334 = arith.index_cast %scan3A_1185 : i32 to index
      %get3A_1335 = arith.constant 112 : index
      %get3A_1336 = tpu.vector_load %arg9[%get3A_1333, %get3A_1334, %get3A_1335] {strides = array<i32>} : memref<2x64x128xf32, #tpu.memory_space<vmem>>, vector<1x1x16xf32>,
      %get3A_1337 = vector.shape_cast %get3A_1336 : vector<1x1x16xf32> to vector<16xf32>
      %get3A_1338 = arith.constant 1 : i32
      %get3A_1339 = arith.index_cast %get3A_1338 : i32 to index
      %get3A_1340 = arith.index_cast %scan3A_1185 : i32 to index
      %get3A_1341 = arith.constant 112 : index
      %get3A_1342 = tpu.vector_load %arg10[%get3A_1339, %get3A_1340, %get3A_1341] {strides = array<i32>} : memref<2x64x128xf32, #tpu.memory_space<vmem>>, vector<1x1x16xf32>,
      %get3A_1343 = vector.shape_cast %get3A_1342 : vector<1x1x16xf32> to vector<16xf32>
      %mul3A_1344 = arith.mulf %get3A_1337, %get3A_1343 : vector<16xf32>
      %get3A_1345 = arith.constant 1 : i32
      %get3A_1346 = arith.index_cast %get3A_1345 : i32 to index
      %get3A_1347 = arith.index_cast %scan3A_1185 : i32 to index
      %get3A_1348 = arith.constant 112 : index
      %get3A_1349 = tpu.vector_load %arg11[%get3A_1346, %get3A_1347, %get3A_1348] {strides = array<i32>} : memref<2x64x128xf32, #tpu.memory_space<vmem>>, vector<1x1x16xf32>,
      %get3A_1350 = vector.shape_cast %get3A_1349 : vector<1x1x16xf32> to vector<16xf32>
      %mul3A_1351 = arith.mulf %mul3A_1344, %get3A_1350 : vector<16xf32>
      %add3A_1352 = arith.addf %add3A_1331, %mul3A_1351 : vector<16xf32>
      %xor3A = arith.constant 8 : i32
      %xor3A_1353 = vector.broadcast %xor3A : i32 to vector<16xi32>
      %xor3A_1354 = arith.xori %iota3A, %xor3A_1353 : vector<16xi32>
      %broadcast_in_dim3A_1355 = vector.shape_cast %xor3A_1354 : vector<16xi32> to vector<16x1xi32>
      %gather3A = vector.shape_cast %broadcast_in_dim3A_1355 : vector<16x1xi32> to vector<16xi32>
      %gather3A_1356 = tpu.dynamic_gather %add3A_1352[%gather3A] in [0] : vector<16xf32>, vector<16xi32> -> vector<16xf32>
      %add3A_1357 = arith.addf %add3A_1352, %gather3A_1356 : vector<16xf32>
      %xor3A_1358 = arith.constant 4 : i32
      %xor3A_1359 = vector.broadcast %xor3A_1358 : i32 to vector<16xi32>
      %xor3A_1360 = arith.xori %iota3A, %xor3A_1359 : vector<16xi32>
      %broadcast_in_dim3A_1361 = vector.shape_cast %xor3A_1360 : vector<16xi32> to vector<16x1xi32>
      %gather3A_1362 = vector.shape_cast %broadcast_in_dim3A_1361 : vector<16x1xi32> to vector<16xi32>
      %gather3A_1363 = tpu.dynamic_gather %add3A_1357[%gather3A_1362] in [0] : vector<16xf32>, vector<16xi32> -> vector<16xf32>
      %add3A_1364 = arith.addf %add3A_1357, %gather3A_1363 : vector<16xf32>
      %xor3A_1365 = arith.constant 2 : i32
      %xor3A_1366 = vector.broadcast %xor3A_1365 : i32 to vector<16xi32>
      %xor3A_1367 = arith.xori %iota3A, %xor3A_1366 : vector<16xi32>
      %broadcast_in_dim3A_1368 = vector.shape_cast %xor3A_1367 : vector<16xi32> to vector<16x1xi32>
      %gather3A_1369 = vector.shape_cast %broadcast_in_dim3A_1368 : vector<16x1xi32> to vector<16xi32>
      %gather3A_1370 = tpu.dynamic_gather %add3A_1364[%gather3A_1369] in [0] : vector<16xf32>, vector<16xi32> -> vector<16xf32>
      %add3A_1371 = arith.addf %add3A_1364, %gather3A_1370 : vector<16xf32>
      %xor3A_1372 = arith.constant 1 : i32
      %xor3A_1373 = vector.broadcast %xor3A_1372 : i32 to vector<16xi32>
      %xor3A_1374 = arith.xori %iota3A, %xor3A_1373 : vector<16xi32>
      %broadcast_in_dim3A_1375 = vector.shape_cast %xor3A_1374 : vector<16xi32> to vector<16x1xi32>
      %gather3A_1376 = vector.shape_cast %broadcast_in_dim3A_1375 : vector<16x1xi32> to vector<16xi32>
      %gather3A_1377 = tpu.dynamic_gather %add3A_1371[%gather3A_1376] in [0] : vector<16xf32>, vector<16xi32> -> vector<16xf32>
      %add3A_1378 = arith.addf %add3A_1371, %gather3A_1377 : vector<16xf32>
      %and3A = arith.constant 15 : i32
      %and3A_1379 = arith.andi %scan3A_1185, %and3A : i32
      %eq3A_1380 = vector.broadcast %and3A_1379 : i32 to vector<16xi32>
      %eq3A_1381 = arith.cmpi eq, %iota3A, %eq3A_1380 : vector<16xi32>
      %select_n3A = arith.select %eq3A_1381, %add3A_1378, %scan3A_1186 : vector<16xi1>, vector<16xf32>
      %and3A_1382 = arith.constant 15 : i32
      %and3A_1383 = arith.andi %scan3A_1185, %and3A_1382 : i32
      %eq3A_1384 = arith.constant 15 : i32
      %eq3A_1385 = arith.cmpi eq, %and3A_1383, %eq3A_1384 : i32
      %convert_element_type3A = arith.extui %eq3A_1385 : i1 to i32
      %cond3A = arith.constant 0 : i32
      %cond3A_1386 = arith.cmpi ne, %convert_element_type3A, %cond3A : i32
      scf.if %cond3A_1386 {
        %add3A_1387 = arith.constant 64 : i32
        %add3A_1388 = arith.addi %add3A_1387, %scan3A_1185 : i32
        %sub3A = arith.constant 15 : i32
        %sub3A_1389 = arith.subi %add3A_1388, %sub3A : i32
        %swap3A = arith.index_cast %sub3A_1389 : i32 to index
        %swap3A_1390 = tpu.vector_load %arg12[%swap3A] {strides = array<i32>} : memref<512xf32, #tpu.memory_space<vmem>>, vector<16xf32>,
        %swap3A_1391 = vector.shape_cast %swap3A_1390 : vector<16xf32> to vector<16xf32>
        %swap3A_1392 = vector.shape_cast %select_n3A : vector<16xf32> to vector<16xf32>
        tpu.vector_store %arg12[%swap3A], %swap3A_1392 {strides = array<i32>} : memref<512xf32, #tpu.memory_space<vmem>>, vector<16xf32>,
      } else {
      }
      scf.yield %select_n3A : vector<16xf32>
    }
    %scan3A_707 = arith.constant 64 : i32
    %dma_start3A_708 = arith.constant 0 : i32
    %dma_start3A_709 = arith.constant 3 : i32
    %dma_start3A_710 = arith.constant 1 : i32
    %dma_start3A_711 = arith.constant 0 : i32
    %dma_start3A_712 = arith.constant 0 : i32
    %dma_start3A_713 = tpu.memref_slice %arg9[%dma_start3A_710, %dma_start3A_711, %dma_start3A_712] : memref<2x64x128xf32, #tpu.memory_space<vmem>> -> memref<1x64x128xf32, #tpu.memory_space<vmem>>
    %dma_start3A_714 = tpu.memref_squeeze %dma_start3A_713 : memref<1x64x128xf32, #tpu.memory_space<vmem>> -> memref<64x128xf32, #tpu.memory_space<vmem>>
    %dma_start3A_715 = arith.constant 0 : i32
    %dma_start3A_716 = tpu.memref_slice %arg8[%dma_start3A_708, %dma_start3A_709, %dma_start3A_715] : memref<3x8x64xi32, #tpu.memory_space<vmem>> -> memref<1x1x64xi32, #tpu.memory_space<vmem>>
    %dma_start3A_717 = tpu.memref_squeeze %dma_start3A_716 : memref<1x1x64xi32, #tpu.memory_space<vmem>> -> memref<64xi32, #tpu.memory_space<vmem>>
    %dma_start3A_718 = arith.constant 0 : i32
    %dma_start3A_719 = arith.constant 0 : i32
    %dma_start3A_720 = tpu.memref_slice %arg5[%dma_start3A_718, %dma_start3A_719] : memref<1000000x128xf32, #tpu.memory_space<hbm>> -> memref<1000000x128xf32, #tpu.memory_space<hbm>>
    tpu.enqueue_indirect_dma source(%dma_start3A_720 : memref<1000000x128xf32, #tpu.memory_space<hbm>>) target(%dma_start3A_714 : memref<64x128xf32, #tpu.memory_space<vmem>>) offsets(%dma_start3A_717 : memref<64xi32, #tpu.memory_space<vmem>>) semaphore(%arg15 : memref<!tpu.dma_semaphore, #tpu.memory_space<semaphore_mem>>)
    %dma_start3A_721 = arith.constant 1 : i32
    %dma_start3A_722 = arith.constant 3 : i32
    %dma_start3A_723 = arith.constant 1 : i32
    %dma_start3A_724 = arith.constant 0 : i32
    %dma_start3A_725 = arith.constant 0 : i32
    %dma_start3A_726 = tpu.memref_slice %arg10[%dma_start3A_723, %dma_start3A_724, %dma_start3A_725] : memref<2x64x128xf32, #tpu.memory_space<vmem>> -> memref<1x64x128xf32, #tpu.memory_space<vmem>>
    %dma_start3A_727 = tpu.memref_squeeze %dma_start3A_726 : memref<1x64x128xf32, #tpu.memory_space<vmem>> -> memref<64x128xf32, #tpu.memory_space<vmem>>
    %dma_start3A_728 = arith.constant 0 : i32
    %dma_start3A_729 = tpu.memref_slice %arg8[%dma_start3A_721, %dma_start3A_722, %dma_start3A_728] : memref<3x8x64xi32, #tpu.memory_space<vmem>> -> memref<1x1x64xi32, #tpu.memory_space<vmem>>
    %dma_start3A_730 = tpu.memref_squeeze %dma_start3A_729 : memref<1x1x64xi32, #tpu.memory_space<vmem>> -> memref<64xi32, #tpu.memory_space<vmem>>
    %dma_start3A_731 = arith.constant 0 : i32
    %dma_start3A_732 = arith.constant 0 : i32
    %dma_start3A_733 = tpu.memref_slice %arg6[%dma_start3A_731, %dma_start3A_732] : memref<1000x128xf32, #tpu.memory_space<hbm>> -> memref<1000x128xf32, #tpu.memory_space<hbm>>
    tpu.enqueue_indirect_dma source(%dma_start3A_733 : memref<1000x128xf32, #tpu.memory_space<hbm>>) target(%dma_start3A_727 : memref<64x128xf32, #tpu.memory_space<vmem>>) offsets(%dma_start3A_730 : memref<64xi32, #tpu.memory_space<vmem>>) semaphore(%arg15 : memref<!tpu.dma_semaphore, #tpu.memory_space<semaphore_mem>>)
    %dma_start3A_734 = arith.constant 2 : i32
    %dma_start3A_735 = arith.constant 3 : i32
    %dma_start3A_736 = arith.constant 1 : i32
    %dma_start3A_737 = arith.constant 0 : i32
    %dma_start3A_738 = arith.constant 0 : i32
    %dma_start3A_739 = tpu.memref_slice %arg11[%dma_start3A_736, %dma_start3A_737, %dma_start3A_738] : memref<2x64x128xf32, #tpu.memory_space<vmem>> -> memref<1x64x128xf32, #tpu.memory_space<vmem>>
    %dma_start3A_740 = tpu.memref_squeeze %dma_start3A_739 : memref<1x64x128xf32, #tpu.memory_space<vmem>> -> memref<64x128xf32, #tpu.memory_space<vmem>>
    %dma_start3A_741 = arith.constant 0 : i32
    %dma_start3A_742 = tpu.memref_slice %arg8[%dma_start3A_734, %dma_start3A_735, %dma_start3A_741] : memref<3x8x64xi32, #tpu.memory_space<vmem>> -> memref<1x1x64xi32, #tpu.memory_space<vmem>>
    %dma_start3A_743 = tpu.memref_squeeze %dma_start3A_742 : memref<1x1x64xi32, #tpu.memory_space<vmem>> -> memref<64xi32, #tpu.memory_space<vmem>>
    %dma_start3A_744 = arith.constant 0 : i32
    %dma_start3A_745 = arith.constant 0 : i32
    %dma_start3A_746 = tpu.memref_slice %arg5[%dma_start3A_744, %dma_start3A_745] : memref<1000000x128xf32, #tpu.memory_space<hbm>> -> memref<1000000x128xf32, #tpu.memory_space<hbm>>
    tpu.enqueue_indirect_dma source(%dma_start3A_746 : memref<1000000x128xf32, #tpu.memory_space<hbm>>) target(%dma_start3A_740 : memref<64x128xf32, #tpu.memory_space<vmem>>) offsets(%dma_start3A_743 : memref<64xi32, #tpu.memory_space<vmem>>) semaphore(%arg15 : memref<!tpu.dma_semaphore, #tpu.memory_space<semaphore_mem>>)
    %dma_wait3A_747 = arith.constant 0 : i32
    %dma_wait3A_748 = arith.constant 2 : i32
    %dma_wait3A_749 = arith.constant 0 : i32
    %dma_wait3A_750 = arith.constant 0 : i32
    %dma_wait3A_751 = arith.constant 0 : i32
    %dma_wait3A_752 = tpu.memref_slice %arg9[%dma_wait3A_749, %dma_wait3A_750, %dma_wait3A_751] : memref<2x64x128xf32, #tpu.memory_space<vmem>> -> memref<1x64x128xf32, #tpu.memory_space<vmem>>
    %dma_wait3A_753 = tpu.memref_squeeze %dma_wait3A_752 : memref<1x64x128xf32, #tpu.memory_space<vmem>> -> memref<64x128xf32, #tpu.memory_space<vmem>>
    %dma_wait3A_754 = arith.constant 0 : i32
    %dma_wait3A_755 = tpu.memref_slice %arg8[%dma_wait3A_747, %dma_wait3A_748, %dma_wait3A_754] : memref<3x8x64xi32, #tpu.memory_space<vmem>> -> memref<1x1x64xi32, #tpu.memory_space<vmem>>
    %dma_wait3A_756 = tpu.memref_squeeze %dma_wait3A_755 : memref<1x1x64xi32, #tpu.memory_space<vmem>> -> memref<64xi32, #tpu.memory_space<vmem>>
    %dma_wait3A_757 = arith.constant 0 : i32
    %dma_wait3A_758 = arith.constant 0 : i32
    %dma_wait3A_759 = tpu.memref_slice %arg5[%dma_wait3A_757, %dma_wait3A_758] : memref<1000000x128xf32, #tpu.memory_space<hbm>> -> memref<1000000x128xf32, #tpu.memory_space<hbm>>
    tpu.wait_indirect_dma semaphore(%arg14 : memref<!tpu.dma_semaphore, #tpu.memory_space<semaphore_mem>>) src(%dma_wait3A_759 : memref<1000000x128xf32, #tpu.memory_space<hbm>>) dst(%dma_wait3A_753 : memref<64x128xf32, #tpu.memory_space<vmem>>)
    %dma_wait3A_760 = arith.constant 1 : i32
    %dma_wait3A_761 = arith.constant 2 : i32
    %dma_wait3A_762 = arith.constant 0 : i32
    %dma_wait3A_763 = arith.constant 0 : i32
    %dma_wait3A_764 = arith.constant 0 : i32
    %dma_wait3A_765 = tpu.memref_slice %arg10[%dma_wait3A_762, %dma_wait3A_763, %dma_wait3A_764] : memref<2x64x128xf32, #tpu.memory_space<vmem>> -> memref<1x64x128xf32, #tpu.memory_space<vmem>>
    %dma_wait3A_766 = tpu.memref_squeeze %dma_wait3A_765 : memref<1x64x128xf32, #tpu.memory_space<vmem>> -> memref<64x128xf32, #tpu.memory_space<vmem>>
    %dma_wait3A_767 = arith.constant 0 : i32
    %dma_wait3A_768 = tpu.memref_slice %arg8[%dma_wait3A_760, %dma_wait3A_761, %dma_wait3A_767] : memref<3x8x64xi32, #tpu.memory_space<vmem>> -> memref<1x1x64xi32, #tpu.memory_space<vmem>>
    %dma_wait3A_769 = tpu.memref_squeeze %dma_wait3A_768 : memref<1x1x64xi32, #tpu.memory_space<vmem>> -> memref<64xi32, #tpu.memory_space<vmem>>
    %dma_wait3A_770 = arith.constant 0 : i32
    %dma_wait3A_771 = arith.constant 0 : i32
    %dma_wait3A_772 = tpu.memref_slice %arg6[%dma_wait3A_770, %dma_wait3A_771] : memref<1000x128xf32, #tpu.memory_space<hbm>> -> memref<1000x128xf32, #tpu.memory_space<hbm>>
    tpu.wait_indirect_dma semaphore(%arg14 : memref<!tpu.dma_semaphore, #tpu.memory_space<semaphore_mem>>) src(%dma_wait3A_772 : memref<1000x128xf32, #tpu.memory_space<hbm>>) dst(%dma_wait3A_766 : memref<64x128xf32, #tpu.memory_space<vmem>>)
    %dma_wait3A_773 = arith.constant 2 : i32
    %dma_wait3A_774 = arith.constant 2 : i32
    %dma_wait3A_775 = arith.constant 0 : i32
    %dma_wait3A_776 = arith.constant 0 : i32
    %dma_wait3A_777 = arith.constant 0 : i32
    %dma_wait3A_778 = tpu.memref_slice %arg11[%dma_wait3A_775, %dma_wait3A_776, %dma_wait3A_777] : memref<2x64x128xf32, #tpu.memory_space<vmem>> -> memref<1x64x128xf32, #tpu.memory_space<vmem>>
    %dma_wait3A_779 = tpu.memref_squeeze %dma_wait3A_778 : memref<1x64x128xf32, #tpu.memory_space<vmem>> -> memref<64x128xf32, #tpu.memory_space<vmem>>
    %dma_wait3A_780 = arith.constant 0 : i32
    %dma_wait3A_781 = tpu.memref_slice %arg8[%dma_wait3A_773, %dma_wait3A_774, %dma_wait3A_780] : memref<3x8x64xi32, #tpu.memory_space<vmem>> -> memref<1x1x64xi32, #tpu.memory_space<vmem>>
    %dma_wait3A_782 = tpu.memref_squeeze %dma_wait3A_781 : memref<1x1x64xi32, #tpu.memory_space<vmem>> -> memref<64xi32, #tpu.memory_space<vmem>>
    %dma_wait3A_783 = arith.constant 0 : i32
    %dma_wait3A_784 = arith.constant 0 : i32
    %dma_wait3A_785 = tpu.memref_slice %arg5[%dma_wait3A_783, %dma_wait3A_784] : memref<1000000x128xf32, #tpu.memory_space<hbm>> -> memref<1000000x128xf32, #tpu.memory_space<hbm>>
    tpu.wait_indirect_dma semaphore(%arg14 : memref<!tpu.dma_semaphore, #tpu.memory_space<semaphore_mem>>) src(%dma_wait3A_785 : memref<1000000x128xf32, #tpu.memory_space<hbm>>) dst(%dma_wait3A_779 : memref<64x128xf32, #tpu.memory_space<vmem>>)
    %broadcast_in_dim3A_786 = arith.constant 0.000000e+00 : f32
    %broadcast_in_dim3A_787 = vector.broadcast %broadcast_in_dim3A_786 : f32 to vector<16xf32>
    %scan3A_788 = arith.constant 0 : i32
    %scan3A_789 = arith.constant 64 : i32
    %scan3A_790 = arith.addi %scan3A_788, %scan3A_789 : i32
    %scan3A_791 = arith.constant 1 : i32
    %scan3A_792 = scf.for %scan3A_1185 = %scan3A_788 to %scan3A_790 step %scan3A_791 iter_args(%scan3A_1186 = %broadcast_in_dim3A_787) -> (vector<16xf32>)  : i32 {
      %get3A = arith.constant 0 : i32
      %get3A_1187 = arith.index_cast %get3A : i32 to index
      %get3A_1188 = arith.index_cast %scan3A_1185 : i32 to index
      %get3A_1189 = arith.constant 0 : index
      %get3A_1190 = tpu.vector_load %arg9[%get3A_1187, %get3A_1188, %get3A_1189] {strides = array<i32>} : memref<2x64x128xf32, #tpu.memory_space<vmem>>, vector<1x1x16xf32>,
      %get3A_1191 = vector.shape_cast %get3A_1190 : vector<1x1x16xf32> to vector<16xf32>
      %get3A_1192 = arith.constant 0 : i32
      %get3A_1193 = arith.index_cast %get3A_1192 : i32 to index
      %get3A_1194 = arith.index_cast %scan3A_1185 : i32 to index
      %get3A_1195 = arith.constant 0 : index
      %get3A_1196 = tpu.vector_load %arg10[%get3A_1193, %get3A_1194, %get3A_1195] {strides = array<i32>} : memref<2x64x128xf32, #tpu.memory_space<vmem>>, vector<1x1x16xf32>,
      %get3A_1197 = vector.shape_cast %get3A_1196 : vector<1x1x16xf32> to vector<16xf32>
      %mul3A_1198 = arith.mulf %get3A_1191, %get3A_1197 : vector<16xf32>
      %get3A_1199 = arith.constant 0 : i32
      %get3A_1200 = arith.index_cast %get3A_1199 : i32 to index
      %get3A_1201 = arith.index_cast %scan3A_1185 : i32 to index
      %get3A_1202 = arith.constant 0 : index
      %get3A_1203 = tpu.vector_load %arg11[%get3A_1200, %get3A_1201, %get3A_1202] {strides = array<i32>} : memref<2x64x128xf32, #tpu.memory_space<vmem>>, vector<1x1x16xf32>,
      %get3A_1204 = vector.shape_cast %get3A_1203 : vector<1x1x16xf32> to vector<16xf32>
      %mul3A_1205 = arith.mulf %mul3A_1198, %get3A_1204 : vector<16xf32>
      %get3A_1206 = arith.constant 0 : i32
      %get3A_1207 = arith.index_cast %get3A_1206 : i32 to index
      %get3A_1208 = arith.index_cast %scan3A_1185 : i32 to index
      %get3A_1209 = arith.constant 16 : index
      %get3A_1210 = tpu.vector_load %arg9[%get3A_1207, %get3A_1208, %get3A_1209] {strides = array<i32>} : memref<2x64x128xf32, #tpu.memory_space<vmem>>, vector<1x1x16xf32>,
      %get3A_1211 = vector.shape_cast %get3A_1210 : vector<1x1x16xf32> to vector<16xf32>
      %get3A_1212 = arith.constant 0 : i32
      %get3A_1213 = arith.index_cast %get3A_1212 : i32 to index
      %get3A_1214 = arith.index_cast %scan3A_1185 : i32 to index
      %get3A_1215 = arith.constant 16 : index
      %get3A_1216 = tpu.vector_load %arg10[%get3A_1213, %get3A_1214, %get3A_1215] {strides = array<i32>} : memref<2x64x128xf32, #tpu.memory_space<vmem>>, vector<1x1x16xf32>,
      %get3A_1217 = vector.shape_cast %get3A_1216 : vector<1x1x16xf32> to vector<16xf32>
      %mul3A_1218 = arith.mulf %get3A_1211, %get3A_1217 : vector<16xf32>
      %get3A_1219 = arith.constant 0 : i32
      %get3A_1220 = arith.index_cast %get3A_1219 : i32 to index
      %get3A_1221 = arith.index_cast %scan3A_1185 : i32 to index
      %get3A_1222 = arith.constant 16 : index
      %get3A_1223 = tpu.vector_load %arg11[%get3A_1220, %get3A_1221, %get3A_1222] {strides = array<i32>} : memref<2x64x128xf32, #tpu.memory_space<vmem>>, vector<1x1x16xf32>,
      %get3A_1224 = vector.shape_cast %get3A_1223 : vector<1x1x16xf32> to vector<16xf32>
      %mul3A_1225 = arith.mulf %mul3A_1218, %get3A_1224 : vector<16xf32>
      %add3A_1226 = arith.addf %mul3A_1205, %mul3A_1225 : vector<16xf32>
      %get3A_1227 = arith.constant 0 : i32
      %get3A_1228 = arith.index_cast %get3A_1227 : i32 to index
      %get3A_1229 = arith.index_cast %scan3A_1185 : i32 to index
      %get3A_1230 = arith.constant 32 : index
      %get3A_1231 = tpu.vector_load %arg9[%get3A_1228, %get3A_1229, %get3A_1230] {strides = array<i32>} : memref<2x64x128xf32, #tpu.memory_space<vmem>>, vector<1x1x16xf32>,
      %get3A_1232 = vector.shape_cast %get3A_1231 : vector<1x1x16xf32> to vector<16xf32>
      %get3A_1233 = arith.constant 0 : i32
      %get3A_1234 = arith.index_cast %get3A_1233 : i32 to index
      %get3A_1235 = arith.index_cast %scan3A_1185 : i32 to index
      %get3A_1236 = arith.constant 32 : index
      %get3A_1237 = tpu.vector_load %arg10[%get3A_1234, %get3A_1235, %get3A_1236] {strides = array<i32>} : memref<2x64x128xf32, #tpu.memory_space<vmem>>, vector<1x1x16xf32>,
      %get3A_1238 = vector.shape_cast %get3A_1237 : vector<1x1x16xf32> to vector<16xf32>
      %mul3A_1239 = arith.mulf %get3A_1232, %get3A_1238 : vector<16xf32>
      %get3A_1240 = arith.constant 0 : i32
      %get3A_1241 = arith.index_cast %get3A_1240 : i32 to index
      %get3A_1242 = arith.index_cast %scan3A_1185 : i32 to index
      %get3A_1243 = arith.constant 32 : index
      %get3A_1244 = tpu.vector_load %arg11[%get3A_1241, %get3A_1242, %get3A_1243] {strides = array<i32>} : memref<2x64x128xf32, #tpu.memory_space<vmem>>, vector<1x1x16xf32>,
      %get3A_1245 = vector.shape_cast %get3A_1244 : vector<1x1x16xf32> to vector<16xf32>
      %mul3A_1246 = arith.mulf %mul3A_1239, %get3A_1245 : vector<16xf32>
      %add3A_1247 = arith.addf %add3A_1226, %mul3A_1246 : vector<16xf32>
      %get3A_1248 = arith.constant 0 : i32
      %get3A_1249 = arith.index_cast %get3A_1248 : i32 to index
      %get3A_1250 = arith.index_cast %scan3A_1185 : i32 to index
      %get3A_1251 = arith.constant 48 : index
      %get3A_1252 = tpu.vector_load %arg9[%get3A_1249, %get3A_1250, %get3A_1251] {strides = array<i32>} : memref<2x64x128xf32, #tpu.memory_space<vmem>>, vector<1x1x16xf32>,
      %get3A_1253 = vector.shape_cast %get3A_1252 : vector<1x1x16xf32> to vector<16xf32>
      %get3A_1254 = arith.constant 0 : i32
      %get3A_1255 = arith.index_cast %get3A_1254 : i32 to index
      %get3A_1256 = arith.index_cast %scan3A_1185 : i32 to index
      %get3A_1257 = arith.constant 48 : index
      %get3A_1258 = tpu.vector_load %arg10[%get3A_1255, %get3A_1256, %get3A_1257] {strides = array<i32>} : memref<2x64x128xf32, #tpu.memory_space<vmem>>, vector<1x1x16xf32>,
      %get3A_1259 = vector.shape_cast %get3A_1258 : vector<1x1x16xf32> to vector<16xf32>
      %mul3A_1260 = arith.mulf %get3A_1253, %get3A_1259 : vector<16xf32>
      %get3A_1261 = arith.constant 0 : i32
      %get3A_1262 = arith.index_cast %get3A_1261 : i32 to index
      %get3A_1263 = arith.index_cast %scan3A_1185 : i32 to index
      %get3A_1264 = arith.constant 48 : index
      %get3A_1265 = tpu.vector_load %arg11[%get3A_1262, %get3A_1263, %get3A_1264] {strides = array<i32>} : memref<2x64x128xf32, #tpu.memory_space<vmem>>, vector<1x1x16xf32>,
      %get3A_1266 = vector.shape_cast %get3A_1265 : vector<1x1x16xf32> to vector<16xf32>
      %mul3A_1267 = arith.mulf %mul3A_1260, %get3A_1266 : vector<16xf32>
      %add3A_1268 = arith.addf %add3A_1247, %mul3A_1267 : vector<16xf32>
      %get3A_1269 = arith.constant 0 : i32
      %get3A_1270 = arith.index_cast %get3A_1269 : i32 to index
      %get3A_1271 = arith.index_cast %scan3A_1185 : i32 to index
      %get3A_1272 = arith.constant 64 : index
      %get3A_1273 = tpu.vector_load %arg9[%get3A_1270, %get3A_1271, %get3A_1272] {strides = array<i32>} : memref<2x64x128xf32, #tpu.memory_space<vmem>>, vector<1x1x16xf32>,
      %get3A_1274 = vector.shape_cast %get3A_1273 : vector<1x1x16xf32> to vector<16xf32>
      %get3A_1275 = arith.constant 0 : i32
      %get3A_1276 = arith.index_cast %get3A_1275 : i32 to index
      %get3A_1277 = arith.index_cast %scan3A_1185 : i32 to index
      %get3A_1278 = arith.constant 64 : index
      %get3A_1279 = tpu.vector_load %arg10[%get3A_1276, %get3A_1277, %get3A_1278] {strides = array<i32>} : memref<2x64x128xf32, #tpu.memory_space<vmem>>, vector<1x1x16xf32>,
      %get3A_1280 = vector.shape_cast %get3A_1279 : vector<1x1x16xf32> to vector<16xf32>
      %mul3A_1281 = arith.mulf %get3A_1274, %get3A_1280 : vector<16xf32>
      %get3A_1282 = arith.constant 0 : i32
      %get3A_1283 = arith.index_cast %get3A_1282 : i32 to index
      %get3A_1284 = arith.index_cast %scan3A_1185 : i32 to index
      %get3A_1285 = arith.constant 64 : index
      %get3A_1286 = tpu.vector_load %arg11[%get3A_1283, %get3A_1284, %get3A_1285] {strides = array<i32>} : memref<2x64x128xf32, #tpu.memory_space<vmem>>, vector<1x1x16xf32>,
      %get3A_1287 = vector.shape_cast %get3A_1286 : vector<1x1x16xf32> to vector<16xf32>
      %mul3A_1288 = arith.mulf %mul3A_1281, %get3A_1287 : vector<16xf32>
      %add3A_1289 = arith.addf %add3A_1268, %mul3A_1288 : vector<16xf32>
      %get3A_1290 = arith.constant 0 : i32
      %get3A_1291 = arith.index_cast %get3A_1290 : i32 to index
      %get3A_1292 = arith.index_cast %scan3A_1185 : i32 to index
      %get3A_1293 = arith.constant 80 : index
      %get3A_1294 = tpu.vector_load %arg9[%get3A_1291, %get3A_1292, %get3A_1293] {strides = array<i32>} : memref<2x64x128xf32, #tpu.memory_space<vmem>>, vector<1x1x16xf32>,
      %get3A_1295 = vector.shape_cast %get3A_1294 : vector<1x1x16xf32> to vector<16xf32>
      %get3A_1296 = arith.constant 0 : i32
      %get3A_1297 = arith.index_cast %get3A_1296 : i32 to index
      %get3A_1298 = arith.index_cast %scan3A_1185 : i32 to index
      %get3A_1299 = arith.constant 80 : index
      %get3A_1300 = tpu.vector_load %arg10[%get3A_1297, %get3A_1298, %get3A_1299] {strides = array<i32>} : memref<2x64x128xf32, #tpu.memory_space<vmem>>, vector<1x1x16xf32>,
      %get3A_1301 = vector.shape_cast %get3A_1300 : vector<1x1x16xf32> to vector<16xf32>
      %mul3A_1302 = arith.mulf %get3A_1295, %get3A_1301 : vector<16xf32>
      %get3A_1303 = arith.constant 0 : i32
      %get3A_1304 = arith.index_cast %get3A_1303 : i32 to index
      %get3A_1305 = arith.index_cast %scan3A_1185 : i32 to index
      %get3A_1306 = arith.constant 80 : index
      %get3A_1307 = tpu.vector_load %arg11[%get3A_1304, %get3A_1305, %get3A_1306] {strides = array<i32>} : memref<2x64x128xf32, #tpu.memory_space<vmem>>, vector<1x1x16xf32>,
      %get3A_1308 = vector.shape_cast %get3A_1307 : vector<1x1x16xf32> to vector<16xf32>
      %mul3A_1309 = arith.mulf %mul3A_1302, %get3A_1308 : vector<16xf32>
      %add3A_1310 = arith.addf %add3A_1289, %mul3A_1309 : vector<16xf32>
      %get3A_1311 = arith.constant 0 : i32
      %get3A_1312 = arith.index_cast %get3A_1311 : i32 to index
      %get3A_1313 = arith.index_cast %scan3A_1185 : i32 to index
      %get3A_1314 = arith.constant 96 : index
      %get3A_1315 = tpu.vector_load %arg9[%get3A_1312, %get3A_1313, %get3A_1314] {strides = array<i32>} : memref<2x64x128xf32, #tpu.memory_space<vmem>>, vector<1x1x16xf32>,
      %get3A_1316 = vector.shape_cast %get3A_1315 : vector<1x1x16xf32> to vector<16xf32>
      %get3A_1317 = arith.constant 0 : i32
      %get3A_1318 = arith.index_cast %get3A_1317 : i32 to index
      %get3A_1319 = arith.index_cast %scan3A_1185 : i32 to index
      %get3A_1320 = arith.constant 96 : index
      %get3A_1321 = tpu.vector_load %arg10[%get3A_1318, %get3A_1319, %get3A_1320] {strides = array<i32>} : memref<2x64x128xf32, #tpu.memory_space<vmem>>, vector<1x1x16xf32>,
      %get3A_1322 = vector.shape_cast %get3A_1321 : vector<1x1x16xf32> to vector<16xf32>
      %mul3A_1323 = arith.mulf %get3A_1316, %get3A_1322 : vector<16xf32>
      %get3A_1324 = arith.constant 0 : i32
      %get3A_1325 = arith.index_cast %get3A_1324 : i32 to index
      %get3A_1326 = arith.index_cast %scan3A_1185 : i32 to index
      %get3A_1327 = arith.constant 96 : index
      %get3A_1328 = tpu.vector_load %arg11[%get3A_1325, %get3A_1326, %get3A_1327] {strides = array<i32>} : memref<2x64x128xf32, #tpu.memory_space<vmem>>, vector<1x1x16xf32>,
      %get3A_1329 = vector.shape_cast %get3A_1328 : vector<1x1x16xf32> to vector<16xf32>
      %mul3A_1330 = arith.mulf %mul3A_1323, %get3A_1329 : vector<16xf32>
      %add3A_1331 = arith.addf %add3A_1310, %mul3A_1330 : vector<16xf32>
      %get3A_1332 = arith.constant 0 : i32
      %get3A_1333 = arith.index_cast %get3A_1332 : i32 to index
      %get3A_1334 = arith.index_cast %scan3A_1185 : i32 to index
      %get3A_1335 = arith.constant 112 : index
      %get3A_1336 = tpu.vector_load %arg9[%get3A_1333, %get3A_1334, %get3A_1335] {strides = array<i32>} : memref<2x64x128xf32, #tpu.memory_space<vmem>>, vector<1x1x16xf32>,
      %get3A_1337 = vector.shape_cast %get3A_1336 : vector<1x1x16xf32> to vector<16xf32>
      %get3A_1338 = arith.constant 0 : i32
      %get3A_1339 = arith.index_cast %get3A_1338 : i32 to index
      %get3A_1340 = arith.index_cast %scan3A_1185 : i32 to index
      %get3A_1341 = arith.constant 112 : index
      %get3A_1342 = tpu.vector_load %arg10[%get3A_1339, %get3A_1340, %get3A_1341] {strides = array<i32>} : memref<2x64x128xf32, #tpu.memory_space<vmem>>, vector<1x1x16xf32>,
      %get3A_1343 = vector.shape_cast %get3A_1342 : vector<1x1x16xf32> to vector<16xf32>
      %mul3A_1344 = arith.mulf %get3A_1337, %get3A_1343 : vector<16xf32>
      %get3A_1345 = arith.constant 0 : i32
      %get3A_1346 = arith.index_cast %get3A_1345 : i32 to index
      %get3A_1347 = arith.index_cast %scan3A_1185 : i32 to index
      %get3A_1348 = arith.constant 112 : index
      %get3A_1349 = tpu.vector_load %arg11[%get3A_1346, %get3A_1347, %get3A_1348] {strides = array<i32>} : memref<2x64x128xf32, #tpu.memory_space<vmem>>, vector<1x1x16xf32>,
      %get3A_1350 = vector.shape_cast %get3A_1349 : vector<1x1x16xf32> to vector<16xf32>
      %mul3A_1351 = arith.mulf %mul3A_1344, %get3A_1350 : vector<16xf32>
      %add3A_1352 = arith.addf %add3A_1331, %mul3A_1351 : vector<16xf32>
      %xor3A = arith.constant 8 : i32
      %xor3A_1353 = vector.broadcast %xor3A : i32 to vector<16xi32>
      %xor3A_1354 = arith.xori %iota3A, %xor3A_1353 : vector<16xi32>
      %broadcast_in_dim3A_1355 = vector.shape_cast %xor3A_1354 : vector<16xi32> to vector<16x1xi32>
      %gather3A = vector.shape_cast %broadcast_in_dim3A_1355 : vector<16x1xi32> to vector<16xi32>
      %gather3A_1356 = tpu.dynamic_gather %add3A_1352[%gather3A] in [0] : vector<16xf32>, vector<16xi32> -> vector<16xf32>
      %add3A_1357 = arith.addf %add3A_1352, %gather3A_1356 : vector<16xf32>
      %xor3A_1358 = arith.constant 4 : i32
      %xor3A_1359 = vector.broadcast %xor3A_1358 : i32 to vector<16xi32>
      %xor3A_1360 = arith.xori %iota3A, %xor3A_1359 : vector<16xi32>
      %broadcast_in_dim3A_1361 = vector.shape_cast %xor3A_1360 : vector<16xi32> to vector<16x1xi32>
      %gather3A_1362 = vector.shape_cast %broadcast_in_dim3A_1361 : vector<16x1xi32> to vector<16xi32>
      %gather3A_1363 = tpu.dynamic_gather %add3A_1357[%gather3A_1362] in [0] : vector<16xf32>, vector<16xi32> -> vector<16xf32>
      %add3A_1364 = arith.addf %add3A_1357, %gather3A_1363 : vector<16xf32>
      %xor3A_1365 = arith.constant 2 : i32
      %xor3A_1366 = vector.broadcast %xor3A_1365 : i32 to vector<16xi32>
      %xor3A_1367 = arith.xori %iota3A, %xor3A_1366 : vector<16xi32>
      %broadcast_in_dim3A_1368 = vector.shape_cast %xor3A_1367 : vector<16xi32> to vector<16x1xi32>
      %gather3A_1369 = vector.shape_cast %broadcast_in_dim3A_1368 : vector<16x1xi32> to vector<16xi32>
      %gather3A_1370 = tpu.dynamic_gather %add3A_1364[%gather3A_1369] in [0] : vector<16xf32>, vector<16xi32> -> vector<16xf32>
      %add3A_1371 = arith.addf %add3A_1364, %gather3A_1370 : vector<16xf32>
      %xor3A_1372 = arith.constant 1 : i32
      %xor3A_1373 = vector.broadcast %xor3A_1372 : i32 to vector<16xi32>
      %xor3A_1374 = arith.xori %iota3A, %xor3A_1373 : vector<16xi32>
      %broadcast_in_dim3A_1375 = vector.shape_cast %xor3A_1374 : vector<16xi32> to vector<16x1xi32>
      %gather3A_1376 = vector.shape_cast %broadcast_in_dim3A_1375 : vector<16x1xi32> to vector<16xi32>
      %gather3A_1377 = tpu.dynamic_gather %add3A_1371[%gather3A_1376] in [0] : vector<16xf32>, vector<16xi32> -> vector<16xf32>
      %add3A_1378 = arith.addf %add3A_1371, %gather3A_1377 : vector<16xf32>
      %and3A = arith.constant 15 : i32
      %and3A_1379 = arith.andi %scan3A_1185, %and3A : i32
      %eq3A_1380 = vector.broadcast %and3A_1379 : i32 to vector<16xi32>
      %eq3A_1381 = arith.cmpi eq, %iota3A, %eq3A_1380 : vector<16xi32>
      %select_n3A = arith.select %eq3A_1381, %add3A_1378, %scan3A_1186 : vector<16xi1>, vector<16xf32>
      %and3A_1382 = arith.constant 15 : i32
      %and3A_1383 = arith.andi %scan3A_1185, %and3A_1382 : i32
      %eq3A_1384 = arith.constant 15 : i32
      %eq3A_1385 = arith.cmpi eq, %and3A_1383, %eq3A_1384 : i32
      %convert_element_type3A = arith.extui %eq3A_1385 : i1 to i32
      %cond3A = arith.constant 0 : i32
      %cond3A_1386 = arith.cmpi ne, %convert_element_type3A, %cond3A : i32
      scf.if %cond3A_1386 {
        %add3A_1387 = arith.constant 128 : i32
        %add3A_1388 = arith.addi %add3A_1387, %scan3A_1185 : i32
        %sub3A = arith.constant 15 : i32
        %sub3A_1389 = arith.subi %add3A_1388, %sub3A : i32
        %swap3A = arith.index_cast %sub3A_1389 : i32 to index
        %swap3A_1390 = tpu.vector_load %arg12[%swap3A] {strides = array<i32>} : memref<512xf32, #tpu.memory_space<vmem>>, vector<16xf32>,
        %swap3A_1391 = vector.shape_cast %swap3A_1390 : vector<16xf32> to vector<16xf32>
        %swap3A_1392 = vector.shape_cast %select_n3A : vector<16xf32> to vector<16xf32>
        tpu.vector_store %arg12[%swap3A], %swap3A_1392 {strides = array<i32>} : memref<512xf32, #tpu.memory_space<vmem>>, vector<16xf32>,
      } else {
      }
      scf.yield %select_n3A : vector<16xf32>
    }
    %scan3A_793 = arith.constant 64 : i32
    %dma_start3A_794 = arith.constant 0 : i32
    %dma_start3A_795 = arith.constant 4 : i32
    %dma_start3A_796 = arith.constant 0 : i32
    %dma_start3A_797 = arith.constant 0 : i32
    %dma_start3A_798 = arith.constant 0 : i32
    %dma_start3A_799 = tpu.memref_slice %arg9[%dma_start3A_796, %dma_start3A_797, %dma_start3A_798] : memref<2x64x128xf32, #tpu.memory_space<vmem>> -> memref<1x64x128xf32, #tpu.memory_space<vmem>>
    %dma_start3A_800 = tpu.memref_squeeze %dma_start3A_799 : memref<1x64x128xf32, #tpu.memory_space<vmem>> -> memref<64x128xf32, #tpu.memory_space<vmem>>
    %dma_start3A_801 = arith.constant 0 : i32
    %dma_start3A_802 = tpu.memref_slice %arg8[%dma_start3A_794, %dma_start3A_795, %dma_start3A_801] : memref<3x8x64xi32, #tpu.memory_space<vmem>> -> memref<1x1x64xi32, #tpu.memory_space<vmem>>
    %dma_start3A_803 = tpu.memref_squeeze %dma_start3A_802 : memref<1x1x64xi32, #tpu.memory_space<vmem>> -> memref<64xi32, #tpu.memory_space<vmem>>
    %dma_start3A_804 = arith.constant 0 : i32
    %dma_start3A_805 = arith.constant 0 : i32
    %dma_start3A_806 = tpu.memref_slice %arg5[%dma_start3A_804, %dma_start3A_805] : memref<1000000x128xf32, #tpu.memory_space<hbm>> -> memref<1000000x128xf32, #tpu.memory_space<hbm>>
    tpu.enqueue_indirect_dma source(%dma_start3A_806 : memref<1000000x128xf32, #tpu.memory_space<hbm>>) target(%dma_start3A_800 : memref<64x128xf32, #tpu.memory_space<vmem>>) offsets(%dma_start3A_803 : memref<64xi32, #tpu.memory_space<vmem>>) semaphore(%arg14 : memref<!tpu.dma_semaphore, #tpu.memory_space<semaphore_mem>>)
    %dma_start3A_807 = arith.constant 1 : i32
    %dma_start3A_808 = arith.constant 4 : i32
    %dma_start3A_809 = arith.constant 0 : i32
    %dma_start3A_810 = arith.constant 0 : i32
    %dma_start3A_811 = arith.constant 0 : i32
    %dma_start3A_812 = tpu.memref_slice %arg10[%dma_start3A_809, %dma_start3A_810, %dma_start3A_811] : memref<2x64x128xf32, #tpu.memory_space<vmem>> -> memref<1x64x128xf32, #tpu.memory_space<vmem>>
    %dma_start3A_813 = tpu.memref_squeeze %dma_start3A_812 : memref<1x64x128xf32, #tpu.memory_space<vmem>> -> memref<64x128xf32, #tpu.memory_space<vmem>>
    %dma_start3A_814 = arith.constant 0 : i32
    %dma_start3A_815 = tpu.memref_slice %arg8[%dma_start3A_807, %dma_start3A_808, %dma_start3A_814] : memref<3x8x64xi32, #tpu.memory_space<vmem>> -> memref<1x1x64xi32, #tpu.memory_space<vmem>>
    %dma_start3A_816 = tpu.memref_squeeze %dma_start3A_815 : memref<1x1x64xi32, #tpu.memory_space<vmem>> -> memref<64xi32, #tpu.memory_space<vmem>>
    %dma_start3A_817 = arith.constant 0 : i32
    %dma_start3A_818 = arith.constant 0 : i32
    %dma_start3A_819 = tpu.memref_slice %arg6[%dma_start3A_817, %dma_start3A_818] : memref<1000x128xf32, #tpu.memory_space<hbm>> -> memref<1000x128xf32, #tpu.memory_space<hbm>>
    tpu.enqueue_indirect_dma source(%dma_start3A_819 : memref<1000x128xf32, #tpu.memory_space<hbm>>) target(%dma_start3A_813 : memref<64x128xf32, #tpu.memory_space<vmem>>) offsets(%dma_start3A_816 : memref<64xi32, #tpu.memory_space<vmem>>) semaphore(%arg14 : memref<!tpu.dma_semaphore, #tpu.memory_space<semaphore_mem>>)
    %dma_start3A_820 = arith.constant 2 : i32
    %dma_start3A_821 = arith.constant 4 : i32
    %dma_start3A_822 = arith.constant 0 : i32
    %dma_start3A_823 = arith.constant 0 : i32
    %dma_start3A_824 = arith.constant 0 : i32
    %dma_start3A_825 = tpu.memref_slice %arg11[%dma_start3A_822, %dma_start3A_823, %dma_start3A_824] : memref<2x64x128xf32, #tpu.memory_space<vmem>> -> memref<1x64x128xf32, #tpu.memory_space<vmem>>
    %dma_start3A_826 = tpu.memref_squeeze %dma_start3A_825 : memref<1x64x128xf32, #tpu.memory_space<vmem>> -> memref<64x128xf32, #tpu.memory_space<vmem>>
    %dma_start3A_827 = arith.constant 0 : i32
    %dma_start3A_828 = tpu.memref_slice %arg8[%dma_start3A_820, %dma_start3A_821, %dma_start3A_827] : memref<3x8x64xi32, #tpu.memory_space<vmem>> -> memref<1x1x64xi32, #tpu.memory_space<vmem>>
    %dma_start3A_829 = tpu.memref_squeeze %dma_start3A_828 : memref<1x1x64xi32, #tpu.memory_space<vmem>> -> memref<64xi32, #tpu.memory_space<vmem>>
    %dma_start3A_830 = arith.constant 0 : i32
    %dma_start3A_831 = arith.constant 0 : i32
    %dma_start3A_832 = tpu.memref_slice %arg5[%dma_start3A_830, %dma_start3A_831] : memref<1000000x128xf32, #tpu.memory_space<hbm>> -> memref<1000000x128xf32, #tpu.memory_space<hbm>>
    tpu.enqueue_indirect_dma source(%dma_start3A_832 : memref<1000000x128xf32, #tpu.memory_space<hbm>>) target(%dma_start3A_826 : memref<64x128xf32, #tpu.memory_space<vmem>>) offsets(%dma_start3A_829 : memref<64xi32, #tpu.memory_space<vmem>>) semaphore(%arg14 : memref<!tpu.dma_semaphore, #tpu.memory_space<semaphore_mem>>)
    %dma_wait3A_833 = arith.constant 0 : i32
    %dma_wait3A_834 = arith.constant 3 : i32
    %dma_wait3A_835 = arith.constant 1 : i32
    %dma_wait3A_836 = arith.constant 0 : i32
    %dma_wait3A_837 = arith.constant 0 : i32
    %dma_wait3A_838 = tpu.memref_slice %arg9[%dma_wait3A_835, %dma_wait3A_836, %dma_wait3A_837] : memref<2x64x128xf32, #tpu.memory_space<vmem>> -> memref<1x64x128xf32, #tpu.memory_space<vmem>>
    %dma_wait3A_839 = tpu.memref_squeeze %dma_wait3A_838 : memref<1x64x128xf32, #tpu.memory_space<vmem>> -> memref<64x128xf32, #tpu.memory_space<vmem>>
    %dma_wait3A_840 = arith.constant 0 : i32
    %dma_wait3A_841 = tpu.memref_slice %arg8[%dma_wait3A_833, %dma_wait3A_834, %dma_wait3A_840] : memref<3x8x64xi32, #tpu.memory_space<vmem>> -> memref<1x1x64xi32, #tpu.memory_space<vmem>>
    %dma_wait3A_842 = tpu.memref_squeeze %dma_wait3A_841 : memref<1x1x64xi32, #tpu.memory_space<vmem>> -> memref<64xi32, #tpu.memory_space<vmem>>
    %dma_wait3A_843 = arith.constant 0 : i32
    %dma_wait3A_844 = arith.constant 0 : i32
    %dma_wait3A_845 = tpu.memref_slice %arg5[%dma_wait3A_843, %dma_wait3A_844] : memref<1000000x128xf32, #tpu.memory_space<hbm>> -> memref<1000000x128xf32, #tpu.memory_space<hbm>>
    tpu.wait_indirect_dma semaphore(%arg15 : memref<!tpu.dma_semaphore, #tpu.memory_space<semaphore_mem>>) src(%dma_wait3A_845 : memref<1000000x128xf32, #tpu.memory_space<hbm>>) dst(%dma_wait3A_839 : memref<64x128xf32, #tpu.memory_space<vmem>>)
    %dma_wait3A_846 = arith.constant 1 : i32
    %dma_wait3A_847 = arith.constant 3 : i32
    %dma_wait3A_848 = arith.constant 1 : i32
    %dma_wait3A_849 = arith.constant 0 : i32
    %dma_wait3A_850 = arith.constant 0 : i32
    %dma_wait3A_851 = tpu.memref_slice %arg10[%dma_wait3A_848, %dma_wait3A_849, %dma_wait3A_850] : memref<2x64x128xf32, #tpu.memory_space<vmem>> -> memref<1x64x128xf32, #tpu.memory_space<vmem>>
    %dma_wait3A_852 = tpu.memref_squeeze %dma_wait3A_851 : memref<1x64x128xf32, #tpu.memory_space<vmem>> -> memref<64x128xf32, #tpu.memory_space<vmem>>
    %dma_wait3A_853 = arith.constant 0 : i32
    %dma_wait3A_854 = tpu.memref_slice %arg8[%dma_wait3A_846, %dma_wait3A_847, %dma_wait3A_853] : memref<3x8x64xi32, #tpu.memory_space<vmem>> -> memref<1x1x64xi32, #tpu.memory_space<vmem>>
    %dma_wait3A_855 = tpu.memref_squeeze %dma_wait3A_854 : memref<1x1x64xi32, #tpu.memory_space<vmem>> -> memref<64xi32, #tpu.memory_space<vmem>>
    %dma_wait3A_856 = arith.constant 0 : i32
    %dma_wait3A_857 = arith.constant 0 : i32
    %dma_wait3A_858 = tpu.memref_slice %arg6[%dma_wait3A_856, %dma_wait3A_857] : memref<1000x128xf32, #tpu.memory_space<hbm>> -> memref<1000x128xf32, #tpu.memory_space<hbm>>
    tpu.wait_indirect_dma semaphore(%arg15 : memref<!tpu.dma_semaphore, #tpu.memory_space<semaphore_mem>>) src(%dma_wait3A_858 : memref<1000x128xf32, #tpu.memory_space<hbm>>) dst(%dma_wait3A_852 : memref<64x128xf32, #tpu.memory_space<vmem>>)
    %dma_wait3A_859 = arith.constant 2 : i32
    %dma_wait3A_860 = arith.constant 3 : i32
    %dma_wait3A_861 = arith.constant 1 : i32
    %dma_wait3A_862 = arith.constant 0 : i32
    %dma_wait3A_863 = arith.constant 0 : i32
    %dma_wait3A_864 = tpu.memref_slice %arg11[%dma_wait3A_861, %dma_wait3A_862, %dma_wait3A_863] : memref<2x64x128xf32, #tpu.memory_space<vmem>> -> memref<1x64x128xf32, #tpu.memory_space<vmem>>
    %dma_wait3A_865 = tpu.memref_squeeze %dma_wait3A_864 : memref<1x64x128xf32, #tpu.memory_space<vmem>> -> memref<64x128xf32, #tpu.memory_space<vmem>>
    %dma_wait3A_866 = arith.constant 0 : i32
    %dma_wait3A_867 = tpu.memref_slice %arg8[%dma_wait3A_859, %dma_wait3A_860, %dma_wait3A_866] : memref<3x8x64xi32, #tpu.memory_space<vmem>> -> memref<1x1x64xi32, #tpu.memory_space<vmem>>
    %dma_wait3A_868 = tpu.memref_squeeze %dma_wait3A_867 : memref<1x1x64xi32, #tpu.memory_space<vmem>> -> memref<64xi32, #tpu.memory_space<vmem>>
    %dma_wait3A_869 = arith.constant 0 : i32
    %dma_wait3A_870 = arith.constant 0 : i32
    %dma_wait3A_871 = tpu.memref_slice %arg5[%dma_wait3A_869, %dma_wait3A_870] : memref<1000000x128xf32, #tpu.memory_space<hbm>> -> memref<1000000x128xf32, #tpu.memory_space<hbm>>
    tpu.wait_indirect_dma semaphore(%arg15 : memref<!tpu.dma_semaphore, #tpu.memory_space<semaphore_mem>>) src(%dma_wait3A_871 : memref<1000000x128xf32, #tpu.memory_space<hbm>>) dst(%dma_wait3A_865 : memref<64x128xf32, #tpu.memory_space<vmem>>)
    %broadcast_in_dim3A_872 = arith.constant 0.000000e+00 : f32
    %broadcast_in_dim3A_873 = vector.broadcast %broadcast_in_dim3A_872 : f32 to vector<16xf32>
    %scan3A_874 = arith.constant 0 : i32
    %scan3A_875 = arith.constant 64 : i32
    %scan3A_876 = arith.addi %scan3A_874, %scan3A_875 : i32
    %scan3A_877 = arith.constant 1 : i32
    %scan3A_878 = scf.for %scan3A_1185 = %scan3A_874 to %scan3A_876 step %scan3A_877 iter_args(%scan3A_1186 = %broadcast_in_dim3A_873) -> (vector<16xf32>)  : i32 {
      %get3A = arith.constant 1 : i32
      %get3A_1187 = arith.index_cast %get3A : i32 to index
      %get3A_1188 = arith.index_cast %scan3A_1185 : i32 to index
      %get3A_1189 = arith.constant 0 : index
      %get3A_1190 = tpu.vector_load %arg9[%get3A_1187, %get3A_1188, %get3A_1189] {strides = array<i32>} : memref<2x64x128xf32, #tpu.memory_space<vmem>>, vector<1x1x16xf32>,
      %get3A_1191 = vector.shape_cast %get3A_1190 : vector<1x1x16xf32> to vector<16xf32>
      %get3A_1192 = arith.constant 1 : i32
      %get3A_1193 = arith.index_cast %get3A_1192 : i32 to index
      %get3A_1194 = arith.index_cast %scan3A_1185 : i32 to index
      %get3A_1195 = arith.constant 0 : index
      %get3A_1196 = tpu.vector_load %arg10[%get3A_1193, %get3A_1194, %get3A_1195] {strides = array<i32>} : memref<2x64x128xf32, #tpu.memory_space<vmem>>, vector<1x1x16xf32>,
      %get3A_1197 = vector.shape_cast %get3A_1196 : vector<1x1x16xf32> to vector<16xf32>
      %mul3A_1198 = arith.mulf %get3A_1191, %get3A_1197 : vector<16xf32>
      %get3A_1199 = arith.constant 1 : i32
      %get3A_1200 = arith.index_cast %get3A_1199 : i32 to index
      %get3A_1201 = arith.index_cast %scan3A_1185 : i32 to index
      %get3A_1202 = arith.constant 0 : index
      %get3A_1203 = tpu.vector_load %arg11[%get3A_1200, %get3A_1201, %get3A_1202] {strides = array<i32>} : memref<2x64x128xf32, #tpu.memory_space<vmem>>, vector<1x1x16xf32>,
      %get3A_1204 = vector.shape_cast %get3A_1203 : vector<1x1x16xf32> to vector<16xf32>
      %mul3A_1205 = arith.mulf %mul3A_1198, %get3A_1204 : vector<16xf32>
      %get3A_1206 = arith.constant 1 : i32
      %get3A_1207 = arith.index_cast %get3A_1206 : i32 to index
      %get3A_1208 = arith.index_cast %scan3A_1185 : i32 to index
      %get3A_1209 = arith.constant 16 : index
      %get3A_1210 = tpu.vector_load %arg9[%get3A_1207, %get3A_1208, %get3A_1209] {strides = array<i32>} : memref<2x64x128xf32, #tpu.memory_space<vmem>>, vector<1x1x16xf32>,
      %get3A_1211 = vector.shape_cast %get3A_1210 : vector<1x1x16xf32> to vector<16xf32>
      %get3A_1212 = arith.constant 1 : i32
      %get3A_1213 = arith.index_cast %get3A_1212 : i32 to index
      %get3A_1214 = arith.index_cast %scan3A_1185 : i32 to index
      %get3A_1215 = arith.constant 16 : index
      %get3A_1216 = tpu.vector_load %arg10[%get3A_1213, %get3A_1214, %get3A_1215] {strides = array<i32>} : memref<2x64x128xf32, #tpu.memory_space<vmem>>, vector<1x1x16xf32>,
      %get3A_1217 = vector.shape_cast %get3A_1216 : vector<1x1x16xf32> to vector<16xf32>
      %mul3A_1218 = arith.mulf %get3A_1211, %get3A_1217 : vector<16xf32>
      %get3A_1219 = arith.constant 1 : i32
      %get3A_1220 = arith.index_cast %get3A_1219 : i32 to index
      %get3A_1221 = arith.index_cast %scan3A_1185 : i32 to index
      %get3A_1222 = arith.constant 16 : index
      %get3A_1223 = tpu.vector_load %arg11[%get3A_1220, %get3A_1221, %get3A_1222] {strides = array<i32>} : memref<2x64x128xf32, #tpu.memory_space<vmem>>, vector<1x1x16xf32>,
      %get3A_1224 = vector.shape_cast %get3A_1223 : vector<1x1x16xf32> to vector<16xf32>
      %mul3A_1225 = arith.mulf %mul3A_1218, %get3A_1224 : vector<16xf32>
      %add3A_1226 = arith.addf %mul3A_1205, %mul3A_1225 : vector<16xf32>
      %get3A_1227 = arith.constant 1 : i32
      %get3A_1228 = arith.index_cast %get3A_1227 : i32 to index
      %get3A_1229 = arith.index_cast %scan3A_1185 : i32 to index
      %get3A_1230 = arith.constant 32 : index
      %get3A_1231 = tpu.vector_load %arg9[%get3A_1228, %get3A_1229, %get3A_1230] {strides = array<i32>} : memref<2x64x128xf32, #tpu.memory_space<vmem>>, vector<1x1x16xf32>,
      %get3A_1232 = vector.shape_cast %get3A_1231 : vector<1x1x16xf32> to vector<16xf32>
      %get3A_1233 = arith.constant 1 : i32
      %get3A_1234 = arith.index_cast %get3A_1233 : i32 to index
      %get3A_1235 = arith.index_cast %scan3A_1185 : i32 to index
      %get3A_1236 = arith.constant 32 : index
      %get3A_1237 = tpu.vector_load %arg10[%get3A_1234, %get3A_1235, %get3A_1236] {strides = array<i32>} : memref<2x64x128xf32, #tpu.memory_space<vmem>>, vector<1x1x16xf32>,
      %get3A_1238 = vector.shape_cast %get3A_1237 : vector<1x1x16xf32> to vector<16xf32>
      %mul3A_1239 = arith.mulf %get3A_1232, %get3A_1238 : vector<16xf32>
      %get3A_1240 = arith.constant 1 : i32
      %get3A_1241 = arith.index_cast %get3A_1240 : i32 to index
      %get3A_1242 = arith.index_cast %scan3A_1185 : i32 to index
      %get3A_1243 = arith.constant 32 : index
      %get3A_1244 = tpu.vector_load %arg11[%get3A_1241, %get3A_1242, %get3A_1243] {strides = array<i32>} : memref<2x64x128xf32, #tpu.memory_space<vmem>>, vector<1x1x16xf32>,
      %get3A_1245 = vector.shape_cast %get3A_1244 : vector<1x1x16xf32> to vector<16xf32>
      %mul3A_1246 = arith.mulf %mul3A_1239, %get3A_1245 : vector<16xf32>
      %add3A_1247 = arith.addf %add3A_1226, %mul3A_1246 : vector<16xf32>
      %get3A_1248 = arith.constant 1 : i32
      %get3A_1249 = arith.index_cast %get3A_1248 : i32 to index
      %get3A_1250 = arith.index_cast %scan3A_1185 : i32 to index
      %get3A_1251 = arith.constant 48 : index
      %get3A_1252 = tpu.vector_load %arg9[%get3A_1249, %get3A_1250, %get3A_1251] {strides = array<i32>} : memref<2x64x128xf32, #tpu.memory_space<vmem>>, vector<1x1x16xf32>,
      %get3A_1253 = vector.shape_cast %get3A_1252 : vector<1x1x16xf32> to vector<16xf32>
      %get3A_1254 = arith.constant 1 : i32
      %get3A_1255 = arith.index_cast %get3A_1254 : i32 to index
      %get3A_1256 = arith.index_cast %scan3A_1185 : i32 to index
      %get3A_1257 = arith.constant 48 : index
      %get3A_1258 = tpu.vector_load %arg10[%get3A_1255, %get3A_1256, %get3A_1257] {strides = array<i32>} : memref<2x64x128xf32, #tpu.memory_space<vmem>>, vector<1x1x16xf32>,
      %get3A_1259 = vector.shape_cast %get3A_1258 : vector<1x1x16xf32> to vector<16xf32>
      %mul3A_1260 = arith.mulf %get3A_1253, %get3A_1259 : vector<16xf32>
      %get3A_1261 = arith.constant 1 : i32
      %get3A_1262 = arith.index_cast %get3A_1261 : i32 to index
      %get3A_1263 = arith.index_cast %scan3A_1185 : i32 to index
      %get3A_1264 = arith.constant 48 : index
      %get3A_1265 = tpu.vector_load %arg11[%get3A_1262, %get3A_1263, %get3A_1264] {strides = array<i32>} : memref<2x64x128xf32, #tpu.memory_space<vmem>>, vector<1x1x16xf32>,
      %get3A_1266 = vector.shape_cast %get3A_1265 : vector<1x1x16xf32> to vector<16xf32>
      %mul3A_1267 = arith.mulf %mul3A_1260, %get3A_1266 : vector<16xf32>
      %add3A_1268 = arith.addf %add3A_1247, %mul3A_1267 : vector<16xf32>
      %get3A_1269 = arith.constant 1 : i32
      %get3A_1270 = arith.index_cast %get3A_1269 : i32 to index
      %get3A_1271 = arith.index_cast %scan3A_1185 : i32 to index
      %get3A_1272 = arith.constant 64 : index
      %get3A_1273 = tpu.vector_load %arg9[%get3A_1270, %get3A_1271, %get3A_1272] {strides = array<i32>} : memref<2x64x128xf32, #tpu.memory_space<vmem>>, vector<1x1x16xf32>,
      %get3A_1274 = vector.shape_cast %get3A_1273 : vector<1x1x16xf32> to vector<16xf32>
      %get3A_1275 = arith.constant 1 : i32
      %get3A_1276 = arith.index_cast %get3A_1275 : i32 to index
      %get3A_1277 = arith.index_cast %scan3A_1185 : i32 to index
      %get3A_1278 = arith.constant 64 : index
      %get3A_1279 = tpu.vector_load %arg10[%get3A_1276, %get3A_1277, %get3A_1278] {strides = array<i32>} : memref<2x64x128xf32, #tpu.memory_space<vmem>>, vector<1x1x16xf32>,
      %get3A_1280 = vector.shape_cast %get3A_1279 : vector<1x1x16xf32> to vector<16xf32>
      %mul3A_1281 = arith.mulf %get3A_1274, %get3A_1280 : vector<16xf32>
      %get3A_1282 = arith.constant 1 : i32
      %get3A_1283 = arith.index_cast %get3A_1282 : i32 to index
      %get3A_1284 = arith.index_cast %scan3A_1185 : i32 to index
      %get3A_1285 = arith.constant 64 : index
      %get3A_1286 = tpu.vector_load %arg11[%get3A_1283, %get3A_1284, %get3A_1285] {strides = array<i32>} : memref<2x64x128xf32, #tpu.memory_space<vmem>>, vector<1x1x16xf32>,
      %get3A_1287 = vector.shape_cast %get3A_1286 : vector<1x1x16xf32> to vector<16xf32>
      %mul3A_1288 = arith.mulf %mul3A_1281, %get3A_1287 : vector<16xf32>
      %add3A_1289 = arith.addf %add3A_1268, %mul3A_1288 : vector<16xf32>
      %get3A_1290 = arith.constant 1 : i32
      %get3A_1291 = arith.index_cast %get3A_1290 : i32 to index
      %get3A_1292 = arith.index_cast %scan3A_1185 : i32 to index
      %get3A_1293 = arith.constant 80 : index
      %get3A_1294 = tpu.vector_load %arg9[%get3A_1291, %get3A_1292, %get3A_1293] {strides = array<i32>} : memref<2x64x128xf32, #tpu.memory_space<vmem>>, vector<1x1x16xf32>,
      %get3A_1295 = vector.shape_cast %get3A_1294 : vector<1x1x16xf32> to vector<16xf32>
      %get3A_1296 = arith.constant 1 : i32
      %get3A_1297 = arith.index_cast %get3A_1296 : i32 to index
      %get3A_1298 = arith.index_cast %scan3A_1185 : i32 to index
      %get3A_1299 = arith.constant 80 : index
      %get3A_1300 = tpu.vector_load %arg10[%get3A_1297, %get3A_1298, %get3A_1299] {strides = array<i32>} : memref<2x64x128xf32, #tpu.memory_space<vmem>>, vector<1x1x16xf32>,
      %get3A_1301 = vector.shape_cast %get3A_1300 : vector<1x1x16xf32> to vector<16xf32>
      %mul3A_1302 = arith.mulf %get3A_1295, %get3A_1301 : vector<16xf32>
      %get3A_1303 = arith.constant 1 : i32
      %get3A_1304 = arith.index_cast %get3A_1303 : i32 to index
      %get3A_1305 = arith.index_cast %scan3A_1185 : i32 to index
      %get3A_1306 = arith.constant 80 : index
      %get3A_1307 = tpu.vector_load %arg11[%get3A_1304, %get3A_1305, %get3A_1306] {strides = array<i32>} : memref<2x64x128xf32, #tpu.memory_space<vmem>>, vector<1x1x16xf32>,
      %get3A_1308 = vector.shape_cast %get3A_1307 : vector<1x1x16xf32> to vector<16xf32>
      %mul3A_1309 = arith.mulf %mul3A_1302, %get3A_1308 : vector<16xf32>
      %add3A_1310 = arith.addf %add3A_1289, %mul3A_1309 : vector<16xf32>
      %get3A_1311 = arith.constant 1 : i32
      %get3A_1312 = arith.index_cast %get3A_1311 : i32 to index
      %get3A_1313 = arith.index_cast %scan3A_1185 : i32 to index
      %get3A_1314 = arith.constant 96 : index
      %get3A_1315 = tpu.vector_load %arg9[%get3A_1312, %get3A_1313, %get3A_1314] {strides = array<i32>} : memref<2x64x128xf32, #tpu.memory_space<vmem>>, vector<1x1x16xf32>,
      %get3A_1316 = vector.shape_cast %get3A_1315 : vector<1x1x16xf32> to vector<16xf32>
      %get3A_1317 = arith.constant 1 : i32
      %get3A_1318 = arith.index_cast %get3A_1317 : i32 to index
      %get3A_1319 = arith.index_cast %scan3A_1185 : i32 to index
      %get3A_1320 = arith.constant 96 : index
      %get3A_1321 = tpu.vector_load %arg10[%get3A_1318, %get3A_1319, %get3A_1320] {strides = array<i32>} : memref<2x64x128xf32, #tpu.memory_space<vmem>>, vector<1x1x16xf32>,
      %get3A_1322 = vector.shape_cast %get3A_1321 : vector<1x1x16xf32> to vector<16xf32>
      %mul3A_1323 = arith.mulf %get3A_1316, %get3A_1322 : vector<16xf32>
      %get3A_1324 = arith.constant 1 : i32
      %get3A_1325 = arith.index_cast %get3A_1324 : i32 to index
      %get3A_1326 = arith.index_cast %scan3A_1185 : i32 to index
      %get3A_1327 = arith.constant 96 : index
      %get3A_1328 = tpu.vector_load %arg11[%get3A_1325, %get3A_1326, %get3A_1327] {strides = array<i32>} : memref<2x64x128xf32, #tpu.memory_space<vmem>>, vector<1x1x16xf32>,
      %get3A_1329 = vector.shape_cast %get3A_1328 : vector<1x1x16xf32> to vector<16xf32>
      %mul3A_1330 = arith.mulf %mul3A_1323, %get3A_1329 : vector<16xf32>
      %add3A_1331 = arith.addf %add3A_1310, %mul3A_1330 : vector<16xf32>
      %get3A_1332 = arith.constant 1 : i32
      %get3A_1333 = arith.index_cast %get3A_1332 : i32 to index
      %get3A_1334 = arith.index_cast %scan3A_1185 : i32 to index
      %get3A_1335 = arith.constant 112 : index
      %get3A_1336 = tpu.vector_load %arg9[%get3A_1333, %get3A_1334, %get3A_1335] {strides = array<i32>} : memref<2x64x128xf32, #tpu.memory_space<vmem>>, vector<1x1x16xf32>,
      %get3A_1337 = vector.shape_cast %get3A_1336 : vector<1x1x16xf32> to vector<16xf32>
      %get3A_1338 = arith.constant 1 : i32
      %get3A_1339 = arith.index_cast %get3A_1338 : i32 to index
      %get3A_1340 = arith.index_cast %scan3A_1185 : i32 to index
      %get3A_1341 = arith.constant 112 : index
      %get3A_1342 = tpu.vector_load %arg10[%get3A_1339, %get3A_1340, %get3A_1341] {strides = array<i32>} : memref<2x64x128xf32, #tpu.memory_space<vmem>>, vector<1x1x16xf32>,
      %get3A_1343 = vector.shape_cast %get3A_1342 : vector<1x1x16xf32> to vector<16xf32>
      %mul3A_1344 = arith.mulf %get3A_1337, %get3A_1343 : vector<16xf32>
      %get3A_1345 = arith.constant 1 : i32
      %get3A_1346 = arith.index_cast %get3A_1345 : i32 to index
      %get3A_1347 = arith.index_cast %scan3A_1185 : i32 to index
      %get3A_1348 = arith.constant 112 : index
      %get3A_1349 = tpu.vector_load %arg11[%get3A_1346, %get3A_1347, %get3A_1348] {strides = array<i32>} : memref<2x64x128xf32, #tpu.memory_space<vmem>>, vector<1x1x16xf32>,
      %get3A_1350 = vector.shape_cast %get3A_1349 : vector<1x1x16xf32> to vector<16xf32>
      %mul3A_1351 = arith.mulf %mul3A_1344, %get3A_1350 : vector<16xf32>
      %add3A_1352 = arith.addf %add3A_1331, %mul3A_1351 : vector<16xf32>
      %xor3A = arith.constant 8 : i32
      %xor3A_1353 = vector.broadcast %xor3A : i32 to vector<16xi32>
      %xor3A_1354 = arith.xori %iota3A, %xor3A_1353 : vector<16xi32>
      %broadcast_in_dim3A_1355 = vector.shape_cast %xor3A_1354 : vector<16xi32> to vector<16x1xi32>
      %gather3A = vector.shape_cast %broadcast_in_dim3A_1355 : vector<16x1xi32> to vector<16xi32>
      %gather3A_1356 = tpu.dynamic_gather %add3A_1352[%gather3A] in [0] : vector<16xf32>, vector<16xi32> -> vector<16xf32>
      %add3A_1357 = arith.addf %add3A_1352, %gather3A_1356 : vector<16xf32>
      %xor3A_1358 = arith.constant 4 : i32
      %xor3A_1359 = vector.broadcast %xor3A_1358 : i32 to vector<16xi32>
      %xor3A_1360 = arith.xori %iota3A, %xor3A_1359 : vector<16xi32>
      %broadcast_in_dim3A_1361 = vector.shape_cast %xor3A_1360 : vector<16xi32> to vector<16x1xi32>
      %gather3A_1362 = vector.shape_cast %broadcast_in_dim3A_1361 : vector<16x1xi32> to vector<16xi32>
      %gather3A_1363 = tpu.dynamic_gather %add3A_1357[%gather3A_1362] in [0] : vector<16xf32>, vector<16xi32> -> vector<16xf32>
      %add3A_1364 = arith.addf %add3A_1357, %gather3A_1363 : vector<16xf32>
      %xor3A_1365 = arith.constant 2 : i32
      %xor3A_1366 = vector.broadcast %xor3A_1365 : i32 to vector<16xi32>
      %xor3A_1367 = arith.xori %iota3A, %xor3A_1366 : vector<16xi32>
      %broadcast_in_dim3A_1368 = vector.shape_cast %xor3A_1367 : vector<16xi32> to vector<16x1xi32>
      %gather3A_1369 = vector.shape_cast %broadcast_in_dim3A_1368 : vector<16x1xi32> to vector<16xi32>
      %gather3A_1370 = tpu.dynamic_gather %add3A_1364[%gather3A_1369] in [0] : vector<16xf32>, vector<16xi32> -> vector<16xf32>
      %add3A_1371 = arith.addf %add3A_1364, %gather3A_1370 : vector<16xf32>
      %xor3A_1372 = arith.constant 1 : i32
      %xor3A_1373 = vector.broadcast %xor3A_1372 : i32 to vector<16xi32>
      %xor3A_1374 = arith.xori %iota3A, %xor3A_1373 : vector<16xi32>
      %broadcast_in_dim3A_1375 = vector.shape_cast %xor3A_1374 : vector<16xi32> to vector<16x1xi32>
      %gather3A_1376 = vector.shape_cast %broadcast_in_dim3A_1375 : vector<16x1xi32> to vector<16xi32>
      %gather3A_1377 = tpu.dynamic_gather %add3A_1371[%gather3A_1376] in [0] : vector<16xf32>, vector<16xi32> -> vector<16xf32>
      %add3A_1378 = arith.addf %add3A_1371, %gather3A_1377 : vector<16xf32>
      %and3A = arith.constant 15 : i32
      %and3A_1379 = arith.andi %scan3A_1185, %and3A : i32
      %eq3A_1380 = vector.broadcast %and3A_1379 : i32 to vector<16xi32>
      %eq3A_1381 = arith.cmpi eq, %iota3A, %eq3A_1380 : vector<16xi32>
      %select_n3A = arith.select %eq3A_1381, %add3A_1378, %scan3A_1186 : vector<16xi1>, vector<16xf32>
      %and3A_1382 = arith.constant 15 : i32
      %and3A_1383 = arith.andi %scan3A_1185, %and3A_1382 : i32
      %eq3A_1384 = arith.constant 15 : i32
      %eq3A_1385 = arith.cmpi eq, %and3A_1383, %eq3A_1384 : i32
      %convert_element_type3A = arith.extui %eq3A_1385 : i1 to i32
      %cond3A = arith.constant 0 : i32
      %cond3A_1386 = arith.cmpi ne, %convert_element_type3A, %cond3A : i32
      scf.if %cond3A_1386 {
        %add3A_1387 = arith.constant 192 : i32
        %add3A_1388 = arith.addi %add3A_1387, %scan3A_1185 : i32
        %sub3A = arith.constant 15 : i32
        %sub3A_1389 = arith.subi %add3A_1388, %sub3A : i32
        %swap3A = arith.index_cast %sub3A_1389 : i32 to index
        %swap3A_1390 = tpu.vector_load %arg12[%swap3A] {strides = array<i32>} : memref<512xf32, #tpu.memory_space<vmem>>, vector<16xf32>,
        %swap3A_1391 = vector.shape_cast %swap3A_1390 : vector<16xf32> to vector<16xf32>
        %swap3A_1392 = vector.shape_cast %select_n3A : vector<16xf32> to vector<16xf32>
        tpu.vector_store %arg12[%swap3A], %swap3A_1392 {strides = array<i32>} : memref<512xf32, #tpu.memory_space<vmem>>, vector<16xf32>,
      } else {
      }
      scf.yield %select_n3A : vector<16xf32>
    }
    %scan3A_879 = arith.constant 64 : i32
    %dma_start3A_880 = arith.constant 0 : i32
    %dma_start3A_881 = arith.constant 5 : i32
    %dma_start3A_882 = arith.constant 1 : i32
    %dma_start3A_883 = arith.constant 0 : i32
    %dma_start3A_884 = arith.constant 0 : i32
    %dma_start3A_885 = tpu.memref_slice %arg9[%dma_start3A_882, %dma_start3A_883, %dma_start3A_884] : memref<2x64x128xf32, #tpu.memory_space<vmem>> -> memref<1x64x128xf32, #tpu.memory_space<vmem>>
    %dma_start3A_886 = tpu.memref_squeeze %dma_start3A_885 : memref<1x64x128xf32, #tpu.memory_space<vmem>> -> memref<64x128xf32, #tpu.memory_space<vmem>>
    %dma_start3A_887 = arith.constant 0 : i32
    %dma_start3A_888 = tpu.memref_slice %arg8[%dma_start3A_880, %dma_start3A_881, %dma_start3A_887] : memref<3x8x64xi32, #tpu.memory_space<vmem>> -> memref<1x1x64xi32, #tpu.memory_space<vmem>>
    %dma_start3A_889 = tpu.memref_squeeze %dma_start3A_888 : memref<1x1x64xi32, #tpu.memory_space<vmem>> -> memref<64xi32, #tpu.memory_space<vmem>>
    %dma_start3A_890 = arith.constant 0 : i32
    %dma_start3A_891 = arith.constant 0 : i32
    %dma_start3A_892 = tpu.memref_slice %arg5[%dma_start3A_890, %dma_start3A_891] : memref<1000000x128xf32, #tpu.memory_space<hbm>> -> memref<1000000x128xf32, #tpu.memory_space<hbm>>
    tpu.enqueue_indirect_dma source(%dma_start3A_892 : memref<1000000x128xf32, #tpu.memory_space<hbm>>) target(%dma_start3A_886 : memref<64x128xf32, #tpu.memory_space<vmem>>) offsets(%dma_start3A_889 : memref<64xi32, #tpu.memory_space<vmem>>) semaphore(%arg15 : memref<!tpu.dma_semaphore, #tpu.memory_space<semaphore_mem>>)
    %dma_start3A_893 = arith.constant 1 : i32
    %dma_start3A_894 = arith.constant 5 : i32
    %dma_start3A_895 = arith.constant 1 : i32
    %dma_start3A_896 = arith.constant 0 : i32
    %dma_start3A_897 = arith.constant 0 : i32
    %dma_start3A_898 = tpu.memref_slice %arg10[%dma_start3A_895, %dma_start3A_896, %dma_start3A_897] : memref<2x64x128xf32, #tpu.memory_space<vmem>> -> memref<1x64x128xf32, #tpu.memory_space<vmem>>
    %dma_start3A_899 = tpu.memref_squeeze %dma_start3A_898 : memref<1x64x128xf32, #tpu.memory_space<vmem>> -> memref<64x128xf32, #tpu.memory_space<vmem>>
    %dma_start3A_900 = arith.constant 0 : i32
    %dma_start3A_901 = tpu.memref_slice %arg8[%dma_start3A_893, %dma_start3A_894, %dma_start3A_900] : memref<3x8x64xi32, #tpu.memory_space<vmem>> -> memref<1x1x64xi32, #tpu.memory_space<vmem>>
    %dma_start3A_902 = tpu.memref_squeeze %dma_start3A_901 : memref<1x1x64xi32, #tpu.memory_space<vmem>> -> memref<64xi32, #tpu.memory_space<vmem>>
    %dma_start3A_903 = arith.constant 0 : i32
    %dma_start3A_904 = arith.constant 0 : i32
    %dma_start3A_905 = tpu.memref_slice %arg6[%dma_start3A_903, %dma_start3A_904] : memref<1000x128xf32, #tpu.memory_space<hbm>> -> memref<1000x128xf32, #tpu.memory_space<hbm>>
    tpu.enqueue_indirect_dma source(%dma_start3A_905 : memref<1000x128xf32, #tpu.memory_space<hbm>>) target(%dma_start3A_899 : memref<64x128xf32, #tpu.memory_space<vmem>>) offsets(%dma_start3A_902 : memref<64xi32, #tpu.memory_space<vmem>>) semaphore(%arg15 : memref<!tpu.dma_semaphore, #tpu.memory_space<semaphore_mem>>)
    %dma_start3A_906 = arith.constant 2 : i32
    %dma_start3A_907 = arith.constant 5 : i32
    %dma_start3A_908 = arith.constant 1 : i32
    %dma_start3A_909 = arith.constant 0 : i32
    %dma_start3A_910 = arith.constant 0 : i32
    %dma_start3A_911 = tpu.memref_slice %arg11[%dma_start3A_908, %dma_start3A_909, %dma_start3A_910] : memref<2x64x128xf32, #tpu.memory_space<vmem>> -> memref<1x64x128xf32, #tpu.memory_space<vmem>>
    %dma_start3A_912 = tpu.memref_squeeze %dma_start3A_911 : memref<1x64x128xf32, #tpu.memory_space<vmem>> -> memref<64x128xf32, #tpu.memory_space<vmem>>
    %dma_start3A_913 = arith.constant 0 : i32
    %dma_start3A_914 = tpu.memref_slice %arg8[%dma_start3A_906, %dma_start3A_907, %dma_start3A_913] : memref<3x8x64xi32, #tpu.memory_space<vmem>> -> memref<1x1x64xi32, #tpu.memory_space<vmem>>
    %dma_start3A_915 = tpu.memref_squeeze %dma_start3A_914 : memref<1x1x64xi32, #tpu.memory_space<vmem>> -> memref<64xi32, #tpu.memory_space<vmem>>
    %dma_start3A_916 = arith.constant 0 : i32
    %dma_start3A_917 = arith.constant 0 : i32
    %dma_start3A_918 = tpu.memref_slice %arg5[%dma_start3A_916, %dma_start3A_917] : memref<1000000x128xf32, #tpu.memory_space<hbm>> -> memref<1000000x128xf32, #tpu.memory_space<hbm>>
    tpu.enqueue_indirect_dma source(%dma_start3A_918 : memref<1000000x128xf32, #tpu.memory_space<hbm>>) target(%dma_start3A_912 : memref<64x128xf32, #tpu.memory_space<vmem>>) offsets(%dma_start3A_915 : memref<64xi32, #tpu.memory_space<vmem>>) semaphore(%arg15 : memref<!tpu.dma_semaphore, #tpu.memory_space<semaphore_mem>>)
    %dma_wait3A_919 = arith.constant 0 : i32
    %dma_wait3A_920 = arith.constant 4 : i32
    %dma_wait3A_921 = arith.constant 0 : i32
    %dma_wait3A_922 = arith.constant 0 : i32
    %dma_wait3A_923 = arith.constant 0 : i32
    %dma_wait3A_924 = tpu.memref_slice %arg9[%dma_wait3A_921, %dma_wait3A_922, %dma_wait3A_923] : memref<2x64x128xf32, #tpu.memory_space<vmem>> -> memref<1x64x128xf32, #tpu.memory_space<vmem>>
    %dma_wait3A_925 = tpu.memref_squeeze %dma_wait3A_924 : memref<1x64x128xf32, #tpu.memory_space<vmem>> -> memref<64x128xf32, #tpu.memory_space<vmem>>
    %dma_wait3A_926 = arith.constant 0 : i32
    %dma_wait3A_927 = tpu.memref_slice %arg8[%dma_wait3A_919, %dma_wait3A_920, %dma_wait3A_926] : memref<3x8x64xi32, #tpu.memory_space<vmem>> -> memref<1x1x64xi32, #tpu.memory_space<vmem>>
    %dma_wait3A_928 = tpu.memref_squeeze %dma_wait3A_927 : memref<1x1x64xi32, #tpu.memory_space<vmem>> -> memref<64xi32, #tpu.memory_space<vmem>>
    %dma_wait3A_929 = arith.constant 0 : i32
    %dma_wait3A_930 = arith.constant 0 : i32
    %dma_wait3A_931 = tpu.memref_slice %arg5[%dma_wait3A_929, %dma_wait3A_930] : memref<1000000x128xf32, #tpu.memory_space<hbm>> -> memref<1000000x128xf32, #tpu.memory_space<hbm>>
    tpu.wait_indirect_dma semaphore(%arg14 : memref<!tpu.dma_semaphore, #tpu.memory_space<semaphore_mem>>) src(%dma_wait3A_931 : memref<1000000x128xf32, #tpu.memory_space<hbm>>) dst(%dma_wait3A_925 : memref<64x128xf32, #tpu.memory_space<vmem>>)
    %dma_wait3A_932 = arith.constant 1 : i32
    %dma_wait3A_933 = arith.constant 4 : i32
    %dma_wait3A_934 = arith.constant 0 : i32
    %dma_wait3A_935 = arith.constant 0 : i32
    %dma_wait3A_936 = arith.constant 0 : i32
    %dma_wait3A_937 = tpu.memref_slice %arg10[%dma_wait3A_934, %dma_wait3A_935, %dma_wait3A_936] : memref<2x64x128xf32, #tpu.memory_space<vmem>> -> memref<1x64x128xf32, #tpu.memory_space<vmem>>
    %dma_wait3A_938 = tpu.memref_squeeze %dma_wait3A_937 : memref<1x64x128xf32, #tpu.memory_space<vmem>> -> memref<64x128xf32, #tpu.memory_space<vmem>>
    %dma_wait3A_939 = arith.constant 0 : i32
    %dma_wait3A_940 = tpu.memref_slice %arg8[%dma_wait3A_932, %dma_wait3A_933, %dma_wait3A_939] : memref<3x8x64xi32, #tpu.memory_space<vmem>> -> memref<1x1x64xi32, #tpu.memory_space<vmem>>
    %dma_wait3A_941 = tpu.memref_squeeze %dma_wait3A_940 : memref<1x1x64xi32, #tpu.memory_space<vmem>> -> memref<64xi32, #tpu.memory_space<vmem>>
    %dma_wait3A_942 = arith.constant 0 : i32
    %dma_wait3A_943 = arith.constant 0 : i32
    %dma_wait3A_944 = tpu.memref_slice %arg6[%dma_wait3A_942, %dma_wait3A_943] : memref<1000x128xf32, #tpu.memory_space<hbm>> -> memref<1000x128xf32, #tpu.memory_space<hbm>>
    tpu.wait_indirect_dma semaphore(%arg14 : memref<!tpu.dma_semaphore, #tpu.memory_space<semaphore_mem>>) src(%dma_wait3A_944 : memref<1000x128xf32, #tpu.memory_space<hbm>>) dst(%dma_wait3A_938 : memref<64x128xf32, #tpu.memory_space<vmem>>)
    %dma_wait3A_945 = arith.constant 2 : i32
    %dma_wait3A_946 = arith.constant 4 : i32
    %dma_wait3A_947 = arith.constant 0 : i32
    %dma_wait3A_948 = arith.constant 0 : i32
    %dma_wait3A_949 = arith.constant 0 : i32
    %dma_wait3A_950 = tpu.memref_slice %arg11[%dma_wait3A_947, %dma_wait3A_948, %dma_wait3A_949] : memref<2x64x128xf32, #tpu.memory_space<vmem>> -> memref<1x64x128xf32, #tpu.memory_space<vmem>>
    %dma_wait3A_951 = tpu.memref_squeeze %dma_wait3A_950 : memref<1x64x128xf32, #tpu.memory_space<vmem>> -> memref<64x128xf32, #tpu.memory_space<vmem>>
    %dma_wait3A_952 = arith.constant 0 : i32
    %dma_wait3A_953 = tpu.memref_slice %arg8[%dma_wait3A_945, %dma_wait3A_946, %dma_wait3A_952] : memref<3x8x64xi32, #tpu.memory_space<vmem>> -> memref<1x1x64xi32, #tpu.memory_space<vmem>>
    %dma_wait3A_954 = tpu.memref_squeeze %dma_wait3A_953 : memref<1x1x64xi32, #tpu.memory_space<vmem>> -> memref<64xi32, #tpu.memory_space<vmem>>
    %dma_wait3A_955 = arith.constant 0 : i32
    %dma_wait3A_956 = arith.constant 0 : i32
    %dma_wait3A_957 = tpu.memref_slice %arg5[%dma_wait3A_955, %dma_wait3A_956] : memref<1000000x128xf32, #tpu.memory_space<hbm>> -> memref<1000000x128xf32, #tpu.memory_space<hbm>>
    tpu.wait_indirect_dma semaphore(%arg14 : memref<!tpu.dma_semaphore, #tpu.memory_space<semaphore_mem>>) src(%dma_wait3A_957 : memref<1000000x128xf32, #tpu.memory_space<hbm>>) dst(%dma_wait3A_951 : memref<64x128xf32, #tpu.memory_space<vmem>>)
    %broadcast_in_dim3A_958 = arith.constant 0.000000e+00 : f32
    %broadcast_in_dim3A_959 = vector.broadcast %broadcast_in_dim3A_958 : f32 to vector<16xf32>
    %scan3A_960 = arith.constant 0 : i32
    %scan3A_961 = arith.constant 64 : i32
    %scan3A_962 = arith.addi %scan3A_960, %scan3A_961 : i32
    %scan3A_963 = arith.constant 1 : i32
    %scan3A_964 = scf.for %scan3A_1185 = %scan3A_960 to %scan3A_962 step %scan3A_963 iter_args(%scan3A_1186 = %broadcast_in_dim3A_959) -> (vector<16xf32>)  : i32 {
      %get3A = arith.constant 0 : i32
      %get3A_1187 = arith.index_cast %get3A : i32 to index
      %get3A_1188 = arith.index_cast %scan3A_1185 : i32 to index
      %get3A_1189 = arith.constant 0 : index
      %get3A_1190 = tpu.vector_load %arg9[%get3A_1187, %get3A_1188, %get3A_1189] {strides = array<i32>} : memref<2x64x128xf32, #tpu.memory_space<vmem>>, vector<1x1x16xf32>,
      %get3A_1191 = vector.shape_cast %get3A_1190 : vector<1x1x16xf32> to vector<16xf32>
      %get3A_1192 = arith.constant 0 : i32
      %get3A_1193 = arith.index_cast %get3A_1192 : i32 to index
      %get3A_1194 = arith.index_cast %scan3A_1185 : i32 to index
      %get3A_1195 = arith.constant 0 : index
      %get3A_1196 = tpu.vector_load %arg10[%get3A_1193, %get3A_1194, %get3A_1195] {strides = array<i32>} : memref<2x64x128xf32, #tpu.memory_space<vmem>>, vector<1x1x16xf32>,
      %get3A_1197 = vector.shape_cast %get3A_1196 : vector<1x1x16xf32> to vector<16xf32>
      %mul3A_1198 = arith.mulf %get3A_1191, %get3A_1197 : vector<16xf32>
      %get3A_1199 = arith.constant 0 : i32
      %get3A_1200 = arith.index_cast %get3A_1199 : i32 to index
      %get3A_1201 = arith.index_cast %scan3A_1185 : i32 to index
      %get3A_1202 = arith.constant 0 : index
      %get3A_1203 = tpu.vector_load %arg11[%get3A_1200, %get3A_1201, %get3A_1202] {strides = array<i32>} : memref<2x64x128xf32, #tpu.memory_space<vmem>>, vector<1x1x16xf32>,
      %get3A_1204 = vector.shape_cast %get3A_1203 : vector<1x1x16xf32> to vector<16xf32>
      %mul3A_1205 = arith.mulf %mul3A_1198, %get3A_1204 : vector<16xf32>
      %get3A_1206 = arith.constant 0 : i32
      %get3A_1207 = arith.index_cast %get3A_1206 : i32 to index
      %get3A_1208 = arith.index_cast %scan3A_1185 : i32 to index
      %get3A_1209 = arith.constant 16 : index
      %get3A_1210 = tpu.vector_load %arg9[%get3A_1207, %get3A_1208, %get3A_1209] {strides = array<i32>} : memref<2x64x128xf32, #tpu.memory_space<vmem>>, vector<1x1x16xf32>,
      %get3A_1211 = vector.shape_cast %get3A_1210 : vector<1x1x16xf32> to vector<16xf32>
      %get3A_1212 = arith.constant 0 : i32
      %get3A_1213 = arith.index_cast %get3A_1212 : i32 to index
      %get3A_1214 = arith.index_cast %scan3A_1185 : i32 to index
      %get3A_1215 = arith.constant 16 : index
      %get3A_1216 = tpu.vector_load %arg10[%get3A_1213, %get3A_1214, %get3A_1215] {strides = array<i32>} : memref<2x64x128xf32, #tpu.memory_space<vmem>>, vector<1x1x16xf32>,
      %get3A_1217 = vector.shape_cast %get3A_1216 : vector<1x1x16xf32> to vector<16xf32>
      %mul3A_1218 = arith.mulf %get3A_1211, %get3A_1217 : vector<16xf32>
      %get3A_1219 = arith.constant 0 : i32
      %get3A_1220 = arith.index_cast %get3A_1219 : i32 to index
      %get3A_1221 = arith.index_cast %scan3A_1185 : i32 to index
      %get3A_1222 = arith.constant 16 : index
      %get3A_1223 = tpu.vector_load %arg11[%get3A_1220, %get3A_1221, %get3A_1222] {strides = array<i32>} : memref<2x64x128xf32, #tpu.memory_space<vmem>>, vector<1x1x16xf32>,
      %get3A_1224 = vector.shape_cast %get3A_1223 : vector<1x1x16xf32> to vector<16xf32>
      %mul3A_1225 = arith.mulf %mul3A_1218, %get3A_1224 : vector<16xf32>
      %add3A_1226 = arith.addf %mul3A_1205, %mul3A_1225 : vector<16xf32>
      %get3A_1227 = arith.constant 0 : i32
      %get3A_1228 = arith.index_cast %get3A_1227 : i32 to index
      %get3A_1229 = arith.index_cast %scan3A_1185 : i32 to index
      %get3A_1230 = arith.constant 32 : index
      %get3A_1231 = tpu.vector_load %arg9[%get3A_1228, %get3A_1229, %get3A_1230] {strides = array<i32>} : memref<2x64x128xf32, #tpu.memory_space<vmem>>, vector<1x1x16xf32>,
      %get3A_1232 = vector.shape_cast %get3A_1231 : vector<1x1x16xf32> to vector<16xf32>
      %get3A_1233 = arith.constant 0 : i32
      %get3A_1234 = arith.index_cast %get3A_1233 : i32 to index
      %get3A_1235 = arith.index_cast %scan3A_1185 : i32 to index
      %get3A_1236 = arith.constant 32 : index
      %get3A_1237 = tpu.vector_load %arg10[%get3A_1234, %get3A_1235, %get3A_1236] {strides = array<i32>} : memref<2x64x128xf32, #tpu.memory_space<vmem>>, vector<1x1x16xf32>,
      %get3A_1238 = vector.shape_cast %get3A_1237 : vector<1x1x16xf32> to vector<16xf32>
      %mul3A_1239 = arith.mulf %get3A_1232, %get3A_1238 : vector<16xf32>
      %get3A_1240 = arith.constant 0 : i32
      %get3A_1241 = arith.index_cast %get3A_1240 : i32 to index
      %get3A_1242 = arith.index_cast %scan3A_1185 : i32 to index
      %get3A_1243 = arith.constant 32 : index
      %get3A_1244 = tpu.vector_load %arg11[%get3A_1241, %get3A_1242, %get3A_1243] {strides = array<i32>} : memref<2x64x128xf32, #tpu.memory_space<vmem>>, vector<1x1x16xf32>,
      %get3A_1245 = vector.shape_cast %get3A_1244 : vector<1x1x16xf32> to vector<16xf32>
      %mul3A_1246 = arith.mulf %mul3A_1239, %get3A_1245 : vector<16xf32>
      %add3A_1247 = arith.addf %add3A_1226, %mul3A_1246 : vector<16xf32>
      %get3A_1248 = arith.constant 0 : i32
      %get3A_1249 = arith.index_cast %get3A_1248 : i32 to index
      %get3A_1250 = arith.index_cast %scan3A_1185 : i32 to index
      %get3A_1251 = arith.constant 48 : index
      %get3A_1252 = tpu.vector_load %arg9[%get3A_1249, %get3A_1250, %get3A_1251] {strides = array<i32>} : memref<2x64x128xf32, #tpu.memory_space<vmem>>, vector<1x1x16xf32>,
      %get3A_1253 = vector.shape_cast %get3A_1252 : vector<1x1x16xf32> to vector<16xf32>
      %get3A_1254 = arith.constant 0 : i32
      %get3A_1255 = arith.index_cast %get3A_1254 : i32 to index
      %get3A_1256 = arith.index_cast %scan3A_1185 : i32 to index
      %get3A_1257 = arith.constant 48 : index
      %get3A_1258 = tpu.vector_load %arg10[%get3A_1255, %get3A_1256, %get3A_1257] {strides = array<i32>} : memref<2x64x128xf32, #tpu.memory_space<vmem>>, vector<1x1x16xf32>,
      %get3A_1259 = vector.shape_cast %get3A_1258 : vector<1x1x16xf32> to vector<16xf32>
      %mul3A_1260 = arith.mulf %get3A_1253, %get3A_1259 : vector<16xf32>
      %get3A_1261 = arith.constant 0 : i32
      %get3A_1262 = arith.index_cast %get3A_1261 : i32 to index
      %get3A_1263 = arith.index_cast %scan3A_1185 : i32 to index
      %get3A_1264 = arith.constant 48 : index
      %get3A_1265 = tpu.vector_load %arg11[%get3A_1262, %get3A_1263, %get3A_1264] {strides = array<i32>} : memref<2x64x128xf32, #tpu.memory_space<vmem>>, vector<1x1x16xf32>,
      %get3A_1266 = vector.shape_cast %get3A_1265 : vector<1x1x16xf32> to vector<16xf32>
      %mul3A_1267 = arith.mulf %mul3A_1260, %get3A_1266 : vector<16xf32>
      %add3A_1268 = arith.addf %add3A_1247, %mul3A_1267 : vector<16xf32>
      %get3A_1269 = arith.constant 0 : i32
      %get3A_1270 = arith.index_cast %get3A_1269 : i32 to index
      %get3A_1271 = arith.index_cast %scan3A_1185 : i32 to index
      %get3A_1272 = arith.constant 64 : index
      %get3A_1273 = tpu.vector_load %arg9[%get3A_1270, %get3A_1271, %get3A_1272] {strides = array<i32>} : memref<2x64x128xf32, #tpu.memory_space<vmem>>, vector<1x1x16xf32>,
      %get3A_1274 = vector.shape_cast %get3A_1273 : vector<1x1x16xf32> to vector<16xf32>
      %get3A_1275 = arith.constant 0 : i32
      %get3A_1276 = arith.index_cast %get3A_1275 : i32 to index
      %get3A_1277 = arith.index_cast %scan3A_1185 : i32 to index
      %get3A_1278 = arith.constant 64 : index
      %get3A_1279 = tpu.vector_load %arg10[%get3A_1276, %get3A_1277, %get3A_1278] {strides = array<i32>} : memref<2x64x128xf32, #tpu.memory_space<vmem>>, vector<1x1x16xf32>,
      %get3A_1280 = vector.shape_cast %get3A_1279 : vector<1x1x16xf32> to vector<16xf32>
      %mul3A_1281 = arith.mulf %get3A_1274, %get3A_1280 : vector<16xf32>
      %get3A_1282 = arith.constant 0 : i32
      %get3A_1283 = arith.index_cast %get3A_1282 : i32 to index
      %get3A_1284 = arith.index_cast %scan3A_1185 : i32 to index
      %get3A_1285 = arith.constant 64 : index
      %get3A_1286 = tpu.vector_load %arg11[%get3A_1283, %get3A_1284, %get3A_1285] {strides = array<i32>} : memref<2x64x128xf32, #tpu.memory_space<vmem>>, vector<1x1x16xf32>,
      %get3A_1287 = vector.shape_cast %get3A_1286 : vector<1x1x16xf32> to vector<16xf32>
      %mul3A_1288 = arith.mulf %mul3A_1281, %get3A_1287 : vector<16xf32>
      %add3A_1289 = arith.addf %add3A_1268, %mul3A_1288 : vector<16xf32>
      %get3A_1290 = arith.constant 0 : i32
      %get3A_1291 = arith.index_cast %get3A_1290 : i32 to index
      %get3A_1292 = arith.index_cast %scan3A_1185 : i32 to index
      %get3A_1293 = arith.constant 80 : index
      %get3A_1294 = tpu.vector_load %arg9[%get3A_1291, %get3A_1292, %get3A_1293] {strides = array<i32>} : memref<2x64x128xf32, #tpu.memory_space<vmem>>, vector<1x1x16xf32>,
      %get3A_1295 = vector.shape_cast %get3A_1294 : vector<1x1x16xf32> to vector<16xf32>
      %get3A_1296 = arith.constant 0 : i32
      %get3A_1297 = arith.index_cast %get3A_1296 : i32 to index
      %get3A_1298 = arith.index_cast %scan3A_1185 : i32 to index
      %get3A_1299 = arith.constant 80 : index
      %get3A_1300 = tpu.vector_load %arg10[%get3A_1297, %get3A_1298, %get3A_1299] {strides = array<i32>} : memref<2x64x128xf32, #tpu.memory_space<vmem>>, vector<1x1x16xf32>,
      %get3A_1301 = vector.shape_cast %get3A_1300 : vector<1x1x16xf32> to vector<16xf32>
      %mul3A_1302 = arith.mulf %get3A_1295, %get3A_1301 : vector<16xf32>
      %get3A_1303 = arith.constant 0 : i32
      %get3A_1304 = arith.index_cast %get3A_1303 : i32 to index
      %get3A_1305 = arith.index_cast %scan3A_1185 : i32 to index
      %get3A_1306 = arith.constant 80 : index
      %get3A_1307 = tpu.vector_load %arg11[%get3A_1304, %get3A_1305, %get3A_1306] {strides = array<i32>} : memref<2x64x128xf32, #tpu.memory_space<vmem>>, vector<1x1x16xf32>,
      %get3A_1308 = vector.shape_cast %get3A_1307 : vector<1x1x16xf32> to vector<16xf32>
      %mul3A_1309 = arith.mulf %mul3A_1302, %get3A_1308 : vector<16xf32>
      %add3A_1310 = arith.addf %add3A_1289, %mul3A_1309 : vector<16xf32>
      %get3A_1311 = arith.constant 0 : i32
      %get3A_1312 = arith.index_cast %get3A_1311 : i32 to index
      %get3A_1313 = arith.index_cast %scan3A_1185 : i32 to index
      %get3A_1314 = arith.constant 96 : index
      %get3A_1315 = tpu.vector_load %arg9[%get3A_1312, %get3A_1313, %get3A_1314] {strides = array<i32>} : memref<2x64x128xf32, #tpu.memory_space<vmem>>, vector<1x1x16xf32>,
      %get3A_1316 = vector.shape_cast %get3A_1315 : vector<1x1x16xf32> to vector<16xf32>
      %get3A_1317 = arith.constant 0 : i32
      %get3A_1318 = arith.index_cast %get3A_1317 : i32 to index
      %get3A_1319 = arith.index_cast %scan3A_1185 : i32 to index
      %get3A_1320 = arith.constant 96 : index
      %get3A_1321 = tpu.vector_load %arg10[%get3A_1318, %get3A_1319, %get3A_1320] {strides = array<i32>} : memref<2x64x128xf32, #tpu.memory_space<vmem>>, vector<1x1x16xf32>,
      %get3A_1322 = vector.shape_cast %get3A_1321 : vector<1x1x16xf32> to vector<16xf32>
      %mul3A_1323 = arith.mulf %get3A_1316, %get3A_1322 : vector<16xf32>
      %get3A_1324 = arith.constant 0 : i32
      %get3A_1325 = arith.index_cast %get3A_1324 : i32 to index
      %get3A_1326 = arith.index_cast %scan3A_1185 : i32 to index
      %get3A_1327 = arith.constant 96 : index
      %get3A_1328 = tpu.vector_load %arg11[%get3A_1325, %get3A_1326, %get3A_1327] {strides = array<i32>} : memref<2x64x128xf32, #tpu.memory_space<vmem>>, vector<1x1x16xf32>,
      %get3A_1329 = vector.shape_cast %get3A_1328 : vector<1x1x16xf32> to vector<16xf32>
      %mul3A_1330 = arith.mulf %mul3A_1323, %get3A_1329 : vector<16xf32>
      %add3A_1331 = arith.addf %add3A_1310, %mul3A_1330 : vector<16xf32>
      %get3A_1332 = arith.constant 0 : i32
      %get3A_1333 = arith.index_cast %get3A_1332 : i32 to index
      %get3A_1334 = arith.index_cast %scan3A_1185 : i32 to index
      %get3A_1335 = arith.constant 112 : index
      %get3A_1336 = tpu.vector_load %arg9[%get3A_1333, %get3A_1334, %get3A_1335] {strides = array<i32>} : memref<2x64x128xf32, #tpu.memory_space<vmem>>, vector<1x1x16xf32>,
      %get3A_1337 = vector.shape_cast %get3A_1336 : vector<1x1x16xf32> to vector<16xf32>
      %get3A_1338 = arith.constant 0 : i32
      %get3A_1339 = arith.index_cast %get3A_1338 : i32 to index
      %get3A_1340 = arith.index_cast %scan3A_1185 : i32 to index
      %get3A_1341 = arith.constant 112 : index
      %get3A_1342 = tpu.vector_load %arg10[%get3A_1339, %get3A_1340, %get3A_1341] {strides = array<i32>} : memref<2x64x128xf32, #tpu.memory_space<vmem>>, vector<1x1x16xf32>,
      %get3A_1343 = vector.shape_cast %get3A_1342 : vector<1x1x16xf32> to vector<16xf32>
      %mul3A_1344 = arith.mulf %get3A_1337, %get3A_1343 : vector<16xf32>
      %get3A_1345 = arith.constant 0 : i32
      %get3A_1346 = arith.index_cast %get3A_1345 : i32 to index
      %get3A_1347 = arith.index_cast %scan3A_1185 : i32 to index
      %get3A_1348 = arith.constant 112 : index
      %get3A_1349 = tpu.vector_load %arg11[%get3A_1346, %get3A_1347, %get3A_1348] {strides = array<i32>} : memref<2x64x128xf32, #tpu.memory_space<vmem>>, vector<1x1x16xf32>,
      %get3A_1350 = vector.shape_cast %get3A_1349 : vector<1x1x16xf32> to vector<16xf32>
      %mul3A_1351 = arith.mulf %mul3A_1344, %get3A_1350 : vector<16xf32>
      %add3A_1352 = arith.addf %add3A_1331, %mul3A_1351 : vector<16xf32>
      %xor3A = arith.constant 8 : i32
      %xor3A_1353 = vector.broadcast %xor3A : i32 to vector<16xi32>
      %xor3A_1354 = arith.xori %iota3A, %xor3A_1353 : vector<16xi32>
      %broadcast_in_dim3A_1355 = vector.shape_cast %xor3A_1354 : vector<16xi32> to vector<16x1xi32>
      %gather3A = vector.shape_cast %broadcast_in_dim3A_1355 : vector<16x1xi32> to vector<16xi32>
      %gather3A_1356 = tpu.dynamic_gather %add3A_1352[%gather3A] in [0] : vector<16xf32>, vector<16xi32> -> vector<16xf32>
      %add3A_1357 = arith.addf %add3A_1352, %gather3A_1356 : vector<16xf32>
      %xor3A_1358 = arith.constant 4 : i32
      %xor3A_1359 = vector.broadcast %xor3A_1358 : i32 to vector<16xi32>
      %xor3A_1360 = arith.xori %iota3A, %xor3A_1359 : vector<16xi32>
      %broadcast_in_dim3A_1361 = vector.shape_cast %xor3A_1360 : vector<16xi32> to vector<16x1xi32>
      %gather3A_1362 = vector.shape_cast %broadcast_in_dim3A_1361 : vector<16x1xi32> to vector<16xi32>
      %gather3A_1363 = tpu.dynamic_gather %add3A_1357[%gather3A_1362] in [0] : vector<16xf32>, vector<16xi32> -> vector<16xf32>
      %add3A_1364 = arith.addf %add3A_1357, %gather3A_1363 : vector<16xf32>
      %xor3A_1365 = arith.constant 2 : i32
      %xor3A_1366 = vector.broadcast %xor3A_1365 : i32 to vector<16xi32>
      %xor3A_1367 = arith.xori %iota3A, %xor3A_1366 : vector<16xi32>
      %broadcast_in_dim3A_1368 = vector.shape_cast %xor3A_1367 : vector<16xi32> to vector<16x1xi32>
      %gather3A_1369 = vector.shape_cast %broadcast_in_dim3A_1368 : vector<16x1xi32> to vector<16xi32>
      %gather3A_1370 = tpu.dynamic_gather %add3A_1364[%gather3A_1369] in [0] : vector<16xf32>, vector<16xi32> -> vector<16xf32>
      %add3A_1371 = arith.addf %add3A_1364, %gather3A_1370 : vector<16xf32>
      %xor3A_1372 = arith.constant 1 : i32
      %xor3A_1373 = vector.broadcast %xor3A_1372 : i32 to vector<16xi32>
      %xor3A_1374 = arith.xori %iota3A, %xor3A_1373 : vector<16xi32>
      %broadcast_in_dim3A_1375 = vector.shape_cast %xor3A_1374 : vector<16xi32> to vector<16x1xi32>
      %gather3A_1376 = vector.shape_cast %broadcast_in_dim3A_1375 : vector<16x1xi32> to vector<16xi32>
      %gather3A_1377 = tpu.dynamic_gather %add3A_1371[%gather3A_1376] in [0] : vector<16xf32>, vector<16xi32> -> vector<16xf32>
      %add3A_1378 = arith.addf %add3A_1371, %gather3A_1377 : vector<16xf32>
      %and3A = arith.constant 15 : i32
      %and3A_1379 = arith.andi %scan3A_1185, %and3A : i32
      %eq3A_1380 = vector.broadcast %and3A_1379 : i32 to vector<16xi32>
      %eq3A_1381 = arith.cmpi eq, %iota3A, %eq3A_1380 : vector<16xi32>
      %select_n3A = arith.select %eq3A_1381, %add3A_1378, %scan3A_1186 : vector<16xi1>, vector<16xf32>
      %and3A_1382 = arith.constant 15 : i32
      %and3A_1383 = arith.andi %scan3A_1185, %and3A_1382 : i32
      %eq3A_1384 = arith.constant 15 : i32
      %eq3A_1385 = arith.cmpi eq, %and3A_1383, %eq3A_1384 : i32
      %convert_element_type3A = arith.extui %eq3A_1385 : i1 to i32
      %cond3A = arith.constant 0 : i32
      %cond3A_1386 = arith.cmpi ne, %convert_element_type3A, %cond3A : i32
      scf.if %cond3A_1386 {
        %add3A_1387 = arith.constant 256 : i32
        %add3A_1388 = arith.addi %add3A_1387, %scan3A_1185 : i32
        %sub3A = arith.constant 15 : i32
        %sub3A_1389 = arith.subi %add3A_1388, %sub3A : i32
        %swap3A = arith.index_cast %sub3A_1389 : i32 to index
        %swap3A_1390 = tpu.vector_load %arg12[%swap3A] {strides = array<i32>} : memref<512xf32, #tpu.memory_space<vmem>>, vector<16xf32>,
        %swap3A_1391 = vector.shape_cast %swap3A_1390 : vector<16xf32> to vector<16xf32>
        %swap3A_1392 = vector.shape_cast %select_n3A : vector<16xf32> to vector<16xf32>
        tpu.vector_store %arg12[%swap3A], %swap3A_1392 {strides = array<i32>} : memref<512xf32, #tpu.memory_space<vmem>>, vector<16xf32>,
      } else {
      }
      scf.yield %select_n3A : vector<16xf32>
    }
    %scan3A_965 = arith.constant 64 : i32
    %dma_start3A_966 = arith.constant 0 : i32
    %dma_start3A_967 = arith.constant 6 : i32
    %dma_start3A_968 = arith.constant 0 : i32
    %dma_start3A_969 = arith.constant 0 : i32
    %dma_start3A_970 = arith.constant 0 : i32
    %dma_start3A_971 = tpu.memref_slice %arg9[%dma_start3A_968, %dma_start3A_969, %dma_start3A_970] : memref<2x64x128xf32, #tpu.memory_space<vmem>> -> memref<1x64x128xf32, #tpu.memory_space<vmem>>
    %dma_start3A_972 = tpu.memref_squeeze %dma_start3A_971 : memref<1x64x128xf32, #tpu.memory_space<vmem>> -> memref<64x128xf32, #tpu.memory_space<vmem>>
    %dma_start3A_973 = arith.constant 0 : i32
    %dma_start3A_974 = tpu.memref_slice %arg8[%dma_start3A_966, %dma_start3A_967, %dma_start3A_973] : memref<3x8x64xi32, #tpu.memory_space<vmem>> -> memref<1x1x64xi32, #tpu.memory_space<vmem>>
    %dma_start3A_975 = tpu.memref_squeeze %dma_start3A_974 : memref<1x1x64xi32, #tpu.memory_space<vmem>> -> memref<64xi32, #tpu.memory_space<vmem>>
    %dma_start3A_976 = arith.constant 0 : i32
    %dma_start3A_977 = arith.constant 0 : i32
    %dma_start3A_978 = tpu.memref_slice %arg5[%dma_start3A_976, %dma_start3A_977] : memref<1000000x128xf32, #tpu.memory_space<hbm>> -> memref<1000000x128xf32, #tpu.memory_space<hbm>>
    tpu.enqueue_indirect_dma source(%dma_start3A_978 : memref<1000000x128xf32, #tpu.memory_space<hbm>>) target(%dma_start3A_972 : memref<64x128xf32, #tpu.memory_space<vmem>>) offsets(%dma_start3A_975 : memref<64xi32, #tpu.memory_space<vmem>>) semaphore(%arg14 : memref<!tpu.dma_semaphore, #tpu.memory_space<semaphore_mem>>)
    %dma_start3A_979 = arith.constant 1 : i32
    %dma_start3A_980 = arith.constant 6 : i32
    %dma_start3A_981 = arith.constant 0 : i32
    %dma_start3A_982 = arith.constant 0 : i32
    %dma_start3A_983 = arith.constant 0 : i32
    %dma_start3A_984 = tpu.memref_slice %arg10[%dma_start3A_981, %dma_start3A_982, %dma_start3A_983] : memref<2x64x128xf32, #tpu.memory_space<vmem>> -> memref<1x64x128xf32, #tpu.memory_space<vmem>>
    %dma_start3A_985 = tpu.memref_squeeze %dma_start3A_984 : memref<1x64x128xf32, #tpu.memory_space<vmem>> -> memref<64x128xf32, #tpu.memory_space<vmem>>
    %dma_start3A_986 = arith.constant 0 : i32
    %dma_start3A_987 = tpu.memref_slice %arg8[%dma_start3A_979, %dma_start3A_980, %dma_start3A_986] : memref<3x8x64xi32, #tpu.memory_space<vmem>> -> memref<1x1x64xi32, #tpu.memory_space<vmem>>
    %dma_start3A_988 = tpu.memref_squeeze %dma_start3A_987 : memref<1x1x64xi32, #tpu.memory_space<vmem>> -> memref<64xi32, #tpu.memory_space<vmem>>
    %dma_start3A_989 = arith.constant 0 : i32
    %dma_start3A_990 = arith.constant 0 : i32
    %dma_start3A_991 = tpu.memref_slice %arg6[%dma_start3A_989, %dma_start3A_990] : memref<1000x128xf32, #tpu.memory_space<hbm>> -> memref<1000x128xf32, #tpu.memory_space<hbm>>
    tpu.enqueue_indirect_dma source(%dma_start3A_991 : memref<1000x128xf32, #tpu.memory_space<hbm>>) target(%dma_start3A_985 : memref<64x128xf32, #tpu.memory_space<vmem>>) offsets(%dma_start3A_988 : memref<64xi32, #tpu.memory_space<vmem>>) semaphore(%arg14 : memref<!tpu.dma_semaphore, #tpu.memory_space<semaphore_mem>>)
    %dma_start3A_992 = arith.constant 2 : i32
    %dma_start3A_993 = arith.constant 6 : i32
    %dma_start3A_994 = arith.constant 0 : i32
    %dma_start3A_995 = arith.constant 0 : i32
    %dma_start3A_996 = arith.constant 0 : i32
    %dma_start3A_997 = tpu.memref_slice %arg11[%dma_start3A_994, %dma_start3A_995, %dma_start3A_996] : memref<2x64x128xf32, #tpu.memory_space<vmem>> -> memref<1x64x128xf32, #tpu.memory_space<vmem>>
    %dma_start3A_998 = tpu.memref_squeeze %dma_start3A_997 : memref<1x64x128xf32, #tpu.memory_space<vmem>> -> memref<64x128xf32, #tpu.memory_space<vmem>>
    %dma_start3A_999 = arith.constant 0 : i32
    %dma_start3A_1000 = tpu.memref_slice %arg8[%dma_start3A_992, %dma_start3A_993, %dma_start3A_999] : memref<3x8x64xi32, #tpu.memory_space<vmem>> -> memref<1x1x64xi32, #tpu.memory_space<vmem>>
    %dma_start3A_1001 = tpu.memref_squeeze %dma_start3A_1000 : memref<1x1x64xi32, #tpu.memory_space<vmem>> -> memref<64xi32, #tpu.memory_space<vmem>>
    %dma_start3A_1002 = arith.constant 0 : i32
    %dma_start3A_1003 = arith.constant 0 : i32
    %dma_start3A_1004 = tpu.memref_slice %arg5[%dma_start3A_1002, %dma_start3A_1003] : memref<1000000x128xf32, #tpu.memory_space<hbm>> -> memref<1000000x128xf32, #tpu.memory_space<hbm>>
    tpu.enqueue_indirect_dma source(%dma_start3A_1004 : memref<1000000x128xf32, #tpu.memory_space<hbm>>) target(%dma_start3A_998 : memref<64x128xf32, #tpu.memory_space<vmem>>) offsets(%dma_start3A_1001 : memref<64xi32, #tpu.memory_space<vmem>>) semaphore(%arg14 : memref<!tpu.dma_semaphore, #tpu.memory_space<semaphore_mem>>)
    %dma_wait3A_1005 = arith.constant 0 : i32
    %dma_wait3A_1006 = arith.constant 5 : i32
    %dma_wait3A_1007 = arith.constant 1 : i32
    %dma_wait3A_1008 = arith.constant 0 : i32
    %dma_wait3A_1009 = arith.constant 0 : i32
    %dma_wait3A_1010 = tpu.memref_slice %arg9[%dma_wait3A_1007, %dma_wait3A_1008, %dma_wait3A_1009] : memref<2x64x128xf32, #tpu.memory_space<vmem>> -> memref<1x64x128xf32, #tpu.memory_space<vmem>>
    %dma_wait3A_1011 = tpu.memref_squeeze %dma_wait3A_1010 : memref<1x64x128xf32, #tpu.memory_space<vmem>> -> memref<64x128xf32, #tpu.memory_space<vmem>>
    %dma_wait3A_1012 = arith.constant 0 : i32
    %dma_wait3A_1013 = tpu.memref_slice %arg8[%dma_wait3A_1005, %dma_wait3A_1006, %dma_wait3A_1012] : memref<3x8x64xi32, #tpu.memory_space<vmem>> -> memref<1x1x64xi32, #tpu.memory_space<vmem>>
    %dma_wait3A_1014 = tpu.memref_squeeze %dma_wait3A_1013 : memref<1x1x64xi32, #tpu.memory_space<vmem>> -> memref<64xi32, #tpu.memory_space<vmem>>
    %dma_wait3A_1015 = arith.constant 0 : i32
    %dma_wait3A_1016 = arith.constant 0 : i32
    %dma_wait3A_1017 = tpu.memref_slice %arg5[%dma_wait3A_1015, %dma_wait3A_1016] : memref<1000000x128xf32, #tpu.memory_space<hbm>> -> memref<1000000x128xf32, #tpu.memory_space<hbm>>
    tpu.wait_indirect_dma semaphore(%arg15 : memref<!tpu.dma_semaphore, #tpu.memory_space<semaphore_mem>>) src(%dma_wait3A_1017 : memref<1000000x128xf32, #tpu.memory_space<hbm>>) dst(%dma_wait3A_1011 : memref<64x128xf32, #tpu.memory_space<vmem>>)
    %dma_wait3A_1018 = arith.constant 1 : i32
    %dma_wait3A_1019 = arith.constant 5 : i32
    %dma_wait3A_1020 = arith.constant 1 : i32
    %dma_wait3A_1021 = arith.constant 0 : i32
    %dma_wait3A_1022 = arith.constant 0 : i32
    %dma_wait3A_1023 = tpu.memref_slice %arg10[%dma_wait3A_1020, %dma_wait3A_1021, %dma_wait3A_1022] : memref<2x64x128xf32, #tpu.memory_space<vmem>> -> memref<1x64x128xf32, #tpu.memory_space<vmem>>
    %dma_wait3A_1024 = tpu.memref_squeeze %dma_wait3A_1023 : memref<1x64x128xf32, #tpu.memory_space<vmem>> -> memref<64x128xf32, #tpu.memory_space<vmem>>
    %dma_wait3A_1025 = arith.constant 0 : i32
    %dma_wait3A_1026 = tpu.memref_slice %arg8[%dma_wait3A_1018, %dma_wait3A_1019, %dma_wait3A_1025] : memref<3x8x64xi32, #tpu.memory_space<vmem>> -> memref<1x1x64xi32, #tpu.memory_space<vmem>>
    %dma_wait3A_1027 = tpu.memref_squeeze %dma_wait3A_1026 : memref<1x1x64xi32, #tpu.memory_space<vmem>> -> memref<64xi32, #tpu.memory_space<vmem>>
    %dma_wait3A_1028 = arith.constant 0 : i32
    %dma_wait3A_1029 = arith.constant 0 : i32
    %dma_wait3A_1030 = tpu.memref_slice %arg6[%dma_wait3A_1028, %dma_wait3A_1029] : memref<1000x128xf32, #tpu.memory_space<hbm>> -> memref<1000x128xf32, #tpu.memory_space<hbm>>
    tpu.wait_indirect_dma semaphore(%arg15 : memref<!tpu.dma_semaphore, #tpu.memory_space<semaphore_mem>>) src(%dma_wait3A_1030 : memref<1000x128xf32, #tpu.memory_space<hbm>>) dst(%dma_wait3A_1024 : memref<64x128xf32, #tpu.memory_space<vmem>>)
    %dma_wait3A_1031 = arith.constant 2 : i32
    %dma_wait3A_1032 = arith.constant 5 : i32
    %dma_wait3A_1033 = arith.constant 1 : i32
    %dma_wait3A_1034 = arith.constant 0 : i32
    %dma_wait3A_1035 = arith.constant 0 : i32
    %dma_wait3A_1036 = tpu.memref_slice %arg11[%dma_wait3A_1033, %dma_wait3A_1034, %dma_wait3A_1035] : memref<2x64x128xf32, #tpu.memory_space<vmem>> -> memref<1x64x128xf32, #tpu.memory_space<vmem>>
    %dma_wait3A_1037 = tpu.memref_squeeze %dma_wait3A_1036 : memref<1x64x128xf32, #tpu.memory_space<vmem>> -> memref<64x128xf32, #tpu.memory_space<vmem>>
    %dma_wait3A_1038 = arith.constant 0 : i32
    %dma_wait3A_1039 = tpu.memref_slice %arg8[%dma_wait3A_1031, %dma_wait3A_1032, %dma_wait3A_1038] : memref<3x8x64xi32, #tpu.memory_space<vmem>> -> memref<1x1x64xi32, #tpu.memory_space<vmem>>
    %dma_wait3A_1040 = tpu.memref_squeeze %dma_wait3A_1039 : memref<1x1x64xi32, #tpu.memory_space<vmem>> -> memref<64xi32, #tpu.memory_space<vmem>>
    %dma_wait3A_1041 = arith.constant 0 : i32
    %dma_wait3A_1042 = arith.constant 0 : i32
    %dma_wait3A_1043 = tpu.memref_slice %arg5[%dma_wait3A_1041, %dma_wait3A_1042] : memref<1000000x128xf32, #tpu.memory_space<hbm>> -> memref<1000000x128xf32, #tpu.memory_space<hbm>>
    tpu.wait_indirect_dma semaphore(%arg15 : memref<!tpu.dma_semaphore, #tpu.memory_space<semaphore_mem>>) src(%dma_wait3A_1043 : memref<1000000x128xf32, #tpu.memory_space<hbm>>) dst(%dma_wait3A_1037 : memref<64x128xf32, #tpu.memory_space<vmem>>)
    %broadcast_in_dim3A_1044 = arith.constant 0.000000e+00 : f32
    %broadcast_in_dim3A_1045 = vector.broadcast %broadcast_in_dim3A_1044 : f32 to vector<16xf32>
    %scan3A_1046 = arith.constant 0 : i32
    %scan3A_1047 = arith.constant 64 : i32
    %scan3A_1048 = arith.addi %scan3A_1046, %scan3A_1047 : i32
    %scan3A_1049 = arith.constant 1 : i32
    %scan3A_1050 = scf.for %scan3A_1185 = %scan3A_1046 to %scan3A_1048 step %scan3A_1049 iter_args(%scan3A_1186 = %broadcast_in_dim3A_1045) -> (vector<16xf32>)  : i32 {
      %get3A = arith.constant 1 : i32
      %get3A_1187 = arith.index_cast %get3A : i32 to index
      %get3A_1188 = arith.index_cast %scan3A_1185 : i32 to index
      %get3A_1189 = arith.constant 0 : index
      %get3A_1190 = tpu.vector_load %arg9[%get3A_1187, %get3A_1188, %get3A_1189] {strides = array<i32>} : memref<2x64x128xf32, #tpu.memory_space<vmem>>, vector<1x1x16xf32>,
      %get3A_1191 = vector.shape_cast %get3A_1190 : vector<1x1x16xf32> to vector<16xf32>
      %get3A_1192 = arith.constant 1 : i32
      %get3A_1193 = arith.index_cast %get3A_1192 : i32 to index
      %get3A_1194 = arith.index_cast %scan3A_1185 : i32 to index
      %get3A_1195 = arith.constant 0 : index
      %get3A_1196 = tpu.vector_load %arg10[%get3A_1193, %get3A_1194, %get3A_1195] {strides = array<i32>} : memref<2x64x128xf32, #tpu.memory_space<vmem>>, vector<1x1x16xf32>,
      %get3A_1197 = vector.shape_cast %get3A_1196 : vector<1x1x16xf32> to vector<16xf32>
      %mul3A_1198 = arith.mulf %get3A_1191, %get3A_1197 : vector<16xf32>
      %get3A_1199 = arith.constant 1 : i32
      %get3A_1200 = arith.index_cast %get3A_1199 : i32 to index
      %get3A_1201 = arith.index_cast %scan3A_1185 : i32 to index
      %get3A_1202 = arith.constant 0 : index
      %get3A_1203 = tpu.vector_load %arg11[%get3A_1200, %get3A_1201, %get3A_1202] {strides = array<i32>} : memref<2x64x128xf32, #tpu.memory_space<vmem>>, vector<1x1x16xf32>,
      %get3A_1204 = vector.shape_cast %get3A_1203 : vector<1x1x16xf32> to vector<16xf32>
      %mul3A_1205 = arith.mulf %mul3A_1198, %get3A_1204 : vector<16xf32>
      %get3A_1206 = arith.constant 1 : i32
      %get3A_1207 = arith.index_cast %get3A_1206 : i32 to index
      %get3A_1208 = arith.index_cast %scan3A_1185 : i32 to index
      %get3A_1209 = arith.constant 16 : index
      %get3A_1210 = tpu.vector_load %arg9[%get3A_1207, %get3A_1208, %get3A_1209] {strides = array<i32>} : memref<2x64x128xf32, #tpu.memory_space<vmem>>, vector<1x1x16xf32>,
      %get3A_1211 = vector.shape_cast %get3A_1210 : vector<1x1x16xf32> to vector<16xf32>
      %get3A_1212 = arith.constant 1 : i32
      %get3A_1213 = arith.index_cast %get3A_1212 : i32 to index
      %get3A_1214 = arith.index_cast %scan3A_1185 : i32 to index
      %get3A_1215 = arith.constant 16 : index
      %get3A_1216 = tpu.vector_load %arg10[%get3A_1213, %get3A_1214, %get3A_1215] {strides = array<i32>} : memref<2x64x128xf32, #tpu.memory_space<vmem>>, vector<1x1x16xf32>,
      %get3A_1217 = vector.shape_cast %get3A_1216 : vector<1x1x16xf32> to vector<16xf32>
      %mul3A_1218 = arith.mulf %get3A_1211, %get3A_1217 : vector<16xf32>
      %get3A_1219 = arith.constant 1 : i32
      %get3A_1220 = arith.index_cast %get3A_1219 : i32 to index
      %get3A_1221 = arith.index_cast %scan3A_1185 : i32 to index
      %get3A_1222 = arith.constant 16 : index
      %get3A_1223 = tpu.vector_load %arg11[%get3A_1220, %get3A_1221, %get3A_1222] {strides = array<i32>} : memref<2x64x128xf32, #tpu.memory_space<vmem>>, vector<1x1x16xf32>,
      %get3A_1224 = vector.shape_cast %get3A_1223 : vector<1x1x16xf32> to vector<16xf32>
      %mul3A_1225 = arith.mulf %mul3A_1218, %get3A_1224 : vector<16xf32>
      %add3A_1226 = arith.addf %mul3A_1205, %mul3A_1225 : vector<16xf32>
      %get3A_1227 = arith.constant 1 : i32
      %get3A_1228 = arith.index_cast %get3A_1227 : i32 to index
      %get3A_1229 = arith.index_cast %scan3A_1185 : i32 to index
      %get3A_1230 = arith.constant 32 : index
      %get3A_1231 = tpu.vector_load %arg9[%get3A_1228, %get3A_1229, %get3A_1230] {strides = array<i32>} : memref<2x64x128xf32, #tpu.memory_space<vmem>>, vector<1x1x16xf32>,
      %get3A_1232 = vector.shape_cast %get3A_1231 : vector<1x1x16xf32> to vector<16xf32>
      %get3A_1233 = arith.constant 1 : i32
      %get3A_1234 = arith.index_cast %get3A_1233 : i32 to index
      %get3A_1235 = arith.index_cast %scan3A_1185 : i32 to index
      %get3A_1236 = arith.constant 32 : index
      %get3A_1237 = tpu.vector_load %arg10[%get3A_1234, %get3A_1235, %get3A_1236] {strides = array<i32>} : memref<2x64x128xf32, #tpu.memory_space<vmem>>, vector<1x1x16xf32>,
      %get3A_1238 = vector.shape_cast %get3A_1237 : vector<1x1x16xf32> to vector<16xf32>
      %mul3A_1239 = arith.mulf %get3A_1232, %get3A_1238 : vector<16xf32>
      %get3A_1240 = arith.constant 1 : i32
      %get3A_1241 = arith.index_cast %get3A_1240 : i32 to index
      %get3A_1242 = arith.index_cast %scan3A_1185 : i32 to index
      %get3A_1243 = arith.constant 32 : index
      %get3A_1244 = tpu.vector_load %arg11[%get3A_1241, %get3A_1242, %get3A_1243] {strides = array<i32>} : memref<2x64x128xf32, #tpu.memory_space<vmem>>, vector<1x1x16xf32>,
      %get3A_1245 = vector.shape_cast %get3A_1244 : vector<1x1x16xf32> to vector<16xf32>
      %mul3A_1246 = arith.mulf %mul3A_1239, %get3A_1245 : vector<16xf32>
      %add3A_1247 = arith.addf %add3A_1226, %mul3A_1246 : vector<16xf32>
      %get3A_1248 = arith.constant 1 : i32
      %get3A_1249 = arith.index_cast %get3A_1248 : i32 to index
      %get3A_1250 = arith.index_cast %scan3A_1185 : i32 to index
      %get3A_1251 = arith.constant 48 : index
      %get3A_1252 = tpu.vector_load %arg9[%get3A_1249, %get3A_1250, %get3A_1251] {strides = array<i32>} : memref<2x64x128xf32, #tpu.memory_space<vmem>>, vector<1x1x16xf32>,
      %get3A_1253 = vector.shape_cast %get3A_1252 : vector<1x1x16xf32> to vector<16xf32>
      %get3A_1254 = arith.constant 1 : i32
      %get3A_1255 = arith.index_cast %get3A_1254 : i32 to index
      %get3A_1256 = arith.index_cast %scan3A_1185 : i32 to index
      %get3A_1257 = arith.constant 48 : index
      %get3A_1258 = tpu.vector_load %arg10[%get3A_1255, %get3A_1256, %get3A_1257] {strides = array<i32>} : memref<2x64x128xf32, #tpu.memory_space<vmem>>, vector<1x1x16xf32>,
      %get3A_1259 = vector.shape_cast %get3A_1258 : vector<1x1x16xf32> to vector<16xf32>
      %mul3A_1260 = arith.mulf %get3A_1253, %get3A_1259 : vector<16xf32>
      %get3A_1261 = arith.constant 1 : i32
      %get3A_1262 = arith.index_cast %get3A_1261 : i32 to index
      %get3A_1263 = arith.index_cast %scan3A_1185 : i32 to index
      %get3A_1264 = arith.constant 48 : index
      %get3A_1265 = tpu.vector_load %arg11[%get3A_1262, %get3A_1263, %get3A_1264] {strides = array<i32>} : memref<2x64x128xf32, #tpu.memory_space<vmem>>, vector<1x1x16xf32>,
      %get3A_1266 = vector.shape_cast %get3A_1265 : vector<1x1x16xf32> to vector<16xf32>
      %mul3A_1267 = arith.mulf %mul3A_1260, %get3A_1266 : vector<16xf32>
      %add3A_1268 = arith.addf %add3A_1247, %mul3A_1267 : vector<16xf32>
      %get3A_1269 = arith.constant 1 : i32
      %get3A_1270 = arith.index_cast %get3A_1269 : i32 to index
      %get3A_1271 = arith.index_cast %scan3A_1185 : i32 to index
      %get3A_1272 = arith.constant 64 : index
      %get3A_1273 = tpu.vector_load %arg9[%get3A_1270, %get3A_1271, %get3A_1272] {strides = array<i32>} : memref<2x64x128xf32, #tpu.memory_space<vmem>>, vector<1x1x16xf32>,
      %get3A_1274 = vector.shape_cast %get3A_1273 : vector<1x1x16xf32> to vector<16xf32>
      %get3A_1275 = arith.constant 1 : i32
      %get3A_1276 = arith.index_cast %get3A_1275 : i32 to index
      %get3A_1277 = arith.index_cast %scan3A_1185 : i32 to index
      %get3A_1278 = arith.constant 64 : index
      %get3A_1279 = tpu.vector_load %arg10[%get3A_1276, %get3A_1277, %get3A_1278] {strides = array<i32>} : memref<2x64x128xf32, #tpu.memory_space<vmem>>, vector<1x1x16xf32>,
      %get3A_1280 = vector.shape_cast %get3A_1279 : vector<1x1x16xf32> to vector<16xf32>
      %mul3A_1281 = arith.mulf %get3A_1274, %get3A_1280 : vector<16xf32>
      %get3A_1282 = arith.constant 1 : i32
      %get3A_1283 = arith.index_cast %get3A_1282 : i32 to index
      %get3A_1284 = arith.index_cast %scan3A_1185 : i32 to index
      %get3A_1285 = arith.constant 64 : index
      %get3A_1286 = tpu.vector_load %arg11[%get3A_1283, %get3A_1284, %get3A_1285] {strides = array<i32>} : memref<2x64x128xf32, #tpu.memory_space<vmem>>, vector<1x1x16xf32>,
      %get3A_1287 = vector.shape_cast %get3A_1286 : vector<1x1x16xf32> to vector<16xf32>
      %mul3A_1288 = arith.mulf %mul3A_1281, %get3A_1287 : vector<16xf32>
      %add3A_1289 = arith.addf %add3A_1268, %mul3A_1288 : vector<16xf32>
      %get3A_1290 = arith.constant 1 : i32
      %get3A_1291 = arith.index_cast %get3A_1290 : i32 to index
      %get3A_1292 = arith.index_cast %scan3A_1185 : i32 to index
      %get3A_1293 = arith.constant 80 : index
      %get3A_1294 = tpu.vector_load %arg9[%get3A_1291, %get3A_1292, %get3A_1293] {strides = array<i32>} : memref<2x64x128xf32, #tpu.memory_space<vmem>>, vector<1x1x16xf32>,
      %get3A_1295 = vector.shape_cast %get3A_1294 : vector<1x1x16xf32> to vector<16xf32>
      %get3A_1296 = arith.constant 1 : i32
      %get3A_1297 = arith.index_cast %get3A_1296 : i32 to index
      %get3A_1298 = arith.index_cast %scan3A_1185 : i32 to index
      %get3A_1299 = arith.constant 80 : index
      %get3A_1300 = tpu.vector_load %arg10[%get3A_1297, %get3A_1298, %get3A_1299] {strides = array<i32>} : memref<2x64x128xf32, #tpu.memory_space<vmem>>, vector<1x1x16xf32>,
      %get3A_1301 = vector.shape_cast %get3A_1300 : vector<1x1x16xf32> to vector<16xf32>
      %mul3A_1302 = arith.mulf %get3A_1295, %get3A_1301 : vector<16xf32>
      %get3A_1303 = arith.constant 1 : i32
      %get3A_1304 = arith.index_cast %get3A_1303 : i32 to index
      %get3A_1305 = arith.index_cast %scan3A_1185 : i32 to index
      %get3A_1306 = arith.constant 80 : index
      %get3A_1307 = tpu.vector_load %arg11[%get3A_1304, %get3A_1305, %get3A_1306] {strides = array<i32>} : memref<2x64x128xf32, #tpu.memory_space<vmem>>, vector<1x1x16xf32>,
      %get3A_1308 = vector.shape_cast %get3A_1307 : vector<1x1x16xf32> to vector<16xf32>
      %mul3A_1309 = arith.mulf %mul3A_1302, %get3A_1308 : vector<16xf32>
      %add3A_1310 = arith.addf %add3A_1289, %mul3A_1309 : vector<16xf32>
      %get3A_1311 = arith.constant 1 : i32
      %get3A_1312 = arith.index_cast %get3A_1311 : i32 to index
      %get3A_1313 = arith.index_cast %scan3A_1185 : i32 to index
      %get3A_1314 = arith.constant 96 : index
      %get3A_1315 = tpu.vector_load %arg9[%get3A_1312, %get3A_1313, %get3A_1314] {strides = array<i32>} : memref<2x64x128xf32, #tpu.memory_space<vmem>>, vector<1x1x16xf32>,
      %get3A_1316 = vector.shape_cast %get3A_1315 : vector<1x1x16xf32> to vector<16xf32>
      %get3A_1317 = arith.constant 1 : i32
      %get3A_1318 = arith.index_cast %get3A_1317 : i32 to index
      %get3A_1319 = arith.index_cast %scan3A_1185 : i32 to index
      %get3A_1320 = arith.constant 96 : index
      %get3A_1321 = tpu.vector_load %arg10[%get3A_1318, %get3A_1319, %get3A_1320] {strides = array<i32>} : memref<2x64x128xf32, #tpu.memory_space<vmem>>, vector<1x1x16xf32>,
      %get3A_1322 = vector.shape_cast %get3A_1321 : vector<1x1x16xf32> to vector<16xf32>
      %mul3A_1323 = arith.mulf %get3A_1316, %get3A_1322 : vector<16xf32>
      %get3A_1324 = arith.constant 1 : i32
      %get3A_1325 = arith.index_cast %get3A_1324 : i32 to index
      %get3A_1326 = arith.index_cast %scan3A_1185 : i32 to index
      %get3A_1327 = arith.constant 96 : index
      %get3A_1328 = tpu.vector_load %arg11[%get3A_1325, %get3A_1326, %get3A_1327] {strides = array<i32>} : memref<2x64x128xf32, #tpu.memory_space<vmem>>, vector<1x1x16xf32>,
      %get3A_1329 = vector.shape_cast %get3A_1328 : vector<1x1x16xf32> to vector<16xf32>
      %mul3A_1330 = arith.mulf %mul3A_1323, %get3A_1329 : vector<16xf32>
      %add3A_1331 = arith.addf %add3A_1310, %mul3A_1330 : vector<16xf32>
      %get3A_1332 = arith.constant 1 : i32
      %get3A_1333 = arith.index_cast %get3A_1332 : i32 to index
      %get3A_1334 = arith.index_cast %scan3A_1185 : i32 to index
      %get3A_1335 = arith.constant 112 : index
      %get3A_1336 = tpu.vector_load %arg9[%get3A_1333, %get3A_1334, %get3A_1335] {strides = array<i32>} : memref<2x64x128xf32, #tpu.memory_space<vmem>>, vector<1x1x16xf32>,
      %get3A_1337 = vector.shape_cast %get3A_1336 : vector<1x1x16xf32> to vector<16xf32>
      %get3A_1338 = arith.constant 1 : i32
      %get3A_1339 = arith.index_cast %get3A_1338 : i32 to index
      %get3A_1340 = arith.index_cast %scan3A_1185 : i32 to index
      %get3A_1341 = arith.constant 112 : index
      %get3A_1342 = tpu.vector_load %arg10[%get3A_1339, %get3A_1340, %get3A_1341] {strides = array<i32>} : memref<2x64x128xf32, #tpu.memory_space<vmem>>, vector<1x1x16xf32>,
      %get3A_1343 = vector.shape_cast %get3A_1342 : vector<1x1x16xf32> to vector<16xf32>
      %mul3A_1344 = arith.mulf %get3A_1337, %get3A_1343 : vector<16xf32>
      %get3A_1345 = arith.constant 1 : i32
      %get3A_1346 = arith.index_cast %get3A_1345 : i32 to index
      %get3A_1347 = arith.index_cast %scan3A_1185 : i32 to index
      %get3A_1348 = arith.constant 112 : index
      %get3A_1349 = tpu.vector_load %arg11[%get3A_1346, %get3A_1347, %get3A_1348] {strides = array<i32>} : memref<2x64x128xf32, #tpu.memory_space<vmem>>, vector<1x1x16xf32>,
      %get3A_1350 = vector.shape_cast %get3A_1349 : vector<1x1x16xf32> to vector<16xf32>
      %mul3A_1351 = arith.mulf %mul3A_1344, %get3A_1350 : vector<16xf32>
      %add3A_1352 = arith.addf %add3A_1331, %mul3A_1351 : vector<16xf32>
      %xor3A = arith.constant 8 : i32
      %xor3A_1353 = vector.broadcast %xor3A : i32 to vector<16xi32>
      %xor3A_1354 = arith.xori %iota3A, %xor3A_1353 : vector<16xi32>
      %broadcast_in_dim3A_1355 = vector.shape_cast %xor3A_1354 : vector<16xi32> to vector<16x1xi32>
      %gather3A = vector.shape_cast %broadcast_in_dim3A_1355 : vector<16x1xi32> to vector<16xi32>
      %gather3A_1356 = tpu.dynamic_gather %add3A_1352[%gather3A] in [0] : vector<16xf32>, vector<16xi32> -> vector<16xf32>
      %add3A_1357 = arith.addf %add3A_1352, %gather3A_1356 : vector<16xf32>
      %xor3A_1358 = arith.constant 4 : i32
      %xor3A_1359 = vector.broadcast %xor3A_1358 : i32 to vector<16xi32>
      %xor3A_1360 = arith.xori %iota3A, %xor3A_1359 : vector<16xi32>
      %broadcast_in_dim3A_1361 = vector.shape_cast %xor3A_1360 : vector<16xi32> to vector<16x1xi32>
      %gather3A_1362 = vector.shape_cast %broadcast_in_dim3A_1361 : vector<16x1xi32> to vector<16xi32>
      %gather3A_1363 = tpu.dynamic_gather %add3A_1357[%gather3A_1362] in [0] : vector<16xf32>, vector<16xi32> -> vector<16xf32>
      %add3A_1364 = arith.addf %add3A_1357, %gather3A_1363 : vector<16xf32>
      %xor3A_1365 = arith.constant 2 : i32
      %xor3A_1366 = vector.broadcast %xor3A_1365 : i32 to vector<16xi32>
      %xor3A_1367 = arith.xori %iota3A, %xor3A_1366 : vector<16xi32>
      %broadcast_in_dim3A_1368 = vector.shape_cast %xor3A_1367 : vector<16xi32> to vector<16x1xi32>
      %gather3A_1369 = vector.shape_cast %broadcast_in_dim3A_1368 : vector<16x1xi32> to vector<16xi32>
      %gather3A_1370 = tpu.dynamic_gather %add3A_1364[%gather3A_1369] in [0] : vector<16xf32>, vector<16xi32> -> vector<16xf32>
      %add3A_1371 = arith.addf %add3A_1364, %gather3A_1370 : vector<16xf32>
      %xor3A_1372 = arith.constant 1 : i32
      %xor3A_1373 = vector.broadcast %xor3A_1372 : i32 to vector<16xi32>
      %xor3A_1374 = arith.xori %iota3A, %xor3A_1373 : vector<16xi32>
      %broadcast_in_dim3A_1375 = vector.shape_cast %xor3A_1374 : vector<16xi32> to vector<16x1xi32>
      %gather3A_1376 = vector.shape_cast %broadcast_in_dim3A_1375 : vector<16x1xi32> to vector<16xi32>
      %gather3A_1377 = tpu.dynamic_gather %add3A_1371[%gather3A_1376] in [0] : vector<16xf32>, vector<16xi32> -> vector<16xf32>
      %add3A_1378 = arith.addf %add3A_1371, %gather3A_1377 : vector<16xf32>
      %and3A = arith.constant 15 : i32
      %and3A_1379 = arith.andi %scan3A_1185, %and3A : i32
      %eq3A_1380 = vector.broadcast %and3A_1379 : i32 to vector<16xi32>
      %eq3A_1381 = arith.cmpi eq, %iota3A, %eq3A_1380 : vector<16xi32>
      %select_n3A = arith.select %eq3A_1381, %add3A_1378, %scan3A_1186 : vector<16xi1>, vector<16xf32>
      %and3A_1382 = arith.constant 15 : i32
      %and3A_1383 = arith.andi %scan3A_1185, %and3A_1382 : i32
      %eq3A_1384 = arith.constant 15 : i32
      %eq3A_1385 = arith.cmpi eq, %and3A_1383, %eq3A_1384 : i32
      %convert_element_type3A = arith.extui %eq3A_1385 : i1 to i32
      %cond3A = arith.constant 0 : i32
      %cond3A_1386 = arith.cmpi ne, %convert_element_type3A, %cond3A : i32
      scf.if %cond3A_1386 {
        %add3A_1387 = arith.constant 320 : i32
        %add3A_1388 = arith.addi %add3A_1387, %scan3A_1185 : i32
        %sub3A = arith.constant 15 : i32
        %sub3A_1389 = arith.subi %add3A_1388, %sub3A : i32
        %swap3A = arith.index_cast %sub3A_1389 : i32 to index
        %swap3A_1390 = tpu.vector_load %arg12[%swap3A] {strides = array<i32>} : memref<512xf32, #tpu.memory_space<vmem>>, vector<16xf32>,
        %swap3A_1391 = vector.shape_cast %swap3A_1390 : vector<16xf32> to vector<16xf32>
        %swap3A_1392 = vector.shape_cast %select_n3A : vector<16xf32> to vector<16xf32>
        tpu.vector_store %arg12[%swap3A], %swap3A_1392 {strides = array<i32>} : memref<512xf32, #tpu.memory_space<vmem>>, vector<16xf32>,
      } else {
      }
      scf.yield %select_n3A : vector<16xf32>
    }
    %scan3A_1051 = arith.constant 64 : i32
    %dma_start3A_1052 = arith.constant 0 : i32
    %dma_start3A_1053 = arith.constant 7 : i32
    %dma_start3A_1054 = arith.constant 1 : i32
    %dma_start3A_1055 = arith.constant 0 : i32
    %dma_start3A_1056 = arith.constant 0 : i32
    %dma_start3A_1057 = tpu.memref_slice %arg9[%dma_start3A_1054, %dma_start3A_1055, %dma_start3A_1056] : memref<2x64x128xf32, #tpu.memory_space<vmem>> -> memref<1x64x128xf32, #tpu.memory_space<vmem>>
    %dma_start3A_1058 = tpu.memref_squeeze %dma_start3A_1057 : memref<1x64x128xf32, #tpu.memory_space<vmem>> -> memref<64x128xf32, #tpu.memory_space<vmem>>
    %dma_start3A_1059 = arith.constant 0 : i32
    %dma_start3A_1060 = tpu.memref_slice %arg8[%dma_start3A_1052, %dma_start3A_1053, %dma_start3A_1059] : memref<3x8x64xi32, #tpu.memory_space<vmem>> -> memref<1x1x64xi32, #tpu.memory_space<vmem>>
    %dma_start3A_1061 = tpu.memref_squeeze %dma_start3A_1060 : memref<1x1x64xi32, #tpu.memory_space<vmem>> -> memref<64xi32, #tpu.memory_space<vmem>>
    %dma_start3A_1062 = arith.constant 0 : i32
    %dma_start3A_1063 = arith.constant 0 : i32
    %dma_start3A_1064 = tpu.memref_slice %arg5[%dma_start3A_1062, %dma_start3A_1063] : memref<1000000x128xf32, #tpu.memory_space<hbm>> -> memref<1000000x128xf32, #tpu.memory_space<hbm>>
    tpu.enqueue_indirect_dma source(%dma_start3A_1064 : memref<1000000x128xf32, #tpu.memory_space<hbm>>) target(%dma_start3A_1058 : memref<64x128xf32, #tpu.memory_space<vmem>>) offsets(%dma_start3A_1061 : memref<64xi32, #tpu.memory_space<vmem>>) semaphore(%arg15 : memref<!tpu.dma_semaphore, #tpu.memory_space<semaphore_mem>>)
    %dma_start3A_1065 = arith.constant 1 : i32
    %dma_start3A_1066 = arith.constant 7 : i32
    %dma_start3A_1067 = arith.constant 1 : i32
    %dma_start3A_1068 = arith.constant 0 : i32
    %dma_start3A_1069 = arith.constant 0 : i32
    %dma_start3A_1070 = tpu.memref_slice %arg10[%dma_start3A_1067, %dma_start3A_1068, %dma_start3A_1069] : memref<2x64x128xf32, #tpu.memory_space<vmem>> -> memref<1x64x128xf32, #tpu.memory_space<vmem>>
    %dma_start3A_1071 = tpu.memref_squeeze %dma_start3A_1070 : memref<1x64x128xf32, #tpu.memory_space<vmem>> -> memref<64x128xf32, #tpu.memory_space<vmem>>
    %dma_start3A_1072 = arith.constant 0 : i32
    %dma_start3A_1073 = tpu.memref_slice %arg8[%dma_start3A_1065, %dma_start3A_1066, %dma_start3A_1072] : memref<3x8x64xi32, #tpu.memory_space<vmem>> -> memref<1x1x64xi32, #tpu.memory_space<vmem>>
    %dma_start3A_1074 = tpu.memref_squeeze %dma_start3A_1073 : memref<1x1x64xi32, #tpu.memory_space<vmem>> -> memref<64xi32, #tpu.memory_space<vmem>>
    %dma_start3A_1075 = arith.constant 0 : i32
    %dma_start3A_1076 = arith.constant 0 : i32
    %dma_start3A_1077 = tpu.memref_slice %arg6[%dma_start3A_1075, %dma_start3A_1076] : memref<1000x128xf32, #tpu.memory_space<hbm>> -> memref<1000x128xf32, #tpu.memory_space<hbm>>
    tpu.enqueue_indirect_dma source(%dma_start3A_1077 : memref<1000x128xf32, #tpu.memory_space<hbm>>) target(%dma_start3A_1071 : memref<64x128xf32, #tpu.memory_space<vmem>>) offsets(%dma_start3A_1074 : memref<64xi32, #tpu.memory_space<vmem>>) semaphore(%arg15 : memref<!tpu.dma_semaphore, #tpu.memory_space<semaphore_mem>>)
    %dma_start3A_1078 = arith.constant 2 : i32
    %dma_start3A_1079 = arith.constant 7 : i32
    %dma_start3A_1080 = arith.constant 1 : i32
    %dma_start3A_1081 = arith.constant 0 : i32
    %dma_start3A_1082 = arith.constant 0 : i32
    %dma_start3A_1083 = tpu.memref_slice %arg11[%dma_start3A_1080, %dma_start3A_1081, %dma_start3A_1082] : memref<2x64x128xf32, #tpu.memory_space<vmem>> -> memref<1x64x128xf32, #tpu.memory_space<vmem>>
    %dma_start3A_1084 = tpu.memref_squeeze %dma_start3A_1083 : memref<1x64x128xf32, #tpu.memory_space<vmem>> -> memref<64x128xf32, #tpu.memory_space<vmem>>
    %dma_start3A_1085 = arith.constant 0 : i32
    %dma_start3A_1086 = tpu.memref_slice %arg8[%dma_start3A_1078, %dma_start3A_1079, %dma_start3A_1085] : memref<3x8x64xi32, #tpu.memory_space<vmem>> -> memref<1x1x64xi32, #tpu.memory_space<vmem>>
    %dma_start3A_1087 = tpu.memref_squeeze %dma_start3A_1086 : memref<1x1x64xi32, #tpu.memory_space<vmem>> -> memref<64xi32, #tpu.memory_space<vmem>>
    %dma_start3A_1088 = arith.constant 0 : i32
    %dma_start3A_1089 = arith.constant 0 : i32
    %dma_start3A_1090 = tpu.memref_slice %arg5[%dma_start3A_1088, %dma_start3A_1089] : memref<1000000x128xf32, #tpu.memory_space<hbm>> -> memref<1000000x128xf32, #tpu.memory_space<hbm>>
    tpu.enqueue_indirect_dma source(%dma_start3A_1090 : memref<1000000x128xf32, #tpu.memory_space<hbm>>) target(%dma_start3A_1084 : memref<64x128xf32, #tpu.memory_space<vmem>>) offsets(%dma_start3A_1087 : memref<64xi32, #tpu.memory_space<vmem>>) semaphore(%arg15 : memref<!tpu.dma_semaphore, #tpu.memory_space<semaphore_mem>>)
    %dma_wait3A_1091 = arith.constant 0 : i32
    %dma_wait3A_1092 = arith.constant 6 : i32
    %dma_wait3A_1093 = arith.constant 0 : i32
    %dma_wait3A_1094 = arith.constant 0 : i32
    %dma_wait3A_1095 = arith.constant 0 : i32
    %dma_wait3A_1096 = tpu.memref_slice %arg9[%dma_wait3A_1093, %dma_wait3A_1094, %dma_wait3A_1095] : memref<2x64x128xf32, #tpu.memory_space<vmem>> -> memref<1x64x128xf32, #tpu.memory_space<vmem>>
    %dma_wait3A_1097 = tpu.memref_squeeze %dma_wait3A_1096 : memref<1x64x128xf32, #tpu.memory_space<vmem>> -> memref<64x128xf32, #tpu.memory_space<vmem>>
    %dma_wait3A_1098 = arith.constant 0 : i32
    %dma_wait3A_1099 = tpu.memref_slice %arg8[%dma_wait3A_1091, %dma_wait3A_1092, %dma_wait3A_1098] : memref<3x8x64xi32, #tpu.memory_space<vmem>> -> memref<1x1x64xi32, #tpu.memory_space<vmem>>
    %dma_wait3A_1100 = tpu.memref_squeeze %dma_wait3A_1099 : memref<1x1x64xi32, #tpu.memory_space<vmem>> -> memref<64xi32, #tpu.memory_space<vmem>>
    %dma_wait3A_1101 = arith.constant 0 : i32
    %dma_wait3A_1102 = arith.constant 0 : i32
    %dma_wait3A_1103 = tpu.memref_slice %arg5[%dma_wait3A_1101, %dma_wait3A_1102] : memref<1000000x128xf32, #tpu.memory_space<hbm>> -> memref<1000000x128xf32, #tpu.memory_space<hbm>>
    tpu.wait_indirect_dma semaphore(%arg14 : memref<!tpu.dma_semaphore, #tpu.memory_space<semaphore_mem>>) src(%dma_wait3A_1103 : memref<1000000x128xf32, #tpu.memory_space<hbm>>) dst(%dma_wait3A_1097 : memref<64x128xf32, #tpu.memory_space<vmem>>)
    %dma_wait3A_1104 = arith.constant 1 : i32
    %dma_wait3A_1105 = arith.constant 6 : i32
    %dma_wait3A_1106 = arith.constant 0 : i32
    %dma_wait3A_1107 = arith.constant 0 : i32
    %dma_wait3A_1108 = arith.constant 0 : i32
    %dma_wait3A_1109 = tpu.memref_slice %arg10[%dma_wait3A_1106, %dma_wait3A_1107, %dma_wait3A_1108] : memref<2x64x128xf32, #tpu.memory_space<vmem>> -> memref<1x64x128xf32, #tpu.memory_space<vmem>>
    %dma_wait3A_1110 = tpu.memref_squeeze %dma_wait3A_1109 : memref<1x64x128xf32, #tpu.memory_space<vmem>> -> memref<64x128xf32, #tpu.memory_space<vmem>>
    %dma_wait3A_1111 = arith.constant 0 : i32
    %dma_wait3A_1112 = tpu.memref_slice %arg8[%dma_wait3A_1104, %dma_wait3A_1105, %dma_wait3A_1111] : memref<3x8x64xi32, #tpu.memory_space<vmem>> -> memref<1x1x64xi32, #tpu.memory_space<vmem>>
    %dma_wait3A_1113 = tpu.memref_squeeze %dma_wait3A_1112 : memref<1x1x64xi32, #tpu.memory_space<vmem>> -> memref<64xi32, #tpu.memory_space<vmem>>
    %dma_wait3A_1114 = arith.constant 0 : i32
    %dma_wait3A_1115 = arith.constant 0 : i32
    %dma_wait3A_1116 = tpu.memref_slice %arg6[%dma_wait3A_1114, %dma_wait3A_1115] : memref<1000x128xf32, #tpu.memory_space<hbm>> -> memref<1000x128xf32, #tpu.memory_space<hbm>>
    tpu.wait_indirect_dma semaphore(%arg14 : memref<!tpu.dma_semaphore, #tpu.memory_space<semaphore_mem>>) src(%dma_wait3A_1116 : memref<1000x128xf32, #tpu.memory_space<hbm>>) dst(%dma_wait3A_1110 : memref<64x128xf32, #tpu.memory_space<vmem>>)
    %dma_wait3A_1117 = arith.constant 2 : i32
    %dma_wait3A_1118 = arith.constant 6 : i32
    %dma_wait3A_1119 = arith.constant 0 : i32
    %dma_wait3A_1120 = arith.constant 0 : i32
    %dma_wait3A_1121 = arith.constant 0 : i32
    %dma_wait3A_1122 = tpu.memref_slice %arg11[%dma_wait3A_1119, %dma_wait3A_1120, %dma_wait3A_1121] : memref<2x64x128xf32, #tpu.memory_space<vmem>> -> memref<1x64x128xf32, #tpu.memory_space<vmem>>
    %dma_wait3A_1123 = tpu.memref_squeeze %dma_wait3A_1122 : memref<1x64x128xf32, #tpu.memory_space<vmem>> -> memref<64x128xf32, #tpu.memory_space<vmem>>
    %dma_wait3A_1124 = arith.constant 0 : i32
    %dma_wait3A_1125 = tpu.memref_slice %arg8[%dma_wait3A_1117, %dma_wait3A_1118, %dma_wait3A_1124] : memref<3x8x64xi32, #tpu.memory_space<vmem>> -> memref<1x1x64xi32, #tpu.memory_space<vmem>>
    %dma_wait3A_1126 = tpu.memref_squeeze %dma_wait3A_1125 : memref<1x1x64xi32, #tpu.memory_space<vmem>> -> memref<64xi32, #tpu.memory_space<vmem>>
    %dma_wait3A_1127 = arith.constant 0 : i32
    %dma_wait3A_1128 = arith.constant 0 : i32
    %dma_wait3A_1129 = tpu.memref_slice %arg5[%dma_wait3A_1127, %dma_wait3A_1128] : memref<1000000x128xf32, #tpu.memory_space<hbm>> -> memref<1000000x128xf32, #tpu.memory_space<hbm>>
    tpu.wait_indirect_dma semaphore(%arg14 : memref<!tpu.dma_semaphore, #tpu.memory_space<semaphore_mem>>) src(%dma_wait3A_1129 : memref<1000000x128xf32, #tpu.memory_space<hbm>>) dst(%dma_wait3A_1123 : memref<64x128xf32, #tpu.memory_space<vmem>>)
    %broadcast_in_dim3A_1130 = arith.constant 0.000000e+00 : f32
    %broadcast_in_dim3A_1131 = vector.broadcast %broadcast_in_dim3A_1130 : f32 to vector<16xf32>
    %scan3A_1132 = arith.constant 0 : i32
    %scan3A_1133 = arith.constant 64 : i32
    %scan3A_1134 = arith.addi %scan3A_1132, %scan3A_1133 : i32
    %scan3A_1135 = arith.constant 1 : i32
    %scan3A_1136 = scf.for %scan3A_1185 = %scan3A_1132 to %scan3A_1134 step %scan3A_1135 iter_args(%scan3A_1186 = %broadcast_in_dim3A_1131) -> (vector<16xf32>)  : i32 {
      %get3A = arith.constant 0 : i32
      %get3A_1187 = arith.index_cast %get3A : i32 to index
      %get3A_1188 = arith.index_cast %scan3A_1185 : i32 to index
      %get3A_1189 = arith.constant 0 : index
      %get3A_1190 = tpu.vector_load %arg9[%get3A_1187, %get3A_1188, %get3A_1189] {strides = array<i32>} : memref<2x64x128xf32, #tpu.memory_space<vmem>>, vector<1x1x16xf32>,
      %get3A_1191 = vector.shape_cast %get3A_1190 : vector<1x1x16xf32> to vector<16xf32>
      %get3A_1192 = arith.constant 0 : i32
      %get3A_1193 = arith.index_cast %get3A_1192 : i32 to index
      %get3A_1194 = arith.index_cast %scan3A_1185 : i32 to index
      %get3A_1195 = arith.constant 0 : index
      %get3A_1196 = tpu.vector_load %arg10[%get3A_1193, %get3A_1194, %get3A_1195] {strides = array<i32>} : memref<2x64x128xf32, #tpu.memory_space<vmem>>, vector<1x1x16xf32>,
      %get3A_1197 = vector.shape_cast %get3A_1196 : vector<1x1x16xf32> to vector<16xf32>
      %mul3A_1198 = arith.mulf %get3A_1191, %get3A_1197 : vector<16xf32>
      %get3A_1199 = arith.constant 0 : i32
      %get3A_1200 = arith.index_cast %get3A_1199 : i32 to index
      %get3A_1201 = arith.index_cast %scan3A_1185 : i32 to index
      %get3A_1202 = arith.constant 0 : index
      %get3A_1203 = tpu.vector_load %arg11[%get3A_1200, %get3A_1201, %get3A_1202] {strides = array<i32>} : memref<2x64x128xf32, #tpu.memory_space<vmem>>, vector<1x1x16xf32>,
      %get3A_1204 = vector.shape_cast %get3A_1203 : vector<1x1x16xf32> to vector<16xf32>
      %mul3A_1205 = arith.mulf %mul3A_1198, %get3A_1204 : vector<16xf32>
      %get3A_1206 = arith.constant 0 : i32
      %get3A_1207 = arith.index_cast %get3A_1206 : i32 to index
      %get3A_1208 = arith.index_cast %scan3A_1185 : i32 to index
      %get3A_1209 = arith.constant 16 : index
      %get3A_1210 = tpu.vector_load %arg9[%get3A_1207, %get3A_1208, %get3A_1209] {strides = array<i32>} : memref<2x64x128xf32, #tpu.memory_space<vmem>>, vector<1x1x16xf32>,
      %get3A_1211 = vector.shape_cast %get3A_1210 : vector<1x1x16xf32> to vector<16xf32>
      %get3A_1212 = arith.constant 0 : i32
      %get3A_1213 = arith.index_cast %get3A_1212 : i32 to index
      %get3A_1214 = arith.index_cast %scan3A_1185 : i32 to index
      %get3A_1215 = arith.constant 16 : index
      %get3A_1216 = tpu.vector_load %arg10[%get3A_1213, %get3A_1214, %get3A_1215] {strides = array<i32>} : memref<2x64x128xf32, #tpu.memory_space<vmem>>, vector<1x1x16xf32>,
      %get3A_1217 = vector.shape_cast %get3A_1216 : vector<1x1x16xf32> to vector<16xf32>
      %mul3A_1218 = arith.mulf %get3A_1211, %get3A_1217 : vector<16xf32>
      %get3A_1219 = arith.constant 0 : i32
      %get3A_1220 = arith.index_cast %get3A_1219 : i32 to index
      %get3A_1221 = arith.index_cast %scan3A_1185 : i32 to index
      %get3A_1222 = arith.constant 16 : index
      %get3A_1223 = tpu.vector_load %arg11[%get3A_1220, %get3A_1221, %get3A_1222] {strides = array<i32>} : memref<2x64x128xf32, #tpu.memory_space<vmem>>, vector<1x1x16xf32>,
      %get3A_1224 = vector.shape_cast %get3A_1223 : vector<1x1x16xf32> to vector<16xf32>
      %mul3A_1225 = arith.mulf %mul3A_1218, %get3A_1224 : vector<16xf32>
      %add3A_1226 = arith.addf %mul3A_1205, %mul3A_1225 : vector<16xf32>
      %get3A_1227 = arith.constant 0 : i32
      %get3A_1228 = arith.index_cast %get3A_1227 : i32 to index
      %get3A_1229 = arith.index_cast %scan3A_1185 : i32 to index
      %get3A_1230 = arith.constant 32 : index
      %get3A_1231 = tpu.vector_load %arg9[%get3A_1228, %get3A_1229, %get3A_1230] {strides = array<i32>} : memref<2x64x128xf32, #tpu.memory_space<vmem>>, vector<1x1x16xf32>,
      %get3A_1232 = vector.shape_cast %get3A_1231 : vector<1x1x16xf32> to vector<16xf32>
      %get3A_1233 = arith.constant 0 : i32
      %get3A_1234 = arith.index_cast %get3A_1233 : i32 to index
      %get3A_1235 = arith.index_cast %scan3A_1185 : i32 to index
      %get3A_1236 = arith.constant 32 : index
      %get3A_1237 = tpu.vector_load %arg10[%get3A_1234, %get3A_1235, %get3A_1236] {strides = array<i32>} : memref<2x64x128xf32, #tpu.memory_space<vmem>>, vector<1x1x16xf32>,
      %get3A_1238 = vector.shape_cast %get3A_1237 : vector<1x1x16xf32> to vector<16xf32>
      %mul3A_1239 = arith.mulf %get3A_1232, %get3A_1238 : vector<16xf32>
      %get3A_1240 = arith.constant 0 : i32
      %get3A_1241 = arith.index_cast %get3A_1240 : i32 to index
      %get3A_1242 = arith.index_cast %scan3A_1185 : i32 to index
      %get3A_1243 = arith.constant 32 : index
      %get3A_1244 = tpu.vector_load %arg11[%get3A_1241, %get3A_1242, %get3A_1243] {strides = array<i32>} : memref<2x64x128xf32, #tpu.memory_space<vmem>>, vector<1x1x16xf32>,
      %get3A_1245 = vector.shape_cast %get3A_1244 : vector<1x1x16xf32> to vector<16xf32>
      %mul3A_1246 = arith.mulf %mul3A_1239, %get3A_1245 : vector<16xf32>
      %add3A_1247 = arith.addf %add3A_1226, %mul3A_1246 : vector<16xf32>
      %get3A_1248 = arith.constant 0 : i32
      %get3A_1249 = arith.index_cast %get3A_1248 : i32 to index
      %get3A_1250 = arith.index_cast %scan3A_1185 : i32 to index
      %get3A_1251 = arith.constant 48 : index
      %get3A_1252 = tpu.vector_load %arg9[%get3A_1249, %get3A_1250, %get3A_1251] {strides = array<i32>} : memref<2x64x128xf32, #tpu.memory_space<vmem>>, vector<1x1x16xf32>,
      %get3A_1253 = vector.shape_cast %get3A_1252 : vector<1x1x16xf32> to vector<16xf32>
      %get3A_1254 = arith.constant 0 : i32
      %get3A_1255 = arith.index_cast %get3A_1254 : i32 to index
      %get3A_1256 = arith.index_cast %scan3A_1185 : i32 to index
      %get3A_1257 = arith.constant 48 : index
      %get3A_1258 = tpu.vector_load %arg10[%get3A_1255, %get3A_1256, %get3A_1257] {strides = array<i32>} : memref<2x64x128xf32, #tpu.memory_space<vmem>>, vector<1x1x16xf32>,
      %get3A_1259 = vector.shape_cast %get3A_1258 : vector<1x1x16xf32> to vector<16xf32>
      %mul3A_1260 = arith.mulf %get3A_1253, %get3A_1259 : vector<16xf32>
      %get3A_1261 = arith.constant 0 : i32
      %get3A_1262 = arith.index_cast %get3A_1261 : i32 to index
      %get3A_1263 = arith.index_cast %scan3A_1185 : i32 to index
      %get3A_1264 = arith.constant 48 : index
      %get3A_1265 = tpu.vector_load %arg11[%get3A_1262, %get3A_1263, %get3A_1264] {strides = array<i32>} : memref<2x64x128xf32, #tpu.memory_space<vmem>>, vector<1x1x16xf32>,
      %get3A_1266 = vector.shape_cast %get3A_1265 : vector<1x1x16xf32> to vector<16xf32>
      %mul3A_1267 = arith.mulf %mul3A_1260, %get3A_1266 : vector<16xf32>
      %add3A_1268 = arith.addf %add3A_1247, %mul3A_1267 : vector<16xf32>
      %get3A_1269 = arith.constant 0 : i32
      %get3A_1270 = arith.index_cast %get3A_1269 : i32 to index
      %get3A_1271 = arith.index_cast %scan3A_1185 : i32 to index
      %get3A_1272 = arith.constant 64 : index
      %get3A_1273 = tpu.vector_load %arg9[%get3A_1270, %get3A_1271, %get3A_1272] {strides = array<i32>} : memref<2x64x128xf32, #tpu.memory_space<vmem>>, vector<1x1x16xf32>,
      %get3A_1274 = vector.shape_cast %get3A_1273 : vector<1x1x16xf32> to vector<16xf32>
      %get3A_1275 = arith.constant 0 : i32
      %get3A_1276 = arith.index_cast %get3A_1275 : i32 to index
      %get3A_1277 = arith.index_cast %scan3A_1185 : i32 to index
      %get3A_1278 = arith.constant 64 : index
      %get3A_1279 = tpu.vector_load %arg10[%get3A_1276, %get3A_1277, %get3A_1278] {strides = array<i32>} : memref<2x64x128xf32, #tpu.memory_space<vmem>>, vector<1x1x16xf32>,
      %get3A_1280 = vector.shape_cast %get3A_1279 : vector<1x1x16xf32> to vector<16xf32>
      %mul3A_1281 = arith.mulf %get3A_1274, %get3A_1280 : vector<16xf32>
      %get3A_1282 = arith.constant 0 : i32
      %get3A_1283 = arith.index_cast %get3A_1282 : i32 to index
      %get3A_1284 = arith.index_cast %scan3A_1185 : i32 to index
      %get3A_1285 = arith.constant 64 : index
      %get3A_1286 = tpu.vector_load %arg11[%get3A_1283, %get3A_1284, %get3A_1285] {strides = array<i32>} : memref<2x64x128xf32, #tpu.memory_space<vmem>>, vector<1x1x16xf32>,
      %get3A_1287 = vector.shape_cast %get3A_1286 : vector<1x1x16xf32> to vector<16xf32>
      %mul3A_1288 = arith.mulf %mul3A_1281, %get3A_1287 : vector<16xf32>
      %add3A_1289 = arith.addf %add3A_1268, %mul3A_1288 : vector<16xf32>
      %get3A_1290 = arith.constant 0 : i32
      %get3A_1291 = arith.index_cast %get3A_1290 : i32 to index
      %get3A_1292 = arith.index_cast %scan3A_1185 : i32 to index
      %get3A_1293 = arith.constant 80 : index
      %get3A_1294 = tpu.vector_load %arg9[%get3A_1291, %get3A_1292, %get3A_1293] {strides = array<i32>} : memref<2x64x128xf32, #tpu.memory_space<vmem>>, vector<1x1x16xf32>,
      %get3A_1295 = vector.shape_cast %get3A_1294 : vector<1x1x16xf32> to vector<16xf32>
      %get3A_1296 = arith.constant 0 : i32
      %get3A_1297 = arith.index_cast %get3A_1296 : i32 to index
      %get3A_1298 = arith.index_cast %scan3A_1185 : i32 to index
      %get3A_1299 = arith.constant 80 : index
      %get3A_1300 = tpu.vector_load %arg10[%get3A_1297, %get3A_1298, %get3A_1299] {strides = array<i32>} : memref<2x64x128xf32, #tpu.memory_space<vmem>>, vector<1x1x16xf32>,
      %get3A_1301 = vector.shape_cast %get3A_1300 : vector<1x1x16xf32> to vector<16xf32>
      %mul3A_1302 = arith.mulf %get3A_1295, %get3A_1301 : vector<16xf32>
      %get3A_1303 = arith.constant 0 : i32
      %get3A_1304 = arith.index_cast %get3A_1303 : i32 to index
      %get3A_1305 = arith.index_cast %scan3A_1185 : i32 to index
      %get3A_1306 = arith.constant 80 : index
      %get3A_1307 = tpu.vector_load %arg11[%get3A_1304, %get3A_1305, %get3A_1306] {strides = array<i32>} : memref<2x64x128xf32, #tpu.memory_space<vmem>>, vector<1x1x16xf32>,
      %get3A_1308 = vector.shape_cast %get3A_1307 : vector<1x1x16xf32> to vector<16xf32>
      %mul3A_1309 = arith.mulf %mul3A_1302, %get3A_1308 : vector<16xf32>
      %add3A_1310 = arith.addf %add3A_1289, %mul3A_1309 : vector<16xf32>
      %get3A_1311 = arith.constant 0 : i32
      %get3A_1312 = arith.index_cast %get3A_1311 : i32 to index
      %get3A_1313 = arith.index_cast %scan3A_1185 : i32 to index
      %get3A_1314 = arith.constant 96 : index
      %get3A_1315 = tpu.vector_load %arg9[%get3A_1312, %get3A_1313, %get3A_1314] {strides = array<i32>} : memref<2x64x128xf32, #tpu.memory_space<vmem>>, vector<1x1x16xf32>,
      %get3A_1316 = vector.shape_cast %get3A_1315 : vector<1x1x16xf32> to vector<16xf32>
      %get3A_1317 = arith.constant 0 : i32
      %get3A_1318 = arith.index_cast %get3A_1317 : i32 to index
      %get3A_1319 = arith.index_cast %scan3A_1185 : i32 to index
      %get3A_1320 = arith.constant 96 : index
      %get3A_1321 = tpu.vector_load %arg10[%get3A_1318, %get3A_1319, %get3A_1320] {strides = array<i32>} : memref<2x64x128xf32, #tpu.memory_space<vmem>>, vector<1x1x16xf32>,
      %get3A_1322 = vector.shape_cast %get3A_1321 : vector<1x1x16xf32> to vector<16xf32>
      %mul3A_1323 = arith.mulf %get3A_1316, %get3A_1322 : vector<16xf32>
      %get3A_1324 = arith.constant 0 : i32
      %get3A_1325 = arith.index_cast %get3A_1324 : i32 to index
      %get3A_1326 = arith.index_cast %scan3A_1185 : i32 to index
      %get3A_1327 = arith.constant 96 : index
      %get3A_1328 = tpu.vector_load %arg11[%get3A_1325, %get3A_1326, %get3A_1327] {strides = array<i32>} : memref<2x64x128xf32, #tpu.memory_space<vmem>>, vector<1x1x16xf32>,
      %get3A_1329 = vector.shape_cast %get3A_1328 : vector<1x1x16xf32> to vector<16xf32>
      %mul3A_1330 = arith.mulf %mul3A_1323, %get3A_1329 : vector<16xf32>
      %add3A_1331 = arith.addf %add3A_1310, %mul3A_1330 : vector<16xf32>
      %get3A_1332 = arith.constant 0 : i32
      %get3A_1333 = arith.index_cast %get3A_1332 : i32 to index
      %get3A_1334 = arith.index_cast %scan3A_1185 : i32 to index
      %get3A_1335 = arith.constant 112 : index
      %get3A_1336 = tpu.vector_load %arg9[%get3A_1333, %get3A_1334, %get3A_1335] {strides = array<i32>} : memref<2x64x128xf32, #tpu.memory_space<vmem>>, vector<1x1x16xf32>,
      %get3A_1337 = vector.shape_cast %get3A_1336 : vector<1x1x16xf32> to vector<16xf32>
      %get3A_1338 = arith.constant 0 : i32
      %get3A_1339 = arith.index_cast %get3A_1338 : i32 to index
      %get3A_1340 = arith.index_cast %scan3A_1185 : i32 to index
      %get3A_1341 = arith.constant 112 : index
      %get3A_1342 = tpu.vector_load %arg10[%get3A_1339, %get3A_1340, %get3A_1341] {strides = array<i32>} : memref<2x64x128xf32, #tpu.memory_space<vmem>>, vector<1x1x16xf32>,
      %get3A_1343 = vector.shape_cast %get3A_1342 : vector<1x1x16xf32> to vector<16xf32>
      %mul3A_1344 = arith.mulf %get3A_1337, %get3A_1343 : vector<16xf32>
      %get3A_1345 = arith.constant 0 : i32
      %get3A_1346 = arith.index_cast %get3A_1345 : i32 to index
      %get3A_1347 = arith.index_cast %scan3A_1185 : i32 to index
      %get3A_1348 = arith.constant 112 : index
      %get3A_1349 = tpu.vector_load %arg11[%get3A_1346, %get3A_1347, %get3A_1348] {strides = array<i32>} : memref<2x64x128xf32, #tpu.memory_space<vmem>>, vector<1x1x16xf32>,
      %get3A_1350 = vector.shape_cast %get3A_1349 : vector<1x1x16xf32> to vector<16xf32>
      %mul3A_1351 = arith.mulf %mul3A_1344, %get3A_1350 : vector<16xf32>
      %add3A_1352 = arith.addf %add3A_1331, %mul3A_1351 : vector<16xf32>
      %xor3A = arith.constant 8 : i32
      %xor3A_1353 = vector.broadcast %xor3A : i32 to vector<16xi32>
      %xor3A_1354 = arith.xori %iota3A, %xor3A_1353 : vector<16xi32>
      %broadcast_in_dim3A_1355 = vector.shape_cast %xor3A_1354 : vector<16xi32> to vector<16x1xi32>
      %gather3A = vector.shape_cast %broadcast_in_dim3A_1355 : vector<16x1xi32> to vector<16xi32>
      %gather3A_1356 = tpu.dynamic_gather %add3A_1352[%gather3A] in [0] : vector<16xf32>, vector<16xi32> -> vector<16xf32>
      %add3A_1357 = arith.addf %add3A_1352, %gather3A_1356 : vector<16xf32>
      %xor3A_1358 = arith.constant 4 : i32
      %xor3A_1359 = vector.broadcast %xor3A_1358 : i32 to vector<16xi32>
      %xor3A_1360 = arith.xori %iota3A, %xor3A_1359 : vector<16xi32>
      %broadcast_in_dim3A_1361 = vector.shape_cast %xor3A_1360 : vector<16xi32> to vector<16x1xi32>
      %gather3A_1362 = vector.shape_cast %broadcast_in_dim3A_1361 : vector<16x1xi32> to vector<16xi32>
      %gather3A_1363 = tpu.dynamic_gather %add3A_1357[%gather3A_1362] in [0] : vector<16xf32>, vector<16xi32> -> vector<16xf32>
      %add3A_1364 = arith.addf %add3A_1357, %gather3A_1363 : vector<16xf32>
      %xor3A_1365 = arith.constant 2 : i32
      %xor3A_1366 = vector.broadcast %xor3A_1365 : i32 to vector<16xi32>
      %xor3A_1367 = arith.xori %iota3A, %xor3A_1366 : vector<16xi32>
      %broadcast_in_dim3A_1368 = vector.shape_cast %xor3A_1367 : vector<16xi32> to vector<16x1xi32>
      %gather3A_1369 = vector.shape_cast %broadcast_in_dim3A_1368 : vector<16x1xi32> to vector<16xi32>
      %gather3A_1370 = tpu.dynamic_gather %add3A_1364[%gather3A_1369] in [0] : vector<16xf32>, vector<16xi32> -> vector<16xf32>
      %add3A_1371 = arith.addf %add3A_1364, %gather3A_1370 : vector<16xf32>
      %xor3A_1372 = arith.constant 1 : i32
      %xor3A_1373 = vector.broadcast %xor3A_1372 : i32 to vector<16xi32>
      %xor3A_1374 = arith.xori %iota3A, %xor3A_1373 : vector<16xi32>
      %broadcast_in_dim3A_1375 = vector.shape_cast %xor3A_1374 : vector<16xi32> to vector<16x1xi32>
      %gather3A_1376 = vector.shape_cast %broadcast_in_dim3A_1375 : vector<16x1xi32> to vector<16xi32>
      %gather3A_1377 = tpu.dynamic_gather %add3A_1371[%gather3A_1376] in [0] : vector<16xf32>, vector<16xi32> -> vector<16xf32>
      %add3A_1378 = arith.addf %add3A_1371, %gather3A_1377 : vector<16xf32>
      %and3A = arith.constant 15 : i32
      %and3A_1379 = arith.andi %scan3A_1185, %and3A : i32
      %eq3A_1380 = vector.broadcast %and3A_1379 : i32 to vector<16xi32>
      %eq3A_1381 = arith.cmpi eq, %iota3A, %eq3A_1380 : vector<16xi32>
      %select_n3A = arith.select %eq3A_1381, %add3A_1378, %scan3A_1186 : vector<16xi1>, vector<16xf32>
      %and3A_1382 = arith.constant 15 : i32
      %and3A_1383 = arith.andi %scan3A_1185, %and3A_1382 : i32
      %eq3A_1384 = arith.constant 15 : i32
      %eq3A_1385 = arith.cmpi eq, %and3A_1383, %eq3A_1384 : i32
      %convert_element_type3A = arith.extui %eq3A_1385 : i1 to i32
      %cond3A = arith.constant 0 : i32
      %cond3A_1386 = arith.cmpi ne, %convert_element_type3A, %cond3A : i32
      scf.if %cond3A_1386 {
        %add3A_1387 = arith.constant 384 : i32
        %add3A_1388 = arith.addi %add3A_1387, %scan3A_1185 : i32
        %sub3A = arith.constant 15 : i32
        %sub3A_1389 = arith.subi %add3A_1388, %sub3A : i32
        %swap3A = arith.index_cast %sub3A_1389 : i32 to index
        %swap3A_1390 = tpu.vector_load %arg12[%swap3A] {strides = array<i32>} : memref<512xf32, #tpu.memory_space<vmem>>, vector<16xf32>,
        %swap3A_1391 = vector.shape_cast %swap3A_1390 : vector<16xf32> to vector<16xf32>
        %swap3A_1392 = vector.shape_cast %select_n3A : vector<16xf32> to vector<16xf32>
        tpu.vector_store %arg12[%swap3A], %swap3A_1392 {strides = array<i32>} : memref<512xf32, #tpu.memory_space<vmem>>, vector<16xf32>,
      } else {
      }
      scf.yield %select_n3A : vector<16xf32>
    }
    %scan3A_1137 = arith.constant 64 : i32
    %dma_wait3A_1138 = arith.constant 0 : i32
    %dma_wait3A_1139 = arith.constant 7 : i32
    %dma_wait3A_1140 = arith.constant 1 : i32
    %dma_wait3A_1141 = arith.constant 0 : i32
    %dma_wait3A_1142 = arith.constant 0 : i32
    %dma_wait3A_1143 = tpu.memref_slice %arg9[%dma_wait3A_1140, %dma_wait3A_1141, %dma_wait3A_1142] : memref<2x64x128xf32, #tpu.memory_space<vmem>> -> memref<1x64x128xf32, #tpu.memory_space<vmem>>
    %dma_wait3A_1144 = tpu.memref_squeeze %dma_wait3A_1143 : memref<1x64x128xf32, #tpu.memory_space<vmem>> -> memref<64x128xf32, #tpu.memory_space<vmem>>
    %dma_wait3A_1145 = arith.constant 0 : i32
    %dma_wait3A_1146 = tpu.memref_slice %arg8[%dma_wait3A_1138, %dma_wait3A_1139, %dma_wait3A_1145] : memref<3x8x64xi32, #tpu.memory_space<vmem>> -> memref<1x1x64xi32, #tpu.memory_space<vmem>>
    %dma_wait3A_1147 = tpu.memref_squeeze %dma_wait3A_1146 : memref<1x1x64xi32, #tpu.memory_space<vmem>> -> memref<64xi32, #tpu.memory_space<vmem>>
    %dma_wait3A_1148 = arith.constant 0 : i32
    %dma_wait3A_1149 = arith.constant 0 : i32
    %dma_wait3A_1150 = tpu.memref_slice %arg5[%dma_wait3A_1148, %dma_wait3A_1149] : memref<1000000x128xf32, #tpu.memory_space<hbm>> -> memref<1000000x128xf32, #tpu.memory_space<hbm>>
    tpu.wait_indirect_dma semaphore(%arg15 : memref<!tpu.dma_semaphore, #tpu.memory_space<semaphore_mem>>) src(%dma_wait3A_1150 : memref<1000000x128xf32, #tpu.memory_space<hbm>>) dst(%dma_wait3A_1144 : memref<64x128xf32, #tpu.memory_space<vmem>>)
    %dma_wait3A_1151 = arith.constant 1 : i32
    %dma_wait3A_1152 = arith.constant 7 : i32
    %dma_wait3A_1153 = arith.constant 1 : i32
    %dma_wait3A_1154 = arith.constant 0 : i32
    %dma_wait3A_1155 = arith.constant 0 : i32
    %dma_wait3A_1156 = tpu.memref_slice %arg10[%dma_wait3A_1153, %dma_wait3A_1154, %dma_wait3A_1155] : memref<2x64x128xf32, #tpu.memory_space<vmem>> -> memref<1x64x128xf32, #tpu.memory_space<vmem>>
    %dma_wait3A_1157 = tpu.memref_squeeze %dma_wait3A_1156 : memref<1x64x128xf32, #tpu.memory_space<vmem>> -> memref<64x128xf32, #tpu.memory_space<vmem>>
    %dma_wait3A_1158 = arith.constant 0 : i32
    %dma_wait3A_1159 = tpu.memref_slice %arg8[%dma_wait3A_1151, %dma_wait3A_1152, %dma_wait3A_1158] : memref<3x8x64xi32, #tpu.memory_space<vmem>> -> memref<1x1x64xi32, #tpu.memory_space<vmem>>
    %dma_wait3A_1160 = tpu.memref_squeeze %dma_wait3A_1159 : memref<1x1x64xi32, #tpu.memory_space<vmem>> -> memref<64xi32, #tpu.memory_space<vmem>>
    %dma_wait3A_1161 = arith.constant 0 : i32
    %dma_wait3A_1162 = arith.constant 0 : i32
    %dma_wait3A_1163 = tpu.memref_slice %arg6[%dma_wait3A_1161, %dma_wait3A_1162] : memref<1000x128xf32, #tpu.memory_space<hbm>> -> memref<1000x128xf32, #tpu.memory_space<hbm>>
    tpu.wait_indirect_dma semaphore(%arg15 : memref<!tpu.dma_semaphore, #tpu.memory_space<semaphore_mem>>) src(%dma_wait3A_1163 : memref<1000x128xf32, #tpu.memory_space<hbm>>) dst(%dma_wait3A_1157 : memref<64x128xf32, #tpu.memory_space<vmem>>)
    %dma_wait3A_1164 = arith.constant 2 : i32
    %dma_wait3A_1165 = arith.constant 7 : i32
    %dma_wait3A_1166 = arith.constant 1 : i32
    %dma_wait3A_1167 = arith.constant 0 : i32
    %dma_wait3A_1168 = arith.constant 0 : i32
    %dma_wait3A_1169 = tpu.memref_slice %arg11[%dma_wait3A_1166, %dma_wait3A_1167, %dma_wait3A_1168] : memref<2x64x128xf32, #tpu.memory_space<vmem>> -> memref<1x64x128xf32, #tpu.memory_space<vmem>>
    %dma_wait3A_1170 = tpu.memref_squeeze %dma_wait3A_1169 : memref<1x64x128xf32, #tpu.memory_space<vmem>> -> memref<64x128xf32, #tpu.memory_space<vmem>>
    %dma_wait3A_1171 = arith.constant 0 : i32
    %dma_wait3A_1172 = tpu.memref_slice %arg8[%dma_wait3A_1164, %dma_wait3A_1165, %dma_wait3A_1171] : memref<3x8x64xi32, #tpu.memory_space<vmem>> -> memref<1x1x64xi32, #tpu.memory_space<vmem>>
    %dma_wait3A_1173 = tpu.memref_squeeze %dma_wait3A_1172 : memref<1x1x64xi32, #tpu.memory_space<vmem>> -> memref<64xi32, #tpu.memory_space<vmem>>
    %dma_wait3A_1174 = arith.constant 0 : i32
    %dma_wait3A_1175 = arith.constant 0 : i32
    %dma_wait3A_1176 = tpu.memref_slice %arg5[%dma_wait3A_1174, %dma_wait3A_1175] : memref<1000000x128xf32, #tpu.memory_space<hbm>> -> memref<1000000x128xf32, #tpu.memory_space<hbm>>
    tpu.wait_indirect_dma semaphore(%arg15 : memref<!tpu.dma_semaphore, #tpu.memory_space<semaphore_mem>>) src(%dma_wait3A_1176 : memref<1000000x128xf32, #tpu.memory_space<hbm>>) dst(%dma_wait3A_1170 : memref<64x128xf32, #tpu.memory_space<vmem>>)
    %broadcast_in_dim3A_1177 = arith.constant 0.000000e+00 : f32
    %broadcast_in_dim3A_1178 = vector.broadcast %broadcast_in_dim3A_1177 : f32 to vector<16xf32>
    %scan3A_1179 = arith.constant 0 : i32
    %scan3A_1180 = arith.constant 64 : i32
    %scan3A_1181 = arith.addi %scan3A_1179, %scan3A_1180 : i32
    %scan3A_1182 = arith.constant 1 : i32
    %scan3A_1183 = scf.for %scan3A_1185 = %scan3A_1179 to %scan3A_1181 step %scan3A_1182 iter_args(%scan3A_1186 = %broadcast_in_dim3A_1178) -> (vector<16xf32>)  : i32 {
      %get3A = arith.constant 1 : i32
      %get3A_1187 = arith.index_cast %get3A : i32 to index
      %get3A_1188 = arith.index_cast %scan3A_1185 : i32 to index
      %get3A_1189 = arith.constant 0 : index
      %get3A_1190 = tpu.vector_load %arg9[%get3A_1187, %get3A_1188, %get3A_1189] {strides = array<i32>} : memref<2x64x128xf32, #tpu.memory_space<vmem>>, vector<1x1x16xf32>,
      %get3A_1191 = vector.shape_cast %get3A_1190 : vector<1x1x16xf32> to vector<16xf32>
      %get3A_1192 = arith.constant 1 : i32
      %get3A_1193 = arith.index_cast %get3A_1192 : i32 to index
      %get3A_1194 = arith.index_cast %scan3A_1185 : i32 to index
      %get3A_1195 = arith.constant 0 : index
      %get3A_1196 = tpu.vector_load %arg10[%get3A_1193, %get3A_1194, %get3A_1195] {strides = array<i32>} : memref<2x64x128xf32, #tpu.memory_space<vmem>>, vector<1x1x16xf32>,
      %get3A_1197 = vector.shape_cast %get3A_1196 : vector<1x1x16xf32> to vector<16xf32>
      %mul3A_1198 = arith.mulf %get3A_1191, %get3A_1197 : vector<16xf32>
      %get3A_1199 = arith.constant 1 : i32
      %get3A_1200 = arith.index_cast %get3A_1199 : i32 to index
      %get3A_1201 = arith.index_cast %scan3A_1185 : i32 to index
      %get3A_1202 = arith.constant 0 : index
      %get3A_1203 = tpu.vector_load %arg11[%get3A_1200, %get3A_1201, %get3A_1202] {strides = array<i32>} : memref<2x64x128xf32, #tpu.memory_space<vmem>>, vector<1x1x16xf32>,
      %get3A_1204 = vector.shape_cast %get3A_1203 : vector<1x1x16xf32> to vector<16xf32>
      %mul3A_1205 = arith.mulf %mul3A_1198, %get3A_1204 : vector<16xf32>
      %get3A_1206 = arith.constant 1 : i32
      %get3A_1207 = arith.index_cast %get3A_1206 : i32 to index
      %get3A_1208 = arith.index_cast %scan3A_1185 : i32 to index
      %get3A_1209 = arith.constant 16 : index
      %get3A_1210 = tpu.vector_load %arg9[%get3A_1207, %get3A_1208, %get3A_1209] {strides = array<i32>} : memref<2x64x128xf32, #tpu.memory_space<vmem>>, vector<1x1x16xf32>,
      %get3A_1211 = vector.shape_cast %get3A_1210 : vector<1x1x16xf32> to vector<16xf32>
      %get3A_1212 = arith.constant 1 : i32
      %get3A_1213 = arith.index_cast %get3A_1212 : i32 to index
      %get3A_1214 = arith.index_cast %scan3A_1185 : i32 to index
      %get3A_1215 = arith.constant 16 : index
      %get3A_1216 = tpu.vector_load %arg10[%get3A_1213, %get3A_1214, %get3A_1215] {strides = array<i32>} : memref<2x64x128xf32, #tpu.memory_space<vmem>>, vector<1x1x16xf32>,
      %get3A_1217 = vector.shape_cast %get3A_1216 : vector<1x1x16xf32> to vector<16xf32>
      %mul3A_1218 = arith.mulf %get3A_1211, %get3A_1217 : vector<16xf32>
      %get3A_1219 = arith.constant 1 : i32
      %get3A_1220 = arith.index_cast %get3A_1219 : i32 to index
      %get3A_1221 = arith.index_cast %scan3A_1185 : i32 to index
      %get3A_1222 = arith.constant 16 : index
      %get3A_1223 = tpu.vector_load %arg11[%get3A_1220, %get3A_1221, %get3A_1222] {strides = array<i32>} : memref<2x64x128xf32, #tpu.memory_space<vmem>>, vector<1x1x16xf32>,
      %get3A_1224 = vector.shape_cast %get3A_1223 : vector<1x1x16xf32> to vector<16xf32>
      %mul3A_1225 = arith.mulf %mul3A_1218, %get3A_1224 : vector<16xf32>
      %add3A_1226 = arith.addf %mul3A_1205, %mul3A_1225 : vector<16xf32>
      %get3A_1227 = arith.constant 1 : i32
      %get3A_1228 = arith.index_cast %get3A_1227 : i32 to index
      %get3A_1229 = arith.index_cast %scan3A_1185 : i32 to index
      %get3A_1230 = arith.constant 32 : index
      %get3A_1231 = tpu.vector_load %arg9[%get3A_1228, %get3A_1229, %get3A_1230] {strides = array<i32>} : memref<2x64x128xf32, #tpu.memory_space<vmem>>, vector<1x1x16xf32>,
      %get3A_1232 = vector.shape_cast %get3A_1231 : vector<1x1x16xf32> to vector<16xf32>
      %get3A_1233 = arith.constant 1 : i32
      %get3A_1234 = arith.index_cast %get3A_1233 : i32 to index
      %get3A_1235 = arith.index_cast %scan3A_1185 : i32 to index
      %get3A_1236 = arith.constant 32 : index
      %get3A_1237 = tpu.vector_load %arg10[%get3A_1234, %get3A_1235, %get3A_1236] {strides = array<i32>} : memref<2x64x128xf32, #tpu.memory_space<vmem>>, vector<1x1x16xf32>,
      %get3A_1238 = vector.shape_cast %get3A_1237 : vector<1x1x16xf32> to vector<16xf32>
      %mul3A_1239 = arith.mulf %get3A_1232, %get3A_1238 : vector<16xf32>
      %get3A_1240 = arith.constant 1 : i32
      %get3A_1241 = arith.index_cast %get3A_1240 : i32 to index
      %get3A_1242 = arith.index_cast %scan3A_1185 : i32 to index
      %get3A_1243 = arith.constant 32 : index
      %get3A_1244 = tpu.vector_load %arg11[%get3A_1241, %get3A_1242, %get3A_1243] {strides = array<i32>} : memref<2x64x128xf32, #tpu.memory_space<vmem>>, vector<1x1x16xf32>,
      %get3A_1245 = vector.shape_cast %get3A_1244 : vector<1x1x16xf32> to vector<16xf32>
      %mul3A_1246 = arith.mulf %mul3A_1239, %get3A_1245 : vector<16xf32>
      %add3A_1247 = arith.addf %add3A_1226, %mul3A_1246 : vector<16xf32>
      %get3A_1248 = arith.constant 1 : i32
      %get3A_1249 = arith.index_cast %get3A_1248 : i32 to index
      %get3A_1250 = arith.index_cast %scan3A_1185 : i32 to index
      %get3A_1251 = arith.constant 48 : index
      %get3A_1252 = tpu.vector_load %arg9[%get3A_1249, %get3A_1250, %get3A_1251] {strides = array<i32>} : memref<2x64x128xf32, #tpu.memory_space<vmem>>, vector<1x1x16xf32>,
      %get3A_1253 = vector.shape_cast %get3A_1252 : vector<1x1x16xf32> to vector<16xf32>
      %get3A_1254 = arith.constant 1 : i32
      %get3A_1255 = arith.index_cast %get3A_1254 : i32 to index
      %get3A_1256 = arith.index_cast %scan3A_1185 : i32 to index
      %get3A_1257 = arith.constant 48 : index
      %get3A_1258 = tpu.vector_load %arg10[%get3A_1255, %get3A_1256, %get3A_1257] {strides = array<i32>} : memref<2x64x128xf32, #tpu.memory_space<vmem>>, vector<1x1x16xf32>,
      %get3A_1259 = vector.shape_cast %get3A_1258 : vector<1x1x16xf32> to vector<16xf32>
      %mul3A_1260 = arith.mulf %get3A_1253, %get3A_1259 : vector<16xf32>
      %get3A_1261 = arith.constant 1 : i32
      %get3A_1262 = arith.index_cast %get3A_1261 : i32 to index
      %get3A_1263 = arith.index_cast %scan3A_1185 : i32 to index
      %get3A_1264 = arith.constant 48 : index
      %get3A_1265 = tpu.vector_load %arg11[%get3A_1262, %get3A_1263, %get3A_1264] {strides = array<i32>} : memref<2x64x128xf32, #tpu.memory_space<vmem>>, vector<1x1x16xf32>,
      %get3A_1266 = vector.shape_cast %get3A_1265 : vector<1x1x16xf32> to vector<16xf32>
      %mul3A_1267 = arith.mulf %mul3A_1260, %get3A_1266 : vector<16xf32>
      %add3A_1268 = arith.addf %add3A_1247, %mul3A_1267 : vector<16xf32>
      %get3A_1269 = arith.constant 1 : i32
      %get3A_1270 = arith.index_cast %get3A_1269 : i32 to index
      %get3A_1271 = arith.index_cast %scan3A_1185 : i32 to index
      %get3A_1272 = arith.constant 64 : index
      %get3A_1273 = tpu.vector_load %arg9[%get3A_1270, %get3A_1271, %get3A_1272] {strides = array<i32>} : memref<2x64x128xf32, #tpu.memory_space<vmem>>, vector<1x1x16xf32>,
      %get3A_1274 = vector.shape_cast %get3A_1273 : vector<1x1x16xf32> to vector<16xf32>
      %get3A_1275 = arith.constant 1 : i32
      %get3A_1276 = arith.index_cast %get3A_1275 : i32 to index
      %get3A_1277 = arith.index_cast %scan3A_1185 : i32 to index
      %get3A_1278 = arith.constant 64 : index
      %get3A_1279 = tpu.vector_load %arg10[%get3A_1276, %get3A_1277, %get3A_1278] {strides = array<i32>} : memref<2x64x128xf32, #tpu.memory_space<vmem>>, vector<1x1x16xf32>,
      %get3A_1280 = vector.shape_cast %get3A_1279 : vector<1x1x16xf32> to vector<16xf32>
      %mul3A_1281 = arith.mulf %get3A_1274, %get3A_1280 : vector<16xf32>
      %get3A_1282 = arith.constant 1 : i32
      %get3A_1283 = arith.index_cast %get3A_1282 : i32 to index
      %get3A_1284 = arith.index_cast %scan3A_1185 : i32 to index
      %get3A_1285 = arith.constant 64 : index
      %get3A_1286 = tpu.vector_load %arg11[%get3A_1283, %get3A_1284, %get3A_1285] {strides = array<i32>} : memref<2x64x128xf32, #tpu.memory_space<vmem>>, vector<1x1x16xf32>,
      %get3A_1287 = vector.shape_cast %get3A_1286 : vector<1x1x16xf32> to vector<16xf32>
      %mul3A_1288 = arith.mulf %mul3A_1281, %get3A_1287 : vector<16xf32>
      %add3A_1289 = arith.addf %add3A_1268, %mul3A_1288 : vector<16xf32>
      %get3A_1290 = arith.constant 1 : i32
      %get3A_1291 = arith.index_cast %get3A_1290 : i32 to index
      %get3A_1292 = arith.index_cast %scan3A_1185 : i32 to index
      %get3A_1293 = arith.constant 80 : index
      %get3A_1294 = tpu.vector_load %arg9[%get3A_1291, %get3A_1292, %get3A_1293] {strides = array<i32>} : memref<2x64x128xf32, #tpu.memory_space<vmem>>, vector<1x1x16xf32>,
      %get3A_1295 = vector.shape_cast %get3A_1294 : vector<1x1x16xf32> to vector<16xf32>
      %get3A_1296 = arith.constant 1 : i32
      %get3A_1297 = arith.index_cast %get3A_1296 : i32 to index
      %get3A_1298 = arith.index_cast %scan3A_1185 : i32 to index
      %get3A_1299 = arith.constant 80 : index
      %get3A_1300 = tpu.vector_load %arg10[%get3A_1297, %get3A_1298, %get3A_1299] {strides = array<i32>} : memref<2x64x128xf32, #tpu.memory_space<vmem>>, vector<1x1x16xf32>,
      %get3A_1301 = vector.shape_cast %get3A_1300 : vector<1x1x16xf32> to vector<16xf32>
      %mul3A_1302 = arith.mulf %get3A_1295, %get3A_1301 : vector<16xf32>
      %get3A_1303 = arith.constant 1 : i32
      %get3A_1304 = arith.index_cast %get3A_1303 : i32 to index
      %get3A_1305 = arith.index_cast %scan3A_1185 : i32 to index
      %get3A_1306 = arith.constant 80 : index
      %get3A_1307 = tpu.vector_load %arg11[%get3A_1304, %get3A_1305, %get3A_1306] {strides = array<i32>} : memref<2x64x128xf32, #tpu.memory_space<vmem>>, vector<1x1x16xf32>,
      %get3A_1308 = vector.shape_cast %get3A_1307 : vector<1x1x16xf32> to vector<16xf32>
      %mul3A_1309 = arith.mulf %mul3A_1302, %get3A_1308 : vector<16xf32>
      %add3A_1310 = arith.addf %add3A_1289, %mul3A_1309 : vector<16xf32>
      %get3A_1311 = arith.constant 1 : i32
      %get3A_1312 = arith.index_cast %get3A_1311 : i32 to index
      %get3A_1313 = arith.index_cast %scan3A_1185 : i32 to index
      %get3A_1314 = arith.constant 96 : index
      %get3A_1315 = tpu.vector_load %arg9[%get3A_1312, %get3A_1313, %get3A_1314] {strides = array<i32>} : memref<2x64x128xf32, #tpu.memory_space<vmem>>, vector<1x1x16xf32>,
      %get3A_1316 = vector.shape_cast %get3A_1315 : vector<1x1x16xf32> to vector<16xf32>
      %get3A_1317 = arith.constant 1 : i32
      %get3A_1318 = arith.index_cast %get3A_1317 : i32 to index
      %get3A_1319 = arith.index_cast %scan3A_1185 : i32 to index
      %get3A_1320 = arith.constant 96 : index
      %get3A_1321 = tpu.vector_load %arg10[%get3A_1318, %get3A_1319, %get3A_1320] {strides = array<i32>} : memref<2x64x128xf32, #tpu.memory_space<vmem>>, vector<1x1x16xf32>,
      %get3A_1322 = vector.shape_cast %get3A_1321 : vector<1x1x16xf32> to vector<16xf32>
      %mul3A_1323 = arith.mulf %get3A_1316, %get3A_1322 : vector<16xf32>
      %get3A_1324 = arith.constant 1 : i32
      %get3A_1325 = arith.index_cast %get3A_1324 : i32 to index
      %get3A_1326 = arith.index_cast %scan3A_1185 : i32 to index
      %get3A_1327 = arith.constant 96 : index
      %get3A_1328 = tpu.vector_load %arg11[%get3A_1325, %get3A_1326, %get3A_1327] {strides = array<i32>} : memref<2x64x128xf32, #tpu.memory_space<vmem>>, vector<1x1x16xf32>,
      %get3A_1329 = vector.shape_cast %get3A_1328 : vector<1x1x16xf32> to vector<16xf32>
      %mul3A_1330 = arith.mulf %mul3A_1323, %get3A_1329 : vector<16xf32>
      %add3A_1331 = arith.addf %add3A_1310, %mul3A_1330 : vector<16xf32>
      %get3A_1332 = arith.constant 1 : i32
      %get3A_1333 = arith.index_cast %get3A_1332 : i32 to index
      %get3A_1334 = arith.index_cast %scan3A_1185 : i32 to index
      %get3A_1335 = arith.constant 112 : index
      %get3A_1336 = tpu.vector_load %arg9[%get3A_1333, %get3A_1334, %get3A_1335] {strides = array<i32>} : memref<2x64x128xf32, #tpu.memory_space<vmem>>, vector<1x1x16xf32>,
      %get3A_1337 = vector.shape_cast %get3A_1336 : vector<1x1x16xf32> to vector<16xf32>
      %get3A_1338 = arith.constant 1 : i32
      %get3A_1339 = arith.index_cast %get3A_1338 : i32 to index
      %get3A_1340 = arith.index_cast %scan3A_1185 : i32 to index
      %get3A_1341 = arith.constant 112 : index
      %get3A_1342 = tpu.vector_load %arg10[%get3A_1339, %get3A_1340, %get3A_1341] {strides = array<i32>} : memref<2x64x128xf32, #tpu.memory_space<vmem>>, vector<1x1x16xf32>,
      %get3A_1343 = vector.shape_cast %get3A_1342 : vector<1x1x16xf32> to vector<16xf32>
      %mul3A_1344 = arith.mulf %get3A_1337, %get3A_1343 : vector<16xf32>
      %get3A_1345 = arith.constant 1 : i32
      %get3A_1346 = arith.index_cast %get3A_1345 : i32 to index
      %get3A_1347 = arith.index_cast %scan3A_1185 : i32 to index
      %get3A_1348 = arith.constant 112 : index
      %get3A_1349 = tpu.vector_load %arg11[%get3A_1346, %get3A_1347, %get3A_1348] {strides = array<i32>} : memref<2x64x128xf32, #tpu.memory_space<vmem>>, vector<1x1x16xf32>,
      %get3A_1350 = vector.shape_cast %get3A_1349 : vector<1x1x16xf32> to vector<16xf32>
      %mul3A_1351 = arith.mulf %mul3A_1344, %get3A_1350 : vector<16xf32>
      %add3A_1352 = arith.addf %add3A_1331, %mul3A_1351 : vector<16xf32>
      %xor3A = arith.constant 8 : i32
      %xor3A_1353 = vector.broadcast %xor3A : i32 to vector<16xi32>
      %xor3A_1354 = arith.xori %iota3A, %xor3A_1353 : vector<16xi32>
      %broadcast_in_dim3A_1355 = vector.shape_cast %xor3A_1354 : vector<16xi32> to vector<16x1xi32>
      %gather3A = vector.shape_cast %broadcast_in_dim3A_1355 : vector<16x1xi32> to vector<16xi32>
      %gather3A_1356 = tpu.dynamic_gather %add3A_1352[%gather3A] in [0] : vector<16xf32>, vector<16xi32> -> vector<16xf32>
      %add3A_1357 = arith.addf %add3A_1352, %gather3A_1356 : vector<16xf32>
      %xor3A_1358 = arith.constant 4 : i32
      %xor3A_1359 = vector.broadcast %xor3A_1358 : i32 to vector<16xi32>
      %xor3A_1360 = arith.xori %iota3A, %xor3A_1359 : vector<16xi32>
      %broadcast_in_dim3A_1361 = vector.shape_cast %xor3A_1360 : vector<16xi32> to vector<16x1xi32>
      %gather3A_1362 = vector.shape_cast %broadcast_in_dim3A_1361 : vector<16x1xi32> to vector<16xi32>
      %gather3A_1363 = tpu.dynamic_gather %add3A_1357[%gather3A_1362] in [0] : vector<16xf32>, vector<16xi32> -> vector<16xf32>
      %add3A_1364 = arith.addf %add3A_1357, %gather3A_1363 : vector<16xf32>
      %xor3A_1365 = arith.constant 2 : i32
      %xor3A_1366 = vector.broadcast %xor3A_1365 : i32 to vector<16xi32>
      %xor3A_1367 = arith.xori %iota3A, %xor3A_1366 : vector<16xi32>
      %broadcast_in_dim3A_1368 = vector.shape_cast %xor3A_1367 : vector<16xi32> to vector<16x1xi32>
      %gather3A_1369 = vector.shape_cast %broadcast_in_dim3A_1368 : vector<16x1xi32> to vector<16xi32>
      %gather3A_1370 = tpu.dynamic_gather %add3A_1364[%gather3A_1369] in [0] : vector<16xf32>, vector<16xi32> -> vector<16xf32>
      %add3A_1371 = arith.addf %add3A_1364, %gather3A_1370 : vector<16xf32>
      %xor3A_1372 = arith.constant 1 : i32
      %xor3A_1373 = vector.broadcast %xor3A_1372 : i32 to vector<16xi32>
      %xor3A_1374 = arith.xori %iota3A, %xor3A_1373 : vector<16xi32>
      %broadcast_in_dim3A_1375 = vector.shape_cast %xor3A_1374 : vector<16xi32> to vector<16x1xi32>
      %gather3A_1376 = vector.shape_cast %broadcast_in_dim3A_1375 : vector<16x1xi32> to vector<16xi32>
      %gather3A_1377 = tpu.dynamic_gather %add3A_1371[%gather3A_1376] in [0] : vector<16xf32>, vector<16xi32> -> vector<16xf32>
      %add3A_1378 = arith.addf %add3A_1371, %gather3A_1377 : vector<16xf32>
      %and3A = arith.constant 15 : i32
      %and3A_1379 = arith.andi %scan3A_1185, %and3A : i32
      %eq3A_1380 = vector.broadcast %and3A_1379 : i32 to vector<16xi32>
      %eq3A_1381 = arith.cmpi eq, %iota3A, %eq3A_1380 : vector<16xi32>
      %select_n3A = arith.select %eq3A_1381, %add3A_1378, %scan3A_1186 : vector<16xi1>, vector<16xf32>
      %and3A_1382 = arith.constant 15 : i32
      %and3A_1383 = arith.andi %scan3A_1185, %and3A_1382 : i32
      %eq3A_1384 = arith.constant 15 : i32
      %eq3A_1385 = arith.cmpi eq, %and3A_1383, %eq3A_1384 : i32
      %convert_element_type3A = arith.extui %eq3A_1385 : i1 to i32
      %cond3A = arith.constant 0 : i32
      %cond3A_1386 = arith.cmpi ne, %convert_element_type3A, %cond3A : i32
      scf.if %cond3A_1386 {
        %add3A_1387 = arith.constant 448 : i32
        %add3A_1388 = arith.addi %add3A_1387, %scan3A_1185 : i32
        %sub3A = arith.constant 15 : i32
        %sub3A_1389 = arith.subi %add3A_1388, %sub3A : i32
        %swap3A = arith.index_cast %sub3A_1389 : i32 to index
        %swap3A_1390 = tpu.vector_load %arg12[%swap3A] {strides = array<i32>} : memref<512xf32, #tpu.memory_space<vmem>>, vector<16xf32>,
        %swap3A_1391 = vector.shape_cast %swap3A_1390 : vector<16xf32> to vector<16xf32>
        %swap3A_1392 = vector.shape_cast %select_n3A : vector<16xf32> to vector<16xf32>
        tpu.vector_store %arg12[%swap3A], %swap3A_1392 {strides = array<i32>} : memref<512xf32, #tpu.memory_space<vmem>>, vector<16xf32>,
      } else {
      }
      scf.yield %select_n3A : vector<16xf32>
    }
    %scan3A_1184 = arith.constant 64 : i32
    "tpu.region"() ({
      %run_scoped3A = tpu.sem_alloc : memref<!tpu.dma_semaphore, #tpu.memory_space<semaphore_mem>>
      %dma_start3A_1185 = tpu.memref_slice %arg7[%mul3A_2] : memref<16384xf32, #tpu.memory_space<hbm>> -> memref<512xf32, #tpu.memory_space<hbm>>
      %dma_start3A_1186 = tpu.memref_slice %arg7[%mul3A_2] : memref<16384xf32, #tpu.memory_space<hbm>> -> memref<512xf32, #tpu.memory_space<hbm>>
      tpu.enqueue_dma source(%arg12 : memref<512xf32, #tpu.memory_space<vmem>>) target(%dma_start3A_1186 : memref<512xf32, #tpu.memory_space<hbm>>) target_semaphore(%run_scoped3A : memref<!tpu.dma_semaphore, #tpu.memory_space<semaphore_mem>>)
      %dma_wait3A_1187 = tpu.memref_slice %arg7[%mul3A_2] : memref<16384xf32, #tpu.memory_space<hbm>> -> memref<512xf32, #tpu.memory_space<hbm>>
      %dma_wait3A_1188 = tpu.memref_slice %arg7[%mul3A_2] : memref<16384xf32, #tpu.memory_space<hbm>> -> memref<512xf32, #tpu.memory_space<hbm>>
      tpu.wait_dma2 semaphore(%run_scoped3A : memref<!tpu.dma_semaphore, #tpu.memory_space<semaphore_mem>>) src(%arg12 : memref<512xf32, #tpu.memory_space<vmem>>) dst(%dma_wait3A_1188 : memref<512xf32, #tpu.memory_space<hbm>>)
      tpu.yield
    }) : () -> ()
    return
  }
}

</mosaic_0001>

<sc_bundles>
// kernel: kernel.3.cloned.1.call-start
scs
__scs_entry_jumppad:
0x0: {  	(pc) =	sbr.rel $0x88, $3  }
0x1: {  	(tag) =	ssettag $0x0;
	lr =	simm.s32 $0x1  }
0x2: {  	[smem:$0x3F9C] =	sst lr;
	_ =	strace $0xD0000000  }
0x3: {  	_ = 	snop  }
0x4: {  	_ = 	snop  }
0x5: {  	_ = 	snop  }
0x6: {  	_ = 	snop  }
0x7: {  	_ = 	snop  }
__scs_overlays_trampoline_lowered:
0x8: {  	[smem:$0x3FAB] =	sst s0  }
0x9: {  	[smem:$0x3FAC] =	sst s1  }
0xa: {  	[smem:$0x3FAD] =	sst s2  }
0xb: {  	[smem:$0x3FAE] =	sst s3  }
0xc: {  	[smem:$0x3FAF] =	sst s4  }
0xd: {  	[smem:$0x3FB0] =	sst s5  }
0xe: {  	[smem:$0x3FB1] =	sst s6  }
0xf: {  	[smem:$0x3FB2] =	sst s7  }
0x10: {  	[smem:$0x3FB3] =	sst s8  }
0x11: {  	[smem:$0x3FB4] =	sst s9;
	s0 =	simm.s32 @!p0 $0x0  }
0x12: {  	s1 =	sld [smem:$0x3F9A];
	s0 =	simm.s32 @p0 $0x1  }
0x13: {  	[smem:$0x3FB5] =	sst s0;
	s0 =	simm.s32 @!p1 $0x0  }
0x14: {  	s2 =	sld [smem:$0x3F99];
	s0 =	simm.s32 @p1 $0x1  }
0x15: {  	[smem:$0x3FB6] =	sst s0;
	s0 =	simm.s32 @!p2 $0x0  }
0x16: {  	s3 =	sld [smem:$0x3FDB];
	s0 =	simm.s32 @p2 $0x1  }
0x17: {  	s4 =	simm.s32 $0x1BF5;
	[smem:$0x3FB8] =	sst s0  }
0x18: {  	s0 =	sld [smem:$0x3F9B];
	_ =	swait.ge [sflag:s4], $0x0  }
0x19: {  	s7 =	sld [smem:$0x3F9C]  }
0x1a: {  	s8 =	sadd.s32 $0xFFFFE003, lr  }
0x1b: {  	s9 =	sadd.s32 $0xFFFFFEF7, lr;
	s5 =	simm.s32 $0xFFFFFFFF;
	p2 =	slt.u32 s8, $0xFFFFF086  }
0x1c: {  	p1 =	slt.u32 s9, $0xF7A;
	s5 =	simm.s32 @!p2 $0x0  }
0x1d: {  	s5 =	simm.s32 @p1 $0x1;
	p0 =	seq.s32 s7, s2  }
0x1e: {  	s7 =	smul.u32 @!p0 $0xF7A, s2;
	p2 =	seq.s32 @!p0 s5, $0x0  }
0x1f: {  	s9 =	smul.u32 $0xF7A, s1;
	s8 =	simm.s32 @!p0 $0x1BF5;
	p2 =	por !p2, p0  }
0x20: {  	[sflag:s8] =	ssyncset.s32 @!p0 $0xFFFFF086;
	s6 =	sadd.s32 @!p0 s3, s7;
	s7 =	simm.s32 @!p0 $0x108  }
0x21: {  	s3 =	sadd.s32 s3, s9;
	s6 =	sadd.s32 @!p0 $0x88, s6;
	s7 =	simm.s32 @p2 $0x1082  }
0x22: {  	[simem:s7], [sflag:s8] =	dma.local @!p0 [hbm:s6], $0xF7A  }
0x23: {  	s9 =	sor.u32 $0xD0000000, s2;
	s6 =	simm.s32 $0x108;
	_ =	swait.ge @!p0 [sflag:s8], $0x0  }
0x24: {  	s3 =	sadd.s32 $0x88, s3;
	s6 =	simm.s32 @!p1 $0x1082;
	[sflag:s4] =	ssyncset.s32 $0xFFFFF086  }
0x25: {  	[simem:s6], [sflag:s4] =	dma.local [hbm:s3], $0xF7A  }
0x26: {  	[smem:$0x3F9C] =	sst s1;
	(tag) =	ssettag s2;
	_ =	strace s9  }
0x27: {  	s1 =	sld [smem:$0x3FAC]  }
0x28: {  	s2 =	sld [smem:$0x3FAD]  }
0x29: {  	s4 =	sld [smem:$0x3FAF]  }
0x2a: {  	p0 =	seq.s32 s5, $0x0;
	s5 =	sld [smem:$0x3FB0]  }
0x2b: {  	s6 =	sld [smem:$0x3FB1]  }
0x2c: {  	s7 =	sld [smem:$0x3FB2]  }
0x2d: {  	s3 =	simm.s32 $0x108;
	s8 =	sld [smem:$0x3FB3]  }
0x2e: {  	s3 =	simm.s32 @!p0 $0x1082;
	s9 =	sld [smem:$0x3FB4]  }
0x2f: {  	lr =	sadd.s32 s0, s3;
	s0 =	sld [smem:$0x3FAB]  }
0x30: {  	s3 =	sld [smem:$0x3FAE]  }
0x31: {  	[smem:$0x3FB7] =	sst s10  }
0x32: {  	s10 =	sld [smem:$0x3FB5];
	_ =	sdelay $0x3  }
0x33: {  	p0 =	seq.s32 s10, $0x1;
	s10 =	sld [smem:$0x3FB7];
	_ =	sdelay $0x3  }
0x34: {  	[smem:$0x3FB7] =	sst s10  }
0x35: {  	s10 =	sld [smem:$0x3FB6];
	_ =	sdelay $0x3  }
0x36: {  	p1 =	seq.s32 s10, $0x1;
	s10 =	sld [smem:$0x3FB7];
	_ =	sdelay $0x3  }
0x37: {  	[smem:$0x3FB7] =	sst s10  }
0x38: {  	s10 =	sld [smem:$0x3FB8]  }
0x39: {  	_ = 	snop;
	(pc) =	sbr.ind lr, $3  }
0x3a: {  	_ = 	snop  }
0x3b: {  	_ = 	snop  }
0x3c: {  	p2 =	seq.s32 s10, $0x1;
	s10 =	sld [smem:$0x3FB7]  }
0x3d: {  	_ =	shalt  }
0x3e: {  	_ =	shalt  }
0x3f: {  	_ =	shalt  }
0x40: {  	_ =	shalt  }
0x41: {  	_ =	shalt  }
0x42: {  	_ =	shalt  }
0x43: {  	_ =	shalt  }
0x44: {  	_ =	shalt  }
0x45: {  	_ =	shalt  }
0x46: {  	_ =	shalt  }
0x47: {  	_ =	shalt  }
0x48: {  	_ =	shalt  }
0x49: {  	_ =	shalt  }
0x4a: {  	_ =	shalt  }
0x4b: {  	_ =	shalt  }
0x4c: {  	_ =	shalt  }
0x4d: {  	_ =	shalt  }
0x4e: {  	_ =	shalt  }
0x4f: {  	_ =	shalt  }
0x50: {  	_ =	shalt  }
0x51: {  	_ =	shalt  }
0x52: {  	_ =	shalt  }
0x53: {  	_ =	shalt  }
0x54: {  	_ =	shalt  }
0x55: {  	_ =	shalt  }
0x56: {  	_ =	shalt  }
0x57: {  	_ =	shalt  }
0x58: {  	_ =	shalt  }
0x59: {  	_ =	shalt  }
0x5a: {  	_ =	shalt  }
0x5b: {  	_ =	shalt  }
0x5c: {  	_ =	shalt  }
0x5d: {  	_ =	shalt  }
0x5e: {  	_ =	shalt  }
0x5f: {  	_ =	shalt  }
0x60: {  	_ =	shalt  }
0x61: {  	_ =	shalt  }
0x62: {  	_ =	shalt  }
0x63: {  	_ =	shalt  }
0x64: {  	_ =	shalt  }
0x65: {  	_ =	shalt  }
0x66: {  	_ =	shalt  }
0x67: {  	_ =	shalt  }
0x68: {  	_ =	shalt  }
0x69: {  	_ =	shalt  }
0x6a: {  	_ =	shalt  }
0x6b: {  	_ =	shalt  }
0x6c: {  	_ =	shalt  }
0x6d: {  	_ =	shalt  }
0x6e: {  	_ =	shalt  }
0x6f: {  	_ =	shalt  }
0x70: {  	_ =	shalt  }
0x71: {  	_ =	shalt  }
0x72: {  	_ =	shalt  }
0x73: {  	_ =	shalt  }
0x74: {  	_ =	shalt  }
0x75: {  	_ =	shalt  }
0x76: {  	_ =	shalt  }
0x77: {  	_ =	shalt  }
0x78: {  	_ =	shalt  }
0x79: {  	_ =	shalt  }
0x7a: {  	_ =	shalt  }
0x7b: {  	_ =	shalt  }
0x7c: {  	_ =	shalt  }
0x7d: {  	_ =	shalt  }
0x7e: {  	_ =	shalt  }
0x7f: {  	_ =	shalt  }
0x80: {  	_ =	shalt  }
0x81: {  	_ =	shalt  }
0x82: {  	_ =	shalt  }
0x83: {  	_ =	shalt  }
0x84: {  	_ =	shalt  }
0x85: {  	_ =	shalt  }
0x86: {  	_ =	shalt  }
0x87: {  	_ =	shalt  }
.Lfunc_end0:
.L_simem_size_0:
called_computation_lowered:
.L_overlay_start_0:
0x88: {  	s2 =	sld [smem:$0x3FD9]  }
0x89: {  	s3 =	sld [smem:$0x3FFE];
	_ =	sdelay $0x1  }
0x8a: {  	s1 =	srdreg.scid  }
0x8b: {  	s0 =	sand.u32 $0x1, s1  }
0x8c: {  	s18 =	sshll.u32 s0, $0xA;
	s2 =	sadd.s32 s3, s2  }
0x8d: {  	s2 =	sadd.s32 s2, s18  }
0x8e: {  	[smem:$0x3FC3] =	sst s2  }
0x8f: {  	_ = 	snop  }
0x90: {  	s2 =	sld [smem:$0x3FC9]  }
0x91: {  	s19 =	sld [smem:$0x3FC8]  }
0x92: {  	s4 =	sld [smem:$0x3FC7]  }
0x93: {  	s5 =	sld [smem:$0x3FC6]  }
0x94: {  	s6 =	sld [smem:$0x3FC5]  }
0x95: {  	s7 =	sld [smem:$0x3FD0];
	(tm) =	ssettm $0x1  }
0x96: {  	s8 =	sld [smem:$0x3FFB];
	_ =	sdelay $0x3  }
0x97: {  	_ =	strace s8  }
0x98: {  	s8 =	sld [smem:$0x3FFC];
	_ =	sdelay $0x3  }
0x99: {  	_ =	strace s8  }
0x9a: {  	s8 =	sld [smem:$0x3FFD];
	_ =	sdelay $0x3  }
0x9b: {  	_ =	strace s8  }
0x9c: {  	_ =	strace $0x8FFFFFFF  }
0x9d: {  	s20 =	sld [smem:$0x3FDB];
	_ =	sdelay $0x1  }
0x9e: {  	s9 =	simm.s32 $_scs_section_size  }
0x9f: {  	s10 =	simm.s32 $_size__tile_overlayer_lowered;
	s11 =	simm.s32 $_tile_overlayer_lowered  }
0xa0: {  	s23 =	simm.s32 $0x1BFF;
	s22 =	sshll.u32 s11, $0x1;
	s8 =	sadd.s32 s9, s20  }
0xa1: {  	s12 =	simm.s32 $0x0;
	s21 =	sshll.u32 s10, $0x1;
	s10 =	sadd.s32 s22, s8  }
0xa2: {  	[timem:s12], [sflag:s23] =	dma.local [hbm:s10], s21  }
0xa3: {  	_ =	swait.ge [sflag:s23], s21  }
0xa4: {  	s9 =	ssub.s32 $0x0, s21;
	[sflag:s23] =	ssyncset.done $0x0  }
0xa5: {  	[sflag:s23] =	ssyncadd.s32 s9;
	_ =	sdelay $0x1  }
0xa6: {  	s24 =	simm.s32 $0x1B8B  }
0xa7: {  	_ =	swait.ge [sflag:s24], $0x1  }
0xa8: {  	[sflag:s24] =	ssyncset.done $0x0  }
0xa9: {  	s25 =	simm.s32 $0x1B8E;
	[sflag:s24] =	ssyncadd.s32 $0xFFFFFFFF  }
0xaa: {  	s26 =	simm.s32 $execute0_lowered;
	[smem:$0x3FD2] =	sst s25  }
0xab: {  	s9 =	sshll.u32 s26, $0x1;
	_ =	strace $0x80000046;
	[dreg:$0x1] =	wrdreg $0xFFFFFFFF  }
0xac: {  	s28 =	simm.s32 $_size_execute0_lowered;
	s8 =	sadd.s32 s8, s9;
	[dreg:$0x0] =	wrdreg $0x0  }
0xad: {  	s9 =	sshll.u32 s28, $0x1;
	[dreg:$0x2] =	wrdreg s8  }
0xae: {  	[dreg:$0x3] =	wrdreg s9  }
0xaf: {  	[dreg:$0x4] =	wrdreg $0xC0  }
0xb0: {  	_ =	task [dreg:s12], $0x5FFFF  }
0xb1: {  	[dreg:$0x1] =	wrdreg $0xFFFFFFFF  }
0xb2: {  	[dreg:$0x0] =	wrdreg $0x60  }
0xb3: {  	[dreg:$0x2] =	wrdreg s2  }
0xb4: {  	[dreg:$0x3] =	wrdreg s19  }
0xb5: {  	[dreg:$0x4] =	wrdreg s4  }
0xb6: {  	[dreg:$0x5] =	wrdreg s5  }
0xb7: {  	[dreg:$0x6] =	wrdreg s6  }
0xb8: {  	[dreg:$0x7] =	wrdreg s7  }
0xb9: {  	[dreg:$0x8] =	wrdreg $0x9  }
0xba: {  	_ =	task.clear_ibuf [dreg:s12], $0x9FFFF;
	_ =	strace $0x90000046  }
0xbb: {  	s29 =	simm.s32 $0x9;
	_ =	strace $0x80000048  }
0xbc: {  	_ =	swait.ge [sflag:s29], $0x1  }
0xbd: {  	[sflag:s29] =	ssyncadd.s32 $0xFFFFFFFF  }
0xbe: {  	_ =	strace $0x90000048  }
0xbf: {  	_ =	sfence  }
0xc0: {  	s30 =	sld [smem:$0x0];
	_ =	sdelay $0x2  }
0xc1: {  	s31 =	sshll.u32 s1, $0xD;
	s1 =	sshrl.u32 s1, $0x2  }
0xc2: {  	s3 =	sand.u32 $0x4000, s31;
	s1 =	sadd.s32 s1, s30  }
0xc3: {  	s0 =	sor.u32 s3, s0;
	s1 =	sshll.u32 s1, $0x11  }
0xc4: {  	s0 =	sor.u32 s1, s0  }
0xc5: {  	s0 =	sadd.s32 $0x8F2B, s0  }
0xc6: {  	[sflag:s0] =	ssyncadd.remote.s32 $0x1  }
0xc7: {  	_ =	sfence.sel $0xFFFF  }
0xc8: {  	[dreg:$0x0] =	wrdreg $0xFFFFFFFF;
	(pc) =	sbr.abs _section_cstart, $3  }
0xc9: {  	[dreg:$0x1] =	wrdreg $0xFFFFFFFF  }
0xca: {  	_ =	task.clear_ibuf [dreg:s12], $0x2FFFF;
	_ =	strace $0x9FFFFFFF  }
0xcb: {  	(tm) =	ssettm $0x7FFFFFFF  }
tec
execute0_lowered:
.L_overlay_start_1:
0x0: {  	(tag) =	ssettag $0x1  }
0x1: {  	s0 =	rddreg [dreg:$0x0]  }
0x2: {  	s3 =	rddreg [dreg:$0x1]  }
0x3: {  	s4 =	rddreg [dreg:$0x2];
	s2 =	srdreg.scid  }
0x4: {  	s1 =	rddreg [dreg:$0x3];
	s6 =	stileid.u32;
	s2 =	sand.u32 $0x1, s2  }
0x5: {  	s28 =	rddreg [dreg:$0x5];
	s6 =	sshll.u32 s6, $0x7;
	s7 =	sshll.u32 s2, $0x6  }
0x6: {  	s5 =	ssub.s32 $0x2, s2;
	s2 =	simm.s32 $0x0;
	s6 =	sor.u32 s7, s6  }
0x7: {  	[smem:$0x7FF] =	sst s2;
	s24 =	sadd.s32 s0, s6  }
0x8: {  	[dreg:$0x19] =	wrdreg s24  }
0x9: {  	s7 =	sor.u32 $0x8, s6;
	s25 =	sadd.s32 s3, s6;
	s24 =	rddreg [dreg:$0x4]  }
0xa: {  	s29 =	sadd.s32 s0, s7;
	[dreg:$0x1b] =	wrdreg s25  }
0xb: {  	s30 =	sadd.s32 s3, s7;
	[dreg:$0x7] =	wrdreg s29  }
0xc: {  	s31 =	sor.u32 $0x10, s6;
	s7 =	sadd.s32 s4, s7;
	[dreg:$0x8] =	wrdreg s30  }
0xd: {  	s8 =	sshrl.u32 s5, $0x1;
	s10 =	sadd.s32 s0, s31;
	[dreg:$0x9] =	wrdreg s7  }
0xe: {  	s5 =	ssub.s32 s5, s8;
	s9 =	sadd.s32 s3, s31;
	[dreg:$0xa] =	wrdreg s10  }
0xf: {  	s11 =	sor.u32 $0x18, s6;
	s8 =	sadd.s32 s4, s31;
	[dreg:$0xb] =	wrdreg s9  }
0x10: {  	s12 =	sadd.s32 s0, s11;
	[dreg:$0xc] =	wrdreg s8  }
0x11: {  	s14 =	sor.u32 $0x20, s6;
	s13 =	sadd.s32 s3, s11;
	[dreg:$0xd] =	wrdreg s12  }
0x12: {  	s15 =	sadd.s32 s0, s14;
	[dreg:$0xe] =	wrdreg s13  }
0x13: {  	s17 =	sor.u32 $0x28, s6;
	s16 =	sadd.s32 s3, s14;
	[dreg:$0x10] =	wrdreg s15  }
0x14: {  	s18 =	sadd.s32 s0, s17;
	[dreg:$0x11] =	wrdreg s16  }
0x15: {  	s19 =	sor.u32 $0x30, s6;
	s20 =	sadd.s32 s3, s17;
	[dreg:$0x13] =	wrdreg s18  }
0x16: {  	s21 =	sadd.s32 s0, s19;
	[dreg:$0x14] =	wrdreg s20  }
0x17: {  	s23 =	sor.u32 $0x38, s6;
	s22 =	sadd.s32 s3, s19;
	[dreg:$0x16] =	wrdreg s21  }
0x18: {  	s0 =	sadd.s32 s0, s23;
	s26 =	sadd.s32 s3, s23;
	[dreg:$0x17] =	wrdreg s22  }
0x19: {  	v0 =	vimm.s32 $0xFEDCBA98;
	s31 =	smax.u32 s5, $0x1;
	s25 =	simm.s32 $0x4;
	[dreg:$0x1a] =	wrdreg s0  }
0x1a: {  	v1 =	vimm.s32 $0x76543210;
	v2 =	vimm.s32 $0xBA98FEDC;
	v3 =	vimm.s32 $0x32107654;
	s7 =	sadd.s32 s4, s11;
	s8 =	sadd.s32 s4, s17;
	[dreg:$0x1c] =	wrdreg s26  }
0x1b: {  	v4 =	vimm.s32 $0xDCFE98BA;
	v5 =	vimm.s32 $0x54761032;
	v6 =	vimm.s32 $0xEFCDAB89;
	s29 =	sadd.s32 s4, s23;
	s30 =	sadd.s32 s4, s6;
	s0 =	sadd.s32 s28, s6  }
0x1c: {  	v7 =	vimm.s32 $0x67452301;
	v0 =	vunpack.c.l.s4.s8 v0;
	v1 =	vunpack.c.l.s4.s8 v1;
	s16 =	simm.s32 $0x780;
	s17 =	simm.s32 $0xB80;
	[dreg:$0xf] =	wrdreg s7  }
0x1d: {  	v2 =	vunpack.c.l.s4.s8 v2;
	v3 =	vunpack.c.l.s4.s8 v3;
	v4 =	vunpack.c.l.s4.s8 v4;
	s18 =	simm.s32 $0x1;
	s20 =	simm.s32 $0x8C00;
	[dreg:$0x15] =	wrdreg s8  }
0x1e: {  	v5 =	vunpack.c.l.s4.s8 v5;
	v6 =	vunpack.c.l.s4.s8 v6;
	v7 =	vunpack.c.l.s4.s8 v7;
	s9 =	simm.s32 $0x2C00;
	s21 =	simm.s32 $0x6C00;
	[dreg:$0x1d] =	wrdreg s29  }
0x1f: {  	v0 =	vunpack.c.0.s8.s32 v0;
	v1 =	vunpack.c.0.s8.s32 v1;
	v2 =	vunpack.c.0.s8.s32 v2;
	s22 =	simm.s32 $0xAC00;
	s23 =	simm.s32 $0x2;
	[dreg:$0x1e] =	wrdreg s30  }
0x20: {  	v3 =	vunpack.c.0.s8.s32 v3;
	v4 =	vunpack.c.0.s8.s32 v4;
	v5 =	vunpack.c.0.s8.s32 v5;
	s10 =	simm.s32 $0x3;
	s7 =	sadd.s32 s4, s14;
	[dreg:$0x1f] =	wrdreg s0  }
0x21: {  	v6 =	vunpack.c.0.s8.s32 v6;
	v7 =	vunpack.c.0.s8.s32 v7;
	v0 =	vand.u32 $0xF, v0;
	s8 =	simm.s32 $0x4C00;
	[dreg:$0x12] =	wrdreg s7;
	s7 =	sadd.s32 s4, s19  }
0x22: {  	v0 =	vcombine.low v0, v1;
	v1 =	vcombine.low v3, v2;
	s0 =	simm.s32 $0x0;
	s19 =	simm.s32 $0xC00;
	[dreg:$0x18] =	wrdreg s7  }
0x23: {  	v2 =	vcombine.low v5, v4;
	v3 =	vcombine.low v7, v6;
	v4 =	vlaneseq.u32;
	s7 =	simm.s32 $0x40;
	_ =	strace $0x80000047;
	[smem:$0x7FD] =	sst s31  }
.LBB2_1:
0x24: {  	s3 =	rddreg [dreg:$0x19]  }
0x25: {  	[tilespmem:s2], [sflag:$0x1] =	stream.linear.gather [hbm4b:s3+s2], $0x40, $0x38;
	[tilespmem:$0xCE00] =	vst v63  }
0x26: {  	s12 =	rddreg [dreg:$0x1b];
	s11 =	simm.s32 $0x400  }
0x27: {  	[tilespmem:s11], [sflag:$0x1] =	stream.linear.gather [hbm4b:s12+s2], $0x40, $0x38;
	[tilespmem:$0xCE00] =	vst v63  }
0x28: {  	s13 =	rddreg [dreg:$0x1e];
	s12 =	simm.s32 $0x800  }
0x29: {  	[tilespmem:s12], [sflag:$0x1] =	stream.linear.gather [hbm4b:s13+s2], $0x40, $0x38;
	[tilespmem:$0xCE00] =	vst v63  }
0x2a: {  	s14 =	rddreg [dreg:$0x7];
	s26 =	simm.s32 $0x80  }
0x2b: {  	[tilespmem:s26], [sflag:$0x1] =	stream.linear.gather [hbm4b:s14+s2], $0x40, $0x38;
	[tilespmem:$0xCE00] =	vst v63  }
0x2c: {  	s15 =	rddreg [dreg:$0x8];
	s28 =	simm.s32 $0x480  }
0x2d: {  	[tilespmem:s28], [sflag:$0x1] =	stream.linear.gather [hbm4b:s15+s2], $0x40, $0x38;
	[tilespmem:$0xCE00] =	vst v63  }
0x2e: {  	s4 =	rddreg [dreg:$0x9];
	s29 =	simm.s32 $0x880  }
0x2f: {  	[tilespmem:s29], [sflag:$0x1] =	stream.linear.gather [hbm4b:s4+s2], $0x40, $0x38;
	[tilespmem:$0xCE00] =	vst v63  }
0x30: {  	s5 =	rddreg [dreg:$0xa];
	s30 =	simm.s32 $0x100  }
0x31: {  	[tilespmem:s30], [sflag:$0x1] =	stream.linear.gather [hbm4b:s5+s2], $0x40, $0x38;
	[tilespmem:$0xCE00] =	vst v63  }
0x32: {  	s6 =	rddreg [dreg:$0xb];
	s30 =	simm.s32 $0x500  }
0x33: {  	[tilespmem:s30], [sflag:$0x1] =	stream.linear.gather [hbm4b:s6+s2], $0x40, $0x38;
	[tilespmem:$0xCE00] =	vst v63  }
0x34: {  	s31 =	simm.s32 $0x900;
	s13 =	rddreg [dreg:$0xc]  }
0x35: {  	[tilespmem:s31], [sflag:$0x1] =	stream.linear.gather [hbm4b:s13+s2], $0x40, $0x38;
	[tilespmem:$0xCE00] =	vst v63  }
0x36: {  	s14 =	rddreg [dreg:$0xd];
	s31 =	simm.s32 $0x180  }
0x37: {  	[tilespmem:s31], [sflag:$0x1] =	stream.linear.gather [hbm4b:s14+s2], $0x40, $0x38;
	[tilespmem:$0xCE00] =	vst v63  }
0x38: {  	s15 =	rddreg [dreg:$0xe];
	s13 =	simm.s32 $0x580  }
0x39: {  	[tilespmem:s13], [sflag:$0x1] =	stream.linear.gather [hbm4b:s15+s2], $0x40, $0x38;
	[tilespmem:$0xCE00] =	vst v63  }
0x3a: {  	s4 =	rddreg [dreg:$0xf];
	s13 =	simm.s32 $0x980  }
0x3b: {  	[tilespmem:s13], [sflag:$0x1] =	stream.linear.gather [hbm4b:s4+s2], $0x40, $0x38;
	[tilespmem:$0xCE00] =	vst v63  }
0x3c: {  	s5 =	rddreg [dreg:$0x10];
	s14 =	simm.s32 $0x200  }
0x3d: {  	[tilespmem:s14], [sflag:$0x1] =	stream.linear.gather [hbm4b:s5+s2], $0x40, $0x38;
	[tilespmem:$0xCE00] =	vst v63  }
0x3e: {  	s6 =	rddreg [dreg:$0x11];
	s14 =	simm.s32 $0x600  }
0x3f: {  	[tilespmem:s14], [sflag:$0x1] =	stream.linear.gather [hbm4b:s6+s2], $0x40, $0x38;
	[tilespmem:$0xCE00] =	vst v63  }
0x40: {  	s15 =	rddreg [dreg:$0x12];
	s4 =	simm.s32 $0xA00  }
0x41: {  	[tilespmem:s4], [sflag:$0x1] =	stream.linear.gather [hbm4b:s15+s2], $0x40, $0x38;
	[tilespmem:$0xCE00] =	vst v63  }
0x42: {  	s5 =	rddreg [dreg:$0x13];
	s4 =	simm.s32 $0x280  }
0x43: {  	[tilespmem:s4], [sflag:$0x1] =	stream.linear.gather [hbm4b:s5+s2], $0x40, $0x38;
	[tilespmem:$0xCE00] =	vst v63  }
0x44: {  	s6 =	rddreg [dreg:$0x14];
	s15 =	simm.s32 $0x680  }
0x45: {  	[tilespmem:s15], [sflag:$0x1] =	stream.linear.gather [hbm4b:s6+s2], $0x40, $0x38;
	[tilespmem:$0xCE00] =	vst v63  }
0x46: {  	s5 =	rddreg [dreg:$0x15];
	s15 =	simm.s32 $0xA80  }
0x47: {  	[tilespmem:s15], [sflag:$0x1] =	stream.linear.gather [hbm4b:s5+s2], $0x40, $0x38;
	[tilespmem:$0xCE00] =	vst v63  }
0x48: {  	s6 =	rddreg [dreg:$0x16];
	s5 =	simm.s32 $0x300  }
0x49: {  	[tilespmem:s5], [sflag:$0x1] =	stream.linear.gather [hbm4b:s6+s2], $0x40, $0x38;
	[tilespmem:$0xCE00] =	vst v63  }
0x4a: {  	s5 =	simm.s32 $0x700;
	s6 =	rddreg [dreg:$0x17]  }
0x4b: {  	[tilespmem:s5], [sflag:$0x1] =	stream.linear.gather [hbm4b:s6+s2], $0x40, $0x38;
	[tilespmem:$0xCE00] =	vst v63  }
0x4c: {  	s3 =	rddreg [dreg:$0x18];
	s6 =	simm.s32 $0xB00  }
0x4d: {  	[tilespmem:s6], [sflag:$0x1] =	stream.linear.gather [hbm4b:s3+s2], $0x40, $0x38;
	[tilespmem:$0xCE00] =	vst v63  }
0x4e: {  	s6 =	simm.s32 $0x380;
	s3 =	rddreg [dreg:$0x1a]  }
0x4f: {  	[tilespmem:s6], [sflag:$0x1] =	stream.linear.gather [hbm4b:s3+s2], $0x40, $0x38;
	[tilespmem:$0xCE00] =	vst v63  }
0x50: {  	s3 =	rddreg [dreg:$0x1c]  }
0x51: {  	[tilespmem:s16], [sflag:$0x1] =	stream.linear.gather [hbm4b:s3+s2], $0x40, $0x38;
	[tilespmem:$0xCE00] =	vst v63  }
0x52: {  	s3 =	rddreg [dreg:$0x1d]  }
0x53: {  	[tilespmem:s17], [sflag:$0x1] =	stream.linear.gather [hbm4b:s3+s2], $0x40, $0x38;
	[tilespmem:$0xCE00] =	vst v63  }
0x54: {  	_ =	swait.ge [sflag:s18], $0x40  }
0x55: {  	[sflag:s18] =	ssyncset.done $0x0  }
0x56: {  	[sflag:s18] =	ssyncadd.s32 $0xFFFFFFC0  }
0x57: {  	_ =	swait.ge [sflag:s18], $0x40  }
0x58: {  	[sflag:s18] =	ssyncset.done $0x0  }
0x59: {  	[sflag:s18] =	ssyncadd.s32 $0xFFFFFFC0  }
0x5a: {  	_ =	swait.ge [sflag:s18], $0x40  }
0x5b: {  	[sflag:s18] =	ssyncset.done $0x0  }
0x5c: {  	[sflag:s18] =	ssyncadd.s32 $0xFFFFFFC0  }
0x5d: {  	_ =	swait.ge [sflag:s18], $0x40  }
0x5e: {  	[sflag:s18] =	ssyncset.done $0x0  }
0x5f: {  	[sflag:s18] =	ssyncadd.s32 $0xFFFFFFC0  }
0x60: {  	_ =	swait.ge [sflag:s18], $0x40  }
0x61: {  	[sflag:s18] =	ssyncset.done $0x0  }
0x62: {  	[sflag:s18] =	ssyncadd.s32 $0xFFFFFFC0  }
0x63: {  	_ =	swait.ge [sflag:s18], $0x40  }
0x64: {  	[sflag:s18] =	ssyncset.done $0x0  }
0x65: {  	[sflag:s18] =	ssyncadd.s32 $0xFFFFFFC0  }
0x66: {  	_ =	swait.ge [sflag:s18], $0x40  }
0x67: {  	[sflag:s18] =	ssyncset.done $0x0  }
0x68: {  	[sflag:s18] =	ssyncadd.s32 $0xFFFFFFC0  }
0x69: {  	_ =	swait.ge [sflag:s18], $0x40  }
0x6a: {  	[sflag:s18] =	ssyncset.done $0x0  }
0x6b: {  	[sflag:s18] =	ssyncadd.s32 $0xFFFFFFC0  }
0x6c: {  	_ =	swait.ge [sflag:s18], $0x40  }
0x6d: {  	[sflag:s18] =	ssyncset.done $0x0  }
0x6e: {  	[sflag:s18] =	ssyncadd.s32 $0xFFFFFFC0  }
0x6f: {  	_ =	swait.ge [sflag:s18], $0x40  }
0x70: {  	[sflag:s18] =	ssyncset.done $0x0  }
0x71: {  	[sflag:s18] =	ssyncadd.s32 $0xFFFFFFC0  }
0x72: {  	_ =	swait.ge [sflag:s18], $0x40  }
0x73: {  	[sflag:s18] =	ssyncset.done $0x0  }
0x74: {  	[sflag:s18] =	ssyncadd.s32 $0xFFFFFFC0  }
0x75: {  	_ =	swait.ge [sflag:s18], $0x40  }
0x76: {  	[sflag:s18] =	ssyncset.done $0x0  }
0x77: {  	[sflag:s18] =	ssyncadd.s32 $0xFFFFFFC0  }
0x78: {  	_ =	swait.ge [sflag:s18], $0x40  }
0x79: {  	[sflag:s18] =	ssyncset.done $0x0  }
0x7a: {  	[sflag:s18] =	ssyncadd.s32 $0xFFFFFFC0  }
0x7b: {  	_ =	swait.ge [sflag:s18], $0x40  }
0x7c: {  	[sflag:s18] =	ssyncset.done $0x0  }
0x7d: {  	[sflag:s18] =	ssyncadd.s32 $0xFFFFFFC0  }
0x7e: {  	_ =	swait.ge [sflag:s18], $0x40  }
0x7f: {  	[sflag:s18] =	ssyncset.done $0x0  }
0x80: {  	[sflag:s18] =	ssyncadd.s32 $0xFFFFFFC0  }
0x81: {  	_ =	swait.ge [sflag:s18], $0x40  }
0x82: {  	[sflag:s18] =	ssyncset.done $0x0  }
0x83: {  	[sflag:s18] =	ssyncadd.s32 $0xFFFFFFC0  }
0x84: {  	_ =	swait.ge [sflag:s18], $0x40  }
0x85: {  	[sflag:s18] =	ssyncset.done $0x0  }
0x86: {  	[sflag:s18] =	ssyncadd.s32 $0xFFFFFFC0  }
0x87: {  	_ =	swait.ge [sflag:s18], $0x40  }
0x88: {  	[sflag:s18] =	ssyncset.done $0x0  }
0x89: {  	[sflag:s18] =	ssyncadd.s32 $0xFFFFFFC0  }
0x8a: {  	_ =	swait.ge [sflag:s18], $0x40  }
0x8b: {  	[sflag:s18] =	ssyncset.done $0x0  }
0x8c: {  	[sflag:s18] =	ssyncadd.s32 $0xFFFFFFC0  }
0x8d: {  	_ =	swait.ge [sflag:s18], $0x40  }
0x8e: {  	[sflag:s18] =	ssyncset.done $0x0  }
0x8f: {  	[sflag:s18] =	ssyncadd.s32 $0xFFFFFFC0  }
0x90: {  	_ =	swait.ge [sflag:s18], $0x40  }
0x91: {  	[sflag:s18] =	ssyncset.done $0x0  }
0x92: {  	[sflag:s18] =	ssyncadd.s32 $0xFFFFFFC0  }
0x93: {  	_ =	swait.ge [sflag:s18], $0x40  }
0x94: {  	[sflag:s18] =	ssyncset.done $0x0  }
0x95: {  	[sflag:s18] =	ssyncadd.s32 $0xFFFFFFC0  }
0x96: {  	_ =	swait.ge [sflag:s18], $0x40  }
0x97: {  	[sflag:s18] =	ssyncset.done $0x0  }
0x98: {  	[sflag:s18] =	ssyncadd.s32 $0xFFFFFFC0  }
0x99: {  	_ =	swait.ge [sflag:s18], $0x40  }
0x9a: {  	[sflag:s18] =	ssyncset.done $0x0  }
0x9b: {  	[sflag:s18] =	ssyncadd.s32 $0xFFFFFFC0  }
0x9c: {  	[tilespmem:s19], [sflag:$0x2] =	stream.indirect.gather [hbm4b:s1+s7], $0x80, s2, s7, $0xb8;
	[tilespmem:$0xCE00] =	vst v63  }
0x9d: {  	_ = 	snop  }
0x9e: {  	[tilespmem:s8], [sflag:$0x2] =	stream.indirect.gather [hbm4b:s24+s7], $0x80, s11, s7, $0xb8;
	[tilespmem:$0xCE00] =	vst v63  }
0x9f: {  	_ = 	snop  }
0xa0: {  	[tilespmem:s20], [sflag:$0x2] =	stream.indirect.gather [hbm4b:s1+s7], $0x80, s12, s7, $0xb8;
	[tilespmem:$0xCE00] =	vst v63  }
0xa1: {  	_ = 	snop  }
0xa2: {  	[tilespmem:s9], [sflag:$0x3] =	stream.indirect.gather [hbm4b:s1+s7], $0x80, s26, s7, $0xb8;
	[tilespmem:$0xCE00] =	vst v63  }
0xa3: {  	_ = 	snop  }
0xa4: {  	[tilespmem:s21], [sflag:$0x3] =	stream.indirect.gather [hbm4b:s24+s7], $0x80, s28, s7, $0xb8;
	[tilespmem:$0xCE00] =	vst v63  }
0xa5: {  	_ = 	snop  }
0xa6: {  	[tilespmem:s22], [sflag:$0x3] =	stream.indirect.gather [hbm4b:s1+s7], $0x80, s29, s7, $0xb8;
	[tilespmem:$0xCE00] =	vst v63  }
0xa7: {  	_ =	swait.ge [sflag:s23], $0x2000  }
0xa8: {  	[sflag:s23] =	ssyncset.done $0x0  }
0xa9: {  	[sflag:s23] =	ssyncadd.s32 $0xFFFFE000  }
0xaa: {  	_ =	swait.ge [sflag:s23], $0x2000  }
0xab: {  	[sflag:s23] =	ssyncset.done $0x0  }
0xac: {  	[sflag:s23] =	ssyncadd.s32 $0xFFFFE000  }
0xad: {  	_ =	swait.ge [sflag:s23], $0x2000  }
0xae: {  	[sflag:s23] =	ssyncset.done $0x0  }
0xaf: {  	s11 =	simm.s32 $0x8C40;
	[sflag:s23] =	ssyncadd.s32 $0xFFFFE000  }
0xb0: {  	v5 =	vld [tilespmem:s11+$0x20]  }
0xb1: {  	v6 =	vld [tilespmem:s11+$0x10]  }
0xb2: {  	v7 =	vld [tilespmem:s11+$0x0]  }
0xb3: {  	v8 =	vld [tilespmem:s11+$0xFFFFFFF0]  }
0xb4: {  	v9 =	vld [tilespmem:s11+$0xFFFFFFE0]  }
0xb5: {  	s26 =	simm.s32 $0xC40;
	v10 =	vld [tilespmem:s11+$0xFFFFFFC0]  }
0xb6: {  	s28 =	simm.s32 $0x4C40;
	v11 =	vld [tilespmem:s26+$0xFFFFFFE0]  }
0xb7: {  	v12 =	vld [tilespmem:s28+$0xFFFFFFC0]  }
0xb8: {  	v13 =	vld [tilespmem:s26+$0xFFFFFFC0]  }
0xb9: {  	v14 =	vld [tilespmem:s26+$0xFFFFFFD0]  }
0xba: {  	v15 =	vld [tilespmem:s28+$0xFFFFFFD0]  }
0xbb: {  	v16 =	vld [tilespmem:s28+$0xFFFFFFE0]  }
0xbc: {  	v17 =	vld [tilespmem:s11+$0xFFFFFFD0]  }
0xbd: {  	v18 =	vld [tilespmem:s26+$0xFFFFFFF0]  }
0xbe: {  	v19 =	vld [tilespmem:s28+$0xFFFFFFF0]  }
0xbf: {  	v50 =	vld [tilespmem:s26+$0x0];
	v12 =	vmul.f32 v12, v13;
	v49 =	vmul.f32 v15, v14  }
0xc0: {  	v51 =	vld [tilespmem:s28+$0x0];
	v11 =	vmul.f32 v16, v11  }
0xc1: {  	v53 =	vld [tilespmem:s26+$0x10];
	v10 =	vmul.f32 v10, v12;
	v52 =	vmul.f32 v17, v49  }
0xc2: {  	v54 =	vld [tilespmem:s28+$0x10]  }
0xc3: {  	v56 =	vld [tilespmem:s26+$0x20];
	v55 =	vmul.f32 v19, v18;
	v9 =	vmul.f32 v9, v11;
	v10 =	vadd.f32 v52, v10  }
0xc4: {  	v57 =	vld [tilespmem:s28+$0x20]  }
0xc5: {  	v59 =	vld [tilespmem:s26+$0x30];
	v58 =	vmul.f32 v51, v50;
	v8 =	vmul.f32 v8, v55;
	v9 =	vadd.f32 v9, v10  }
0xc6: {  	v60 =	vld [tilespmem:s28+$0x30]  }
0xc7: {  	v61 =	vmul.f32 v54, v53;
	v7 =	vmul.f32 v7, v58;
	v8 =	vadd.f32 v8, v9  }
0xc8: {  	v62 =	vld [tilespmem:s11+$0x30]  }
0xc9: {  	v63 =	vmul.f32 v57, v56;
	v6 =	vmul.f32 v6, v61;
	v7 =	vadd.f32 v7, v8;
	_ =	sdelay $0x1  }
0xca: {  	v5 =	vmul.f32 v5, v63;
	v6 =	vadd.f32 v6, v7;
	v7 =	vmul.f32 v60, v59;
	_ =	sdelay $0x1  }
0xcb: {  	v5 =	vadd.f32 v5, v6;
	v6 =	vmul.f32 v62, v7;
	_ =	sdelay $0x1  }
0xcc: {  	v5 =	vadd.f32 v6, v5;
	_ =	sdelay $0x1  }
0xcd: {  	v6 =	vperm.xlane v5, v0;
	_ =	sdelay $0x1  }
0xce: {  	v5 =	vadd.f32 v5, v6;
	_ =	sdelay $0x1  }
0xcf: {  	v6 =	vperm.xlane v5, v1;
	_ =	sdelay $0x1  }
0xd0: {  	v5 =	vadd.f32 v5, v6;
	_ =	sdelay $0x1  }
0xd1: {  	v6 =	vperm.xlane v5, v2;
	_ =	sdelay $0x1  }
0xd2: {  	v5 =	vadd.f32 v5, v6;
	_ =	sdelay $0x1  }
0xd3: {  	v6 =	vperm.xlane v5, v3  }
0xd4: {  	s12 =	sand.u32 $0xF, s2  }
0xd5: {  	v5 =	vadd.f32 v5, v6;
	v6 =	vmov s12  }
0xd6: {  	v7 =	vimm.f32 $0.0e+00;
	vm0 =	veq.s32 v6, v4  }
0xd7: {  	p0 =	sne.s32 s12, $0xF;
	s11 =	simm.s32 $0xCBF1;
	v5 =	vsel vm0, v5, v7  }
0xd8: {  	s3 =	simm.s32 $0x8CC0;
	s29 =	simm.s32 $0x1;
	[tilespmem:s11+$0x0] =	vst @!p0 v5  }
.LBB2_2:
0xd9: {  	v6 =	vld [tilespmem:s3+$0x20];
	s12 =	smov.u32 s29  }
0xda: {  	v7 =	vld [tilespmem:s3+$0x10]  }
0xdb: {  	v8 =	vld [tilespmem:s3+$0x0]  }
0xdc: {  	v9 =	vld [tilespmem:s3+$0xFFFFFFF0]  }
0xdd: {  	v10 =	vld [tilespmem:s3+$0xFFFFFFE0]  }
0xde: {  	s26 =	sadd.s32 $0x80, s26;
	v11 =	vld [tilespmem:s3+$0xFFFFFFC0]  }
0xdf: {  	s28 =	sadd.s32 $0x80, s28;
	v12 =	vld [tilespmem:s26+$0xFFFFFFE0]  }
0xe0: {  	v13 =	vld [tilespmem:s28+$0xFFFFFFC0]  }
0xe1: {  	v14 =	vld [tilespmem:s26+$0xFFFFFFC0]  }
0xe2: {  	v15 =	vld [tilespmem:s26+$0xFFFFFFD0]  }
0xe3: {  	s29 =	sadd.s32 $0x1, s29;
	v16 =	vld [tilespmem:s28+$0xFFFFFFD0]  }
0xe4: {  	p0 =	sne.s32 s29, $0x40;
	v17 =	vld [tilespmem:s28+$0xFFFFFFE0]  }
0xe5: {  	v18 =	vld [tilespmem:s3+$0xFFFFFFD0]  }
0xe6: {  	v19 =	vld [tilespmem:s26+$0xFFFFFFF0]  }
0xe7: {  	v20 =	vld [tilespmem:s28+$0xFFFFFFF0]  }
0xe8: {  	v13 =	vmul.f32 v13, v14;
	v14 =	vmul.f32 v16, v15;
	v15 =	vld [tilespmem:s26+$0x0]  }
0xe9: {  	v12 =	vmul.f32 v17, v12;
	v16 =	vld [tilespmem:s28+$0x0]  }
0xea: {  	v11 =	vmul.f32 v11, v13;
	v13 =	vmul.f32 v18, v14;
	v14 =	vld [tilespmem:s26+$0x10]  }
0xeb: {  	v17 =	vld [tilespmem:s28+$0x10]  }
0xec: {  	v10 =	vmul.f32 v10, v12;
	v11 =	vadd.f32 v13, v11;
	v12 =	vmul.f32 v20, v19;
	v13 =	vld [tilespmem:s26+$0x20]  }
0xed: {  	v18 =	vld [tilespmem:s28+$0x20]  }
0xee: {  	v10 =	vadd.f32 v10, v11;
	v9 =	vmul.f32 v9, v12;
	v11 =	vmul.f32 v16, v15;
	v12 =	vld [tilespmem:s26+$0x30]  }
0xef: {  	v15 =	vld [tilespmem:s28+$0x30]  }
0xf0: {  	v9 =	vadd.f32 v9, v10;
	v8 =	vmul.f32 v8, v11;
	v10 =	vmul.f32 v17, v14  }
0xf1: {  	v11 =	vld [tilespmem:s3+$0x30]  }
0xf2: {  	v8 =	vadd.f32 v8, v9;
	v7 =	vmul.f32 v7, v10;
	v9 =	vmul.f32 v18, v13;
	_ =	sdelay $0x1  }
0xf3: {  	v7 =	vadd.f32 v7, v8;
	v6 =	vmul.f32 v6, v9;
	v8 =	vmul.f32 v15, v12;
	_ =	sdelay $0x1  }
0xf4: {  	v6 =	vadd.f32 v6, v7;
	v7 =	vmul.f32 v11, v8;
	_ =	sdelay $0x1  }
0xf5: {  	v6 =	vadd.f32 v7, v6;
	_ =	sdelay $0x1  }
0xf6: {  	v7 =	vperm.xlane v6, v0;
	_ =	sdelay $0x1  }
0xf7: {  	v6 =	vadd.f32 v6, v7;
	_ =	sdelay $0x1  }
0xf8: {  	v7 =	vperm.xlane v6, v1;
	_ =	sdelay $0x1  }
0xf9: {  	v6 =	vadd.f32 v6, v7;
	_ =	sdelay $0x1  }
0xfa: {  	v7 =	vperm.xlane v6, v2;
	_ =	sdelay $0x1  }
0xfb: {  	v6 =	vadd.f32 v6, v7;
	_ =	sdelay $0x1  }
0xfc: {  	v7 =	vperm.xlane v6, v3  }
.Ltmp0:
0xfd: {  	s12 =	sand.u32 $0xF, s12;
	(pc) =	sbr.rel @p0 .LBB2_2-.Ltmp0, $4  }
0xfe: {  	v6 =	vadd.f32 v6, v7;
	v7 =	vmov s12  }
0xff: {  	vm0 =	veq.s32 v7, v4  }
0x100: {  	s11 =	sadd.s32 $0x1, s11;
	p1 =	sne.s32 s12, $0xF;
	v5 =	vsel vm0, v6, v5  }
0x101: {  	s3 =	sadd.s32 $0x80, s3;
	[tilespmem:s11+$0x0] =	vst @!p1 v5  }
0x102: {  	s3 =	simm.s32 $0x100  }
0x103: {  	[tilespmem:s19], [sflag:$0x2] =	stream.indirect.gather [hbm4b:s1+s7], $0x80, s3, s7, $0xb8;
	[tilespmem:$0xCE00] =	vst v63  }
0x104: {  	_ = 	snop  }
0x105: {  	[tilespmem:s8], [sflag:$0x2] =	stream.indirect.gather [hbm4b:s24+s7], $0x80, s30, s7, $0xb8;
	[tilespmem:$0xCE00] =	vst v63  }
0x106: {  	s11 =	simm.s32 $0x900  }
0x107: {  	[tilespmem:s20], [sflag:$0x2] =	stream.indirect.gather [hbm4b:s1+s7], $0x80, s11, s7, $0xb8;
	[tilespmem:$0xCE00] =	vst v63  }
0x108: {  	_ =	swait.ge [sflag:s10], $0x2000  }
0x109: {  	[sflag:s10] =	ssyncset.done $0x0  }
0x10a: {  	[sflag:s10] =	ssyncadd.s32 $0xFFFFE000  }
0x10b: {  	_ =	swait.ge [sflag:s10], $0x2000  }
0x10c: {  	[sflag:s10] =	ssyncset.done $0x0  }
0x10d: {  	[sflag:s10] =	ssyncadd.s32 $0xFFFFE000  }
0x10e: {  	_ =	swait.ge [sflag:s10], $0x2000  }
0x10f: {  	[sflag:s10] =	ssyncset.done $0x0  }
0x110: {  	s12 =	simm.s32 $0xAC70;
	[sflag:s10] =	ssyncadd.s32 $0xFFFFE000  }
0x111: {  	v5 =	vld [tilespmem:s12+$0xFFFFFFF0]  }
0x112: {  	v6 =	vld [tilespmem:s12+$0xFFFFFFE0]  }
0x113: {  	v7 =	vld [tilespmem:s12+$0xFFFFFFD0]  }
0x114: {  	v8 =	vld [tilespmem:s12+$0xFFFFFFC0]  }
0x115: {  	v9 =	vld [tilespmem:s12+$0xFFFFFFB0]  }
0x116: {  	s26 =	simm.s32 $0x2C70;
	v10 =	vld [tilespmem:s12+$0xFFFFFF90]  }
0x117: {  	s28 =	simm.s32 $0x6C70;
	v11 =	vld [tilespmem:s26+$0xFFFFFFB0]  }
0x118: {  	v12 =	vld [tilespmem:s28+$0xFFFFFF90]  }
0x119: {  	v13 =	vld [tilespmem:s26+$0xFFFFFF90]  }
0x11a: {  	v14 =	vld [tilespmem:s26+$0xFFFFFFA0]  }
0x11b: {  	v15 =	vld [tilespmem:s28+$0xFFFFFFA0]  }
0x11c: {  	v16 =	vld [tilespmem:s28+$0xFFFFFFB0]  }
0x11d: {  	v17 =	vld [tilespmem:s12+$0xFFFFFFA0]  }
0x11e: {  	v18 =	vld [tilespmem:s26+$0xFFFFFFC0]  }
0x11f: {  	v19 =	vld [tilespmem:s28+$0xFFFFFFC0]  }
0x120: {  	v50 =	vld [tilespmem:s26+$0xFFFFFFD0];
	v12 =	vmul.f32 v12, v13;
	v49 =	vmul.f32 v15, v14  }
0x121: {  	v51 =	vld [tilespmem:s28+$0xFFFFFFD0];
	v11 =	vmul.f32 v16, v11  }
0x122: {  	v53 =	vld [tilespmem:s26+$0xFFFFFFE0];
	v10 =	vmul.f32 v10, v12;
	v52 =	vmul.f32 v17, v49  }
0x123: {  	v54 =	vld [tilespmem:s28+$0xFFFFFFE0]  }
0x124: {  	v56 =	vld [tilespmem:s26+$0xFFFFFFF0];
	v55 =	vmul.f32 v19, v18;
	v9 =	vmul.f32 v9, v11;
	v10 =	vadd.f32 v52, v10  }
0x125: {  	v57 =	vld [tilespmem:s28+$0xFFFFFFF0]  }
0x126: {  	v59 =	vld [tilespmem:s26+$0x0];
	v58 =	vmul.f32 v51, v50;
	v8 =	vmul.f32 v8, v55;
	v9 =	vadd.f32 v9, v10  }
0x127: {  	v60 =	vld [tilespmem:s28+$0x0]  }
0x128: {  	v61 =	vmul.f32 v54, v53;
	v7 =	vmul.f32 v7, v58;
	v8 =	vadd.f32 v8, v9  }
0x129: {  	v62 =	vld [tilespmem:s12+$0x0]  }
0x12a: {  	v63 =	vmul.f32 v57, v56;
	v6 =	vmul.f32 v6, v61;
	v7 =	vadd.f32 v7, v8;
	_ =	sdelay $0x1  }
0x12b: {  	v5 =	vmul.f32 v5, v63;
	v6 =	vadd.f32 v6, v7;
	v7 =	vmul.f32 v60, v59;
	_ =	sdelay $0x1  }
0x12c: {  	v5 =	vadd.f32 v5, v6;
	v6 =	vmul.f32 v62, v7;
	_ =	sdelay $0x1  }
0x12d: {  	v5 =	vadd.f32 v6, v5;
	_ =	sdelay $0x1  }
0x12e: {  	v6 =	vperm.xlane v5, v0;
	_ =	sdelay $0x1  }
0x12f: {  	v5 =	vadd.f32 v5, v6;
	_ =	sdelay $0x1  }
0x130: {  	v6 =	vperm.xlane v5, v1;
	_ =	sdelay $0x1  }
0x131: {  	v5 =	vadd.f32 v5, v6;
	_ =	sdelay $0x1  }
0x132: {  	v6 =	vperm.xlane v5, v2;
	_ =	sdelay $0x1  }
0x133: {  	v5 =	vadd.f32 v5, v6;
	_ =	sdelay $0x1  }
0x134: {  	s30 =	simm.s32 $0x0;
	v6 =	vperm.xlane v5, v3  }
0x135: {  	s3 =	sand.u32 $0xF, s30  }
0x136: {  	v5 =	vadd.f32 v5, v6;
	v6 =	vmov s3  }
0x137: {  	v7 =	vimm.f32 $0.0e+00;
	vm0 =	veq.s32 v6, v4  }
0x138: {  	s11 =	simm.s32 $0xCC31;
	p0 =	sne.s32 s3, $0xF;
	v5 =	vsel vm0, v5, v7  }
0x139: {  	s29 =	simm.s32 $0x1;
	s3 =	simm.s32 $0xACF0;
	[tilespmem:s11+$0x0] =	vst @!p0 v5  }
.LBB2_4:
0x13a: {  	v6 =	vld [tilespmem:s3+$0xFFFFFFF0];
	s12 =	smov.u32 s29  }
0x13b: {  	v7 =	vld [tilespmem:s3+$0xFFFFFFE0]  }
0x13c: {  	v8 =	vld [tilespmem:s3+$0xFFFFFFD0]  }
0x13d: {  	v9 =	vld [tilespmem:s3+$0xFFFFFFC0]  }
0x13e: {  	v10 =	vld [tilespmem:s3+$0xFFFFFFB0]  }
0x13f: {  	s26 =	sadd.s32 $0x80, s26;
	v11 =	vld [tilespmem:s3+$0xFFFFFF90]  }
0x140: {  	s28 =	sadd.s32 $0x80, s28;
	v12 =	vld [tilespmem:s26+$0xFFFFFFB0]  }
0x141: {  	v13 =	vld [tilespmem:s28+$0xFFFFFF90]  }
0x142: {  	v14 =	vld [tilespmem:s26+$0xFFFFFF90]  }
0x143: {  	v15 =	vld [tilespmem:s26+$0xFFFFFFA0]  }
0x144: {  	s29 =	sadd.s32 $0x1, s29;
	v16 =	vld [tilespmem:s28+$0xFFFFFFA0]  }
0x145: {  	p0 =	sne.s32 s29, $0x40;
	v17 =	vld [tilespmem:s28+$0xFFFFFFB0]  }
0x146: {  	v18 =	vld [tilespmem:s3+$0xFFFFFFA0]  }
0x147: {  	v19 =	vld [tilespmem:s26+$0xFFFFFFC0]  }
0x148: {  	v20 =	vld [tilespmem:s28+$0xFFFFFFC0]  }
0x149: {  	v13 =	vmul.f32 v13, v14;
	v14 =	vmul.f32 v16, v15;
	v15 =	vld [tilespmem:s26+$0xFFFFFFD0]  }
0x14a: {  	v12 =	vmul.f32 v17, v12;
	v16 =	vld [tilespmem:s28+$0xFFFFFFD0]  }
0x14b: {  	v11 =	vmul.f32 v11, v13;
	v13 =	vmul.f32 v18, v14;
	v14 =	vld [tilespmem:s26+$0xFFFFFFE0]  }
0x14c: {  	v17 =	vld [tilespmem:s28+$0xFFFFFFE0]  }
0x14d: {  	v10 =	vmul.f32 v10, v12;
	v11 =	vadd.f32 v13, v11;
	v12 =	vmul.f32 v20, v19;
	v13 =	vld [tilespmem:s26+$0xFFFFFFF0]  }
0x14e: {  	v18 =	vld [tilespmem:s28+$0xFFFFFFF0]  }
0x14f: {  	v10 =	vadd.f32 v10, v11;
	v9 =	vmul.f32 v9, v12;
	v11 =	vmul.f32 v16, v15;
	v12 =	vld [tilespmem:s26+$0x0]  }
0x150: {  	v15 =	vld [tilespmem:s28+$0x0]  }
0x151: {  	v9 =	vadd.f32 v9, v10;
	v8 =	vmul.f32 v8, v11;
	v10 =	vmul.f32 v17, v14  }
0x152: {  	v11 =	vld [tilespmem:s3+$0x0]  }
0x153: {  	v8 =	vadd.f32 v8, v9;
	v7 =	vmul.f32 v7, v10;
	v9 =	vmul.f32 v18, v13;
	_ =	sdelay $0x1  }
0x154: {  	v7 =	vadd.f32 v7, v8;
	v6 =	vmul.f32 v6, v9;
	v8 =	vmul.f32 v15, v12;
	_ =	sdelay $0x1  }
0x155: {  	v6 =	vadd.f32 v6, v7;
	v7 =	vmul.f32 v11, v8;
	_ =	sdelay $0x1  }
0x156: {  	v6 =	vadd.f32 v7, v6;
	_ =	sdelay $0x1  }
0x157: {  	v7 =	vperm.xlane v6, v0;
	_ =	sdelay $0x1  }
0x158: {  	v6 =	vadd.f32 v6, v7;
	_ =	sdelay $0x1  }
0x159: {  	v7 =	vperm.xlane v6, v1;
	_ =	sdelay $0x1  }
0x15a: {  	v6 =	vadd.f32 v6, v7;
	_ =	sdelay $0x1  }
0x15b: {  	v7 =	vperm.xlane v6, v2;
	_ =	sdelay $0x1  }
0x15c: {  	v6 =	vadd.f32 v6, v7;
	_ =	sdelay $0x1  }
0x15d: {  	v7 =	vperm.xlane v6, v3  }
.Ltmp1:
0x15e: {  	s12 =	sand.u32 $0xF, s12;
	(pc) =	sbr.rel @p0 .LBB2_4-.Ltmp1, $4  }
0x15f: {  	v6 =	vadd.f32 v6, v7;
	v7 =	vmov s12  }
0x160: {  	vm0 =	veq.s32 v7, v4  }
0x161: {  	s11 =	sadd.s32 $0x1, s11;
	p1 =	sne.s32 s12, $0xF;
	v5 =	vsel vm0, v6, v5  }
0x162: {  	s3 =	sadd.s32 $0x80, s3;
	[tilespmem:s11+$0x0] =	vst @!p1 v5  }
0x163: {  	[tilespmem:s9], [sflag:$0x3] =	stream.indirect.gather [hbm4b:s1+s7], $0x80, s31, s7, $0xb8;
	[tilespmem:$0xCE00] =	vst v63  }
0x164: {  	s3 =	simm.s32 $0x580  }
0x165: {  	[tilespmem:s21], [sflag:$0x3] =	stream.indirect.gather [hbm4b:s24+s7], $0x80, s3, s7, $0xb8;
	[tilespmem:$0xCE00] =	vst v63  }
0x166: {  	_ = 	snop  }
0x167: {  	[tilespmem:s22], [sflag:$0x3] =	stream.indirect.gather [hbm4b:s1+s7], $0x80, s13, s7, $0xb8;
	[tilespmem:$0xCE00] =	vst v63  }
0x168: {  	_ =	swait.ge [sflag:s23], $0x2000  }
0x169: {  	[sflag:s23] =	ssyncset.done $0x0  }
0x16a: {  	[sflag:s23] =	ssyncadd.s32 $0xFFFFE000  }
0x16b: {  	_ =	swait.ge [sflag:s23], $0x2000  }
0x16c: {  	[sflag:s23] =	ssyncset.done $0x0  }
0x16d: {  	[sflag:s23] =	ssyncadd.s32 $0xFFFFE000  }
0x16e: {  	_ =	swait.ge [sflag:s23], $0x2000  }
0x16f: {  	[sflag:s23] =	ssyncset.done $0x0  }
0x170: {  	s30 =	simm.s32 $0x8C40;
	[sflag:s23] =	ssyncadd.s32 $0xFFFFE000  }
0x171: {  	v5 =	vld [tilespmem:s30+$0x20]  }
0x172: {  	v6 =	vld [tilespmem:s30+$0x10]  }
0x173: {  	v7 =	vld [tilespmem:s30+$0x0]  }
0x174: {  	v8 =	vld [tilespmem:s30+$0xFFFFFFF0]  }
0x175: {  	v9 =	vld [tilespmem:s30+$0xFFFFFFE0]  }
0x176: {  	s26 =	simm.s32 $0xC40;
	v10 =	vld [tilespmem:s30+$0xFFFFFFC0]  }
0x177: {  	s28 =	simm.s32 $0x4C40;
	v11 =	vld [tilespmem:s26+$0xFFFFFFE0]  }
0x178: {  	v12 =	vld [tilespmem:s28+$0xFFFFFFC0]  }
0x179: {  	v13 =	vld [tilespmem:s26+$0xFFFFFFC0]  }
0x17a: {  	v14 =	vld [tilespmem:s26+$0xFFFFFFD0]  }
0x17b: {  	v15 =	vld [tilespmem:s28+$0xFFFFFFD0]  }
0x17c: {  	v16 =	vld [tilespmem:s28+$0xFFFFFFE0]  }
0x17d: {  	v17 =	vld [tilespmem:s30+$0xFFFFFFD0]  }
0x17e: {  	v18 =	vld [tilespmem:s26+$0xFFFFFFF0]  }
0x17f: {  	v19 =	vld [tilespmem:s28+$0xFFFFFFF0]  }
0x180: {  	v50 =	vld [tilespmem:s26+$0x0];
	v12 =	vmul.f32 v12, v13;
	v49 =	vmul.f32 v15, v14  }
0x181: {  	v51 =	vld [tilespmem:s28+$0x0];
	v11 =	vmul.f32 v16, v11  }
0x182: {  	v53 =	vld [tilespmem:s26+$0x10];
	v10 =	vmul.f32 v10, v12;
	v52 =	vmul.f32 v17, v49  }
0x183: {  	v54 =	vld [tilespmem:s28+$0x10]  }
0x184: {  	v56 =	vld [tilespmem:s26+$0x20];
	v55 =	vmul.f32 v19, v18;
	v9 =	vmul.f32 v9, v11;
	v10 =	vadd.f32 v52, v10  }
0x185: {  	v57 =	vld [tilespmem:s28+$0x20]  }
0x186: {  	v59 =	vld [tilespmem:s26+$0x30];
	v58 =	vmul.f32 v51, v50;
	v8 =	vmul.f32 v8, v55;
	v9 =	vadd.f32 v9, v10  }
0x187: {  	v60 =	vld [tilespmem:s28+$0x30]  }
0x188: {  	v61 =	vmul.f32 v54, v53;
	v7 =	vmul.f32 v7, v58;
	v8 =	vadd.f32 v8, v9  }
0x189: {  	v62 =	vld [tilespmem:s30+$0x30]  }
0x18a: {  	v63 =	vmul.f32 v57, v56;
	v6 =	vmul.f32 v6, v61;
	v7 =	vadd.f32 v7, v8;
	_ =	sdelay $0x1  }
0x18b: {  	v5 =	vmul.f32 v5, v63;
	v6 =	vadd.f32 v6, v7;
	v7 =	vmul.f32 v60, v59;
	_ =	sdelay $0x1  }
0x18c: {  	v5 =	vadd.f32 v5, v6;
	v6 =	vmul.f32 v62, v7;
	_ =	sdelay $0x1  }
0x18d: {  	v5 =	vadd.f32 v6, v5;
	_ =	sdelay $0x1  }
0x18e: {  	v6 =	vperm.xlane v5, v0;
	_ =	sdelay $0x1  }
0x18f: {  	v5 =	vadd.f32 v5, v6;
	_ =	sdelay $0x1  }
0x190: {  	v6 =	vperm.xlane v5, v1;
	_ =	sdelay $0x1  }
0x191: {  	v5 =	vadd.f32 v5, v6;
	_ =	sdelay $0x1  }
0x192: {  	v6 =	vperm.xlane v5, v2;
	_ =	sdelay $0x1  }
0x193: {  	v5 =	vadd.f32 v5, v6;
	_ =	sdelay $0x1  }
0x194: {  	s31 =	simm.s32 $0x0;
	v6 =	vperm.xlane v5, v3  }
0x195: {  	s3 =	sand.u32 $0xF, s31  }
0x196: {  	v5 =	vadd.f32 v5, v6;
	v6 =	vmov s3  }
0x197: {  	v7 =	vimm.f32 $0.0e+00;
	vm0 =	veq.s32 v6, v4  }
0x198: {  	s11 =	simm.s32 $0xCC71;
	p0 =	sne.s32 s3, $0xF;
	v5 =	vsel vm0, v5, v7  }
0x199: {  	s29 =	simm.s32 $0x1;
	s3 =	simm.s32 $0x8CC0;
	[tilespmem:s11+$0x0] =	vst @!p0 v5  }
.LBB2_6:
0x19a: {  	v6 =	vld [tilespmem:s3+$0x20];
	s12 =	smov.u32 s29  }
0x19b: {  	v7 =	vld [tilespmem:s3+$0x10]  }
0x19c: {  	v8 =	vld [tilespmem:s3+$0x0]  }
0x19d: {  	v9 =	vld [tilespmem:s3+$0xFFFFFFF0]  }
0x19e: {  	v10 =	vld [tilespmem:s3+$0xFFFFFFE0]  }
0x19f: {  	s26 =	sadd.s32 $0x80, s26;
	v11 =	vld [tilespmem:s3+$0xFFFFFFC0]  }
0x1a0: {  	s28 =	sadd.s32 $0x80, s28;
	v12 =	vld [tilespmem:s26+$0xFFFFFFE0]  }
0x1a1: {  	v13 =	vld [tilespmem:s28+$0xFFFFFFC0]  }
0x1a2: {  	v14 =	vld [tilespmem:s26+$0xFFFFFFC0]  }
0x1a3: {  	v15 =	vld [tilespmem:s26+$0xFFFFFFD0]  }
0x1a4: {  	s29 =	sadd.s32 $0x1, s29;
	v16 =	vld [tilespmem:s28+$0xFFFFFFD0]  }
0x1a5: {  	p0 =	sne.s32 s29, $0x40;
	v17 =	vld [tilespmem:s28+$0xFFFFFFE0]  }
0x1a6: {  	v18 =	vld [tilespmem:s3+$0xFFFFFFD0]  }
0x1a7: {  	v19 =	vld [tilespmem:s26+$0xFFFFFFF0]  }
0x1a8: {  	v20 =	vld [tilespmem:s28+$0xFFFFFFF0]  }
0x1a9: {  	v13 =	vmul.f32 v13, v14;
	v14 =	vmul.f32 v16, v15;
	v15 =	vld [tilespmem:s26+$0x0]  }
0x1aa: {  	v12 =	vmul.f32 v17, v12;
	v16 =	vld [tilespmem:s28+$0x0]  }
0x1ab: {  	v11 =	vmul.f32 v11, v13;
	v13 =	vmul.f32 v18, v14;
	v14 =	vld [tilespmem:s26+$0x10]  }
0x1ac: {  	v17 =	vld [tilespmem:s28+$0x10]  }
0x1ad: {  	v10 =	vmul.f32 v10, v12;
	v11 =	vadd.f32 v13, v11;
	v12 =	vmul.f32 v20, v19;
	v13 =	vld [tilespmem:s26+$0x20]  }
0x1ae: {  	v18 =	vld [tilespmem:s28+$0x20]  }
0x1af: {  	v10 =	vadd.f32 v10, v11;
	v9 =	vmul.f32 v9, v12;
	v11 =	vmul.f32 v16, v15;
	v12 =	vld [tilespmem:s26+$0x30]  }
0x1b0: {  	v15 =	vld [tilespmem:s28+$0x30]  }
0x1b1: {  	v9 =	vadd.f32 v9, v10;
	v8 =	vmul.f32 v8, v11;
	v10 =	vmul.f32 v17, v14  }
0x1b2: {  	v11 =	vld [tilespmem:s3+$0x30]  }
0x1b3: {  	v8 =	vadd.f32 v8, v9;
	v7 =	vmul.f32 v7, v10;
	v9 =	vmul.f32 v18, v13;
	_ =	sdelay $0x1  }
0x1b4: {  	v7 =	vadd.f32 v7, v8;
	v6 =	vmul.f32 v6, v9;
	v8 =	vmul.f32 v15, v12;
	_ =	sdelay $0x1  }
0x1b5: {  	v6 =	vadd.f32 v6, v7;
	v7 =	vmul.f32 v11, v8;
	_ =	sdelay $0x1  }
0x1b6: {  	v6 =	vadd.f32 v7, v6;
	_ =	sdelay $0x1  }
0x1b7: {  	v7 =	vperm.xlane v6, v0;
	_ =	sdelay $0x1  }
0x1b8: {  	v6 =	vadd.f32 v6, v7;
	_ =	sdelay $0x1  }
0x1b9: {  	v7 =	vperm.xlane v6, v1;
	_ =	sdelay $0x1  }
0x1ba: {  	v6 =	vadd.f32 v6, v7;
	_ =	sdelay $0x1  }
0x1bb: {  	v7 =	vperm.xlane v6, v2;
	_ =	sdelay $0x1  }
0x1bc: {  	v6 =	vadd.f32 v6, v7;
	_ =	sdelay $0x1  }
0x1bd: {  	v7 =	vperm.xlane v6, v3  }
.Ltmp2:
0x1be: {  	s12 =	sand.u32 $0xF, s12;
	(pc) =	sbr.rel @p0 .LBB2_6-.Ltmp2, $4  }
0x1bf: {  	v6 =	vadd.f32 v6, v7;
	v7 =	vmov s12  }
0x1c0: {  	vm0 =	veq.s32 v7, v4  }
0x1c1: {  	s11 =	sadd.s32 $0x1, s11;
	p1 =	sne.s32 s12, $0xF;
	v5 =	vsel vm0, v6, v5  }
0x1c2: {  	s3 =	sadd.s32 $0x80, s3;
	[tilespmem:s11+$0x0] =	vst @!p1 v5  }
0x1c3: {  	s3 =	simm.s32 $0x200  }
0x1c4: {  	[tilespmem:s19], [sflag:$0x2] =	stream.indirect.gather [hbm4b:s1+s7], $0x80, s3, s7, $0xb8;
	[tilespmem:$0xCE00] =	vst v63  }
0x1c5: {  	_ = 	snop  }
0x1c6: {  	[tilespmem:s8], [sflag:$0x2] =	stream.indirect.gather [hbm4b:s24+s7], $0x80, s14, s7, $0xb8;
	[tilespmem:$0xCE00] =	vst v63  }
0x1c7: {  	s26 =	simm.s32 $0xA00  }
0x1c8: {  	[tilespmem:s20], [sflag:$0x2] =	stream.indirect.gather [hbm4b:s1+s7], $0x80, s26, s7, $0xb8;
	[tilespmem:$0xCE00] =	vst v63  }
0x1c9: {  	_ =	swait.ge [sflag:s10], $0x2000  }
0x1ca: {  	[sflag:s10] =	ssyncset.done $0x0  }
0x1cb: {  	[sflag:s10] =	ssyncadd.s32 $0xFFFFE000  }
0x1cc: {  	_ =	swait.ge [sflag:s10], $0x2000  }
0x1cd: {  	[sflag:s10] =	ssyncset.done $0x0  }
0x1ce: {  	[sflag:s10] =	ssyncadd.s32 $0xFFFFE000  }
0x1cf: {  	_ =	swait.ge [sflag:s10], $0x2000  }
0x1d0: {  	[sflag:s10] =	ssyncset.done $0x0  }
0x1d1: {  	s30 =	simm.s32 $0xAC70;
	[sflag:s10] =	ssyncadd.s32 $0xFFFFE000  }
0x1d2: {  	v5 =	vld [tilespmem:s30+$0xFFFFFFF0]  }
0x1d3: {  	v6 =	vld [tilespmem:s30+$0xFFFFFFE0]  }
0x1d4: {  	v7 =	vld [tilespmem:s30+$0xFFFFFFD0]  }
0x1d5: {  	v8 =	vld [tilespmem:s30+$0xFFFFFFC0]  }
0x1d6: {  	v9 =	vld [tilespmem:s30+$0xFFFFFFB0]  }
0x1d7: {  	s26 =	simm.s32 $0x2C70;
	v10 =	vld [tilespmem:s30+$0xFFFFFF90]  }
0x1d8: {  	s28 =	simm.s32 $0x6C70;
	v11 =	vld [tilespmem:s26+$0xFFFFFFB0]  }
0x1d9: {  	v12 =	vld [tilespmem:s28+$0xFFFFFF90]  }
0x1da: {  	v13 =	vld [tilespmem:s26+$0xFFFFFF90]  }
0x1db: {  	v14 =	vld [tilespmem:s26+$0xFFFFFFA0]  }
0x1dc: {  	v15 =	vld [tilespmem:s28+$0xFFFFFFA0]  }
0x1dd: {  	v16 =	vld [tilespmem:s28+$0xFFFFFFB0]  }
0x1de: {  	v17 =	vld [tilespmem:s30+$0xFFFFFFA0]  }
0x1df: {  	v18 =	vld [tilespmem:s26+$0xFFFFFFC0]  }
0x1e0: {  	v19 =	vld [tilespmem:s28+$0xFFFFFFC0]  }
0x1e1: {  	v50 =	vld [tilespmem:s26+$0xFFFFFFD0];
	v12 =	vmul.f32 v12, v13;
	v49 =	vmul.f32 v15, v14  }
0x1e2: {  	v51 =	vld [tilespmem:s28+$0xFFFFFFD0];
	v11 =	vmul.f32 v16, v11  }
0x1e3: {  	v53 =	vld [tilespmem:s26+$0xFFFFFFE0];
	v10 =	vmul.f32 v10, v12;
	v52 =	vmul.f32 v17, v49  }
0x1e4: {  	v54 =	vld [tilespmem:s28+$0xFFFFFFE0]  }
0x1e5: {  	v56 =	vld [tilespmem:s26+$0xFFFFFFF0];
	v55 =	vmul.f32 v19, v18;
	v9 =	vmul.f32 v9, v11;
	v10 =	vadd.f32 v52, v10  }
0x1e6: {  	v57 =	vld [tilespmem:s28+$0xFFFFFFF0]  }
0x1e7: {  	v59 =	vld [tilespmem:s26+$0x0];
	v58 =	vmul.f32 v51, v50;
	v8 =	vmul.f32 v8, v55;
	v9 =	vadd.f32 v9, v10  }
0x1e8: {  	v60 =	vld [tilespmem:s28+$0x0]  }
0x1e9: {  	v61 =	vmul.f32 v54, v53;
	v7 =	vmul.f32 v7, v58;
	v8 =	vadd.f32 v8, v9  }
0x1ea: {  	v62 =	vld [tilespmem:s30+$0x0]  }
0x1eb: {  	v63 =	vmul.f32 v57, v56;
	v6 =	vmul.f32 v6, v61;
	v7 =	vadd.f32 v7, v8;
	_ =	sdelay $0x1  }
0x1ec: {  	v5 =	vmul.f32 v5, v63;
	v6 =	vadd.f32 v6, v7;
	v7 =	vmul.f32 v60, v59;
	_ =	sdelay $0x1  }
0x1ed: {  	v5 =	vadd.f32 v5, v6;
	v6 =	vmul.f32 v62, v7;
	_ =	sdelay $0x1  }
0x1ee: {  	v5 =	vadd.f32 v6, v5;
	_ =	sdelay $0x1  }
0x1ef: {  	v6 =	vperm.xlane v5, v0;
	_ =	sdelay $0x1  }
0x1f0: {  	v5 =	vadd.f32 v5, v6;
	_ =	sdelay $0x1  }
0x1f1: {  	v6 =	vperm.xlane v5, v1;
	_ =	sdelay $0x1  }
0x1f2: {  	v5 =	vadd.f32 v5, v6;
	_ =	sdelay $0x1  }
0x1f3: {  	v6 =	vperm.xlane v5, v2;
	_ =	sdelay $0x1  }
0x1f4: {  	v5 =	vadd.f32 v5, v6;
	_ =	sdelay $0x1  }
0x1f5: {  	s31 =	simm.s32 $0x0;
	v6 =	vperm.xlane v5, v3  }
0x1f6: {  	s3 =	sand.u32 $0xF, s31  }
0x1f7: {  	v5 =	vadd.f32 v5, v6;
	v6 =	vmov s3  }
0x1f8: {  	v7 =	vimm.f32 $0.0e+00;
	vm0 =	veq.s32 v6, v4  }
0x1f9: {  	s11 =	simm.s32 $0xCCB1;
	p0 =	sne.s32 s3, $0xF;
	v5 =	vsel vm0, v5, v7  }
0x1fa: {  	s29 =	simm.s32 $0x1;
	s3 =	simm.s32 $0xACF0;
	[tilespmem:s11+$0x0] =	vst @!p0 v5  }
.LBB2_8:
0x1fb: {  	v6 =	vld [tilespmem:s3+$0xFFFFFFF0];
	s12 =	smov.u32 s29  }
0x1fc: {  	v7 =	vld [tilespmem:s3+$0xFFFFFFE0]  }
0x1fd: {  	v8 =	vld [tilespmem:s3+$0xFFFFFFD0]  }
0x1fe: {  	v9 =	vld [tilespmem:s3+$0xFFFFFFC0]  }
0x1ff: {  	v10 =	vld [tilespmem:s3+$0xFFFFFFB0]  }
0x200: {  	s26 =	sadd.s32 $0x80, s26;
	v11 =	vld [tilespmem:s3+$0xFFFFFF90]  }
0x201: {  	s28 =	sadd.s32 $0x80, s28;
	v12 =	vld [tilespmem:s26+$0xFFFFFFB0]  }
0x202: {  	v13 =	vld [tilespmem:s28+$0xFFFFFF90]  }
0x203: {  	v14 =	vld [tilespmem:s26+$0xFFFFFF90]  }
0x204: {  	v15 =	vld [tilespmem:s26+$0xFFFFFFA0]  }
0x205: {  	s29 =	sadd.s32 $0x1, s29;
	v16 =	vld [tilespmem:s28+$0xFFFFFFA0]  }
0x206: {  	p0 =	sne.s32 s29, $0x40;
	v17 =	vld [tilespmem:s28+$0xFFFFFFB0]  }
0x207: {  	v18 =	vld [tilespmem:s3+$0xFFFFFFA0]  }
0x208: {  	v19 =	vld [tilespmem:s26+$0xFFFFFFC0]  }
0x209: {  	v20 =	vld [tilespmem:s28+$0xFFFFFFC0]  }
0x20a: {  	v13 =	vmul.f32 v13, v14;
	v14 =	vmul.f32 v16, v15;
	v15 =	vld [tilespmem:s26+$0xFFFFFFD0]  }
0x20b: {  	v12 =	vmul.f32 v17, v12;
	v16 =	vld [tilespmem:s28+$0xFFFFFFD0]  }
0x20c: {  	v11 =	vmul.f32 v11, v13;
	v13 =	vmul.f32 v18, v14;
	v14 =	vld [tilespmem:s26+$0xFFFFFFE0]  }
0x20d: {  	v17 =	vld [tilespmem:s28+$0xFFFFFFE0]  }
0x20e: {  	v10 =	vmul.f32 v10, v12;
	v11 =	vadd.f32 v13, v11;
	v12 =	vmul.f32 v20, v19;
	v13 =	vld [tilespmem:s26+$0xFFFFFFF0]  }
0x20f: {  	v18 =	vld [tilespmem:s28+$0xFFFFFFF0]  }
0x210: {  	v10 =	vadd.f32 v10, v11;
	v9 =	vmul.f32 v9, v12;
	v11 =	vmul.f32 v16, v15;
	v12 =	vld [tilespmem:s26+$0x0]  }
0x211: {  	v15 =	vld [tilespmem:s28+$0x0]  }
0x212: {  	v9 =	vadd.f32 v9, v10;
	v8 =	vmul.f32 v8, v11;
	v10 =	vmul.f32 v17, v14  }
0x213: {  	v11 =	vld [tilespmem:s3+$0x0]  }
0x214: {  	v8 =	vadd.f32 v8, v9;
	v7 =	vmul.f32 v7, v10;
	v9 =	vmul.f32 v18, v13;
	_ =	sdelay $0x1  }
0x215: {  	v7 =	vadd.f32 v7, v8;
	v6 =	vmul.f32 v6, v9;
	v8 =	vmul.f32 v15, v12;
	_ =	sdelay $0x1  }
0x216: {  	v6 =	vadd.f32 v6, v7;
	v7 =	vmul.f32 v11, v8;
	_ =	sdelay $0x1  }
0x217: {  	v6 =	vadd.f32 v7, v6;
	_ =	sdelay $0x1  }
0x218: {  	v7 =	vperm.xlane v6, v0;
	_ =	sdelay $0x1  }
0x219: {  	v6 =	vadd.f32 v6, v7;
	_ =	sdelay $0x1  }
0x21a: {  	v7 =	vperm.xlane v6, v1;
	_ =	sdelay $0x1  }
0x21b: {  	v6 =	vadd.f32 v6, v7;
	_ =	sdelay $0x1  }
0x21c: {  	v7 =	vperm.xlane v6, v2;
	_ =	sdelay $0x1  }
0x21d: {  	v6 =	vadd.f32 v6, v7;
	_ =	sdelay $0x1  }
0x21e: {  	v7 =	vperm.xlane v6, v3  }
.Ltmp3:
0x21f: {  	s12 =	sand.u32 $0xF, s12;
	(pc) =	sbr.rel @p0 .LBB2_8-.Ltmp3, $4  }
0x220: {  	v6 =	vadd.f32 v6, v7;
	v7 =	vmov s12  }
0x221: {  	vm0 =	veq.s32 v7, v4  }
0x222: {  	s11 =	sadd.s32 $0x1, s11;
	p1 =	sne.s32 s12, $0xF;
	v5 =	vsel vm0, v6, v5  }
0x223: {  	s3 =	sadd.s32 $0x80, s3;
	[tilespmem:s11+$0x0] =	vst @!p1 v5  }
0x224: {  	[tilespmem:s9], [sflag:$0x3] =	stream.indirect.gather [hbm4b:s1+s7], $0x80, s4, s7, $0xb8;
	[tilespmem:$0xCE00] =	vst v63  }
0x225: {  	s3 =	simm.s32 $0x680  }
0x226: {  	[tilespmem:s21], [sflag:$0x3] =	stream.indirect.gather [hbm4b:s24+s7], $0x80, s3, s7, $0xb8;
	[tilespmem:$0xCE00] =	vst v63  }
0x227: {  	_ = 	snop  }
0x228: {  	[tilespmem:s22], [sflag:$0x3] =	stream.indirect.gather [hbm4b:s1+s7], $0x80, s15, s7, $0xb8;
	[tilespmem:$0xCE00] =	vst v63  }
0x229: {  	_ =	swait.ge [sflag:s23], $0x2000  }
0x22a: {  	[sflag:s23] =	ssyncset.done $0x0  }
0x22b: {  	[sflag:s23] =	ssyncadd.s32 $0xFFFFE000  }
0x22c: {  	_ =	swait.ge [sflag:s23], $0x2000  }
0x22d: {  	[sflag:s23] =	ssyncset.done $0x0  }
0x22e: {  	[sflag:s23] =	ssyncadd.s32 $0xFFFFE000  }
0x22f: {  	_ =	swait.ge [sflag:s23], $0x2000  }
0x230: {  	[sflag:s23] =	ssyncset.done $0x0  }
0x231: {  	s30 =	simm.s32 $0x8C40;
	[sflag:s23] =	ssyncadd.s32 $0xFFFFE000  }
0x232: {  	v5 =	vld [tilespmem:s30+$0x20]  }
0x233: {  	v6 =	vld [tilespmem:s30+$0x10]  }
0x234: {  	v7 =	vld [tilespmem:s30+$0x0]  }
0x235: {  	v8 =	vld [tilespmem:s30+$0xFFFFFFF0]  }
0x236: {  	v9 =	vld [tilespmem:s30+$0xFFFFFFE0]  }
0x237: {  	s26 =	simm.s32 $0xC40;
	v10 =	vld [tilespmem:s30+$0xFFFFFFC0]  }
0x238: {  	s28 =	simm.s32 $0x4C40;
	v11 =	vld [tilespmem:s26+$0xFFFFFFE0]  }
0x239: {  	v12 =	vld [tilespmem:s28+$0xFFFFFFC0]  }
0x23a: {  	v13 =	vld [tilespmem:s26+$0xFFFFFFC0]  }
0x23b: {  	v14 =	vld [tilespmem:s26+$0xFFFFFFD0]  }
0x23c: {  	v15 =	vld [tilespmem:s28+$0xFFFFFFD0]  }
0x23d: {  	v16 =	vld [tilespmem:s28+$0xFFFFFFE0]  }
0x23e: {  	v17 =	vld [tilespmem:s30+$0xFFFFFFD0]  }
0x23f: {  	v18 =	vld [tilespmem:s26+$0xFFFFFFF0]  }
0x240: {  	v19 =	vld [tilespmem:s28+$0xFFFFFFF0]  }
0x241: {  	v50 =	vld [tilespmem:s26+$0x0];
	v12 =	vmul.f32 v12, v13;
	v49 =	vmul.f32 v15, v14  }
0x242: {  	v51 =	vld [tilespmem:s28+$0x0];
	v11 =	vmul.f32 v16, v11  }
0x243: {  	v53 =	vld [tilespmem:s26+$0x10];
	v10 =	vmul.f32 v10, v12;
	v52 =	vmul.f32 v17, v49  }
0x244: {  	v54 =	vld [tilespmem:s28+$0x10]  }
0x245: {  	v56 =	vld [tilespmem:s26+$0x20];
	v55 =	vmul.f32 v19, v18;
	v9 =	vmul.f32 v9, v11;
	v10 =	vadd.f32 v52, v10  }
0x246: {  	v57 =	vld [tilespmem:s28+$0x20]  }
0x247: {  	v59 =	vld [tilespmem:s26+$0x30];
	v58 =	vmul.f32 v51, v50;
	v8 =	vmul.f32 v8, v55;
	v9 =	vadd.f32 v9, v10  }
0x248: {  	v60 =	vld [tilespmem:s28+$0x30]  }
0x249: {  	v61 =	vmul.f32 v54, v53;
	v7 =	vmul.f32 v7, v58;
	v8 =	vadd.f32 v8, v9  }
0x24a: {  	v62 =	vld [tilespmem:s30+$0x30]  }
0x24b: {  	v63 =	vmul.f32 v57, v56;
	v6 =	vmul.f32 v6, v61;
	v7 =	vadd.f32 v7, v8;
	_ =	sdelay $0x1  }
0x24c: {  	v5 =	vmul.f32 v5, v63;
	v6 =	vadd.f32 v6, v7;
	v7 =	vmul.f32 v60, v59;
	_ =	sdelay $0x1  }
0x24d: {  	v5 =	vadd.f32 v5, v6;
	v6 =	vmul.f32 v62, v7;
	_ =	sdelay $0x1  }
0x24e: {  	v5 =	vadd.f32 v6, v5;
	_ =	sdelay $0x1  }
0x24f: {  	v6 =	vperm.xlane v5, v0;
	_ =	sdelay $0x1  }
0x250: {  	v5 =	vadd.f32 v5, v6;
	_ =	sdelay $0x1  }
0x251: {  	v6 =	vperm.xlane v5, v1;
	_ =	sdelay $0x1  }
0x252: {  	v5 =	vadd.f32 v5, v6;
	_ =	sdelay $0x1  }
0x253: {  	v6 =	vperm.xlane v5, v2;
	_ =	sdelay $0x1  }
0x254: {  	v5 =	vadd.f32 v5, v6;
	_ =	sdelay $0x1  }
0x255: {  	s31 =	simm.s32 $0x0;
	v6 =	vperm.xlane v5, v3  }
0x256: {  	s3 =	sand.u32 $0xF, s31  }
0x257: {  	v5 =	vadd.f32 v5, v6;
	v6 =	vmov s3  }
0x258: {  	v7 =	vimm.f32 $0.0e+00;
	vm0 =	veq.s32 v6, v4  }
0x259: {  	s11 =	simm.s32 $0xCCF1;
	p0 =	sne.s32 s3, $0xF;
	v5 =	vsel vm0, v5, v7  }
0x25a: {  	s29 =	simm.s32 $0x1;
	s3 =	simm.s32 $0x8CC0;
	[tilespmem:s11+$0x0] =	vst @!p0 v5  }
.LBB2_10:
0x25b: {  	v6 =	vld [tilespmem:s3+$0x20];
	s12 =	smov.u32 s29  }
0x25c: {  	v7 =	vld [tilespmem:s3+$0x10]  }
0x25d: {  	v8 =	vld [tilespmem:s3+$0x0]  }
0x25e: {  	v9 =	vld [tilespmem:s3+$0xFFFFFFF0]  }
0x25f: {  	v10 =	vld [tilespmem:s3+$0xFFFFFFE0]  }
0x260: {  	s26 =	sadd.s32 $0x80, s26;
	v11 =	vld [tilespmem:s3+$0xFFFFFFC0]  }
0x261: {  	s28 =	sadd.s32 $0x80, s28;
	v12 =	vld [tilespmem:s26+$0xFFFFFFE0]  }
0x262: {  	v13 =	vld [tilespmem:s28+$0xFFFFFFC0]  }
0x263: {  	v14 =	vld [tilespmem:s26+$0xFFFFFFC0]  }
0x264: {  	v15 =	vld [tilespmem:s26+$0xFFFFFFD0]  }
0x265: {  	s29 =	sadd.s32 $0x1, s29;
	v16 =	vld [tilespmem:s28+$0xFFFFFFD0]  }
0x266: {  	p0 =	sne.s32 s29, $0x40;
	v17 =	vld [tilespmem:s28+$0xFFFFFFE0]  }
0x267: {  	v18 =	vld [tilespmem:s3+$0xFFFFFFD0]  }
0x268: {  	v19 =	vld [tilespmem:s26+$0xFFFFFFF0]  }
0x269: {  	v20 =	vld [tilespmem:s28+$0xFFFFFFF0]  }
0x26a: {  	v13 =	vmul.f32 v13, v14;
	v14 =	vmul.f32 v16, v15;
	v15 =	vld [tilespmem:s26+$0x0]  }
0x26b: {  	v12 =	vmul.f32 v17, v12;
	v16 =	vld [tilespmem:s28+$0x0]  }
0x26c: {  	v11 =	vmul.f32 v11, v13;
	v13 =	vmul.f32 v18, v14;
	v14 =	vld [tilespmem:s26+$0x10]  }
0x26d: {  	v17 =	vld [tilespmem:s28+$0x10]  }
0x26e: {  	v10 =	vmul.f32 v10, v12;
	v11 =	vadd.f32 v13, v11;
	v12 =	vmul.f32 v20, v19;
	v13 =	vld [tilespmem:s26+$0x20]  }
0x26f: {  	v18 =	vld [tilespmem:s28+$0x20]  }
0x270: {  	v10 =	vadd.f32 v10, v11;
	v9 =	vmul.f32 v9, v12;
	v11 =	vmul.f32 v16, v15;
	v12 =	vld [tilespmem:s26+$0x30]  }
0x271: {  	v15 =	vld [tilespmem:s28+$0x30]  }
0x272: {  	v9 =	vadd.f32 v9, v10;
	v8 =	vmul.f32 v8, v11;
	v10 =	vmul.f32 v17, v14  }
0x273: {  	v11 =	vld [tilespmem:s3+$0x30]  }
0x274: {  	v8 =	vadd.f32 v8, v9;
	v7 =	vmul.f32 v7, v10;
	v9 =	vmul.f32 v18, v13;
	_ =	sdelay $0x1  }
0x275: {  	v7 =	vadd.f32 v7, v8;
	v6 =	vmul.f32 v6, v9;
	v8 =	vmul.f32 v15, v12;
	_ =	sdelay $0x1  }
0x276: {  	v6 =	vadd.f32 v6, v7;
	v7 =	vmul.f32 v11, v8;
	_ =	sdelay $0x1  }
0x277: {  	v6 =	vadd.f32 v7, v6;
	_ =	sdelay $0x1  }
0x278: {  	v7 =	vperm.xlane v6, v0;
	_ =	sdelay $0x1  }
0x279: {  	v6 =	vadd.f32 v6, v7;
	_ =	sdelay $0x1  }
0x27a: {  	v7 =	vperm.xlane v6, v1;
	_ =	sdelay $0x1  }
0x27b: {  	v6 =	vadd.f32 v6, v7;
	_ =	sdelay $0x1  }
0x27c: {  	v7 =	vperm.xlane v6, v2;
	_ =	sdelay $0x1  }
0x27d: {  	v6 =	vadd.f32 v6, v7;
	_ =	sdelay $0x1  }
0x27e: {  	v7 =	vperm.xlane v6, v3  }
.Ltmp4:
0x27f: {  	s12 =	sand.u32 $0xF, s12;
	(pc) =	sbr.rel @p0 .LBB2_10-.Ltmp4, $4  }
0x280: {  	v6 =	vadd.f32 v6, v7;
	v7 =	vmov s12  }
0x281: {  	vm0 =	veq.s32 v7, v4  }
0x282: {  	s11 =	sadd.s32 $0x1, s11;
	p1 =	sne.s32 s12, $0xF;
	v5 =	vsel vm0, v6, v5  }
0x283: {  	s3 =	sadd.s32 $0x80, s3;
	[tilespmem:s11+$0x0] =	vst @!p1 v5  }
0x284: {  	s3 =	simm.s32 $0x300  }
0x285: {  	[tilespmem:s19], [sflag:$0x2] =	stream.indirect.gather [hbm4b:s1+s7], $0x80, s3, s7, $0xb8;
	[tilespmem:$0xCE00] =	vst v63  }
0x286: {  	_ = 	snop  }
0x287: {  	[tilespmem:s8], [sflag:$0x2] =	stream.indirect.gather [hbm4b:s24+s7], $0x80, s5, s7, $0xb8;
	[tilespmem:$0xCE00] =	vst v63  }
0x288: {  	s26 =	simm.s32 $0xB00  }
0x289: {  	[tilespmem:s20], [sflag:$0x2] =	stream.indirect.gather [hbm4b:s1+s7], $0x80, s26, s7, $0xb8;
	[tilespmem:$0xCE00] =	vst v63  }
0x28a: {  	_ =	swait.ge [sflag:s10], $0x2000  }
0x28b: {  	[sflag:s10] =	ssyncset.done $0x0  }
0x28c: {  	[sflag:s10] =	ssyncadd.s32 $0xFFFFE000  }
0x28d: {  	_ =	swait.ge [sflag:s10], $0x2000  }
0x28e: {  	[sflag:s10] =	ssyncset.done $0x0  }
0x28f: {  	[sflag:s10] =	ssyncadd.s32 $0xFFFFE000  }
0x290: {  	_ =	swait.ge [sflag:s10], $0x2000  }
0x291: {  	[sflag:s10] =	ssyncset.done $0x0  }
0x292: {  	s30 =	simm.s32 $0xAC70;
	[sflag:s10] =	ssyncadd.s32 $0xFFFFE000  }
0x293: {  	v5 =	vld [tilespmem:s30+$0xFFFFFFF0]  }
0x294: {  	v6 =	vld [tilespmem:s30+$0xFFFFFFE0]  }
0x295: {  	v7 =	vld [tilespmem:s30+$0xFFFFFFD0]  }
0x296: {  	v8 =	vld [tilespmem:s30+$0xFFFFFFC0]  }
0x297: {  	v9 =	vld [tilespmem:s30+$0xFFFFFFB0]  }
0x298: {  	s26 =	simm.s32 $0x2C70;
	v10 =	vld [tilespmem:s30+$0xFFFFFF90]  }
0x299: {  	s28 =	simm.s32 $0x6C70;
	v11 =	vld [tilespmem:s26+$0xFFFFFFB0]  }
0x29a: {  	v12 =	vld [tilespmem:s28+$0xFFFFFF90]  }
0x29b: {  	v13 =	vld [tilespmem:s26+$0xFFFFFF90]  }
0x29c: {  	v14 =	vld [tilespmem:s26+$0xFFFFFFA0]  }
0x29d: {  	v15 =	vld [tilespmem:s28+$0xFFFFFFA0]  }
0x29e: {  	v16 =	vld [tilespmem:s28+$0xFFFFFFB0]  }
0x29f: {  	v17 =	vld [tilespmem:s30+$0xFFFFFFA0]  }
0x2a0: {  	v18 =	vld [tilespmem:s26+$0xFFFFFFC0]  }
0x2a1: {  	v19 =	vld [tilespmem:s28+$0xFFFFFFC0]  }
0x2a2: {  	v50 =	vld [tilespmem:s26+$0xFFFFFFD0];
	v12 =	vmul.f32 v12, v13;
	v49 =	vmul.f32 v15, v14  }
0x2a3: {  	v51 =	vld [tilespmem:s28+$0xFFFFFFD0];
	v11 =	vmul.f32 v16, v11  }
0x2a4: {  	v53 =	vld [tilespmem:s26+$0xFFFFFFE0];
	v10 =	vmul.f32 v10, v12;
	v52 =	vmul.f32 v17, v49  }
0x2a5: {  	v54 =	vld [tilespmem:s28+$0xFFFFFFE0]  }
0x2a6: {  	v56 =	vld [tilespmem:s26+$0xFFFFFFF0];
	v55 =	vmul.f32 v19, v18;
	v9 =	vmul.f32 v9, v11;
	v10 =	vadd.f32 v52, v10  }
0x2a7: {  	v57 =	vld [tilespmem:s28+$0xFFFFFFF0]  }
0x2a8: {  	v59 =	vld [tilespmem:s26+$0x0];
	v58 =	vmul.f32 v51, v50;
	v8 =	vmul.f32 v8, v55;
	v9 =	vadd.f32 v9, v10  }
0x2a9: {  	v60 =	vld [tilespmem:s28+$0x0]  }
0x2aa: {  	v61 =	vmul.f32 v54, v53;
	v7 =	vmul.f32 v7, v58;
	v8 =	vadd.f32 v8, v9  }
0x2ab: {  	v62 =	vld [tilespmem:s30+$0x0]  }
0x2ac: {  	v63 =	vmul.f32 v57, v56;
	v6 =	vmul.f32 v6, v61;
	v7 =	vadd.f32 v7, v8;
	_ =	sdelay $0x1  }
0x2ad: {  	v5 =	vmul.f32 v5, v63;
	v6 =	vadd.f32 v6, v7;
	v7 =	vmul.f32 v60, v59;
	_ =	sdelay $0x1  }
0x2ae: {  	v5 =	vadd.f32 v5, v6;
	v6 =	vmul.f32 v62, v7;
	_ =	sdelay $0x1  }
0x2af: {  	v5 =	vadd.f32 v6, v5;
	_ =	sdelay $0x1  }
0x2b0: {  	v6 =	vperm.xlane v5, v0;
	_ =	sdelay $0x1  }
0x2b1: {  	v5 =	vadd.f32 v5, v6;
	_ =	sdelay $0x1  }
0x2b2: {  	v6 =	vperm.xlane v5, v1;
	_ =	sdelay $0x1  }
0x2b3: {  	v5 =	vadd.f32 v5, v6;
	_ =	sdelay $0x1  }
0x2b4: {  	v6 =	vperm.xlane v5, v2;
	_ =	sdelay $0x1  }
0x2b5: {  	v5 =	vadd.f32 v5, v6;
	_ =	sdelay $0x1  }
0x2b6: {  	s31 =	simm.s32 $0x0;
	v6 =	vperm.xlane v5, v3  }
0x2b7: {  	s3 =	sand.u32 $0xF, s31  }
0x2b8: {  	v5 =	vadd.f32 v5, v6;
	v6 =	vmov s3  }
0x2b9: {  	v7 =	vimm.f32 $0.0e+00;
	vm0 =	veq.s32 v6, v4  }
0x2ba: {  	s11 =	simm.s32 $0xCD31;
	p0 =	sne.s32 s3, $0xF;
	v5 =	vsel vm0, v5, v7  }
0x2bb: {  	s29 =	simm.s32 $0x1;
	s3 =	simm.s32 $0xACF0;
	[tilespmem:s11+$0x0] =	vst @!p0 v5  }
.LBB2_12:
0x2bc: {  	v6 =	vld [tilespmem:s3+$0xFFFFFFF0];
	s12 =	smov.u32 s29  }
0x2bd: {  	v7 =	vld [tilespmem:s3+$0xFFFFFFE0]  }
0x2be: {  	v8 =	vld [tilespmem:s3+$0xFFFFFFD0]  }
0x2bf: {  	v9 =	vld [tilespmem:s3+$0xFFFFFFC0]  }
0x2c0: {  	v10 =	vld [tilespmem:s3+$0xFFFFFFB0]  }
0x2c1: {  	s26 =	sadd.s32 $0x80, s26;
	v11 =	vld [tilespmem:s3+$0xFFFFFF90]  }
0x2c2: {  	s28 =	sadd.s32 $0x80, s28;
	v12 =	vld [tilespmem:s26+$0xFFFFFFB0]  }
0x2c3: {  	v13 =	vld [tilespmem:s28+$0xFFFFFF90]  }
0x2c4: {  	v14 =	vld [tilespmem:s26+$0xFFFFFF90]  }
0x2c5: {  	v15 =	vld [tilespmem:s26+$0xFFFFFFA0]  }
0x2c6: {  	s29 =	sadd.s32 $0x1, s29;
	v16 =	vld [tilespmem:s28+$0xFFFFFFA0]  }
0x2c7: {  	p0 =	sne.s32 s29, $0x40;
	v17 =	vld [tilespmem:s28+$0xFFFFFFB0]  }
0x2c8: {  	v18 =	vld [tilespmem:s3+$0xFFFFFFA0]  }
0x2c9: {  	v19 =	vld [tilespmem:s26+$0xFFFFFFC0]  }
0x2ca: {  	v20 =	vld [tilespmem:s28+$0xFFFFFFC0]  }
0x2cb: {  	v13 =	vmul.f32 v13, v14;
	v14 =	vmul.f32 v16, v15;
	v15 =	vld [tilespmem:s26+$0xFFFFFFD0]  }
0x2cc: {  	v12 =	vmul.f32 v17, v12;
	v16 =	vld [tilespmem:s28+$0xFFFFFFD0]  }
0x2cd: {  	v11 =	vmul.f32 v11, v13;
	v13 =	vmul.f32 v18, v14;
	v14 =	vld [tilespmem:s26+$0xFFFFFFE0]  }
0x2ce: {  	v17 =	vld [tilespmem:s28+$0xFFFFFFE0]  }
0x2cf: {  	v10 =	vmul.f32 v10, v12;
	v11 =	vadd.f32 v13, v11;
	v12 =	vmul.f32 v20, v19;
	v13 =	vld [tilespmem:s26+$0xFFFFFFF0]  }
0x2d0: {  	v18 =	vld [tilespmem:s28+$0xFFFFFFF0]  }
0x2d1: {  	v10 =	vadd.f32 v10, v11;
	v9 =	vmul.f32 v9, v12;
	v11 =	vmul.f32 v16, v15;
	v12 =	vld [tilespmem:s26+$0x0]  }
0x2d2: {  	v15 =	vld [tilespmem:s28+$0x0]  }
0x2d3: {  	v9 =	vadd.f32 v9, v10;
	v8 =	vmul.f32 v8, v11;
	v10 =	vmul.f32 v17, v14  }
0x2d4: {  	v11 =	vld [tilespmem:s3+$0x0]  }
0x2d5: {  	v8 =	vadd.f32 v8, v9;
	v7 =	vmul.f32 v7, v10;
	v9 =	vmul.f32 v18, v13;
	_ =	sdelay $0x1  }
0x2d6: {  	v7 =	vadd.f32 v7, v8;
	v6 =	vmul.f32 v6, v9;
	v8 =	vmul.f32 v15, v12;
	_ =	sdelay $0x1  }
0x2d7: {  	v6 =	vadd.f32 v6, v7;
	v7 =	vmul.f32 v11, v8;
	_ =	sdelay $0x1  }
0x2d8: {  	v6 =	vadd.f32 v7, v6;
	_ =	sdelay $0x1  }
0x2d9: {  	v7 =	vperm.xlane v6, v0;
	_ =	sdelay $0x1  }
0x2da: {  	v6 =	vadd.f32 v6, v7;
	_ =	sdelay $0x1  }
0x2db: {  	v7 =	vperm.xlane v6, v1;
	_ =	sdelay $0x1  }
0x2dc: {  	v6 =	vadd.f32 v6, v7;
	_ =	sdelay $0x1  }
0x2dd: {  	v7 =	vperm.xlane v6, v2;
	_ =	sdelay $0x1  }
0x2de: {  	v6 =	vadd.f32 v6, v7;
	_ =	sdelay $0x1  }
0x2df: {  	v7 =	vperm.xlane v6, v3  }
.Ltmp5:
0x2e0: {  	s12 =	sand.u32 $0xF, s12;
	(pc) =	sbr.rel @p0 .LBB2_12-.Ltmp5, $4  }
0x2e1: {  	v6 =	vadd.f32 v6, v7;
	v7 =	vmov s12  }
0x2e2: {  	vm0 =	veq.s32 v7, v4  }
0x2e3: {  	s11 =	sadd.s32 $0x1, s11;
	p1 =	sne.s32 s12, $0xF;
	v5 =	vsel vm0, v6, v5  }
0x2e4: {  	s3 =	sadd.s32 $0x80, s3;
	[tilespmem:s11+$0x0] =	vst @!p1 v5  }
0x2e5: {  	[tilespmem:s9], [sflag:$0x3] =	stream.indirect.gather [hbm4b:s1+s7], $0x80, s6, s7, $0xb8;
	[tilespmem:$0xCE00] =	vst v63  }
0x2e6: {  	_ = 	snop  }
0x2e7: {  	[tilespmem:s21], [sflag:$0x3] =	stream.indirect.gather [hbm4b:s24+s7], $0x80, s16, s7, $0xb8;
	[tilespmem:$0xCE00] =	vst v63  }
0x2e8: {  	_ = 	snop  }
0x2e9: {  	[tilespmem:s22], [sflag:$0x3] =	stream.indirect.gather [hbm4b:s1+s7], $0x80, s17, s7, $0xb8;
	[tilespmem:$0xCE00] =	vst v63  }
0x2ea: {  	_ =	swait.ge [sflag:s23], $0x2000  }
0x2eb: {  	[sflag:s23] =	ssyncset.done $0x0  }
0x2ec: {  	[sflag:s23] =	ssyncadd.s32 $0xFFFFE000  }
0x2ed: {  	_ =	swait.ge [sflag:s23], $0x2000  }
0x2ee: {  	[sflag:s23] =	ssyncset.done $0x0  }
0x2ef: {  	[sflag:s23] =	ssyncadd.s32 $0xFFFFE000  }
0x2f0: {  	_ =	swait.ge [sflag:s23], $0x2000  }
0x2f1: {  	[sflag:s23] =	ssyncset.done $0x0  }
0x2f2: {  	s3 =	simm.s32 $0x8C40;
	[sflag:s23] =	ssyncadd.s32 $0xFFFFE000  }
0x2f3: {  	v5 =	vld [tilespmem:s3+$0x20]  }
0x2f4: {  	v6 =	vld [tilespmem:s3+$0x10]  }
0x2f5: {  	v7 =	vld [tilespmem:s3+$0x0]  }
0x2f6: {  	v8 =	vld [tilespmem:s3+$0xFFFFFFF0]  }
0x2f7: {  	v9 =	vld [tilespmem:s3+$0xFFFFFFE0]  }
0x2f8: {  	s26 =	simm.s32 $0xC40;
	v10 =	vld [tilespmem:s3+$0xFFFFFFC0]  }
0x2f9: {  	s28 =	simm.s32 $0x4C40;
	v11 =	vld [tilespmem:s26+$0xFFFFFFE0]  }
0x2fa: {  	v12 =	vld [tilespmem:s28+$0xFFFFFFC0]  }
0x2fb: {  	v13 =	vld [tilespmem:s26+$0xFFFFFFC0]  }
0x2fc: {  	v14 =	vld [tilespmem:s26+$0xFFFFFFD0]  }
0x2fd: {  	v15 =	vld [tilespmem:s28+$0xFFFFFFD0]  }
0x2fe: {  	v16 =	vld [tilespmem:s28+$0xFFFFFFE0]  }
0x2ff: {  	v17 =	vld [tilespmem:s3+$0xFFFFFFD0]  }
0x300: {  	v18 =	vld [tilespmem:s26+$0xFFFFFFF0]  }
0x301: {  	v19 =	vld [tilespmem:s28+$0xFFFFFFF0]  }
0x302: {  	v50 =	vld [tilespmem:s26+$0x0];
	v12 =	vmul.f32 v12, v13;
	v49 =	vmul.f32 v15, v14  }
0x303: {  	v51 =	vld [tilespmem:s28+$0x0];
	v11 =	vmul.f32 v16, v11  }
0x304: {  	v53 =	vld [tilespmem:s26+$0x10];
	v10 =	vmul.f32 v10, v12;
	v52 =	vmul.f32 v17, v49  }
0x305: {  	v54 =	vld [tilespmem:s28+$0x10]  }
0x306: {  	v56 =	vld [tilespmem:s26+$0x20];
	v55 =	vmul.f32 v19, v18;
	v9 =	vmul.f32 v9, v11;
	v10 =	vadd.f32 v52, v10  }
0x307: {  	v57 =	vld [tilespmem:s28+$0x20]  }
0x308: {  	v59 =	vld [tilespmem:s26+$0x30];
	v58 =	vmul.f32 v51, v50;
	v8 =	vmul.f32 v8, v55;
	v9 =	vadd.f32 v9, v10  }
0x309: {  	v60 =	vld [tilespmem:s28+$0x30]  }
0x30a: {  	v61 =	vmul.f32 v54, v53;
	v7 =	vmul.f32 v7, v58;
	v8 =	vadd.f32 v8, v9  }
0x30b: {  	v62 =	vld [tilespmem:s3+$0x30]  }
0x30c: {  	v63 =	vmul.f32 v57, v56;
	v6 =	vmul.f32 v6, v61;
	v7 =	vadd.f32 v7, v8;
	_ =	sdelay $0x1  }
0x30d: {  	v5 =	vmul.f32 v5, v63;
	v6 =	vadd.f32 v6, v7;
	v7 =	vmul.f32 v60, v59;
	_ =	sdelay $0x1  }
0x30e: {  	v5 =	vadd.f32 v5, v6;
	v6 =	vmul.f32 v62, v7;
	_ =	sdelay $0x1  }
0x30f: {  	v5 =	vadd.f32 v6, v5;
	_ =	sdelay $0x1  }
0x310: {  	v6 =	vperm.xlane v5, v0;
	_ =	sdelay $0x1  }
0x311: {  	v5 =	vadd.f32 v5, v6;
	_ =	sdelay $0x1  }
0x312: {  	v6 =	vperm.xlane v5, v1;
	_ =	sdelay $0x1  }
0x313: {  	v5 =	vadd.f32 v5, v6;
	_ =	sdelay $0x1  }
0x314: {  	v6 =	vperm.xlane v5, v2;
	_ =	sdelay $0x1  }
0x315: {  	v5 =	vadd.f32 v5, v6;
	_ =	sdelay $0x1  }
0x316: {  	s31 =	simm.s32 $0x0;
	v6 =	vperm.xlane v5, v3  }
0x317: {  	s3 =	sand.u32 $0xF, s31  }
0x318: {  	v5 =	vadd.f32 v5, v6;
	v6 =	vmov s3  }
0x319: {  	v7 =	vimm.f32 $0.0e+00;
	vm0 =	veq.s32 v6, v4  }
0x31a: {  	s11 =	simm.s32 $0xCD71;
	p0 =	sne.s32 s3, $0xF;
	v5 =	vsel vm0, v5, v7  }
0x31b: {  	s29 =	simm.s32 $0x1;
	s3 =	simm.s32 $0x8CC0;
	[tilespmem:s11+$0x0] =	vst @!p0 v5  }
.LBB2_14:
0x31c: {  	v6 =	vld [tilespmem:s3+$0x20];
	s12 =	smov.u32 s29  }
0x31d: {  	v7 =	vld [tilespmem:s3+$0x10]  }
0x31e: {  	v8 =	vld [tilespmem:s3+$0x0]  }
0x31f: {  	v9 =	vld [tilespmem:s3+$0xFFFFFFF0]  }
0x320: {  	v10 =	vld [tilespmem:s3+$0xFFFFFFE0]  }
0x321: {  	s26 =	sadd.s32 $0x80, s26;
	v11 =	vld [tilespmem:s3+$0xFFFFFFC0]  }
0x322: {  	s28 =	sadd.s32 $0x80, s28;
	v12 =	vld [tilespmem:s26+$0xFFFFFFE0]  }
0x323: {  	v13 =	vld [tilespmem:s28+$0xFFFFFFC0]  }
0x324: {  	v14 =	vld [tilespmem:s26+$0xFFFFFFC0]  }
0x325: {  	v15 =	vld [tilespmem:s26+$0xFFFFFFD0]  }
0x326: {  	s29 =	sadd.s32 $0x1, s29;
	v16 =	vld [tilespmem:s28+$0xFFFFFFD0]  }
0x327: {  	p0 =	sne.s32 s29, $0x40;
	v17 =	vld [tilespmem:s28+$0xFFFFFFE0]  }
0x328: {  	v18 =	vld [tilespmem:s3+$0xFFFFFFD0]  }
0x329: {  	v19 =	vld [tilespmem:s26+$0xFFFFFFF0]  }
0x32a: {  	v20 =	vld [tilespmem:s28+$0xFFFFFFF0]  }
0x32b: {  	v13 =	vmul.f32 v13, v14;
	v14 =	vmul.f32 v16, v15;
	v15 =	vld [tilespmem:s26+$0x0]  }
0x32c: {  	v12 =	vmul.f32 v17, v12;
	v16 =	vld [tilespmem:s28+$0x0]  }
0x32d: {  	v11 =	vmul.f32 v11, v13;
	v13 =	vmul.f32 v18, v14;
	v14 =	vld [tilespmem:s26+$0x10]  }
0x32e: {  	v17 =	vld [tilespmem:s28+$0x10]  }
0x32f: {  	v10 =	vmul.f32 v10, v12;
	v11 =	vadd.f32 v13, v11;
	v12 =	vmul.f32 v20, v19;
	v13 =	vld [tilespmem:s26+$0x20]  }
0x330: {  	v18 =	vld [tilespmem:s28+$0x20]  }
0x331: {  	v10 =	vadd.f32 v10, v11;
	v9 =	vmul.f32 v9, v12;
	v11 =	vmul.f32 v16, v15;
	v12 =	vld [tilespmem:s26+$0x30]  }
0x332: {  	v15 =	vld [tilespmem:s28+$0x30]  }
0x333: {  	v9 =	vadd.f32 v9, v10;
	v8 =	vmul.f32 v8, v11;
	v10 =	vmul.f32 v17, v14  }
0x334: {  	v11 =	vld [tilespmem:s3+$0x30]  }
0x335: {  	v8 =	vadd.f32 v8, v9;
	v7 =	vmul.f32 v7, v10;
	v9 =	vmul.f32 v18, v13;
	_ =	sdelay $0x1  }
0x336: {  	v7 =	vadd.f32 v7, v8;
	v6 =	vmul.f32 v6, v9;
	v8 =	vmul.f32 v15, v12;
	_ =	sdelay $0x1  }
0x337: {  	v6 =	vadd.f32 v6, v7;
	v7 =	vmul.f32 v11, v8;
	_ =	sdelay $0x1  }
0x338: {  	v6 =	vadd.f32 v7, v6;
	_ =	sdelay $0x1  }
0x339: {  	v7 =	vperm.xlane v6, v0;
	_ =	sdelay $0x1  }
0x33a: {  	v6 =	vadd.f32 v6, v7;
	_ =	sdelay $0x1  }
0x33b: {  	v7 =	vperm.xlane v6, v1;
	_ =	sdelay $0x1  }
0x33c: {  	v6 =	vadd.f32 v6, v7;
	_ =	sdelay $0x1  }
0x33d: {  	v7 =	vperm.xlane v6, v2;
	_ =	sdelay $0x1  }
0x33e: {  	v6 =	vadd.f32 v6, v7;
	_ =	sdelay $0x1  }
0x33f: {  	v7 =	vperm.xlane v6, v3  }
.Ltmp6:
0x340: {  	s12 =	sand.u32 $0xF, s12;
	(pc) =	sbr.rel @p0 .LBB2_14-.Ltmp6, $4  }
0x341: {  	v6 =	vadd.f32 v6, v7;
	v7 =	vmov s12  }
0x342: {  	vm0 =	veq.s32 v7, v4  }
0x343: {  	s11 =	sadd.s32 $0x1, s11;
	p1 =	sne.s32 s12, $0xF;
	v5 =	vsel vm0, v6, v5  }
0x344: {  	s3 =	sadd.s32 $0x80, s3;
	[tilespmem:s11+$0x0] =	vst @!p1 v5  }
0x345: {  	_ =	swait.ge [sflag:s10], $0x2000  }
0x346: {  	[sflag:s10] =	ssyncset.done $0x0  }
0x347: {  	[sflag:s10] =	ssyncadd.s32 $0xFFFFE000  }
0x348: {  	_ =	swait.ge [sflag:s10], $0x2000  }
0x349: {  	[sflag:s10] =	ssyncset.done $0x0  }
0x34a: {  	[sflag:s10] =	ssyncadd.s32 $0xFFFFE000  }
0x34b: {  	_ =	swait.ge [sflag:s10], $0x2000  }
0x34c: {  	[sflag:s10] =	ssyncset.done $0x0  }
0x34d: {  	s3 =	simm.s32 $0xAC70;
	[sflag:s10] =	ssyncadd.s32 $0xFFFFE000  }
0x34e: {  	v5 =	vld [tilespmem:s3+$0xFFFFFFF0]  }
0x34f: {  	v6 =	vld [tilespmem:s3+$0xFFFFFFE0]  }
0x350: {  	v7 =	vld [tilespmem:s3+$0xFFFFFFD0]  }
0x351: {  	v8 =	vld [tilespmem:s3+$0xFFFFFFC0]  }
0x352: {  	v9 =	vld [tilespmem:s3+$0xFFFFFFB0]  }
0x353: {  	s26 =	simm.s32 $0x2C70;
	v10 =	vld [tilespmem:s3+$0xFFFFFF90]  }
0x354: {  	s28 =	simm.s32 $0x6C70;
	v11 =	vld [tilespmem:s26+$0xFFFFFFB0]  }
0x355: {  	v12 =	vld [tilespmem:s28+$0xFFFFFF90]  }
0x356: {  	v13 =	vld [tilespmem:s26+$0xFFFFFF90]  }
0x357: {  	v14 =	vld [tilespmem:s26+$0xFFFFFFA0]  }
0x358: {  	v15 =	vld [tilespmem:s28+$0xFFFFFFA0]  }
0x359: {  	v16 =	vld [tilespmem:s28+$0xFFFFFFB0]  }
0x35a: {  	v17 =	vld [tilespmem:s3+$0xFFFFFFA0]  }
0x35b: {  	v18 =	vld [tilespmem:s26+$0xFFFFFFC0]  }
0x35c: {  	v19 =	vld [tilespmem:s28+$0xFFFFFFC0]  }
0x35d: {  	v50 =	vld [tilespmem:s26+$0xFFFFFFD0];
	v12 =	vmul.f32 v12, v13;
	v49 =	vmul.f32 v15, v14  }
0x35e: {  	v51 =	vld [tilespmem:s28+$0xFFFFFFD0];
	v11 =	vmul.f32 v16, v11  }
0x35f: {  	v53 =	vld [tilespmem:s26+$0xFFFFFFE0];
	v10 =	vmul.f32 v10, v12;
	v52 =	vmul.f32 v17, v49  }
0x360: {  	v54 =	vld [tilespmem:s28+$0xFFFFFFE0]  }
0x361: {  	v56 =	vld [tilespmem:s26+$0xFFFFFFF0];
	v55 =	vmul.f32 v19, v18;
	v9 =	vmul.f32 v9, v11;
	v10 =	vadd.f32 v52, v10  }
0x362: {  	v57 =	vld [tilespmem:s28+$0xFFFFFFF0]  }
0x363: {  	v59 =	vld [tilespmem:s26+$0x0];
	v58 =	vmul.f32 v51, v50;
	v8 =	vmul.f32 v8, v55;
	v9 =	vadd.f32 v9, v10  }
0x364: {  	v60 =	vld [tilespmem:s28+$0x0]  }
0x365: {  	v61 =	vmul.f32 v54, v53;
	v7 =	vmul.f32 v7, v58;
	v8 =	vadd.f32 v8, v9  }
0x366: {  	v62 =	vld [tilespmem:s3+$0x0]  }
0x367: {  	v63 =	vmul.f32 v57, v56;
	v6 =	vmul.f32 v6, v61;
	v7 =	vadd.f32 v7, v8;
	_ =	sdelay $0x1  }
0x368: {  	v5 =	vmul.f32 v5, v63;
	v6 =	vadd.f32 v6, v7;
	v7 =	vmul.f32 v60, v59;
	_ =	sdelay $0x1  }
0x369: {  	v5 =	vadd.f32 v5, v6;
	v6 =	vmul.f32 v62, v7;
	_ =	sdelay $0x1  }
0x36a: {  	v5 =	vadd.f32 v6, v5;
	_ =	sdelay $0x1  }
0x36b: {  	v6 =	vperm.xlane v5, v0;
	_ =	sdelay $0x1  }
0x36c: {  	v5 =	vadd.f32 v5, v6;
	_ =	sdelay $0x1  }
0x36d: {  	v6 =	vperm.xlane v5, v1;
	_ =	sdelay $0x1  }
0x36e: {  	v5 =	vadd.f32 v5, v6;
	_ =	sdelay $0x1  }
0x36f: {  	v6 =	vperm.xlane v5, v2;
	_ =	sdelay $0x1  }
0x370: {  	v5 =	vadd.f32 v5, v6;
	_ =	sdelay $0x1  }
0x371: {  	s31 =	simm.s32 $0x0;
	v6 =	vperm.xlane v5, v3  }
0x372: {  	s3 =	sand.u32 $0xF, s31  }
0x373: {  	v5 =	vadd.f32 v5, v6;
	v6 =	vmov s3  }
0x374: {  	v7 =	vimm.f32 $0.0e+00;
	vm0 =	veq.s32 v6, v4  }
0x375: {  	s11 =	simm.s32 $0xCDB1;
	p0 =	sne.s32 s3, $0xF;
	v5 =	vsel vm0, v5, v7  }
0x376: {  	s29 =	simm.s32 $0x1;
	s3 =	simm.s32 $0xACF0;
	[tilespmem:s11+$0x0] =	vst @!p0 v5  }
.LBB2_16:
0x377: {  	v6 =	vld [tilespmem:s3+$0xFFFFFFF0];
	s12 =	smov.u32 s29  }
0x378: {  	v7 =	vld [tilespmem:s3+$0xFFFFFFE0]  }
0x379: {  	v8 =	vld [tilespmem:s3+$0xFFFFFFD0]  }
0x37a: {  	v9 =	vld [tilespmem:s3+$0xFFFFFFC0]  }
0x37b: {  	v10 =	vld [tilespmem:s3+$0xFFFFFFB0]  }
0x37c: {  	s26 =	sadd.s32 $0x80, s26;
	v11 =	vld [tilespmem:s3+$0xFFFFFF90]  }
0x37d: {  	s28 =	sadd.s32 $0x80, s28;
	v12 =	vld [tilespmem:s26+$0xFFFFFFB0]  }
0x37e: {  	v13 =	vld [tilespmem:s28+$0xFFFFFF90]  }
0x37f: {  	v14 =	vld [tilespmem:s26+$0xFFFFFF90]  }
0x380: {  	v15 =	vld [tilespmem:s26+$0xFFFFFFA0]  }
0x381: {  	s29 =	sadd.s32 $0x1, s29;
	v16 =	vld [tilespmem:s28+$0xFFFFFFA0]  }
0x382: {  	p0 =	sne.s32 s29, $0x40;
	v17 =	vld [tilespmem:s28+$0xFFFFFFB0]  }
0x383: {  	v18 =	vld [tilespmem:s3+$0xFFFFFFA0]  }
0x384: {  	v19 =	vld [tilespmem:s26+$0xFFFFFFC0]  }
0x385: {  	v20 =	vld [tilespmem:s28+$0xFFFFFFC0]  }
0x386: {  	v13 =	vmul.f32 v13, v14;
	v14 =	vmul.f32 v16, v15;
	v15 =	vld [tilespmem:s26+$0xFFFFFFD0]  }
0x387: {  	v12 =	vmul.f32 v17, v12;
	v16 =	vld [tilespmem:s28+$0xFFFFFFD0]  }
0x388: {  	v11 =	vmul.f32 v11, v13;
	v13 =	vmul.f32 v18, v14;
	v14 =	vld [tilespmem:s26+$0xFFFFFFE0]  }
0x389: {  	v17 =	vld [tilespmem:s28+$0xFFFFFFE0]  }
0x38a: {  	v10 =	vmul.f32 v10, v12;
	v11 =	vadd.f32 v13, v11;
	v12 =	vmul.f32 v20, v19;
	v13 =	vld [tilespmem:s26+$0xFFFFFFF0]  }
0x38b: {  	v18 =	vld [tilespmem:s28+$0xFFFFFFF0]  }
0x38c: {  	v10 =	vadd.f32 v10, v11;
	v9 =	vmul.f32 v9, v12;
	v11 =	vmul.f32 v16, v15;
	v12 =	vld [tilespmem:s26+$0x0]  }
0x38d: {  	v15 =	vld [tilespmem:s28+$0x0]  }
0x38e: {  	v9 =	vadd.f32 v9, v10;
	v8 =	vmul.f32 v8, v11;
	v10 =	vmul.f32 v17, v14  }
0x38f: {  	v11 =	vld [tilespmem:s3+$0x0]  }
0x390: {  	v8 =	vadd.f32 v8, v9;
	v7 =	vmul.f32 v7, v10;
	v9 =	vmul.f32 v18, v13;
	_ =	sdelay $0x1  }
0x391: {  	v7 =	vadd.f32 v7, v8;
	v6 =	vmul.f32 v6, v9;
	v8 =	vmul.f32 v15, v12;
	_ =	sdelay $0x1  }
0x392: {  	v6 =	vadd.f32 v6, v7;
	v7 =	vmul.f32 v11, v8;
	_ =	sdelay $0x1  }
0x393: {  	v6 =	vadd.f32 v7, v6;
	_ =	sdelay $0x1  }
0x394: {  	v7 =	vperm.xlane v6, v0;
	_ =	sdelay $0x1  }
0x395: {  	v6 =	vadd.f32 v6, v7;
	_ =	sdelay $0x1  }
0x396: {  	v7 =	vperm.xlane v6, v1;
	_ =	sdelay $0x1  }
0x397: {  	v6 =	vadd.f32 v6, v7;
	_ =	sdelay $0x1  }
0x398: {  	v7 =	vperm.xlane v6, v2;
	_ =	sdelay $0x1  }
0x399: {  	v6 =	vadd.f32 v6, v7;
	_ =	sdelay $0x1  }
0x39a: {  	v7 =	vperm.xlane v6, v3  }
.Ltmp7:
0x39b: {  	s12 =	sand.u32 $0xF, s12;
	(pc) =	sbr.rel @p0 .LBB2_16-.Ltmp7, $4  }
0x39c: {  	v6 =	vadd.f32 v6, v7;
	v7 =	vmov s12  }
0x39d: {  	vm0 =	veq.s32 v7, v4  }
0x39e: {  	s11 =	sadd.s32 $0x1, s11;
	p1 =	sne.s32 s12, $0xF;
	v5 =	vsel vm0, v6, v5  }
0x39f: {  	s3 =	sadd.s32 $0x80, s3;
	[tilespmem:s11+$0x0] =	vst @!p1 v5  }
0x3a0: {  	s3 =	rddreg [dreg:$0x1f];
	s4 =	simm.s32 $0xCC00  }
0x3a1: {  	[hbm4b:s3+s2] =	stream.linear.scatter [tilespmem:s4], [sflag:$0x4], $0x200, $0x38;
	[tilespmem:$0xCE00] =	vst v63  }
0x3a2: {  	_ =	swait.ge [sflag:s25], $0x200  }
0x3a3: {  	s31 =	sld [smem:$0x7FD];
	_ =	sdelay $0x1  }
0x3a4: {  	s0 =	sadd.s32 $0x1, s0  }
0x3a5: {  	p0 =	sne.s32 s0, s31  }
.Ltmp8:
0x3a6: {  	_ = 	snop;
	(pc) =	sbr.rel @p0 .LBB2_1-.Ltmp8, $3  }
0x3a7: {  	_ =	sdelay $0x1  }
0x3a8: {  	[sflag:s25] =	ssyncset.done $0x0  }
0x3a9: {  	[sflag:s25] =	ssyncadd.s32 $0xFFFFFE00  }
0x3aa: {  	_ =	sfence.sel $0x180000  }
0x3ab: {  	[bflag:$0x0] =	sbarrier.arrive $0xFFFF  }
0x3ac: {  	_ =	strace $0x90000047  }
0x3ad: {  	s0 =	stileid.u32;
	[bflag:$0x2] =	sbarrier.arrive $0xFFFF  }
0x3ae: {  	p0 =	sne.s32 s0, $0x0;
	s0 =	rddreg [dreg:$0x6]  }
0x3af: {  	s0 =	sadd.s32 @!p0 $0x100000, s0  }
0x3b0: {  	[sflag:s0] =	ssyncadd.tile.s32 @!p0 $0x1;
	_ =	shalt  }
.Lfunc_end2:
_tile_overlayer_lowered:
.L_overlay_start_2:
0x3b1: {  	(tag) =	ssettag $0x2  }
0x3b2: {  	s0 =	rddreg [dreg:$0x0];
	s2 =	stileid.u32  }
0x3b3: {  	s1 =	rddreg [dreg:$0x1];
	p0 =	sne.s32 s2, $0x0  }
0x3b4: {  	s3 =	rddreg [dreg:$0x2];
	[bflag:$0x3] =	sbarrier.arrive $0xFFFF;
	s2 =	simm.s32 @!p0 $0x1C04  }
0x3b5: {  	[timem:s3], [sflag:s2] =	dma.local @!p0 [hbm:s0], s1  }
0x3b6: {  	s0 =	simm.s32 @!p0 $0x4  }
0x3b7: {  	_ =	swait.ge @!p0 [sflag:s0], s1  }
0x3b8: {  	s1 =	ssub.s32 @!p0 $0x0, s1;
	[sflag:s0] =	ssyncset.done @!p0 $0x0  }
0x3b9: {  	[sflag:s0] =	ssyncadd.s32 @!p0 s1  }
0x3ba: {  	[bflag:$0x3] =	sbarrier.arrive $0xFFFF  }
0x3bb: {  	_ =	shalt  }

</sc_bundles>
